<compile_context>
chip_gen: v7x
topology: tpu7x:2x2x1
jax: 0.10.2.dev20260603
libtpu: 0.0.44.dev20260713+nightly
codegen_flags: <defaults>
</compile_context>

<pallas_src>
import functools

import jax
import jax.numpy as jnp
from jax import lax
from jax.experimental import pallas as pl
from jax.experimental.pallas import tpu as pltpu
from jax.experimental.pallas import tpu_sc as plsc

_EPSILON = 1e-8
_GN_EPS = 1e-5
_BQ = 512
_CH = 128
_NC = 2
_NS = 16
_NW = _NC * _NS
_HI = lax.Precision.HIGHEST


def _group_scale_shift(h, gamma, beta, group_size):
    C = h.shape[0]
    n = group_size * h.shape[1]
    s = jnp.sum(h, axis=1, keepdims=True)
    q = jnp.sum(h * h, axis=1, keepdims=True)
    gi = lax.broadcasted_iota(jnp.int32, (C, C), 0) // group_size
    gj = lax.broadcasted_iota(jnp.int32, (C, C), 1) // group_size
    G = (gi == gj).astype(jnp.float32)
    gs = lax.dot_general(G, s, (((1,), (0,)), ((), ())), precision=_HI,
                         preferred_element_type=jnp.float32)
    gq = lax.dot_general(G, q, (((1,), (0,)), ((), ())), precision=_HI,
                         preferred_element_type=jnp.float32)
    mean = gs / n
    var = gq / n - mean * mean
    rstd = lax.rsqrt(var + _GN_EPS)
    scale = gamma * rstd
    shift = beta - mean * scale
    return scale, shift


def _kA(x1_ref, x2_ref, w1_ref, g1_ref, b1_ref, w2_ref, g2_ref, b2_ref,
        x1l_ref, x1lt_ref, sc2_ref, sh2_ref, *, group_size):
    f32 = jnp.float32
    h1 = lax.dot_general(w1_ref[...], x1_ref[...], (((1,), (0,)), ((), ())),
                         preferred_element_type=f32)
    sc1, sh1 = _group_scale_shift(h1, g1_ref[...], b1_ref[...], group_size)
    x1l = jnp.maximum(h1 * sc1 + sh1, 0.0)
    x1l_ref[...] = x1l
    x1lt_ref[...] = x1l.T

    h2 = lax.dot_general(w2_ref[...], x2_ref[...], (((1,), (0,)), ((), ())),
                         preferred_element_type=f32)
    sc2, sh2 = _group_scale_shift(h2, g2_ref[...], b2_ref[...], group_size)
    sc2_ref[...] = sc2
    sh2_ref[...] = sh2


def _kB(p1_ref, p1t_ref, p2_ref, x2_ref, w2_ref, sc2_ref, sh2_ref,
        yp_ref, gidx_ref, wts_ref):
    f32 = jnp.float32
    b = pl.program_id(0)
    p1 = p1_ref[...]
    p1t = p1t_ref[...]
    p2 = p2_ref[...]
    n1c = p1.shape[0]
    cross = lax.dot_general(p2, p1, (((1,), (1,)), ((), ())),
                            preferred_element_type=f32)
    n2col = jnp.sum(p2 * p2, axis=1, keepdims=True)
    n1row = jnp.sum(p1t * p1t, axis=0, keepdims=True)
    d2raw = (n2col + n1row) - 2.0 * cross

    iota_f = lax.broadcasted_iota(jnp.int32, d2raw.shape, 1).astype(f32)
    d2 = jnp.where(d2raw <= 0.0, iota_f * f32(1e-30), d2raw)

    iota_i = lax.broadcasted_iota(jnp.int32, d2.shape, 1)
    ms, idxs = [], []
    dwork = d2
    for k in range(3):
        m = jnp.min(dwork, axis=1, keepdims=True)
        ms.append(m)
        hit = dwork == m
        idxs.append(jnp.max(jnp.where(hit, iota_i, 0), axis=1,
                            keepdims=True) + b * n1c)
        if k < 2:
            dwork = jnp.where(hit, f32(1e30), dwork)

    r = [1.0 / (m + _EPSILON) for m in ms]
    norm = r[0] + r[1] + r[2]
    w = [ri / norm for ri in r]

    gidx_ref[...] = jnp.concatenate(idxs, axis=1)
    wts_ref[...] = jnp.concatenate(w, axis=1)

    h2 = lax.dot_general(w2_ref[...], x2_ref[...], (((1,), (0,)), ((), ())),
                         preferred_element_type=f32)
    yp_ref[...] = jnp.maximum(h2 * sc2_ref[...] + sh2_ref[...], 0.0)


def _kC(tbl_ref, idx_ref, w_ref, out_ref, idx_v, w_v, rows_v, out_v, sem):
    i32 = jnp.int32
    cdim = tbl_ref.shape[1]
    q_total = idx_ref.shape[0] // 3
    wid = lax.axis_index("s") * _NC + lax.axis_index("c")
    qpw = q_total // _NW
    base = wid * qpw

    def chunk(ci, carry):
        qoff = base + ci * _CH
        for k in range(3):
            pltpu.sync_copy(idx_ref.at[pl.ds(k * q_total + qoff, _CH)],
                            idx_v.at[pl.ds(k * _CH, _CH)])
            pltpu.sync_copy(w_ref.at[pl.ds(k * q_total + qoff, _CH)],
                            w_v.at[pl.ds(k * _CH, _CH)])
        cps = [pltpu.async_copy(tbl_ref.at[idx_v.at[pl.ds(k * _CH, _CH)]],
                                rows_v.at[pl.ds(k * _CH, _CH)], sem)
               for k in range(3)]
        for cp in cps:
            cp.wait()

        def gloop(g, carry2):
            q0 = g * 16
            wv0 = w_v[pl.ds(q0, 16)]
            wv1 = w_v[pl.ds(_CH + q0, 16)]
            wv2 = w_v[pl.ds(2 * _CH + q0, 16)]
            for j in range(16):
                w0 = wv0[j]
                w1 = wv1[j]
                w2 = wv2[j]
                q = q0 + j
                for s in range(cdim // 16):
                    sl = pl.ds(s * 16, 16)
                    acc = ((w0 * rows_v[q, sl] + w1 * rows_v[_CH + q, sl])
                           + w2 * rows_v[2 * _CH + q, sl])
                    out_v[q, sl] = acc
            return carry2

        lax.fori_loop(0, _CH // 16, gloop, 0)
        pltpu.sync_copy(out_v, out_ref.at[pl.ds(qoff, _CH)])
        return carry

    lax.fori_loop(0, qpw // _CH, chunk, 0)


def _kD(yp_ref, up_ref, y_ref):
    y_ref[...] = yp_ref[...] + jnp.transpose(up_ref[...], (1, 0))


def kernel(p1, x1, p2, x2, W1, g1, b1, W2, g2, b2):
    B, N1, _ = p1.shape
    N2 = p2.shape[1]
    Cin = x1.shape[1]
    Cs = x2.shape[1]
    C = W1.shape[0]
    group_size = 16
    bq = _BQ

    p1t = jnp.transpose(p1, (0, 2, 1))
    g1c = g1.reshape(C, 1)
    b1c = b1.reshape(C, 1)
    g2c = g2.reshape(C, 1)
    b2c = b2.reshape(C, 1)

    x1l, x1lt, sc2, sh2 = pl.pallas_call(
        functools.partial(_kA, group_size=group_size),
        grid=(B,),
        in_specs=[
            pl.BlockSpec((None, Cin, N1), lambda b: (b, 0, 0)),
            pl.BlockSpec((None, Cs, N2), lambda b: (b, 0, 0)),
            pl.BlockSpec((C, Cin), lambda b: (0, 0)),
            pl.BlockSpec((C, 1), lambda b: (0, 0)),
            pl.BlockSpec((C, 1), lambda b: (0, 0)),
            pl.BlockSpec((C, Cs), lambda b: (0, 0)),
            pl.BlockSpec((C, 1), lambda b: (0, 0)),
            pl.BlockSpec((C, 1), lambda b: (0, 0)),
        ],
        out_specs=[
            pl.BlockSpec((None, C, N1), lambda b: (b, 0, 0)),
            pl.BlockSpec((None, N1, C), lambda b: (b, 0, 0)),
            pl.BlockSpec((None, C, 1), lambda b: (b, 0, 0)),
            pl.BlockSpec((None, C, 1), lambda b: (b, 0, 0)),
        ],
        out_shape=[
            jax.ShapeDtypeStruct((B, C, N1), jnp.float32),
            jax.ShapeDtypeStruct((B, N1, C), jnp.float32),
            jax.ShapeDtypeStruct((B, C, 1), jnp.float32),
            jax.ShapeDtypeStruct((B, C, 1), jnp.float32),
        ],
    )(x1, x2, W1, g1c, b1c, W2, g2c, b2c)

    yp, gidx, wts = pl.pallas_call(
        _kB,
        grid=(B, N2 // bq),
        in_specs=[
            pl.BlockSpec((None, N1, 3), lambda b, q: (b, 0, 0)),
            pl.BlockSpec((None, 3, N1), lambda b, q: (b, 0, 0)),
            pl.BlockSpec((None, bq, 3), lambda b, q: (b, q, 0)),
            pl.BlockSpec((None, Cs, bq), lambda b, q: (b, 0, q)),
            pl.BlockSpec((C, Cs), lambda b, q: (0, 0)),
            pl.BlockSpec((None, C, 1), lambda b, q: (b, 0, 0)),
            pl.BlockSpec((None, C, 1), lambda b, q: (b, 0, 0)),
        ],
        out_specs=[
            pl.BlockSpec((None, C, bq), lambda b, q: (b, 0, q)),
            pl.BlockSpec((None, bq, 3), lambda b, q: (b, q, 0)),
            pl.BlockSpec((None, bq, 3), lambda b, q: (b, q, 0)),
        ],
        out_shape=[
            jax.ShapeDtypeStruct((B, C, N2), jnp.float32),
            jax.ShapeDtypeStruct((B, N2, 3), jnp.int32),
            jax.ShapeDtypeStruct((B, N2, 3), jnp.float32),
        ],
    )(p1, p1t, p2, x2, W2, sc2, sh2)

    q_total = B * N2
    tbl = x1lt.reshape(B * N1, C)
    idx_t = jnp.transpose(gidx.reshape(q_total, 3), (1, 0)).reshape(3 * q_total)
    wts_t = jnp.transpose(wts.reshape(q_total, 3), (1, 0)).reshape(3 * q_total)

    mesh = plsc.VectorSubcoreMesh(core_axis_name="c", subcore_axis_name="s",
                                  num_cores=_NC, num_subcores=_NS)
    up = pl.kernel(
        _kC,
        out_type=jax.ShapeDtypeStruct((q_total, C), jnp.float32),
        mesh=mesh,
        scratch_types=[
            pltpu.VMEM((3 * _CH,), jnp.int32),
            pltpu.VMEM((3 * _CH,), jnp.float32),
            pltpu.VMEM((3 * _CH, C), jnp.float32),
            pltpu.VMEM((_CH, C), jnp.float32),
            pltpu.SemaphoreType.DMA,
        ],
    )(tbl, idx_t, wts_t)

    up3 = up.reshape(B, N2, C)
    nq = N2 // bq
    y = pl.pallas_call(
        _kD,
        grid=(B, nq),
        in_specs=[
            pl.BlockSpec((None, C, bq), lambda b, q: (b, 0, q)),
            pl.BlockSpec((None, bq, C), lambda b, q: (b, q, 0)),
        ],
        out_specs=pl.BlockSpec((None, C, bq), lambda b, q: (b, 0, q)),
        out_shape=jax.ShapeDtypeStruct((B, C, N2), jnp.float32),
    )(yp, up3)

    return (p2, y)

# --- scband reference (transcript-rebuilt; emitter-appended) ---
"""Pipeline reference for scband-kpconv-transition-up-46136538694258 (READ-ONLY COPY).

The authoritative reference and input builder live on the scoring server;
editing this copy changes nothing except your own understanding.
"""

import jax, jax.numpy as jnp
import numpy as np

EPSILON = 1e-08

def group_norm(x, gamma, beta, groups, eps=1e-5):
    B, C, N = x.shape
    xg = x.reshape(B, groups, C // groups, N)
    mean = xg.mean(axis=(2, 3), keepdims=True)
    var = xg.var(axis=(2, 3), keepdims=True)
    xg = (xg - mean) / jnp.sqrt(var + eps)
    x = xg.reshape(B, C, N)
    return x * gamma[None, :, None] + beta[None, :, None]

def setup_inputs(seed: int = 0) -> dict:
    key = jax.random.key(seed)
    ks = jax.random.split(key, 8)
    B, N1, N2 = 4, 2048, 8192
    in_dim, out_dim, skip_dim = 256, 128, 128
    p1 = jax.random.uniform(ks[0], (B, N1, 3), dtype=jnp.float32)
    x1 = jax.random.normal(ks[1], (B, in_dim, N1), dtype=jnp.float32)
    p2 = jax.random.uniform(ks[2], (B, N2, 3), dtype=jnp.float32)
    x2 = jax.random.normal(ks[3], (B, skip_dim, N2), dtype=jnp.float32)
    W1 = jax.random.normal(ks[4], (out_dim, in_dim), dtype=jnp.float32) * (1.0 / np.sqrt(in_dim))
    g1 = jnp.ones((out_dim,), dtype=jnp.float32)
    b1 = jnp.zeros((out_dim,), dtype=jnp.float32)
    W2 = jax.random.normal(ks[5], (out_dim, skip_dim), dtype=jnp.float32) * (1.0 / np.sqrt(skip_dim))
    g2 = jnp.ones((out_dim,), dtype=jnp.float32)
    b2 = jnp.zeros((out_dim,), dtype=jnp.float32)
    return {"p1": p1, "x1": x1, "p2": p2, "x2": x2, "W1": W1, "g1": g1, "b1": b1, "W2": W2, "g2": g2, "b2": b2}

def reference(p1, x1, p2, x2, W1, g1, b1, W2, g2, b2):
    out_dim = W1.shape[0]
    groups = out_dim // 16
    # three-NN: squared euclidean distances from each fine point (p2) to coarse points (p1)
    d2 = (p2 ** 2).sum(-1)[:, :, None] + (p1 ** 2).sum(-1)[:, None, :] - 2.0 * jnp.einsum('bnd,bmd->bnm', p2, p1)
    d2 = jnp.maximum(d2, 0.0)
    neg_dist, idx = jax.lax.top_k(-d2, 3)  # 3 nearest neighbors
    dist = -neg_dist  # [B, N2, 3]
    dist_recip = 1.0 / (dist + EPSILON)
    norm = jnp.sum(dist_recip, axis=2, keepdims=True)
    weight = dist_recip / norm  # [B, N2, 3]
    # Linear1: Conv1d(k=1, no bias) + GroupNorm + ReLU on coarse features
    x1l = jax.nn.relu(group_norm(jnp.einsum('oc,bcn->bon', W1, x1), g1, b1, groups))
    # interpolation: gather 3-NN coarse features and weighted-sum
    xt = jnp.transpose(x1l, (0, 2, 1))  # [B, N1, C]
    gathered = jax.vmap(lambda f, i: f[i])(xt, idx)  # [B, N2, 3, C]
    up = jnp.transpose((gathered * weight[..., None]).sum(axis=2), (0, 2, 1))  # [B, C, N2]
    # Linear2 on skip features
    x2l = jax.nn.relu(group_norm(jnp.einsum('oc,bcn->bon', W2, x2), g2, b2, groups))
    y = x2l + up
    return (p2, y)

if __name__ == "__main__":
    import jax
    _d = setup_inputs()
    print(jax.jit(kernel)(*tuple(_d.values())))

</pallas_src>

<mosaic_0001>
#map = affine_map<(d0, d1) -> (0, 0)>
#map1 = affine_map<(d0, d1) -> (0)>
module attributes {stable_mosaic.version = 14 : i64} {
  func.func @_kC(%arg0: i32, %arg1: i32, %arg2: memref<8192x128xf32, #tpu.memory_space<hbm>>, %arg3: memref<98304xi32, #tpu.memory_space<hbm>>, %arg4: memref<98304xf32, #tpu.memory_space<hbm>>, %arg5: memref<32768x128xf32, #tpu.memory_space<hbm>>, %arg6: memref<384xi32, #tpu.memory_space<vmem>>, %arg7: memref<384xf32, #tpu.memory_space<vmem>>, %arg8: memref<384x128xf32, #tpu.memory_space<vmem>>, %arg9: memref<128x128xf32, #tpu.memory_space<vmem>>, %arg10: memref<!tpu.dma_semaphore, #tpu.memory_space<semaphore_mem>>) attributes {dimension_semantics = [#tpu.dimension_semantics<core_parallel>, #tpu.dimension_semantics<subcore_parallel>], iteration_bounds = array<i64: 2, 16>, scalar_prefetch = 0 : i64, scratch_operands = 5 : i64, tpu.core_type = #tpu.core_type<sc_vector_subcore>, window_params = [{transform_indices = #map}, {transform_indices = #map1}, {transform_indices = #map1}, {transform_indices = #map}]} {
    %mul3A = arith.constant 2 : i32
    %mul3A_0 = arith.muli %arg1, %mul3A : i32
    %add3A = arith.addi %mul3A_0, %arg0 : i32
    %mul3A_1 = arith.constant 1024 : i32
    %mul3A_2 = arith.muli %add3A, %mul3A_1 : i32
    %scan3A = arith.constant 0 : i32
    %scan3A_3 = arith.constant 0 : i32
    %scan3A_4 = arith.constant 8 : i32
    %scan3A_5 = arith.addi %scan3A_3, %scan3A_4 : i32
    %scan3A_6 = arith.constant 1 : i32
    scf.for %scan3A_8 = %scan3A_3 to %scan3A_5 step %scan3A_6  : i32 {
      %mul3A_9 = arith.constant 128 : i32
      %mul3A_10 = arith.muli %scan3A_8, %mul3A_9 : i32
      %add3A_11 = arith.addi %mul3A_2, %mul3A_10 : i32
      %add3A_12 = arith.constant 0 : i32
      %add3A_13 = arith.addi %add3A_12, %add3A_11 : i32
      "tpu.region"() ({
        %run_scoped3A = tpu.sem_alloc : memref<!tpu.dma_semaphore, #tpu.memory_space<semaphore_mem>>
        %dma_start3A_76 = arith.constant 0 : i32
        %dma_start3A_77 = tpu.memref_slice %arg6[%dma_start3A_76] : memref<384xi32, #tpu.memory_space<vmem>> -> memref<128xi32, #tpu.memory_space<vmem>>
        %dma_start3A_78 = tpu.memref_slice %arg3[%add3A_13] : memref<98304xi32, #tpu.memory_space<hbm>> -> memref<128xi32, #tpu.memory_space<hbm>>
        %dma_start3A_79 = arith.constant 0 : i32
        %dma_start3A_80 = tpu.memref_slice %arg6[%dma_start3A_79] : memref<384xi32, #tpu.memory_space<vmem>> -> memref<128xi32, #tpu.memory_space<vmem>>
        %dma_start3A_81 = tpu.memref_slice %arg3[%add3A_13] : memref<98304xi32, #tpu.memory_space<hbm>> -> memref<128xi32, #tpu.memory_space<hbm>>
        tpu.enqueue_dma source(%dma_start3A_81 : memref<128xi32, #tpu.memory_space<hbm>>) target(%dma_start3A_80 : memref<128xi32, #tpu.memory_space<vmem>>) target_semaphore(%run_scoped3A : memref<!tpu.dma_semaphore, #tpu.memory_space<semaphore_mem>>)
        %dma_wait3A_82 = arith.constant 0 : i32
        %dma_wait3A_83 = tpu.memref_slice %arg6[%dma_wait3A_82] : memref<384xi32, #tpu.memory_space<vmem>> -> memref<128xi32, #tpu.memory_space<vmem>>
        %dma_wait3A_84 = tpu.memref_slice %arg3[%add3A_13] : memref<98304xi32, #tpu.memory_space<hbm>> -> memref<128xi32, #tpu.memory_space<hbm>>
        %dma_wait3A_85 = arith.constant 0 : i32
        %dma_wait3A_86 = tpu.memref_slice %arg6[%dma_wait3A_85] : memref<384xi32, #tpu.memory_space<vmem>> -> memref<128xi32, #tpu.memory_space<vmem>>
        %dma_wait3A_87 = tpu.memref_slice %arg3[%add3A_13] : memref<98304xi32, #tpu.memory_space<hbm>> -> memref<128xi32, #tpu.memory_space<hbm>>
        tpu.wait_dma2 semaphore(%run_scoped3A : memref<!tpu.dma_semaphore, #tpu.memory_space<semaphore_mem>>) src(%dma_wait3A_87 : memref<128xi32, #tpu.memory_space<hbm>>) dst(%dma_wait3A_86 : memref<128xi32, #tpu.memory_space<vmem>>)
        tpu.yield
      }) : () -> ()
      %add3A_14 = arith.constant 0 : i32
      %add3A_15 = arith.addi %add3A_14, %add3A_11 : i32
      "tpu.region"() ({
        %run_scoped3A = tpu.sem_alloc : memref<!tpu.dma_semaphore, #tpu.memory_space<semaphore_mem>>
        %dma_start3A_76 = arith.constant 0 : i32
        %dma_start3A_77 = tpu.memref_slice %arg7[%dma_start3A_76] : memref<384xf32, #tpu.memory_space<vmem>> -> memref<128xf32, #tpu.memory_space<vmem>>
        %dma_start3A_78 = tpu.memref_slice %arg4[%add3A_15] : memref<98304xf32, #tpu.memory_space<hbm>> -> memref<128xf32, #tpu.memory_space<hbm>>
        %dma_start3A_79 = arith.constant 0 : i32
        %dma_start3A_80 = tpu.memref_slice %arg7[%dma_start3A_79] : memref<384xf32, #tpu.memory_space<vmem>> -> memref<128xf32, #tpu.memory_space<vmem>>
        %dma_start3A_81 = tpu.memref_slice %arg4[%add3A_15] : memref<98304xf32, #tpu.memory_space<hbm>> -> memref<128xf32, #tpu.memory_space<hbm>>
        tpu.enqueue_dma source(%dma_start3A_81 : memref<128xf32, #tpu.memory_space<hbm>>) target(%dma_start3A_80 : memref<128xf32, #tpu.memory_space<vmem>>) target_semaphore(%run_scoped3A : memref<!tpu.dma_semaphore, #tpu.memory_space<semaphore_mem>>)
        %dma_wait3A_82 = arith.constant 0 : i32
        %dma_wait3A_83 = tpu.memref_slice %arg7[%dma_wait3A_82] : memref<384xf32, #tpu.memory_space<vmem>> -> memref<128xf32, #tpu.memory_space<vmem>>
        %dma_wait3A_84 = tpu.memref_slice %arg4[%add3A_15] : memref<98304xf32, #tpu.memory_space<hbm>> -> memref<128xf32, #tpu.memory_space<hbm>>
        %dma_wait3A_85 = arith.constant 0 : i32
        %dma_wait3A_86 = tpu.memref_slice %arg7[%dma_wait3A_85] : memref<384xf32, #tpu.memory_space<vmem>> -> memref<128xf32, #tpu.memory_space<vmem>>
        %dma_wait3A_87 = tpu.memref_slice %arg4[%add3A_15] : memref<98304xf32, #tpu.memory_space<hbm>> -> memref<128xf32, #tpu.memory_space<hbm>>
        tpu.wait_dma2 semaphore(%run_scoped3A : memref<!tpu.dma_semaphore, #tpu.memory_space<semaphore_mem>>) src(%dma_wait3A_87 : memref<128xf32, #tpu.memory_space<hbm>>) dst(%dma_wait3A_86 : memref<128xf32, #tpu.memory_space<vmem>>)
        tpu.yield
      }) : () -> ()
      %add3A_16 = arith.constant 32768 : i32
      %add3A_17 = arith.addi %add3A_16, %add3A_11 : i32
      "tpu.region"() ({
        %run_scoped3A = tpu.sem_alloc : memref<!tpu.dma_semaphore, #tpu.memory_space<semaphore_mem>>
        %dma_start3A_76 = arith.constant 128 : i32
        %dma_start3A_77 = tpu.memref_slice %arg6[%dma_start3A_76] : memref<384xi32, #tpu.memory_space<vmem>> -> memref<128xi32, #tpu.memory_space<vmem>>
        %dma_start3A_78 = tpu.memref_slice %arg3[%add3A_17] : memref<98304xi32, #tpu.memory_space<hbm>> -> memref<128xi32, #tpu.memory_space<hbm>>
        %dma_start3A_79 = arith.constant 128 : i32
        %dma_start3A_80 = tpu.memref_slice %arg6[%dma_start3A_79] : memref<384xi32, #tpu.memory_space<vmem>> -> memref<128xi32, #tpu.memory_space<vmem>>
        %dma_start3A_81 = tpu.memref_slice %arg3[%add3A_17] : memref<98304xi32, #tpu.memory_space<hbm>> -> memref<128xi32, #tpu.memory_space<hbm>>
        tpu.enqueue_dma source(%dma_start3A_81 : memref<128xi32, #tpu.memory_space<hbm>>) target(%dma_start3A_80 : memref<128xi32, #tpu.memory_space<vmem>>) target_semaphore(%run_scoped3A : memref<!tpu.dma_semaphore, #tpu.memory_space<semaphore_mem>>)
        %dma_wait3A_82 = arith.constant 128 : i32
        %dma_wait3A_83 = tpu.memref_slice %arg6[%dma_wait3A_82] : memref<384xi32, #tpu.memory_space<vmem>> -> memref<128xi32, #tpu.memory_space<vmem>>
        %dma_wait3A_84 = tpu.memref_slice %arg3[%add3A_17] : memref<98304xi32, #tpu.memory_space<hbm>> -> memref<128xi32, #tpu.memory_space<hbm>>
        %dma_wait3A_85 = arith.constant 128 : i32
        %dma_wait3A_86 = tpu.memref_slice %arg6[%dma_wait3A_85] : memref<384xi32, #tpu.memory_space<vmem>> -> memref<128xi32, #tpu.memory_space<vmem>>
        %dma_wait3A_87 = tpu.memref_slice %arg3[%add3A_17] : memref<98304xi32, #tpu.memory_space<hbm>> -> memref<128xi32, #tpu.memory_space<hbm>>
        tpu.wait_dma2 semaphore(%run_scoped3A : memref<!tpu.dma_semaphore, #tpu.memory_space<semaphore_mem>>) src(%dma_wait3A_87 : memref<128xi32, #tpu.memory_space<hbm>>) dst(%dma_wait3A_86 : memref<128xi32, #tpu.memory_space<vmem>>)
        tpu.yield
      }) : () -> ()
      %add3A_18 = arith.constant 32768 : i32
      %add3A_19 = arith.addi %add3A_18, %add3A_11 : i32
      "tpu.region"() ({
        %run_scoped3A = tpu.sem_alloc : memref<!tpu.dma_semaphore, #tpu.memory_space<semaphore_mem>>
        %dma_start3A_76 = arith.constant 128 : i32
        %dma_start3A_77 = tpu.memref_slice %arg7[%dma_start3A_76] : memref<384xf32, #tpu.memory_space<vmem>> -> memref<128xf32, #tpu.memory_space<vmem>>
        %dma_start3A_78 = tpu.memref_slice %arg4[%add3A_19] : memref<98304xf32, #tpu.memory_space<hbm>> -> memref<128xf32, #tpu.memory_space<hbm>>
        %dma_start3A_79 = arith.constant 128 : i32
        %dma_start3A_80 = tpu.memref_slice %arg7[%dma_start3A_79] : memref<384xf32, #tpu.memory_space<vmem>> -> memref<128xf32, #tpu.memory_space<vmem>>
        %dma_start3A_81 = tpu.memref_slice %arg4[%add3A_19] : memref<98304xf32, #tpu.memory_space<hbm>> -> memref<128xf32, #tpu.memory_space<hbm>>
        tpu.enqueue_dma source(%dma_start3A_81 : memref<128xf32, #tpu.memory_space<hbm>>) target(%dma_start3A_80 : memref<128xf32, #tpu.memory_space<vmem>>) target_semaphore(%run_scoped3A : memref<!tpu.dma_semaphore, #tpu.memory_space<semaphore_mem>>)
        %dma_wait3A_82 = arith.constant 128 : i32
        %dma_wait3A_83 = tpu.memref_slice %arg7[%dma_wait3A_82] : memref<384xf32, #tpu.memory_space<vmem>> -> memref<128xf32, #tpu.memory_space<vmem>>
        %dma_wait3A_84 = tpu.memref_slice %arg4[%add3A_19] : memref<98304xf32, #tpu.memory_space<hbm>> -> memref<128xf32, #tpu.memory_space<hbm>>
        %dma_wait3A_85 = arith.constant 128 : i32
        %dma_wait3A_86 = tpu.memref_slice %arg7[%dma_wait3A_85] : memref<384xf32, #tpu.memory_space<vmem>> -> memref<128xf32, #tpu.memory_space<vmem>>
        %dma_wait3A_87 = tpu.memref_slice %arg4[%add3A_19] : memref<98304xf32, #tpu.memory_space<hbm>> -> memref<128xf32, #tpu.memory_space<hbm>>
        tpu.wait_dma2 semaphore(%run_scoped3A : memref<!tpu.dma_semaphore, #tpu.memory_space<semaphore_mem>>) src(%dma_wait3A_87 : memref<128xf32, #tpu.memory_space<hbm>>) dst(%dma_wait3A_86 : memref<128xf32, #tpu.memory_space<vmem>>)
        tpu.yield
      }) : () -> ()
      %add3A_20 = arith.constant 65536 : i32
      %add3A_21 = arith.addi %add3A_20, %add3A_11 : i32
      "tpu.region"() ({
        %run_scoped3A = tpu.sem_alloc : memref<!tpu.dma_semaphore, #tpu.memory_space<semaphore_mem>>
        %dma_start3A_76 = arith.constant 256 : i32
        %dma_start3A_77 = tpu.memref_slice %arg6[%dma_start3A_76] : memref<384xi32, #tpu.memory_space<vmem>> -> memref<128xi32, #tpu.memory_space<vmem>>
        %dma_start3A_78 = tpu.memref_slice %arg3[%add3A_21] : memref<98304xi32, #tpu.memory_space<hbm>> -> memref<128xi32, #tpu.memory_space<hbm>>
        %dma_start3A_79 = arith.constant 256 : i32
        %dma_start3A_80 = tpu.memref_slice %arg6[%dma_start3A_79] : memref<384xi32, #tpu.memory_space<vmem>> -> memref<128xi32, #tpu.memory_space<vmem>>
        %dma_start3A_81 = tpu.memref_slice %arg3[%add3A_21] : memref<98304xi32, #tpu.memory_space<hbm>> -> memref<128xi32, #tpu.memory_space<hbm>>
        tpu.enqueue_dma source(%dma_start3A_81 : memref<128xi32, #tpu.memory_space<hbm>>) target(%dma_start3A_80 : memref<128xi32, #tpu.memory_space<vmem>>) target_semaphore(%run_scoped3A : memref<!tpu.dma_semaphore, #tpu.memory_space<semaphore_mem>>)
        %dma_wait3A_82 = arith.constant 256 : i32
        %dma_wait3A_83 = tpu.memref_slice %arg6[%dma_wait3A_82] : memref<384xi32, #tpu.memory_space<vmem>> -> memref<128xi32, #tpu.memory_space<vmem>>
        %dma_wait3A_84 = tpu.memref_slice %arg3[%add3A_21] : memref<98304xi32, #tpu.memory_space<hbm>> -> memref<128xi32, #tpu.memory_space<hbm>>
        %dma_wait3A_85 = arith.constant 256 : i32
        %dma_wait3A_86 = tpu.memref_slice %arg6[%dma_wait3A_85] : memref<384xi32, #tpu.memory_space<vmem>> -> memref<128xi32, #tpu.memory_space<vmem>>
        %dma_wait3A_87 = tpu.memref_slice %arg3[%add3A_21] : memref<98304xi32, #tpu.memory_space<hbm>> -> memref<128xi32, #tpu.memory_space<hbm>>
        tpu.wait_dma2 semaphore(%run_scoped3A : memref<!tpu.dma_semaphore, #tpu.memory_space<semaphore_mem>>) src(%dma_wait3A_87 : memref<128xi32, #tpu.memory_space<hbm>>) dst(%dma_wait3A_86 : memref<128xi32, #tpu.memory_space<vmem>>)
        tpu.yield
      }) : () -> ()
      %add3A_22 = arith.constant 65536 : i32
      %add3A_23 = arith.addi %add3A_22, %add3A_11 : i32
      "tpu.region"() ({
        %run_scoped3A = tpu.sem_alloc : memref<!tpu.dma_semaphore, #tpu.memory_space<semaphore_mem>>
        %dma_start3A_76 = arith.constant 256 : i32
        %dma_start3A_77 = tpu.memref_slice %arg7[%dma_start3A_76] : memref<384xf32, #tpu.memory_space<vmem>> -> memref<128xf32, #tpu.memory_space<vmem>>
        %dma_start3A_78 = tpu.memref_slice %arg4[%add3A_23] : memref<98304xf32, #tpu.memory_space<hbm>> -> memref<128xf32, #tpu.memory_space<hbm>>
        %dma_start3A_79 = arith.constant 256 : i32
        %dma_start3A_80 = tpu.memref_slice %arg7[%dma_start3A_79] : memref<384xf32, #tpu.memory_space<vmem>> -> memref<128xf32, #tpu.memory_space<vmem>>
        %dma_start3A_81 = tpu.memref_slice %arg4[%add3A_23] : memref<98304xf32, #tpu.memory_space<hbm>> -> memref<128xf32, #tpu.memory_space<hbm>>
        tpu.enqueue_dma source(%dma_start3A_81 : memref<128xf32, #tpu.memory_space<hbm>>) target(%dma_start3A_80 : memref<128xf32, #tpu.memory_space<vmem>>) target_semaphore(%run_scoped3A : memref<!tpu.dma_semaphore, #tpu.memory_space<semaphore_mem>>)
        %dma_wait3A_82 = arith.constant 256 : i32
        %dma_wait3A_83 = tpu.memref_slice %arg7[%dma_wait3A_82] : memref<384xf32, #tpu.memory_space<vmem>> -> memref<128xf32, #tpu.memory_space<vmem>>
        %dma_wait3A_84 = tpu.memref_slice %arg4[%add3A_23] : memref<98304xf32, #tpu.memory_space<hbm>> -> memref<128xf32, #tpu.memory_space<hbm>>
        %dma_wait3A_85 = arith.constant 256 : i32
        %dma_wait3A_86 = tpu.memref_slice %arg7[%dma_wait3A_85] : memref<384xf32, #tpu.memory_space<vmem>> -> memref<128xf32, #tpu.memory_space<vmem>>
        %dma_wait3A_87 = tpu.memref_slice %arg4[%add3A_23] : memref<98304xf32, #tpu.memory_space<hbm>> -> memref<128xf32, #tpu.memory_space<hbm>>
        tpu.wait_dma2 semaphore(%run_scoped3A : memref<!tpu.dma_semaphore, #tpu.memory_space<semaphore_mem>>) src(%dma_wait3A_87 : memref<128xf32, #tpu.memory_space<hbm>>) dst(%dma_wait3A_86 : memref<128xf32, #tpu.memory_space<vmem>>)
        tpu.yield
      }) : () -> ()
      %dma_start3A = arith.constant 0 : i32
      %dma_start3A_24 = arith.constant 0 : i32
      %dma_start3A_25 = tpu.memref_slice %arg8[%dma_start3A, %dma_start3A_24] : memref<384x128xf32, #tpu.memory_space<vmem>> -> memref<128x128xf32, #tpu.memory_space<vmem>>
      %dma_start3A_26 = arith.constant 0 : i32
      %dma_start3A_27 = tpu.memref_slice %arg6[%dma_start3A_26] : memref<384xi32, #tpu.memory_space<vmem>> -> memref<128xi32, #tpu.memory_space<vmem>>
      %dma_start3A_28 = arith.constant 0 : i32
      %dma_start3A_29 = arith.constant 0 : i32
      %dma_start3A_30 = tpu.memref_slice %arg2[%dma_start3A_28, %dma_start3A_29] : memref<8192x128xf32, #tpu.memory_space<hbm>> -> memref<8192x128xf32, #tpu.memory_space<hbm>>
      tpu.enqueue_indirect_dma source(%dma_start3A_30 : memref<8192x128xf32, #tpu.memory_space<hbm>>) target(%dma_start3A_25 : memref<128x128xf32, #tpu.memory_space<vmem>>) offsets(%dma_start3A_27 : memref<128xi32, #tpu.memory_space<vmem>>) semaphore(%arg10 : memref<!tpu.dma_semaphore, #tpu.memory_space<semaphore_mem>>)
      %dma_start3A_31 = arith.constant 128 : i32
      %dma_start3A_32 = arith.constant 0 : i32
      %dma_start3A_33 = tpu.memref_slice %arg8[%dma_start3A_31, %dma_start3A_32] : memref<384x128xf32, #tpu.memory_space<vmem>> -> memref<128x128xf32, #tpu.memory_space<vmem>>
      %dma_start3A_34 = arith.constant 128 : i32
      %dma_start3A_35 = tpu.memref_slice %arg6[%dma_start3A_34] : memref<384xi32, #tpu.memory_space<vmem>> -> memref<128xi32, #tpu.memory_space<vmem>>
      %dma_start3A_36 = arith.constant 0 : i32
      %dma_start3A_37 = arith.constant 0 : i32
      %dma_start3A_38 = tpu.memref_slice %arg2[%dma_start3A_36, %dma_start3A_37] : memref<8192x128xf32, #tpu.memory_space<hbm>> -> memref<8192x128xf32, #tpu.memory_space<hbm>>
      tpu.enqueue_indirect_dma source(%dma_start3A_38 : memref<8192x128xf32, #tpu.memory_space<hbm>>) target(%dma_start3A_33 : memref<128x128xf32, #tpu.memory_space<vmem>>) offsets(%dma_start3A_35 : memref<128xi32, #tpu.memory_space<vmem>>) semaphore(%arg10 : memref<!tpu.dma_semaphore, #tpu.memory_space<semaphore_mem>>)
      %dma_start3A_39 = arith.constant 256 : i32
      %dma_start3A_40 = arith.constant 0 : i32
      %dma_start3A_41 = tpu.memref_slice %arg8[%dma_start3A_39, %dma_start3A_40] : memref<384x128xf32, #tpu.memory_space<vmem>> -> memref<128x128xf32, #tpu.memory_space<vmem>>
      %dma_start3A_42 = arith.constant 256 : i32
      %dma_start3A_43 = tpu.memref_slice %arg6[%dma_start3A_42] : memref<384xi32, #tpu.memory_space<vmem>> -> memref<128xi32, #tpu.memory_space<vmem>>
      %dma_start3A_44 = arith.constant 0 : i32
      %dma_start3A_45 = arith.constant 0 : i32
      %dma_start3A_46 = tpu.memref_slice %arg2[%dma_start3A_44, %dma_start3A_45] : memref<8192x128xf32, #tpu.memory_space<hbm>> -> memref<8192x128xf32, #tpu.memory_space<hbm>>
      tpu.enqueue_indirect_dma source(%dma_start3A_46 : memref<8192x128xf32, #tpu.memory_space<hbm>>) target(%dma_start3A_41 : memref<128x128xf32, #tpu.memory_space<vmem>>) offsets(%dma_start3A_43 : memref<128xi32, #tpu.memory_space<vmem>>) semaphore(%arg10 : memref<!tpu.dma_semaphore, #tpu.memory_space<semaphore_mem>>)
      %dma_wait3A = arith.constant 0 : i32
      %dma_wait3A_47 = arith.constant 0 : i32
      %dma_wait3A_48 = tpu.memref_slice %arg8[%dma_wait3A, %dma_wait3A_47] : memref<384x128xf32, #tpu.memory_space<vmem>> -> memref<128x128xf32, #tpu.memory_space<vmem>>
      %dma_wait3A_49 = arith.constant 0 : i32
      %dma_wait3A_50 = tpu.memref_slice %arg6[%dma_wait3A_49] : memref<384xi32, #tpu.memory_space<vmem>> -> memref<128xi32, #tpu.memory_space<vmem>>
      %dma_wait3A_51 = arith.constant 0 : i32
      %dma_wait3A_52 = arith.constant 0 : i32
      %dma_wait3A_53 = tpu.memref_slice %arg2[%dma_wait3A_51, %dma_wait3A_52] : memref<8192x128xf32, #tpu.memory_space<hbm>> -> memref<8192x128xf32, #tpu.memory_space<hbm>>
      tpu.wait_indirect_dma semaphore(%arg10 : memref<!tpu.dma_semaphore, #tpu.memory_space<semaphore_mem>>) src(%dma_wait3A_53 : memref<8192x128xf32, #tpu.memory_space<hbm>>) dst(%dma_wait3A_48 : memref<128x128xf32, #tpu.memory_space<vmem>>)
      %dma_wait3A_54 = arith.constant 128 : i32
      %dma_wait3A_55 = arith.constant 0 : i32
      %dma_wait3A_56 = tpu.memref_slice %arg8[%dma_wait3A_54, %dma_wait3A_55] : memref<384x128xf32, #tpu.memory_space<vmem>> -> memref<128x128xf32, #tpu.memory_space<vmem>>
      %dma_wait3A_57 = arith.constant 128 : i32
      %dma_wait3A_58 = tpu.memref_slice %arg6[%dma_wait3A_57] : memref<384xi32, #tpu.memory_space<vmem>> -> memref<128xi32, #tpu.memory_space<vmem>>
      %dma_wait3A_59 = arith.constant 0 : i32
      %dma_wait3A_60 = arith.constant 0 : i32
      %dma_wait3A_61 = tpu.memref_slice %arg2[%dma_wait3A_59, %dma_wait3A_60] : memref<8192x128xf32, #tpu.memory_space<hbm>> -> memref<8192x128xf32, #tpu.memory_space<hbm>>
      tpu.wait_indirect_dma semaphore(%arg10 : memref<!tpu.dma_semaphore, #tpu.memory_space<semaphore_mem>>) src(%dma_wait3A_61 : memref<8192x128xf32, #tpu.memory_space<hbm>>) dst(%dma_wait3A_56 : memref<128x128xf32, #tpu.memory_space<vmem>>)
      %dma_wait3A_62 = arith.constant 256 : i32
      %dma_wait3A_63 = arith.constant 0 : i32
      %dma_wait3A_64 = tpu.memref_slice %arg8[%dma_wait3A_62, %dma_wait3A_63] : memref<384x128xf32, #tpu.memory_space<vmem>> -> memref<128x128xf32, #tpu.memory_space<vmem>>
      %dma_wait3A_65 = arith.constant 256 : i32
      %dma_wait3A_66 = tpu.memref_slice %arg6[%dma_wait3A_65] : memref<384xi32, #tpu.memory_space<vmem>> -> memref<128xi32, #tpu.memory_space<vmem>>
      %dma_wait3A_67 = arith.constant 0 : i32
      %dma_wait3A_68 = arith.constant 0 : i32
      %dma_wait3A_69 = tpu.memref_slice %arg2[%dma_wait3A_67, %dma_wait3A_68] : memref<8192x128xf32, #tpu.memory_space<hbm>> -> memref<8192x128xf32, #tpu.memory_space<hbm>>
      tpu.wait_indirect_dma semaphore(%arg10 : memref<!tpu.dma_semaphore, #tpu.memory_space<semaphore_mem>>) src(%dma_wait3A_69 : memref<8192x128xf32, #tpu.memory_space<hbm>>) dst(%dma_wait3A_64 : memref<128x128xf32, #tpu.memory_space<vmem>>)
      %scan3A_70 = arith.constant 0 : i32
      %scan3A_71 = arith.constant 0 : i32
      %scan3A_72 = arith.constant 8 : i32
      %scan3A_73 = arith.addi %scan3A_71, %scan3A_72 : i32
      %scan3A_74 = arith.constant 1 : i32
      scf.for %scan3A_76 = %scan3A_71 to %scan3A_73 step %scan3A_74  : i32 {
        %mul3A_77 = arith.constant 16 : i32
        %mul3A_78 = arith.muli %scan3A_76, %mul3A_77 : i32
        %get3A = arith.index_cast %mul3A_78 : i32 to index
        %get3A_79 = tpu.vector_load %arg7[%get3A] {strides = array<i32>} : memref<384xf32, #tpu.memory_space<vmem>>, vector<16xf32>,
        %get3A_80 = vector.shape_cast %get3A_79 : vector<16xf32> to vector<16xf32>
        %add3A_81 = arith.constant 128 : i32
        %add3A_82 = arith.addi %add3A_81, %mul3A_78 : i32
        %get3A_83 = arith.index_cast %add3A_82 : i32 to index
        %get3A_84 = tpu.vector_load %arg7[%get3A_83] {strides = array<i32>} : memref<384xf32, #tpu.memory_space<vmem>>, vector<16xf32>,
        %get3A_85 = vector.shape_cast %get3A_84 : vector<16xf32> to vector<16xf32>
        %add3A_86 = arith.constant 256 : i32
        %add3A_87 = arith.addi %add3A_86, %mul3A_78 : i32
        %get3A_88 = arith.index_cast %add3A_87 : i32 to index
        %get3A_89 = tpu.vector_load %arg7[%get3A_88] {strides = array<i32>} : memref<384xf32, #tpu.memory_space<vmem>>, vector<16xf32>,
        %get3A_90 = vector.shape_cast %get3A_89 : vector<16xf32> to vector<16xf32>
        %slice3A = vector.extract_strided_slice %get3A_80 {offsets = [0], sizes = [1], strides = [1]} : vector<16xf32> to vector<1xf32>
        %squeeze3A = vector.extract %slice3A[0] : f32 from vector<1xf32>
        %slice3A_91 = vector.extract_strided_slice %get3A_85 {offsets = [0], sizes = [1], strides = [1]} : vector<16xf32> to vector<1xf32>
        %squeeze3A_92 = vector.extract %slice3A_91[0] : f32 from vector<1xf32>
        %slice3A_93 = vector.extract_strided_slice %get3A_90 {offsets = [0], sizes = [1], strides = [1]} : vector<16xf32> to vector<1xf32>
        %squeeze3A_94 = vector.extract %slice3A_93[0] : f32 from vector<1xf32>
        %add3A_95 = arith.constant 0 : i32
        %add3A_96 = arith.addi %mul3A_78, %add3A_95 : i32
        %get3A_97 = arith.index_cast %add3A_96 : i32 to index
        %get3A_98 = arith.constant 0 : index
        %get3A_99 = tpu.vector_load %arg8[%get3A_97, %get3A_98] {strides = array<i32>} : memref<384x128xf32, #tpu.memory_space<vmem>>, vector<1x16xf32>,
        %get3A_100 = vector.shape_cast %get3A_99 : vector<1x16xf32> to vector<16xf32>
        %mul3A_101 = vector.broadcast %squeeze3A : f32 to vector<16xf32>
        %mul3A_102 = arith.mulf %mul3A_101, %get3A_100 : vector<16xf32>
        %add3A_103 = arith.constant 128 : i32
        %add3A_104 = arith.addi %add3A_103, %add3A_96 : i32
        %get3A_105 = arith.index_cast %add3A_104 : i32 to index
        %get3A_106 = arith.constant 0 : index
        %get3A_107 = tpu.vector_load %arg8[%get3A_105, %get3A_106] {strides = array<i32>} : memref<384x128xf32, #tpu.memory_space<vmem>>, vector<1x16xf32>,
        %get3A_108 = vector.shape_cast %get3A_107 : vector<1x16xf32> to vector<16xf32>
        %mul3A_109 = vector.broadcast %squeeze3A_92 : f32 to vector<16xf32>
        %mul3A_110 = arith.mulf %mul3A_109, %get3A_108 : vector<16xf32>
        %add3A_111 = arith.addf %mul3A_102, %mul3A_110 : vector<16xf32>
        %add3A_112 = arith.constant 256 : i32
        %add3A_113 = arith.addi %add3A_112, %add3A_96 : i32
        %get3A_114 = arith.index_cast %add3A_113 : i32 to index
        %get3A_115 = arith.constant 0 : index
        %get3A_116 = tpu.vector_load %arg8[%get3A_114, %get3A_115] {strides = array<i32>} : memref<384x128xf32, #tpu.memory_space<vmem>>, vector<1x16xf32>,
        %get3A_117 = vector.shape_cast %get3A_116 : vector<1x16xf32> to vector<16xf32>
        %mul3A_118 = vector.broadcast %squeeze3A_94 : f32 to vector<16xf32>
        %mul3A_119 = arith.mulf %mul3A_118, %get3A_117 : vector<16xf32>
        %add3A_120 = arith.addf %add3A_111, %mul3A_119 : vector<16xf32>
        %swap3A = arith.index_cast %add3A_96 : i32 to index
        %swap3A_121 = arith.constant 0 : index
        %swap3A_122 = tpu.vector_load %arg9[%swap3A, %swap3A_121] {strides = array<i32>} : memref<128x128xf32, #tpu.memory_space<vmem>>, vector<1x16xf32>,
        %swap3A_123 = vector.shape_cast %swap3A_122 : vector<1x16xf32> to vector<16xf32>
        %swap3A_124 = vector.shape_cast %add3A_120 : vector<16xf32> to vector<1x16xf32>
        tpu.vector_store %arg9[%swap3A, %swap3A_121], %swap3A_124 {strides = array<i32>} : memref<128x128xf32, #tpu.memory_space<vmem>>, vector<1x16xf32>,
        %get3A_125 = arith.index_cast %add3A_96 : i32 to index
        %get3A_126 = arith.constant 16 : index
        %get3A_127 = tpu.vector_load %arg8[%get3A_125, %get3A_126] {strides = array<i32>} : memref<384x128xf32, #tpu.memory_space<vmem>>, vector<1x16xf32>,
        %get3A_128 = vector.shape_cast %get3A_127 : vector<1x16xf32> to vector<16xf32>
        %mul3A_129 = vector.broadcast %squeeze3A : f32 to vector<16xf32>
        %mul3A_130 = arith.mulf %mul3A_129, %get3A_128 : vector<16xf32>
        %add3A_131 = arith.constant 128 : i32
        %add3A_132 = arith.addi %add3A_131, %add3A_96 : i32
        %get3A_133 = arith.index_cast %add3A_132 : i32 to index
        %get3A_134 = arith.constant 16 : index
        %get3A_135 = tpu.vector_load %arg8[%get3A_133, %get3A_134] {strides = array<i32>} : memref<384x128xf32, #tpu.memory_space<vmem>>, vector<1x16xf32>,
        %get3A_136 = vector.shape_cast %get3A_135 : vector<1x16xf32> to vector<16xf32>
        %mul3A_137 = vector.broadcast %squeeze3A_92 : f32 to vector<16xf32>
        %mul3A_138 = arith.mulf %mul3A_137, %get3A_136 : vector<16xf32>
        %add3A_139 = arith.addf %mul3A_130, %mul3A_138 : vector<16xf32>
        %add3A_140 = arith.constant 256 : i32
        %add3A_141 = arith.addi %add3A_140, %add3A_96 : i32
        %get3A_142 = arith.index_cast %add3A_141 : i32 to index
        %get3A_143 = arith.constant 16 : index
        %get3A_144 = tpu.vector_load %arg8[%get3A_142, %get3A_143] {strides = array<i32>} : memref<384x128xf32, #tpu.memory_space<vmem>>, vector<1x16xf32>,
        %get3A_145 = vector.shape_cast %get3A_144 : vector<1x16xf32> to vector<16xf32>
        %mul3A_146 = vector.broadcast %squeeze3A_94 : f32 to vector<16xf32>
        %mul3A_147 = arith.mulf %mul3A_146, %get3A_145 : vector<16xf32>
        %add3A_148 = arith.addf %add3A_139, %mul3A_147 : vector<16xf32>
        %swap3A_149 = arith.index_cast %add3A_96 : i32 to index
        %swap3A_150 = arith.constant 16 : index
        %swap3A_151 = tpu.vector_load %arg9[%swap3A_149, %swap3A_150] {strides = array<i32>} : memref<128x128xf32, #tpu.memory_space<vmem>>, vector<1x16xf32>,
        %swap3A_152 = vector.shape_cast %swap3A_151 : vector<1x16xf32> to vector<16xf32>
        %swap3A_153 = vector.shape_cast %add3A_148 : vector<16xf32> to vector<1x16xf32>
        tpu.vector_store %arg9[%swap3A_149, %swap3A_150], %swap3A_153 {strides = array<i32>} : memref<128x128xf32, #tpu.memory_space<vmem>>, vector<1x16xf32>,
        %get3A_154 = arith.index_cast %add3A_96 : i32 to index
        %get3A_155 = arith.constant 32 : index
        %get3A_156 = tpu.vector_load %arg8[%get3A_154, %get3A_155] {strides = array<i32>} : memref<384x128xf32, #tpu.memory_space<vmem>>, vector<1x16xf32>,
        %get3A_157 = vector.shape_cast %get3A_156 : vector<1x16xf32> to vector<16xf32>
        %mul3A_158 = vector.broadcast %squeeze3A : f32 to vector<16xf32>
        %mul3A_159 = arith.mulf %mul3A_158, %get3A_157 : vector<16xf32>
        %add3A_160 = arith.constant 128 : i32
        %add3A_161 = arith.addi %add3A_160, %add3A_96 : i32
        %get3A_162 = arith.index_cast %add3A_161 : i32 to index
        %get3A_163 = arith.constant 32 : index
        %get3A_164 = tpu.vector_load %arg8[%get3A_162, %get3A_163] {strides = array<i32>} : memref<384x128xf32, #tpu.memory_space<vmem>>, vector<1x16xf32>,
        %get3A_165 = vector.shape_cast %get3A_164 : vector<1x16xf32> to vector<16xf32>
        %mul3A_166 = vector.broadcast %squeeze3A_92 : f32 to vector<16xf32>
        %mul3A_167 = arith.mulf %mul3A_166, %get3A_165 : vector<16xf32>
        %add3A_168 = arith.addf %mul3A_159, %mul3A_167 : vector<16xf32>
        %add3A_169 = arith.constant 256 : i32
        %add3A_170 = arith.addi %add3A_169, %add3A_96 : i32
        %get3A_171 = arith.index_cast %add3A_170 : i32 to index
        %get3A_172 = arith.constant 32 : index
        %get3A_173 = tpu.vector_load %arg8[%get3A_171, %get3A_172] {strides = array<i32>} : memref<384x128xf32, #tpu.memory_space<vmem>>, vector<1x16xf32>,
        %get3A_174 = vector.shape_cast %get3A_173 : vector<1x16xf32> to vector<16xf32>
        %mul3A_175 = vector.broadcast %squeeze3A_94 : f32 to vector<16xf32>
        %mul3A_176 = arith.mulf %mul3A_175, %get3A_174 : vector<16xf32>
        %add3A_177 = arith.addf %add3A_168, %mul3A_176 : vector<16xf32>
        %swap3A_178 = arith.index_cast %add3A_96 : i32 to index
        %swap3A_179 = arith.constant 32 : index
        %swap3A_180 = tpu.vector_load %arg9[%swap3A_178, %swap3A_179] {strides = array<i32>} : memref<128x128xf32, #tpu.memory_space<vmem>>, vector<1x16xf32>,
        %swap3A_181 = vector.shape_cast %swap3A_180 : vector<1x16xf32> to vector<16xf32>
        %swap3A_182 = vector.shape_cast %add3A_177 : vector<16xf32> to vector<1x16xf32>
        tpu.vector_store %arg9[%swap3A_178, %swap3A_179], %swap3A_182 {strides = array<i32>} : memref<128x128xf32, #tpu.memory_space<vmem>>, vector<1x16xf32>,
        %get3A_183 = arith.index_cast %add3A_96 : i32 to index
        %get3A_184 = arith.constant 48 : index
        %get3A_185 = tpu.vector_load %arg8[%get3A_183, %get3A_184] {strides = array<i32>} : memref<384x128xf32, #tpu.memory_space<vmem>>, vector<1x16xf32>,
        %get3A_186 = vector.shape_cast %get3A_185 : vector<1x16xf32> to vector<16xf32>
        %mul3A_187 = vector.broadcast %squeeze3A : f32 to vector<16xf32>
        %mul3A_188 = arith.mulf %mul3A_187, %get3A_186 : vector<16xf32>
        %add3A_189 = arith.constant 128 : i32
        %add3A_190 = arith.addi %add3A_189, %add3A_96 : i32
        %get3A_191 = arith.index_cast %add3A_190 : i32 to index
        %get3A_192 = arith.constant 48 : index
        %get3A_193 = tpu.vector_load %arg8[%get3A_191, %get3A_192] {strides = array<i32>} : memref<384x128xf32, #tpu.memory_space<vmem>>, vector<1x16xf32>,
        %get3A_194 = vector.shape_cast %get3A_193 : vector<1x16xf32> to vector<16xf32>
        %mul3A_195 = vector.broadcast %squeeze3A_92 : f32 to vector<16xf32>
        %mul3A_196 = arith.mulf %mul3A_195, %get3A_194 : vector<16xf32>
        %add3A_197 = arith.addf %mul3A_188, %mul3A_196 : vector<16xf32>
        %add3A_198 = arith.constant 256 : i32
        %add3A_199 = arith.addi %add3A_198, %add3A_96 : i32
        %get3A_200 = arith.index_cast %add3A_199 : i32 to index
        %get3A_201 = arith.constant 48 : index
        %get3A_202 = tpu.vector_load %arg8[%get3A_200, %get3A_201] {strides = array<i32>} : memref<384x128xf32, #tpu.memory_space<vmem>>, vector<1x16xf32>,
        %get3A_203 = vector.shape_cast %get3A_202 : vector<1x16xf32> to vector<16xf32>
        %mul3A_204 = vector.broadcast %squeeze3A_94 : f32 to vector<16xf32>
        %mul3A_205 = arith.mulf %mul3A_204, %get3A_203 : vector<16xf32>
        %add3A_206 = arith.addf %add3A_197, %mul3A_205 : vector<16xf32>
        %swap3A_207 = arith.index_cast %add3A_96 : i32 to index
        %swap3A_208 = arith.constant 48 : index
        %swap3A_209 = tpu.vector_load %arg9[%swap3A_207, %swap3A_208] {strides = array<i32>} : memref<128x128xf32, #tpu.memory_space<vmem>>, vector<1x16xf32>,
        %swap3A_210 = vector.shape_cast %swap3A_209 : vector<1x16xf32> to vector<16xf32>
        %swap3A_211 = vector.shape_cast %add3A_206 : vector<16xf32> to vector<1x16xf32>
        tpu.vector_store %arg9[%swap3A_207, %swap3A_208], %swap3A_211 {strides = array<i32>} : memref<128x128xf32, #tpu.memory_space<vmem>>, vector<1x16xf32>,
        %get3A_212 = arith.index_cast %add3A_96 : i32 to index
        %get3A_213 = arith.constant 64 : index
        %get3A_214 = tpu.vector_load %arg8[%get3A_212, %get3A_213] {strides = array<i32>} : memref<384x128xf32, #tpu.memory_space<vmem>>, vector<1x16xf32>,
        %get3A_215 = vector.shape_cast %get3A_214 : vector<1x16xf32> to vector<16xf32>
        %mul3A_216 = vector.broadcast %squeeze3A : f32 to vector<16xf32>
        %mul3A_217 = arith.mulf %mul3A_216, %get3A_215 : vector<16xf32>
        %add3A_218 = arith.constant 128 : i32
        %add3A_219 = arith.addi %add3A_218, %add3A_96 : i32
        %get3A_220 = arith.index_cast %add3A_219 : i32 to index
        %get3A_221 = arith.constant 64 : index
        %get3A_222 = tpu.vector_load %arg8[%get3A_220, %get3A_221] {strides = array<i32>} : memref<384x128xf32, #tpu.memory_space<vmem>>, vector<1x16xf32>,
        %get3A_223 = vector.shape_cast %get3A_222 : vector<1x16xf32> to vector<16xf32>
        %mul3A_224 = vector.broadcast %squeeze3A_92 : f32 to vector<16xf32>
        %mul3A_225 = arith.mulf %mul3A_224, %get3A_223 : vector<16xf32>
        %add3A_226 = arith.addf %mul3A_217, %mul3A_225 : vector<16xf32>
        %add3A_227 = arith.constant 256 : i32
        %add3A_228 = arith.addi %add3A_227, %add3A_96 : i32
        %get3A_229 = arith.index_cast %add3A_228 : i32 to index
        %get3A_230 = arith.constant 64 : index
        %get3A_231 = tpu.vector_load %arg8[%get3A_229, %get3A_230] {strides = array<i32>} : memref<384x128xf32, #tpu.memory_space<vmem>>, vector<1x16xf32>,
        %get3A_232 = vector.shape_cast %get3A_231 : vector<1x16xf32> to vector<16xf32>
        %mul3A_233 = vector.broadcast %squeeze3A_94 : f32 to vector<16xf32>
        %mul3A_234 = arith.mulf %mul3A_233, %get3A_232 : vector<16xf32>
        %add3A_235 = arith.addf %add3A_226, %mul3A_234 : vector<16xf32>
        %swap3A_236 = arith.index_cast %add3A_96 : i32 to index
        %swap3A_237 = arith.constant 64 : index
        %swap3A_238 = tpu.vector_load %arg9[%swap3A_236, %swap3A_237] {strides = array<i32>} : memref<128x128xf32, #tpu.memory_space<vmem>>, vector<1x16xf32>,
        %swap3A_239 = vector.shape_cast %swap3A_238 : vector<1x16xf32> to vector<16xf32>
        %swap3A_240 = vector.shape_cast %add3A_235 : vector<16xf32> to vector<1x16xf32>
        tpu.vector_store %arg9[%swap3A_236, %swap3A_237], %swap3A_240 {strides = array<i32>} : memref<128x128xf32, #tpu.memory_space<vmem>>, vector<1x16xf32>,
        %get3A_241 = arith.index_cast %add3A_96 : i32 to index
        %get3A_242 = arith.constant 80 : index
        %get3A_243 = tpu.vector_load %arg8[%get3A_241, %get3A_242] {strides = array<i32>} : memref<384x128xf32, #tpu.memory_space<vmem>>, vector<1x16xf32>,
        %get3A_244 = vector.shape_cast %get3A_243 : vector<1x16xf32> to vector<16xf32>
        %mul3A_245 = vector.broadcast %squeeze3A : f32 to vector<16xf32>
        %mul3A_246 = arith.mulf %mul3A_245, %get3A_244 : vector<16xf32>
        %add3A_247 = arith.constant 128 : i32
        %add3A_248 = arith.addi %add3A_247, %add3A_96 : i32
        %get3A_249 = arith.index_cast %add3A_248 : i32 to index
        %get3A_250 = arith.constant 80 : index
        %get3A_251 = tpu.vector_load %arg8[%get3A_249, %get3A_250] {strides = array<i32>} : memref<384x128xf32, #tpu.memory_space<vmem>>, vector<1x16xf32>,
        %get3A_252 = vector.shape_cast %get3A_251 : vector<1x16xf32> to vector<16xf32>
        %mul3A_253 = vector.broadcast %squeeze3A_92 : f32 to vector<16xf32>
        %mul3A_254 = arith.mulf %mul3A_253, %get3A_252 : vector<16xf32>
        %add3A_255 = arith.addf %mul3A_246, %mul3A_254 : vector<16xf32>
        %add3A_256 = arith.constant 256 : i32
        %add3A_257 = arith.addi %add3A_256, %add3A_96 : i32
        %get3A_258 = arith.index_cast %add3A_257 : i32 to index
        %get3A_259 = arith.constant 80 : index
        %get3A_260 = tpu.vector_load %arg8[%get3A_258, %get3A_259] {strides = array<i32>} : memref<384x128xf32, #tpu.memory_space<vmem>>, vector<1x16xf32>,
        %get3A_261 = vector.shape_cast %get3A_260 : vector<1x16xf32> to vector<16xf32>
        %mul3A_262 = vector.broadcast %squeeze3A_94 : f32 to vector<16xf32>
        %mul3A_263 = arith.mulf %mul3A_262, %get3A_261 : vector<16xf32>
        %add3A_264 = arith.addf %add3A_255, %mul3A_263 : vector<16xf32>
        %swap3A_265 = arith.index_cast %add3A_96 : i32 to index
        %swap3A_266 = arith.constant 80 : index
        %swap3A_267 = tpu.vector_load %arg9[%swap3A_265, %swap3A_266] {strides = array<i32>} : memref<128x128xf32, #tpu.memory_space<vmem>>, vector<1x16xf32>,
        %swap3A_268 = vector.shape_cast %swap3A_267 : vector<1x16xf32> to vector<16xf32>
        %swap3A_269 = vector.shape_cast %add3A_264 : vector<16xf32> to vector<1x16xf32>
        tpu.vector_store %arg9[%swap3A_265, %swap3A_266], %swap3A_269 {strides = array<i32>} : memref<128x128xf32, #tpu.memory_space<vmem>>, vector<1x16xf32>,
        %get3A_270 = arith.index_cast %add3A_96 : i32 to index
        %get3A_271 = arith.constant 96 : index
        %get3A_272 = tpu.vector_load %arg8[%get3A_270, %get3A_271] {strides = array<i32>} : memref<384x128xf32, #tpu.memory_space<vmem>>, vector<1x16xf32>,
        %get3A_273 = vector.shape_cast %get3A_272 : vector<1x16xf32> to vector<16xf32>
        %mul3A_274 = vector.broadcast %squeeze3A : f32 to vector<16xf32>
        %mul3A_275 = arith.mulf %mul3A_274, %get3A_273 : vector<16xf32>
        %add3A_276 = arith.constant 128 : i32
        %add3A_277 = arith.addi %add3A_276, %add3A_96 : i32
        %get3A_278 = arith.index_cast %add3A_277 : i32 to index
        %get3A_279 = arith.constant 96 : index
        %get3A_280 = tpu.vector_load %arg8[%get3A_278, %get3A_279] {strides = array<i32>} : memref<384x128xf32, #tpu.memory_space<vmem>>, vector<1x16xf32>,
        %get3A_281 = vector.shape_cast %get3A_280 : vector<1x16xf32> to vector<16xf32>
        %mul3A_282 = vector.broadcast %squeeze3A_92 : f32 to vector<16xf32>
        %mul3A_283 = arith.mulf %mul3A_282, %get3A_281 : vector<16xf32>
        %add3A_284 = arith.addf %mul3A_275, %mul3A_283 : vector<16xf32>
        %add3A_285 = arith.constant 256 : i32
        %add3A_286 = arith.addi %add3A_285, %add3A_96 : i32
        %get3A_287 = arith.index_cast %add3A_286 : i32 to index
        %get3A_288 = arith.constant 96 : index
        %get3A_289 = tpu.vector_load %arg8[%get3A_287, %get3A_288] {strides = array<i32>} : memref<384x128xf32, #tpu.memory_space<vmem>>, vector<1x16xf32>,
        %get3A_290 = vector.shape_cast %get3A_289 : vector<1x16xf32> to vector<16xf32>
        %mul3A_291 = vector.broadcast %squeeze3A_94 : f32 to vector<16xf32>
        %mul3A_292 = arith.mulf %mul3A_291, %get3A_290 : vector<16xf32>
        %add3A_293 = arith.addf %add3A_284, %mul3A_292 : vector<16xf32>
        %swap3A_294 = arith.index_cast %add3A_96 : i32 to index
        %swap3A_295 = arith.constant 96 : index
        %swap3A_296 = tpu.vector_load %arg9[%swap3A_294, %swap3A_295] {strides = array<i32>} : memref<128x128xf32, #tpu.memory_space<vmem>>, vector<1x16xf32>,
        %swap3A_297 = vector.shape_cast %swap3A_296 : vector<1x16xf32> to vector<16xf32>
        %swap3A_298 = vector.shape_cast %add3A_293 : vector<16xf32> to vector<1x16xf32>
        tpu.vector_store %arg9[%swap3A_294, %swap3A_295], %swap3A_298 {strides = array<i32>} : memref<128x128xf32, #tpu.memory_space<vmem>>, vector<1x16xf32>,
        %get3A_299 = arith.index_cast %add3A_96 : i32 to index
        %get3A_300 = arith.constant 112 : index
        %get3A_301 = tpu.vector_load %arg8[%get3A_299, %get3A_300] {strides = array<i32>} : memref<384x128xf32, #tpu.memory_space<vmem>>, vector<1x16xf32>,
        %get3A_302 = vector.shape_cast %get3A_301 : vector<1x16xf32> to vector<16xf32>
        %mul3A_303 = vector.broadcast %squeeze3A : f32 to vector<16xf32>
        %mul3A_304 = arith.mulf %mul3A_303, %get3A_302 : vector<16xf32>
        %add3A_305 = arith.constant 128 : i32
        %add3A_306 = arith.addi %add3A_305, %add3A_96 : i32
        %get3A_307 = arith.index_cast %add3A_306 : i32 to index
        %get3A_308 = arith.constant 112 : index
        %get3A_309 = tpu.vector_load %arg8[%get3A_307, %get3A_308] {strides = array<i32>} : memref<384x128xf32, #tpu.memory_space<vmem>>, vector<1x16xf32>,
        %get3A_310 = vector.shape_cast %get3A_309 : vector<1x16xf32> to vector<16xf32>
        %mul3A_311 = vector.broadcast %squeeze3A_92 : f32 to vector<16xf32>
        %mul3A_312 = arith.mulf %mul3A_311, %get3A_310 : vector<16xf32>
        %add3A_313 = arith.addf %mul3A_304, %mul3A_312 : vector<16xf32>
        %add3A_314 = arith.constant 256 : i32
        %add3A_315 = arith.addi %add3A_314, %add3A_96 : i32
        %get3A_316 = arith.index_cast %add3A_315 : i32 to index
        %get3A_317 = arith.constant 112 : index
        %get3A_318 = tpu.vector_load %arg8[%get3A_316, %get3A_317] {strides = array<i32>} : memref<384x128xf32, #tpu.memory_space<vmem>>, vector<1x16xf32>,
        %get3A_319 = vector.shape_cast %get3A_318 : vector<1x16xf32> to vector<16xf32>
        %mul3A_320 = vector.broadcast %squeeze3A_94 : f32 to vector<16xf32>
        %mul3A_321 = arith.mulf %mul3A_320, %get3A_319 : vector<16xf32>
        %add3A_322 = arith.addf %add3A_313, %mul3A_321 : vector<16xf32>
        %swap3A_323 = arith.index_cast %add3A_96 : i32 to index
        %swap3A_324 = arith.constant 112 : index
        %swap3A_325 = tpu.vector_load %arg9[%swap3A_323, %swap3A_324] {strides = array<i32>} : memref<128x128xf32, #tpu.memory_space<vmem>>, vector<1x16xf32>,
        %swap3A_326 = vector.shape_cast %swap3A_325 : vector<1x16xf32> to vector<16xf32>
        %swap3A_327 = vector.shape_cast %add3A_322 : vector<16xf32> to vector<1x16xf32>
        tpu.vector_store %arg9[%swap3A_323, %swap3A_324], %swap3A_327 {strides = array<i32>} : memref<128x128xf32, #tpu.memory_space<vmem>>, vector<1x16xf32>,
        %slice3A_328 = vector.extract_strided_slice %get3A_80 {offsets = [1], sizes = [1], strides = [1]} : vector<16xf32> to vector<1xf32>
        %squeeze3A_329 = vector.extract %slice3A_328[0] : f32 from vector<1xf32>
        %slice3A_330 = vector.extract_strided_slice %get3A_85 {offsets = [1], sizes = [1], strides = [1]} : vector<16xf32> to vector<1xf32>
        %squeeze3A_331 = vector.extract %slice3A_330[0] : f32 from vector<1xf32>
        %slice3A_332 = vector.extract_strided_slice %get3A_90 {offsets = [1], sizes = [1], strides = [1]} : vector<16xf32> to vector<1xf32>
        %squeeze3A_333 = vector.extract %slice3A_332[0] : f32 from vector<1xf32>
        %add3A_334 = arith.constant 1 : i32
        %add3A_335 = arith.addi %mul3A_78, %add3A_334 : i32
        %get3A_336 = arith.index_cast %add3A_335 : i32 to index
        %get3A_337 = arith.constant 0 : index
        %get3A_338 = tpu.vector_load %arg8[%get3A_336, %get3A_337] {strides = array<i32>} : memref<384x128xf32, #tpu.memory_space<vmem>>, vector<1x16xf32>,
        %get3A_339 = vector.shape_cast %get3A_338 : vector<1x16xf32> to vector<16xf32>
        %mul3A_340 = vector.broadcast %squeeze3A_329 : f32 to vector<16xf32>
        %mul3A_341 = arith.mulf %mul3A_340, %get3A_339 : vector<16xf32>
        %add3A_342 = arith.constant 128 : i32
        %add3A_343 = arith.addi %add3A_342, %add3A_335 : i32
        %get3A_344 = arith.index_cast %add3A_343 : i32 to index
        %get3A_345 = arith.constant 0 : index
        %get3A_346 = tpu.vector_load %arg8[%get3A_344, %get3A_345] {strides = array<i32>} : memref<384x128xf32, #tpu.memory_space<vmem>>, vector<1x16xf32>,
        %get3A_347 = vector.shape_cast %get3A_346 : vector<1x16xf32> to vector<16xf32>
        %mul3A_348 = vector.broadcast %squeeze3A_331 : f32 to vector<16xf32>
        %mul3A_349 = arith.mulf %mul3A_348, %get3A_347 : vector<16xf32>
        %add3A_350 = arith.addf %mul3A_341, %mul3A_349 : vector<16xf32>
        %add3A_351 = arith.constant 256 : i32
        %add3A_352 = arith.addi %add3A_351, %add3A_335 : i32
        %get3A_353 = arith.index_cast %add3A_352 : i32 to index
        %get3A_354 = arith.constant 0 : index
        %get3A_355 = tpu.vector_load %arg8[%get3A_353, %get3A_354] {strides = array<i32>} : memref<384x128xf32, #tpu.memory_space<vmem>>, vector<1x16xf32>,
        %get3A_356 = vector.shape_cast %get3A_355 : vector<1x16xf32> to vector<16xf32>
        %mul3A_357 = vector.broadcast %squeeze3A_333 : f32 to vector<16xf32>
        %mul3A_358 = arith.mulf %mul3A_357, %get3A_356 : vector<16xf32>
        %add3A_359 = arith.addf %add3A_350, %mul3A_358 : vector<16xf32>
        %swap3A_360 = arith.index_cast %add3A_335 : i32 to index
        %swap3A_361 = arith.constant 0 : index
        %swap3A_362 = tpu.vector_load %arg9[%swap3A_360, %swap3A_361] {strides = array<i32>} : memref<128x128xf32, #tpu.memory_space<vmem>>, vector<1x16xf32>,
        %swap3A_363 = vector.shape_cast %swap3A_362 : vector<1x16xf32> to vector<16xf32>
        %swap3A_364 = vector.shape_cast %add3A_359 : vector<16xf32> to vector<1x16xf32>
        tpu.vector_store %arg9[%swap3A_360, %swap3A_361], %swap3A_364 {strides = array<i32>} : memref<128x128xf32, #tpu.memory_space<vmem>>, vector<1x16xf32>,
        %get3A_365 = arith.index_cast %add3A_335 : i32 to index
        %get3A_366 = arith.constant 16 : index
        %get3A_367 = tpu.vector_load %arg8[%get3A_365, %get3A_366] {strides = array<i32>} : memref<384x128xf32, #tpu.memory_space<vmem>>, vector<1x16xf32>,
        %get3A_368 = vector.shape_cast %get3A_367 : vector<1x16xf32> to vector<16xf32>
        %mul3A_369 = vector.broadcast %squeeze3A_329 : f32 to vector<16xf32>
        %mul3A_370 = arith.mulf %mul3A_369, %get3A_368 : vector<16xf32>
        %add3A_371 = arith.constant 128 : i32
        %add3A_372 = arith.addi %add3A_371, %add3A_335 : i32
        %get3A_373 = arith.index_cast %add3A_372 : i32 to index
        %get3A_374 = arith.constant 16 : index
        %get3A_375 = tpu.vector_load %arg8[%get3A_373, %get3A_374] {strides = array<i32>} : memref<384x128xf32, #tpu.memory_space<vmem>>, vector<1x16xf32>,
        %get3A_376 = vector.shape_cast %get3A_375 : vector<1x16xf32> to vector<16xf32>
        %mul3A_377 = vector.broadcast %squeeze3A_331 : f32 to vector<16xf32>
        %mul3A_378 = arith.mulf %mul3A_377, %get3A_376 : vector<16xf32>
        %add3A_379 = arith.addf %mul3A_370, %mul3A_378 : vector<16xf32>
        %add3A_380 = arith.constant 256 : i32
        %add3A_381 = arith.addi %add3A_380, %add3A_335 : i32
        %get3A_382 = arith.index_cast %add3A_381 : i32 to index
        %get3A_383 = arith.constant 16 : index
        %get3A_384 = tpu.vector_load %arg8[%get3A_382, %get3A_383] {strides = array<i32>} : memref<384x128xf32, #tpu.memory_space<vmem>>, vector<1x16xf32>,
        %get3A_385 = vector.shape_cast %get3A_384 : vector<1x16xf32> to vector<16xf32>
        %mul3A_386 = vector.broadcast %squeeze3A_333 : f32 to vector<16xf32>
        %mul3A_387 = arith.mulf %mul3A_386, %get3A_385 : vector<16xf32>
        %add3A_388 = arith.addf %add3A_379, %mul3A_387 : vector<16xf32>
        %swap3A_389 = arith.index_cast %add3A_335 : i32 to index
        %swap3A_390 = arith.constant 16 : index
        %swap3A_391 = tpu.vector_load %arg9[%swap3A_389, %swap3A_390] {strides = array<i32>} : memref<128x128xf32, #tpu.memory_space<vmem>>, vector<1x16xf32>,
        %swap3A_392 = vector.shape_cast %swap3A_391 : vector<1x16xf32> to vector<16xf32>
        %swap3A_393 = vector.shape_cast %add3A_388 : vector<16xf32> to vector<1x16xf32>
        tpu.vector_store %arg9[%swap3A_389, %swap3A_390], %swap3A_393 {strides = array<i32>} : memref<128x128xf32, #tpu.memory_space<vmem>>, vector<1x16xf32>,
        %get3A_394 = arith.index_cast %add3A_335 : i32 to index
        %get3A_395 = arith.constant 32 : index
        %get3A_396 = tpu.vector_load %arg8[%get3A_394, %get3A_395] {strides = array<i32>} : memref<384x128xf32, #tpu.memory_space<vmem>>, vector<1x16xf32>,
        %get3A_397 = vector.shape_cast %get3A_396 : vector<1x16xf32> to vector<16xf32>
        %mul3A_398 = vector.broadcast %squeeze3A_329 : f32 to vector<16xf32>
        %mul3A_399 = arith.mulf %mul3A_398, %get3A_397 : vector<16xf32>
        %add3A_400 = arith.constant 128 : i32
        %add3A_401 = arith.addi %add3A_400, %add3A_335 : i32
        %get3A_402 = arith.index_cast %add3A_401 : i32 to index
        %get3A_403 = arith.constant 32 : index
        %get3A_404 = tpu.vector_load %arg8[%get3A_402, %get3A_403] {strides = array<i32>} : memref<384x128xf32, #tpu.memory_space<vmem>>, vector<1x16xf32>,
        %get3A_405 = vector.shape_cast %get3A_404 : vector<1x16xf32> to vector<16xf32>
        %mul3A_406 = vector.broadcast %squeeze3A_331 : f32 to vector<16xf32>
        %mul3A_407 = arith.mulf %mul3A_406, %get3A_405 : vector<16xf32>
        %add3A_408 = arith.addf %mul3A_399, %mul3A_407 : vector<16xf32>
        %add3A_409 = arith.constant 256 : i32
        %add3A_410 = arith.addi %add3A_409, %add3A_335 : i32
        %get3A_411 = arith.index_cast %add3A_410 : i32 to index
        %get3A_412 = arith.constant 32 : index
        %get3A_413 = tpu.vector_load %arg8[%get3A_411, %get3A_412] {strides = array<i32>} : memref<384x128xf32, #tpu.memory_space<vmem>>, vector<1x16xf32>,
        %get3A_414 = vector.shape_cast %get3A_413 : vector<1x16xf32> to vector<16xf32>
        %mul3A_415 = vector.broadcast %squeeze3A_333 : f32 to vector<16xf32>
        %mul3A_416 = arith.mulf %mul3A_415, %get3A_414 : vector<16xf32>
        %add3A_417 = arith.addf %add3A_408, %mul3A_416 : vector<16xf32>
        %swap3A_418 = arith.index_cast %add3A_335 : i32 to index
        %swap3A_419 = arith.constant 32 : index
        %swap3A_420 = tpu.vector_load %arg9[%swap3A_418, %swap3A_419] {strides = array<i32>} : memref<128x128xf32, #tpu.memory_space<vmem>>, vector<1x16xf32>,
        %swap3A_421 = vector.shape_cast %swap3A_420 : vector<1x16xf32> to vector<16xf32>
        %swap3A_422 = vector.shape_cast %add3A_417 : vector<16xf32> to vector<1x16xf32>
        tpu.vector_store %arg9[%swap3A_418, %swap3A_419], %swap3A_422 {strides = array<i32>} : memref<128x128xf32, #tpu.memory_space<vmem>>, vector<1x16xf32>,
        %get3A_423 = arith.index_cast %add3A_335 : i32 to index
        %get3A_424 = arith.constant 48 : index
        %get3A_425 = tpu.vector_load %arg8[%get3A_423, %get3A_424] {strides = array<i32>} : memref<384x128xf32, #tpu.memory_space<vmem>>, vector<1x16xf32>,
        %get3A_426 = vector.shape_cast %get3A_425 : vector<1x16xf32> to vector<16xf32>
        %mul3A_427 = vector.broadcast %squeeze3A_329 : f32 to vector<16xf32>
        %mul3A_428 = arith.mulf %mul3A_427, %get3A_426 : vector<16xf32>
        %add3A_429 = arith.constant 128 : i32
        %add3A_430 = arith.addi %add3A_429, %add3A_335 : i32
        %get3A_431 = arith.index_cast %add3A_430 : i32 to index
        %get3A_432 = arith.constant 48 : index
        %get3A_433 = tpu.vector_load %arg8[%get3A_431, %get3A_432] {strides = array<i32>} : memref<384x128xf32, #tpu.memory_space<vmem>>, vector<1x16xf32>,
        %get3A_434 = vector.shape_cast %get3A_433 : vector<1x16xf32> to vector<16xf32>
        %mul3A_435 = vector.broadcast %squeeze3A_331 : f32 to vector<16xf32>
        %mul3A_436 = arith.mulf %mul3A_435, %get3A_434 : vector<16xf32>
        %add3A_437 = arith.addf %mul3A_428, %mul3A_436 : vector<16xf32>
        %add3A_438 = arith.constant 256 : i32
        %add3A_439 = arith.addi %add3A_438, %add3A_335 : i32
        %get3A_440 = arith.index_cast %add3A_439 : i32 to index
        %get3A_441 = arith.constant 48 : index
        %get3A_442 = tpu.vector_load %arg8[%get3A_440, %get3A_441] {strides = array<i32>} : memref<384x128xf32, #tpu.memory_space<vmem>>, vector<1x16xf32>,
        %get3A_443 = vector.shape_cast %get3A_442 : vector<1x16xf32> to vector<16xf32>
        %mul3A_444 = vector.broadcast %squeeze3A_333 : f32 to vector<16xf32>
        %mul3A_445 = arith.mulf %mul3A_444, %get3A_443 : vector<16xf32>
        %add3A_446 = arith.addf %add3A_437, %mul3A_445 : vector<16xf32>
        %swap3A_447 = arith.index_cast %add3A_335 : i32 to index
        %swap3A_448 = arith.constant 48 : index
        %swap3A_449 = tpu.vector_load %arg9[%swap3A_447, %swap3A_448] {strides = array<i32>} : memref<128x128xf32, #tpu.memory_space<vmem>>, vector<1x16xf32>,
        %swap3A_450 = vector.shape_cast %swap3A_449 : vector<1x16xf32> to vector<16xf32>
        %swap3A_451 = vector.shape_cast %add3A_446 : vector<16xf32> to vector<1x16xf32>
        tpu.vector_store %arg9[%swap3A_447, %swap3A_448], %swap3A_451 {strides = array<i32>} : memref<128x128xf32, #tpu.memory_space<vmem>>, vector<1x16xf32>,
        %get3A_452 = arith.index_cast %add3A_335 : i32 to index
        %get3A_453 = arith.constant 64 : index
        %get3A_454 = tpu.vector_load %arg8[%get3A_452, %get3A_453] {strides = array<i32>} : memref<384x128xf32, #tpu.memory_space<vmem>>, vector<1x16xf32>,
        %get3A_455 = vector.shape_cast %get3A_454 : vector<1x16xf32> to vector<16xf32>
        %mul3A_456 = vector.broadcast %squeeze3A_329 : f32 to vector<16xf32>
        %mul3A_457 = arith.mulf %mul3A_456, %get3A_455 : vector<16xf32>
        %add3A_458 = arith.constant 128 : i32
        %add3A_459 = arith.addi %add3A_458, %add3A_335 : i32
        %get3A_460 = arith.index_cast %add3A_459 : i32 to index
        %get3A_461 = arith.constant 64 : index
        %get3A_462 = tpu.vector_load %arg8[%get3A_460, %get3A_461] {strides = array<i32>} : memref<384x128xf32, #tpu.memory_space<vmem>>, vector<1x16xf32>,
        %get3A_463 = vector.shape_cast %get3A_462 : vector<1x16xf32> to vector<16xf32>
        %mul3A_464 = vector.broadcast %squeeze3A_331 : f32 to vector<16xf32>
        %mul3A_465 = arith.mulf %mul3A_464, %get3A_463 : vector<16xf32>
        %add3A_466 = arith.addf %mul3A_457, %mul3A_465 : vector<16xf32>
        %add3A_467 = arith.constant 256 : i32
        %add3A_468 = arith.addi %add3A_467, %add3A_335 : i32
        %get3A_469 = arith.index_cast %add3A_468 : i32 to index
        %get3A_470 = arith.constant 64 : index
        %get3A_471 = tpu.vector_load %arg8[%get3A_469, %get3A_470] {strides = array<i32>} : memref<384x128xf32, #tpu.memory_space<vmem>>, vector<1x16xf32>,
        %get3A_472 = vector.shape_cast %get3A_471 : vector<1x16xf32> to vector<16xf32>
        %mul3A_473 = vector.broadcast %squeeze3A_333 : f32 to vector<16xf32>
        %mul3A_474 = arith.mulf %mul3A_473, %get3A_472 : vector<16xf32>
        %add3A_475 = arith.addf %add3A_466, %mul3A_474 : vector<16xf32>
        %swap3A_476 = arith.index_cast %add3A_335 : i32 to index
        %swap3A_477 = arith.constant 64 : index
        %swap3A_478 = tpu.vector_load %arg9[%swap3A_476, %swap3A_477] {strides = array<i32>} : memref<128x128xf32, #tpu.memory_space<vmem>>, vector<1x16xf32>,
        %swap3A_479 = vector.shape_cast %swap3A_478 : vector<1x16xf32> to vector<16xf32>
        %swap3A_480 = vector.shape_cast %add3A_475 : vector<16xf32> to vector<1x16xf32>
        tpu.vector_store %arg9[%swap3A_476, %swap3A_477], %swap3A_480 {strides = array<i32>} : memref<128x128xf32, #tpu.memory_space<vmem>>, vector<1x16xf32>,
        %get3A_481 = arith.index_cast %add3A_335 : i32 to index
        %get3A_482 = arith.constant 80 : index
        %get3A_483 = tpu.vector_load %arg8[%get3A_481, %get3A_482] {strides = array<i32>} : memref<384x128xf32, #tpu.memory_space<vmem>>, vector<1x16xf32>,
        %get3A_484 = vector.shape_cast %get3A_483 : vector<1x16xf32> to vector<16xf32>
        %mul3A_485 = vector.broadcast %squeeze3A_329 : f32 to vector<16xf32>
        %mul3A_486 = arith.mulf %mul3A_485, %get3A_484 : vector<16xf32>
        %add3A_487 = arith.constant 128 : i32
        %add3A_488 = arith.addi %add3A_487, %add3A_335 : i32
        %get3A_489 = arith.index_cast %add3A_488 : i32 to index
        %get3A_490 = arith.constant 80 : index
        %get3A_491 = tpu.vector_load %arg8[%get3A_489, %get3A_490] {strides = array<i32>} : memref<384x128xf32, #tpu.memory_space<vmem>>, vector<1x16xf32>,
        %get3A_492 = vector.shape_cast %get3A_491 : vector<1x16xf32> to vector<16xf32>
        %mul3A_493 = vector.broadcast %squeeze3A_331 : f32 to vector<16xf32>
        %mul3A_494 = arith.mulf %mul3A_493, %get3A_492 : vector<16xf32>
        %add3A_495 = arith.addf %mul3A_486, %mul3A_494 : vector<16xf32>
        %add3A_496 = arith.constant 256 : i32
        %add3A_497 = arith.addi %add3A_496, %add3A_335 : i32
        %get3A_498 = arith.index_cast %add3A_497 : i32 to index
        %get3A_499 = arith.constant 80 : index
        %get3A_500 = tpu.vector_load %arg8[%get3A_498, %get3A_499] {strides = array<i32>} : memref<384x128xf32, #tpu.memory_space<vmem>>, vector<1x16xf32>,
        %get3A_501 = vector.shape_cast %get3A_500 : vector<1x16xf32> to vector<16xf32>
        %mul3A_502 = vector.broadcast %squeeze3A_333 : f32 to vector<16xf32>
        %mul3A_503 = arith.mulf %mul3A_502, %get3A_501 : vector<16xf32>
        %add3A_504 = arith.addf %add3A_495, %mul3A_503 : vector<16xf32>
        %swap3A_505 = arith.index_cast %add3A_335 : i32 to index
        %swap3A_506 = arith.constant 80 : index
        %swap3A_507 = tpu.vector_load %arg9[%swap3A_505, %swap3A_506] {strides = array<i32>} : memref<128x128xf32, #tpu.memory_space<vmem>>, vector<1x16xf32>,
        %swap3A_508 = vector.shape_cast %swap3A_507 : vector<1x16xf32> to vector<16xf32>
        %swap3A_509 = vector.shape_cast %add3A_504 : vector<16xf32> to vector<1x16xf32>
        tpu.vector_store %arg9[%swap3A_505, %swap3A_506], %swap3A_509 {strides = array<i32>} : memref<128x128xf32, #tpu.memory_space<vmem>>, vector<1x16xf32>,
        %get3A_510 = arith.index_cast %add3A_335 : i32 to index
        %get3A_511 = arith.constant 96 : index
        %get3A_512 = tpu.vector_load %arg8[%get3A_510, %get3A_511] {strides = array<i32>} : memref<384x128xf32, #tpu.memory_space<vmem>>, vector<1x16xf32>,
        %get3A_513 = vector.shape_cast %get3A_512 : vector<1x16xf32> to vector<16xf32>
        %mul3A_514 = vector.broadcast %squeeze3A_329 : f32 to vector<16xf32>
        %mul3A_515 = arith.mulf %mul3A_514, %get3A_513 : vector<16xf32>
        %add3A_516 = arith.constant 128 : i32
        %add3A_517 = arith.addi %add3A_516, %add3A_335 : i32
        %get3A_518 = arith.index_cast %add3A_517 : i32 to index
        %get3A_519 = arith.constant 96 : index
        %get3A_520 = tpu.vector_load %arg8[%get3A_518, %get3A_519] {strides = array<i32>} : memref<384x128xf32, #tpu.memory_space<vmem>>, vector<1x16xf32>,
        %get3A_521 = vector.shape_cast %get3A_520 : vector<1x16xf32> to vector<16xf32>
        %mul3A_522 = vector.broadcast %squeeze3A_331 : f32 to vector<16xf32>
        %mul3A_523 = arith.mulf %mul3A_522, %get3A_521 : vector<16xf32>
        %add3A_524 = arith.addf %mul3A_515, %mul3A_523 : vector<16xf32>
        %add3A_525 = arith.constant 256 : i32
        %add3A_526 = arith.addi %add3A_525, %add3A_335 : i32
        %get3A_527 = arith.index_cast %add3A_526 : i32 to index
        %get3A_528 = arith.constant 96 : index
        %get3A_529 = tpu.vector_load %arg8[%get3A_527, %get3A_528] {strides = array<i32>} : memref<384x128xf32, #tpu.memory_space<vmem>>, vector<1x16xf32>,
        %get3A_530 = vector.shape_cast %get3A_529 : vector<1x16xf32> to vector<16xf32>
        %mul3A_531 = vector.broadcast %squeeze3A_333 : f32 to vector<16xf32>
        %mul3A_532 = arith.mulf %mul3A_531, %get3A_530 : vector<16xf32>
        %add3A_533 = arith.addf %add3A_524, %mul3A_532 : vector<16xf32>
        %swap3A_534 = arith.index_cast %add3A_335 : i32 to index
        %swap3A_535 = arith.constant 96 : index
        %swap3A_536 = tpu.vector_load %arg9[%swap3A_534, %swap3A_535] {strides = array<i32>} : memref<128x128xf32, #tpu.memory_space<vmem>>, vector<1x16xf32>,
        %swap3A_537 = vector.shape_cast %swap3A_536 : vector<1x16xf32> to vector<16xf32>
        %swap3A_538 = vector.shape_cast %add3A_533 : vector<16xf32> to vector<1x16xf32>
        tpu.vector_store %arg9[%swap3A_534, %swap3A_535], %swap3A_538 {strides = array<i32>} : memref<128x128xf32, #tpu.memory_space<vmem>>, vector<1x16xf32>,
        %get3A_539 = arith.index_cast %add3A_335 : i32 to index
        %get3A_540 = arith.constant 112 : index
        %get3A_541 = tpu.vector_load %arg8[%get3A_539, %get3A_540] {strides = array<i32>} : memref<384x128xf32, #tpu.memory_space<vmem>>, vector<1x16xf32>,
        %get3A_542 = vector.shape_cast %get3A_541 : vector<1x16xf32> to vector<16xf32>
        %mul3A_543 = vector.broadcast %squeeze3A_329 : f32 to vector<16xf32>
        %mul3A_544 = arith.mulf %mul3A_543, %get3A_542 : vector<16xf32>
        %add3A_545 = arith.constant 128 : i32
        %add3A_546 = arith.addi %add3A_545, %add3A_335 : i32
        %get3A_547 = arith.index_cast %add3A_546 : i32 to index
        %get3A_548 = arith.constant 112 : index
        %get3A_549 = tpu.vector_load %arg8[%get3A_547, %get3A_548] {strides = array<i32>} : memref<384x128xf32, #tpu.memory_space<vmem>>, vector<1x16xf32>,
        %get3A_550 = vector.shape_cast %get3A_549 : vector<1x16xf32> to vector<16xf32>
        %mul3A_551 = vector.broadcast %squeeze3A_331 : f32 to vector<16xf32>
        %mul3A_552 = arith.mulf %mul3A_551, %get3A_550 : vector<16xf32>
        %add3A_553 = arith.addf %mul3A_544, %mul3A_552 : vector<16xf32>
        %add3A_554 = arith.constant 256 : i32
        %add3A_555 = arith.addi %add3A_554, %add3A_335 : i32
        %get3A_556 = arith.index_cast %add3A_555 : i32 to index
        %get3A_557 = arith.constant 112 : index
        %get3A_558 = tpu.vector_load %arg8[%get3A_556, %get3A_557] {strides = array<i32>} : memref<384x128xf32, #tpu.memory_space<vmem>>, vector<1x16xf32>,
        %get3A_559 = vector.shape_cast %get3A_558 : vector<1x16xf32> to vector<16xf32>
        %mul3A_560 = vector.broadcast %squeeze3A_333 : f32 to vector<16xf32>
        %mul3A_561 = arith.mulf %mul3A_560, %get3A_559 : vector<16xf32>
        %add3A_562 = arith.addf %add3A_553, %mul3A_561 : vector<16xf32>
        %swap3A_563 = arith.index_cast %add3A_335 : i32 to index
        %swap3A_564 = arith.constant 112 : index
        %swap3A_565 = tpu.vector_load %arg9[%swap3A_563, %swap3A_564] {strides = array<i32>} : memref<128x128xf32, #tpu.memory_space<vmem>>, vector<1x16xf32>,
        %swap3A_566 = vector.shape_cast %swap3A_565 : vector<1x16xf32> to vector<16xf32>
        %swap3A_567 = vector.shape_cast %add3A_562 : vector<16xf32> to vector<1x16xf32>
        tpu.vector_store %arg9[%swap3A_563, %swap3A_564], %swap3A_567 {strides = array<i32>} : memref<128x128xf32, #tpu.memory_space<vmem>>, vector<1x16xf32>,
        %slice3A_568 = vector.extract_strided_slice %get3A_80 {offsets = [2], sizes = [1], strides = [1]} : vector<16xf32> to vector<1xf32>
        %squeeze3A_569 = vector.extract %slice3A_568[0] : f32 from vector<1xf32>
        %slice3A_570 = vector.extract_strided_slice %get3A_85 {offsets = [2], sizes = [1], strides = [1]} : vector<16xf32> to vector<1xf32>
        %squeeze3A_571 = vector.extract %slice3A_570[0] : f32 from vector<1xf32>
        %slice3A_572 = vector.extract_strided_slice %get3A_90 {offsets = [2], sizes = [1], strides = [1]} : vector<16xf32> to vector<1xf32>
        %squeeze3A_573 = vector.extract %slice3A_572[0] : f32 from vector<1xf32>
        %add3A_574 = arith.constant 2 : i32
        %add3A_575 = arith.addi %mul3A_78, %add3A_574 : i32
        %get3A_576 = arith.index_cast %add3A_575 : i32 to index
        %get3A_577 = arith.constant 0 : index
        %get3A_578 = tpu.vector_load %arg8[%get3A_576, %get3A_577] {strides = array<i32>} : memref<384x128xf32, #tpu.memory_space<vmem>>, vector<1x16xf32>,
        %get3A_579 = vector.shape_cast %get3A_578 : vector<1x16xf32> to vector<16xf32>
        %mul3A_580 = vector.broadcast %squeeze3A_569 : f32 to vector<16xf32>
        %mul3A_581 = arith.mulf %mul3A_580, %get3A_579 : vector<16xf32>
        %add3A_582 = arith.constant 128 : i32
        %add3A_583 = arith.addi %add3A_582, %add3A_575 : i32
        %get3A_584 = arith.index_cast %add3A_583 : i32 to index
        %get3A_585 = arith.constant 0 : index
        %get3A_586 = tpu.vector_load %arg8[%get3A_584, %get3A_585] {strides = array<i32>} : memref<384x128xf32, #tpu.memory_space<vmem>>, vector<1x16xf32>,
        %get3A_587 = vector.shape_cast %get3A_586 : vector<1x16xf32> to vector<16xf32>
        %mul3A_588 = vector.broadcast %squeeze3A_571 : f32 to vector<16xf32>
        %mul3A_589 = arith.mulf %mul3A_588, %get3A_587 : vector<16xf32>
        %add3A_590 = arith.addf %mul3A_581, %mul3A_589 : vector<16xf32>
        %add3A_591 = arith.constant 256 : i32
        %add3A_592 = arith.addi %add3A_591, %add3A_575 : i32
        %get3A_593 = arith.index_cast %add3A_592 : i32 to index
        %get3A_594 = arith.constant 0 : index
        %get3A_595 = tpu.vector_load %arg8[%get3A_593, %get3A_594] {strides = array<i32>} : memref<384x128xf32, #tpu.memory_space<vmem>>, vector<1x16xf32>,
        %get3A_596 = vector.shape_cast %get3A_595 : vector<1x16xf32> to vector<16xf32>
        %mul3A_597 = vector.broadcast %squeeze3A_573 : f32 to vector<16xf32>
        %mul3A_598 = arith.mulf %mul3A_597, %get3A_596 : vector<16xf32>
        %add3A_599 = arith.addf %add3A_590, %mul3A_598 : vector<16xf32>
        %swap3A_600 = arith.index_cast %add3A_575 : i32 to index
        %swap3A_601 = arith.constant 0 : index
        %swap3A_602 = tpu.vector_load %arg9[%swap3A_600, %swap3A_601] {strides = array<i32>} : memref<128x128xf32, #tpu.memory_space<vmem>>, vector<1x16xf32>,
        %swap3A_603 = vector.shape_cast %swap3A_602 : vector<1x16xf32> to vector<16xf32>
        %swap3A_604 = vector.shape_cast %add3A_599 : vector<16xf32> to vector<1x16xf32>
        tpu.vector_store %arg9[%swap3A_600, %swap3A_601], %swap3A_604 {strides = array<i32>} : memref<128x128xf32, #tpu.memory_space<vmem>>, vector<1x16xf32>,
        %get3A_605 = arith.index_cast %add3A_575 : i32 to index
        %get3A_606 = arith.constant 16 : index
        %get3A_607 = tpu.vector_load %arg8[%get3A_605, %get3A_606] {strides = array<i32>} : memref<384x128xf32, #tpu.memory_space<vmem>>, vector<1x16xf32>,
        %get3A_608 = vector.shape_cast %get3A_607 : vector<1x16xf32> to vector<16xf32>
        %mul3A_609 = vector.broadcast %squeeze3A_569 : f32 to vector<16xf32>
        %mul3A_610 = arith.mulf %mul3A_609, %get3A_608 : vector<16xf32>
        %add3A_611 = arith.constant 128 : i32
        %add3A_612 = arith.addi %add3A_611, %add3A_575 : i32
        %get3A_613 = arith.index_cast %add3A_612 : i32 to index
        %get3A_614 = arith.constant 16 : index
        %get3A_615 = tpu.vector_load %arg8[%get3A_613, %get3A_614] {strides = array<i32>} : memref<384x128xf32, #tpu.memory_space<vmem>>, vector<1x16xf32>,
        %get3A_616 = vector.shape_cast %get3A_615 : vector<1x16xf32> to vector<16xf32>
        %mul3A_617 = vector.broadcast %squeeze3A_571 : f32 to vector<16xf32>
        %mul3A_618 = arith.mulf %mul3A_617, %get3A_616 : vector<16xf32>
        %add3A_619 = arith.addf %mul3A_610, %mul3A_618 : vector<16xf32>
        %add3A_620 = arith.constant 256 : i32
        %add3A_621 = arith.addi %add3A_620, %add3A_575 : i32
        %get3A_622 = arith.index_cast %add3A_621 : i32 to index
        %get3A_623 = arith.constant 16 : index
        %get3A_624 = tpu.vector_load %arg8[%get3A_622, %get3A_623] {strides = array<i32>} : memref<384x128xf32, #tpu.memory_space<vmem>>, vector<1x16xf32>,
        %get3A_625 = vector.shape_cast %get3A_624 : vector<1x16xf32> to vector<16xf32>
        %mul3A_626 = vector.broadcast %squeeze3A_573 : f32 to vector<16xf32>
        %mul3A_627 = arith.mulf %mul3A_626, %get3A_625 : vector<16xf32>
        %add3A_628 = arith.addf %add3A_619, %mul3A_627 : vector<16xf32>
        %swap3A_629 = arith.index_cast %add3A_575 : i32 to index
        %swap3A_630 = arith.constant 16 : index
        %swap3A_631 = tpu.vector_load %arg9[%swap3A_629, %swap3A_630] {strides = array<i32>} : memref<128x128xf32, #tpu.memory_space<vmem>>, vector<1x16xf32>,
        %swap3A_632 = vector.shape_cast %swap3A_631 : vector<1x16xf32> to vector<16xf32>
        %swap3A_633 = vector.shape_cast %add3A_628 : vector<16xf32> to vector<1x16xf32>
        tpu.vector_store %arg9[%swap3A_629, %swap3A_630], %swap3A_633 {strides = array<i32>} : memref<128x128xf32, #tpu.memory_space<vmem>>, vector<1x16xf32>,
        %get3A_634 = arith.index_cast %add3A_575 : i32 to index
        %get3A_635 = arith.constant 32 : index
        %get3A_636 = tpu.vector_load %arg8[%get3A_634, %get3A_635] {strides = array<i32>} : memref<384x128xf32, #tpu.memory_space<vmem>>, vector<1x16xf32>,
        %get3A_637 = vector.shape_cast %get3A_636 : vector<1x16xf32> to vector<16xf32>
        %mul3A_638 = vector.broadcast %squeeze3A_569 : f32 to vector<16xf32>
        %mul3A_639 = arith.mulf %mul3A_638, %get3A_637 : vector<16xf32>
        %add3A_640 = arith.constant 128 : i32
        %add3A_641 = arith.addi %add3A_640, %add3A_575 : i32
        %get3A_642 = arith.index_cast %add3A_641 : i32 to index
        %get3A_643 = arith.constant 32 : index
        %get3A_644 = tpu.vector_load %arg8[%get3A_642, %get3A_643] {strides = array<i32>} : memref<384x128xf32, #tpu.memory_space<vmem>>, vector<1x16xf32>,
        %get3A_645 = vector.shape_cast %get3A_644 : vector<1x16xf32> to vector<16xf32>
        %mul3A_646 = vector.broadcast %squeeze3A_571 : f32 to vector<16xf32>
        %mul3A_647 = arith.mulf %mul3A_646, %get3A_645 : vector<16xf32>
        %add3A_648 = arith.addf %mul3A_639, %mul3A_647 : vector<16xf32>
        %add3A_649 = arith.constant 256 : i32
        %add3A_650 = arith.addi %add3A_649, %add3A_575 : i32
        %get3A_651 = arith.index_cast %add3A_650 : i32 to index
        %get3A_652 = arith.constant 32 : index
        %get3A_653 = tpu.vector_load %arg8[%get3A_651, %get3A_652] {strides = array<i32>} : memref<384x128xf32, #tpu.memory_space<vmem>>, vector<1x16xf32>,
        %get3A_654 = vector.shape_cast %get3A_653 : vector<1x16xf32> to vector<16xf32>
        %mul3A_655 = vector.broadcast %squeeze3A_573 : f32 to vector<16xf32>
        %mul3A_656 = arith.mulf %mul3A_655, %get3A_654 : vector<16xf32>
        %add3A_657 = arith.addf %add3A_648, %mul3A_656 : vector<16xf32>
        %swap3A_658 = arith.index_cast %add3A_575 : i32 to index
        %swap3A_659 = arith.constant 32 : index
        %swap3A_660 = tpu.vector_load %arg9[%swap3A_658, %swap3A_659] {strides = array<i32>} : memref<128x128xf32, #tpu.memory_space<vmem>>, vector<1x16xf32>,
        %swap3A_661 = vector.shape_cast %swap3A_660 : vector<1x16xf32> to vector<16xf32>
        %swap3A_662 = vector.shape_cast %add3A_657 : vector<16xf32> to vector<1x16xf32>
        tpu.vector_store %arg9[%swap3A_658, %swap3A_659], %swap3A_662 {strides = array<i32>} : memref<128x128xf32, #tpu.memory_space<vmem>>, vector<1x16xf32>,
        %get3A_663 = arith.index_cast %add3A_575 : i32 to index
        %get3A_664 = arith.constant 48 : index
        %get3A_665 = tpu.vector_load %arg8[%get3A_663, %get3A_664] {strides = array<i32>} : memref<384x128xf32, #tpu.memory_space<vmem>>, vector<1x16xf32>,
        %get3A_666 = vector.shape_cast %get3A_665 : vector<1x16xf32> to vector<16xf32>
        %mul3A_667 = vector.broadcast %squeeze3A_569 : f32 to vector<16xf32>
        %mul3A_668 = arith.mulf %mul3A_667, %get3A_666 : vector<16xf32>
        %add3A_669 = arith.constant 128 : i32
        %add3A_670 = arith.addi %add3A_669, %add3A_575 : i32
        %get3A_671 = arith.index_cast %add3A_670 : i32 to index
        %get3A_672 = arith.constant 48 : index
        %get3A_673 = tpu.vector_load %arg8[%get3A_671, %get3A_672] {strides = array<i32>} : memref<384x128xf32, #tpu.memory_space<vmem>>, vector<1x16xf32>,
        %get3A_674 = vector.shape_cast %get3A_673 : vector<1x16xf32> to vector<16xf32>
        %mul3A_675 = vector.broadcast %squeeze3A_571 : f32 to vector<16xf32>
        %mul3A_676 = arith.mulf %mul3A_675, %get3A_674 : vector<16xf32>
        %add3A_677 = arith.addf %mul3A_668, %mul3A_676 : vector<16xf32>
        %add3A_678 = arith.constant 256 : i32
        %add3A_679 = arith.addi %add3A_678, %add3A_575 : i32
        %get3A_680 = arith.index_cast %add3A_679 : i32 to index
        %get3A_681 = arith.constant 48 : index
        %get3A_682 = tpu.vector_load %arg8[%get3A_680, %get3A_681] {strides = array<i32>} : memref<384x128xf32, #tpu.memory_space<vmem>>, vector<1x16xf32>,
        %get3A_683 = vector.shape_cast %get3A_682 : vector<1x16xf32> to vector<16xf32>
        %mul3A_684 = vector.broadcast %squeeze3A_573 : f32 to vector<16xf32>
        %mul3A_685 = arith.mulf %mul3A_684, %get3A_683 : vector<16xf32>
        %add3A_686 = arith.addf %add3A_677, %mul3A_685 : vector<16xf32>
        %swap3A_687 = arith.index_cast %add3A_575 : i32 to index
        %swap3A_688 = arith.constant 48 : index
        %swap3A_689 = tpu.vector_load %arg9[%swap3A_687, %swap3A_688] {strides = array<i32>} : memref<128x128xf32, #tpu.memory_space<vmem>>, vector<1x16xf32>,
        %swap3A_690 = vector.shape_cast %swap3A_689 : vector<1x16xf32> to vector<16xf32>
        %swap3A_691 = vector.shape_cast %add3A_686 : vector<16xf32> to vector<1x16xf32>
        tpu.vector_store %arg9[%swap3A_687, %swap3A_688], %swap3A_691 {strides = array<i32>} : memref<128x128xf32, #tpu.memory_space<vmem>>, vector<1x16xf32>,
        %get3A_692 = arith.index_cast %add3A_575 : i32 to index
        %get3A_693 = arith.constant 64 : index
        %get3A_694 = tpu.vector_load %arg8[%get3A_692, %get3A_693] {strides = array<i32>} : memref<384x128xf32, #tpu.memory_space<vmem>>, vector<1x16xf32>,
        %get3A_695 = vector.shape_cast %get3A_694 : vector<1x16xf32> to vector<16xf32>
        %mul3A_696 = vector.broadcast %squeeze3A_569 : f32 to vector<16xf32>
        %mul3A_697 = arith.mulf %mul3A_696, %get3A_695 : vector<16xf32>
        %add3A_698 = arith.constant 128 : i32
        %add3A_699 = arith.addi %add3A_698, %add3A_575 : i32
        %get3A_700 = arith.index_cast %add3A_699 : i32 to index
        %get3A_701 = arith.constant 64 : index
        %get3A_702 = tpu.vector_load %arg8[%get3A_700, %get3A_701] {strides = array<i32>} : memref<384x128xf32, #tpu.memory_space<vmem>>, vector<1x16xf32>,
        %get3A_703 = vector.shape_cast %get3A_702 : vector<1x16xf32> to vector<16xf32>
        %mul3A_704 = vector.broadcast %squeeze3A_571 : f32 to vector<16xf32>
        %mul3A_705 = arith.mulf %mul3A_704, %get3A_703 : vector<16xf32>
        %add3A_706 = arith.addf %mul3A_697, %mul3A_705 : vector<16xf32>
        %add3A_707 = arith.constant 256 : i32
        %add3A_708 = arith.addi %add3A_707, %add3A_575 : i32
        %get3A_709 = arith.index_cast %add3A_708 : i32 to index
        %get3A_710 = arith.constant 64 : index
        %get3A_711 = tpu.vector_load %arg8[%get3A_709, %get3A_710] {strides = array<i32>} : memref<384x128xf32, #tpu.memory_space<vmem>>, vector<1x16xf32>,
        %get3A_712 = vector.shape_cast %get3A_711 : vector<1x16xf32> to vector<16xf32>
        %mul3A_713 = vector.broadcast %squeeze3A_573 : f32 to vector<16xf32>
        %mul3A_714 = arith.mulf %mul3A_713, %get3A_712 : vector<16xf32>
        %add3A_715 = arith.addf %add3A_706, %mul3A_714 : vector<16xf32>
        %swap3A_716 = arith.index_cast %add3A_575 : i32 to index
        %swap3A_717 = arith.constant 64 : index
        %swap3A_718 = tpu.vector_load %arg9[%swap3A_716, %swap3A_717] {strides = array<i32>} : memref<128x128xf32, #tpu.memory_space<vmem>>, vector<1x16xf32>,
        %swap3A_719 = vector.shape_cast %swap3A_718 : vector<1x16xf32> to vector<16xf32>
        %swap3A_720 = vector.shape_cast %add3A_715 : vector<16xf32> to vector<1x16xf32>
        tpu.vector_store %arg9[%swap3A_716, %swap3A_717], %swap3A_720 {strides = array<i32>} : memref<128x128xf32, #tpu.memory_space<vmem>>, vector<1x16xf32>,
        %get3A_721 = arith.index_cast %add3A_575 : i32 to index
        %get3A_722 = arith.constant 80 : index
        %get3A_723 = tpu.vector_load %arg8[%get3A_721, %get3A_722] {strides = array<i32>} : memref<384x128xf32, #tpu.memory_space<vmem>>, vector<1x16xf32>,
        %get3A_724 = vector.shape_cast %get3A_723 : vector<1x16xf32> to vector<16xf32>
        %mul3A_725 = vector.broadcast %squeeze3A_569 : f32 to vector<16xf32>
        %mul3A_726 = arith.mulf %mul3A_725, %get3A_724 : vector<16xf32>
        %add3A_727 = arith.constant 128 : i32
        %add3A_728 = arith.addi %add3A_727, %add3A_575 : i32
        %get3A_729 = arith.index_cast %add3A_728 : i32 to index
        %get3A_730 = arith.constant 80 : index
        %get3A_731 = tpu.vector_load %arg8[%get3A_729, %get3A_730] {strides = array<i32>} : memref<384x128xf32, #tpu.memory_space<vmem>>, vector<1x16xf32>,
        %get3A_732 = vector.shape_cast %get3A_731 : vector<1x16xf32> to vector<16xf32>
        %mul3A_733 = vector.broadcast %squeeze3A_571 : f32 to vector<16xf32>
        %mul3A_734 = arith.mulf %mul3A_733, %get3A_732 : vector<16xf32>
        %add3A_735 = arith.addf %mul3A_726, %mul3A_734 : vector<16xf32>
        %add3A_736 = arith.constant 256 : i32
        %add3A_737 = arith.addi %add3A_736, %add3A_575 : i32
        %get3A_738 = arith.index_cast %add3A_737 : i32 to index
        %get3A_739 = arith.constant 80 : index
        %get3A_740 = tpu.vector_load %arg8[%get3A_738, %get3A_739] {strides = array<i32>} : memref<384x128xf32, #tpu.memory_space<vmem>>, vector<1x16xf32>,
        %get3A_741 = vector.shape_cast %get3A_740 : vector<1x16xf32> to vector<16xf32>
        %mul3A_742 = vector.broadcast %squeeze3A_573 : f32 to vector<16xf32>
        %mul3A_743 = arith.mulf %mul3A_742, %get3A_741 : vector<16xf32>
        %add3A_744 = arith.addf %add3A_735, %mul3A_743 : vector<16xf32>
        %swap3A_745 = arith.index_cast %add3A_575 : i32 to index
        %swap3A_746 = arith.constant 80 : index
        %swap3A_747 = tpu.vector_load %arg9[%swap3A_745, %swap3A_746] {strides = array<i32>} : memref<128x128xf32, #tpu.memory_space<vmem>>, vector<1x16xf32>,
        %swap3A_748 = vector.shape_cast %swap3A_747 : vector<1x16xf32> to vector<16xf32>
        %swap3A_749 = vector.shape_cast %add3A_744 : vector<16xf32> to vector<1x16xf32>
        tpu.vector_store %arg9[%swap3A_745, %swap3A_746], %swap3A_749 {strides = array<i32>} : memref<128x128xf32, #tpu.memory_space<vmem>>, vector<1x16xf32>,
        %get3A_750 = arith.index_cast %add3A_575 : i32 to index
        %get3A_751 = arith.constant 96 : index
        %get3A_752 = tpu.vector_load %arg8[%get3A_750, %get3A_751] {strides = array<i32>} : memref<384x128xf32, #tpu.memory_space<vmem>>, vector<1x16xf32>,
        %get3A_753 = vector.shape_cast %get3A_752 : vector<1x16xf32> to vector<16xf32>
        %mul3A_754 = vector.broadcast %squeeze3A_569 : f32 to vector<16xf32>
        %mul3A_755 = arith.mulf %mul3A_754, %get3A_753 : vector<16xf32>
        %add3A_756 = arith.constant 128 : i32
        %add3A_757 = arith.addi %add3A_756, %add3A_575 : i32
        %get3A_758 = arith.index_cast %add3A_757 : i32 to index
        %get3A_759 = arith.constant 96 : index
        %get3A_760 = tpu.vector_load %arg8[%get3A_758, %get3A_759] {strides = array<i32>} : memref<384x128xf32, #tpu.memory_space<vmem>>, vector<1x16xf32>,
        %get3A_761 = vector.shape_cast %get3A_760 : vector<1x16xf32> to vector<16xf32>
        %mul3A_762 = vector.broadcast %squeeze3A_571 : f32 to vector<16xf32>
        %mul3A_763 = arith.mulf %mul3A_762, %get3A_761 : vector<16xf32>
        %add3A_764 = arith.addf %mul3A_755, %mul3A_763 : vector<16xf32>
        %add3A_765 = arith.constant 256 : i32
        %add3A_766 = arith.addi %add3A_765, %add3A_575 : i32
        %get3A_767 = arith.index_cast %add3A_766 : i32 to index
        %get3A_768 = arith.constant 96 : index
        %get3A_769 = tpu.vector_load %arg8[%get3A_767, %get3A_768] {strides = array<i32>} : memref<384x128xf32, #tpu.memory_space<vmem>>, vector<1x16xf32>,
        %get3A_770 = vector.shape_cast %get3A_769 : vector<1x16xf32> to vector<16xf32>
        %mul3A_771 = vector.broadcast %squeeze3A_573 : f32 to vector<16xf32>
        %mul3A_772 = arith.mulf %mul3A_771, %get3A_770 : vector<16xf32>
        %add3A_773 = arith.addf %add3A_764, %mul3A_772 : vector<16xf32>
        %swap3A_774 = arith.index_cast %add3A_575 : i32 to index
        %swap3A_775 = arith.constant 96 : index
        %swap3A_776 = tpu.vector_load %arg9[%swap3A_774, %swap3A_775] {strides = array<i32>} : memref<128x128xf32, #tpu.memory_space<vmem>>, vector<1x16xf32>,
        %swap3A_777 = vector.shape_cast %swap3A_776 : vector<1x16xf32> to vector<16xf32>
        %swap3A_778 = vector.shape_cast %add3A_773 : vector<16xf32> to vector<1x16xf32>
        tpu.vector_store %arg9[%swap3A_774, %swap3A_775], %swap3A_778 {strides = array<i32>} : memref<128x128xf32, #tpu.memory_space<vmem>>, vector<1x16xf32>,
        %get3A_779 = arith.index_cast %add3A_575 : i32 to index
        %get3A_780 = arith.constant 112 : index
        %get3A_781 = tpu.vector_load %arg8[%get3A_779, %get3A_780] {strides = array<i32>} : memref<384x128xf32, #tpu.memory_space<vmem>>, vector<1x16xf32>,
        %get3A_782 = vector.shape_cast %get3A_781 : vector<1x16xf32> to vector<16xf32>
        %mul3A_783 = vector.broadcast %squeeze3A_569 : f32 to vector<16xf32>
        %mul3A_784 = arith.mulf %mul3A_783, %get3A_782 : vector<16xf32>
        %add3A_785 = arith.constant 128 : i32
        %add3A_786 = arith.addi %add3A_785, %add3A_575 : i32
        %get3A_787 = arith.index_cast %add3A_786 : i32 to index
        %get3A_788 = arith.constant 112 : index
        %get3A_789 = tpu.vector_load %arg8[%get3A_787, %get3A_788] {strides = array<i32>} : memref<384x128xf32, #tpu.memory_space<vmem>>, vector<1x16xf32>,
        %get3A_790 = vector.shape_cast %get3A_789 : vector<1x16xf32> to vector<16xf32>
        %mul3A_791 = vector.broadcast %squeeze3A_571 : f32 to vector<16xf32>
        %mul3A_792 = arith.mulf %mul3A_791, %get3A_790 : vector<16xf32>
        %add3A_793 = arith.addf %mul3A_784, %mul3A_792 : vector<16xf32>
        %add3A_794 = arith.constant 256 : i32
        %add3A_795 = arith.addi %add3A_794, %add3A_575 : i32
        %get3A_796 = arith.index_cast %add3A_795 : i32 to index
        %get3A_797 = arith.constant 112 : index
        %get3A_798 = tpu.vector_load %arg8[%get3A_796, %get3A_797] {strides = array<i32>} : memref<384x128xf32, #tpu.memory_space<vmem>>, vector<1x16xf32>,
        %get3A_799 = vector.shape_cast %get3A_798 : vector<1x16xf32> to vector<16xf32>
        %mul3A_800 = vector.broadcast %squeeze3A_573 : f32 to vector<16xf32>
        %mul3A_801 = arith.mulf %mul3A_800, %get3A_799 : vector<16xf32>
        %add3A_802 = arith.addf %add3A_793, %mul3A_801 : vector<16xf32>
        %swap3A_803 = arith.index_cast %add3A_575 : i32 to index
        %swap3A_804 = arith.constant 112 : index
        %swap3A_805 = tpu.vector_load %arg9[%swap3A_803, %swap3A_804] {strides = array<i32>} : memref<128x128xf32, #tpu.memory_space<vmem>>, vector<1x16xf32>,
        %swap3A_806 = vector.shape_cast %swap3A_805 : vector<1x16xf32> to vector<16xf32>
        %swap3A_807 = vector.shape_cast %add3A_802 : vector<16xf32> to vector<1x16xf32>
        tpu.vector_store %arg9[%swap3A_803, %swap3A_804], %swap3A_807 {strides = array<i32>} : memref<128x128xf32, #tpu.memory_space<vmem>>, vector<1x16xf32>,
        %slice3A_808 = vector.extract_strided_slice %get3A_80 {offsets = [3], sizes = [1], strides = [1]} : vector<16xf32> to vector<1xf32>
        %squeeze3A_809 = vector.extract %slice3A_808[0] : f32 from vector<1xf32>
        %slice3A_810 = vector.extract_strided_slice %get3A_85 {offsets = [3], sizes = [1], strides = [1]} : vector<16xf32> to vector<1xf32>
        %squeeze3A_811 = vector.extract %slice3A_810[0] : f32 from vector<1xf32>
        %slice3A_812 = vector.extract_strided_slice %get3A_90 {offsets = [3], sizes = [1], strides = [1]} : vector<16xf32> to vector<1xf32>
        %squeeze3A_813 = vector.extract %slice3A_812[0] : f32 from vector<1xf32>
        %add3A_814 = arith.constant 3 : i32
        %add3A_815 = arith.addi %mul3A_78, %add3A_814 : i32
        %get3A_816 = arith.index_cast %add3A_815 : i32 to index
        %get3A_817 = arith.constant 0 : index
        %get3A_818 = tpu.vector_load %arg8[%get3A_816, %get3A_817] {strides = array<i32>} : memref<384x128xf32, #tpu.memory_space<vmem>>, vector<1x16xf32>,
        %get3A_819 = vector.shape_cast %get3A_818 : vector<1x16xf32> to vector<16xf32>
        %mul3A_820 = vector.broadcast %squeeze3A_809 : f32 to vector<16xf32>
        %mul3A_821 = arith.mulf %mul3A_820, %get3A_819 : vector<16xf32>
        %add3A_822 = arith.constant 128 : i32
        %add3A_823 = arith.addi %add3A_822, %add3A_815 : i32
        %get3A_824 = arith.index_cast %add3A_823 : i32 to index
        %get3A_825 = arith.constant 0 : index
        %get3A_826 = tpu.vector_load %arg8[%get3A_824, %get3A_825] {strides = array<i32>} : memref<384x128xf32, #tpu.memory_space<vmem>>, vector<1x16xf32>,
        %get3A_827 = vector.shape_cast %get3A_826 : vector<1x16xf32> to vector<16xf32>
        %mul3A_828 = vector.broadcast %squeeze3A_811 : f32 to vector<16xf32>
        %mul3A_829 = arith.mulf %mul3A_828, %get3A_827 : vector<16xf32>
        %add3A_830 = arith.addf %mul3A_821, %mul3A_829 : vector<16xf32>
        %add3A_831 = arith.constant 256 : i32
        %add3A_832 = arith.addi %add3A_831, %add3A_815 : i32
        %get3A_833 = arith.index_cast %add3A_832 : i32 to index
        %get3A_834 = arith.constant 0 : index
        %get3A_835 = tpu.vector_load %arg8[%get3A_833, %get3A_834] {strides = array<i32>} : memref<384x128xf32, #tpu.memory_space<vmem>>, vector<1x16xf32>,
        %get3A_836 = vector.shape_cast %get3A_835 : vector<1x16xf32> to vector<16xf32>
        %mul3A_837 = vector.broadcast %squeeze3A_813 : f32 to vector<16xf32>
        %mul3A_838 = arith.mulf %mul3A_837, %get3A_836 : vector<16xf32>
        %add3A_839 = arith.addf %add3A_830, %mul3A_838 : vector<16xf32>
        %swap3A_840 = arith.index_cast %add3A_815 : i32 to index
        %swap3A_841 = arith.constant 0 : index
        %swap3A_842 = tpu.vector_load %arg9[%swap3A_840, %swap3A_841] {strides = array<i32>} : memref<128x128xf32, #tpu.memory_space<vmem>>, vector<1x16xf32>,
        %swap3A_843 = vector.shape_cast %swap3A_842 : vector<1x16xf32> to vector<16xf32>
        %swap3A_844 = vector.shape_cast %add3A_839 : vector<16xf32> to vector<1x16xf32>
        tpu.vector_store %arg9[%swap3A_840, %swap3A_841], %swap3A_844 {strides = array<i32>} : memref<128x128xf32, #tpu.memory_space<vmem>>, vector<1x16xf32>,
        %get3A_845 = arith.index_cast %add3A_815 : i32 to index
        %get3A_846 = arith.constant 16 : index
        %get3A_847 = tpu.vector_load %arg8[%get3A_845, %get3A_846] {strides = array<i32>} : memref<384x128xf32, #tpu.memory_space<vmem>>, vector<1x16xf32>,
        %get3A_848 = vector.shape_cast %get3A_847 : vector<1x16xf32> to vector<16xf32>
        %mul3A_849 = vector.broadcast %squeeze3A_809 : f32 to vector<16xf32>
        %mul3A_850 = arith.mulf %mul3A_849, %get3A_848 : vector<16xf32>
        %add3A_851 = arith.constant 128 : i32
        %add3A_852 = arith.addi %add3A_851, %add3A_815 : i32
        %get3A_853 = arith.index_cast %add3A_852 : i32 to index
        %get3A_854 = arith.constant 16 : index
        %get3A_855 = tpu.vector_load %arg8[%get3A_853, %get3A_854] {strides = array<i32>} : memref<384x128xf32, #tpu.memory_space<vmem>>, vector<1x16xf32>,
        %get3A_856 = vector.shape_cast %get3A_855 : vector<1x16xf32> to vector<16xf32>
        %mul3A_857 = vector.broadcast %squeeze3A_811 : f32 to vector<16xf32>
        %mul3A_858 = arith.mulf %mul3A_857, %get3A_856 : vector<16xf32>
        %add3A_859 = arith.addf %mul3A_850, %mul3A_858 : vector<16xf32>
        %add3A_860 = arith.constant 256 : i32
        %add3A_861 = arith.addi %add3A_860, %add3A_815 : i32
        %get3A_862 = arith.index_cast %add3A_861 : i32 to index
        %get3A_863 = arith.constant 16 : index
        %get3A_864 = tpu.vector_load %arg8[%get3A_862, %get3A_863] {strides = array<i32>} : memref<384x128xf32, #tpu.memory_space<vmem>>, vector<1x16xf32>,
        %get3A_865 = vector.shape_cast %get3A_864 : vector<1x16xf32> to vector<16xf32>
        %mul3A_866 = vector.broadcast %squeeze3A_813 : f32 to vector<16xf32>
        %mul3A_867 = arith.mulf %mul3A_866, %get3A_865 : vector<16xf32>
        %add3A_868 = arith.addf %add3A_859, %mul3A_867 : vector<16xf32>
        %swap3A_869 = arith.index_cast %add3A_815 : i32 to index
        %swap3A_870 = arith.constant 16 : index
        %swap3A_871 = tpu.vector_load %arg9[%swap3A_869, %swap3A_870] {strides = array<i32>} : memref<128x128xf32, #tpu.memory_space<vmem>>, vector<1x16xf32>,
        %swap3A_872 = vector.shape_cast %swap3A_871 : vector<1x16xf32> to vector<16xf32>
        %swap3A_873 = vector.shape_cast %add3A_868 : vector<16xf32> to vector<1x16xf32>
        tpu.vector_store %arg9[%swap3A_869, %swap3A_870], %swap3A_873 {strides = array<i32>} : memref<128x128xf32, #tpu.memory_space<vmem>>, vector<1x16xf32>,
        %get3A_874 = arith.index_cast %add3A_815 : i32 to index
        %get3A_875 = arith.constant 32 : index
        %get3A_876 = tpu.vector_load %arg8[%get3A_874, %get3A_875] {strides = array<i32>} : memref<384x128xf32, #tpu.memory_space<vmem>>, vector<1x16xf32>,
        %get3A_877 = vector.shape_cast %get3A_876 : vector<1x16xf32> to vector<16xf32>
        %mul3A_878 = vector.broadcast %squeeze3A_809 : f32 to vector<16xf32>
        %mul3A_879 = arith.mulf %mul3A_878, %get3A_877 : vector<16xf32>
        %add3A_880 = arith.constant 128 : i32
        %add3A_881 = arith.addi %add3A_880, %add3A_815 : i32
        %get3A_882 = arith.index_cast %add3A_881 : i32 to index
        %get3A_883 = arith.constant 32 : index
        %get3A_884 = tpu.vector_load %arg8[%get3A_882, %get3A_883] {strides = array<i32>} : memref<384x128xf32, #tpu.memory_space<vmem>>, vector<1x16xf32>,
        %get3A_885 = vector.shape_cast %get3A_884 : vector<1x16xf32> to vector<16xf32>
        %mul3A_886 = vector.broadcast %squeeze3A_811 : f32 to vector<16xf32>
        %mul3A_887 = arith.mulf %mul3A_886, %get3A_885 : vector<16xf32>
        %add3A_888 = arith.addf %mul3A_879, %mul3A_887 : vector<16xf32>
        %add3A_889 = arith.constant 256 : i32
        %add3A_890 = arith.addi %add3A_889, %add3A_815 : i32
        %get3A_891 = arith.index_cast %add3A_890 : i32 to index
        %get3A_892 = arith.constant 32 : index
        %get3A_893 = tpu.vector_load %arg8[%get3A_891, %get3A_892] {strides = array<i32>} : memref<384x128xf32, #tpu.memory_space<vmem>>, vector<1x16xf32>,
        %get3A_894 = vector.shape_cast %get3A_893 : vector<1x16xf32> to vector<16xf32>
        %mul3A_895 = vector.broadcast %squeeze3A_813 : f32 to vector<16xf32>
        %mul3A_896 = arith.mulf %mul3A_895, %get3A_894 : vector<16xf32>
        %add3A_897 = arith.addf %add3A_888, %mul3A_896 : vector<16xf32>
        %swap3A_898 = arith.index_cast %add3A_815 : i32 to index
        %swap3A_899 = arith.constant 32 : index
        %swap3A_900 = tpu.vector_load %arg9[%swap3A_898, %swap3A_899] {strides = array<i32>} : memref<128x128xf32, #tpu.memory_space<vmem>>, vector<1x16xf32>,
        %swap3A_901 = vector.shape_cast %swap3A_900 : vector<1x16xf32> to vector<16xf32>
        %swap3A_902 = vector.shape_cast %add3A_897 : vector<16xf32> to vector<1x16xf32>
        tpu.vector_store %arg9[%swap3A_898, %swap3A_899], %swap3A_902 {strides = array<i32>} : memref<128x128xf32, #tpu.memory_space<vmem>>, vector<1x16xf32>,
        %get3A_903 = arith.index_cast %add3A_815 : i32 to index
        %get3A_904 = arith.constant 48 : index
        %get3A_905 = tpu.vector_load %arg8[%get3A_903, %get3A_904] {strides = array<i32>} : memref<384x128xf32, #tpu.memory_space<vmem>>, vector<1x16xf32>,
        %get3A_906 = vector.shape_cast %get3A_905 : vector<1x16xf32> to vector<16xf32>
        %mul3A_907 = vector.broadcast %squeeze3A_809 : f32 to vector<16xf32>
        %mul3A_908 = arith.mulf %mul3A_907, %get3A_906 : vector<16xf32>
        %add3A_909 = arith.constant 128 : i32
        %add3A_910 = arith.addi %add3A_909, %add3A_815 : i32
        %get3A_911 = arith.index_cast %add3A_910 : i32 to index
        %get3A_912 = arith.constant 48 : index
        %get3A_913 = tpu.vector_load %arg8[%get3A_911, %get3A_912] {strides = array<i32>} : memref<384x128xf32, #tpu.memory_space<vmem>>, vector<1x16xf32>,
        %get3A_914 = vector.shape_cast %get3A_913 : vector<1x16xf32> to vector<16xf32>
        %mul3A_915 = vector.broadcast %squeeze3A_811 : f32 to vector<16xf32>
        %mul3A_916 = arith.mulf %mul3A_915, %get3A_914 : vector<16xf32>
        %add3A_917 = arith.addf %mul3A_908, %mul3A_916 : vector<16xf32>
        %add3A_918 = arith.constant 256 : i32
        %add3A_919 = arith.addi %add3A_918, %add3A_815 : i32
        %get3A_920 = arith.index_cast %add3A_919 : i32 to index
        %get3A_921 = arith.constant 48 : index
        %get3A_922 = tpu.vector_load %arg8[%get3A_920, %get3A_921] {strides = array<i32>} : memref<384x128xf32, #tpu.memory_space<vmem>>, vector<1x16xf32>,
        %get3A_923 = vector.shape_cast %get3A_922 : vector<1x16xf32> to vector<16xf32>
        %mul3A_924 = vector.broadcast %squeeze3A_813 : f32 to vector<16xf32>
        %mul3A_925 = arith.mulf %mul3A_924, %get3A_923 : vector<16xf32>
        %add3A_926 = arith.addf %add3A_917, %mul3A_925 : vector<16xf32>
        %swap3A_927 = arith.index_cast %add3A_815 : i32 to index
        %swap3A_928 = arith.constant 48 : index
        %swap3A_929 = tpu.vector_load %arg9[%swap3A_927, %swap3A_928] {strides = array<i32>} : memref<128x128xf32, #tpu.memory_space<vmem>>, vector<1x16xf32>,
        %swap3A_930 = vector.shape_cast %swap3A_929 : vector<1x16xf32> to vector<16xf32>
        %swap3A_931 = vector.shape_cast %add3A_926 : vector<16xf32> to vector<1x16xf32>
        tpu.vector_store %arg9[%swap3A_927, %swap3A_928], %swap3A_931 {strides = array<i32>} : memref<128x128xf32, #tpu.memory_space<vmem>>, vector<1x16xf32>,
        %get3A_932 = arith.index_cast %add3A_815 : i32 to index
        %get3A_933 = arith.constant 64 : index
        %get3A_934 = tpu.vector_load %arg8[%get3A_932, %get3A_933] {strides = array<i32>} : memref<384x128xf32, #tpu.memory_space<vmem>>, vector<1x16xf32>,
        %get3A_935 = vector.shape_cast %get3A_934 : vector<1x16xf32> to vector<16xf32>
        %mul3A_936 = vector.broadcast %squeeze3A_809 : f32 to vector<16xf32>
        %mul3A_937 = arith.mulf %mul3A_936, %get3A_935 : vector<16xf32>
        %add3A_938 = arith.constant 128 : i32
        %add3A_939 = arith.addi %add3A_938, %add3A_815 : i32
        %get3A_940 = arith.index_cast %add3A_939 : i32 to index
        %get3A_941 = arith.constant 64 : index
        %get3A_942 = tpu.vector_load %arg8[%get3A_940, %get3A_941] {strides = array<i32>} : memref<384x128xf32, #tpu.memory_space<vmem>>, vector<1x16xf32>,
        %get3A_943 = vector.shape_cast %get3A_942 : vector<1x16xf32> to vector<16xf32>
        %mul3A_944 = vector.broadcast %squeeze3A_811 : f32 to vector<16xf32>
        %mul3A_945 = arith.mulf %mul3A_944, %get3A_943 : vector<16xf32>
        %add3A_946 = arith.addf %mul3A_937, %mul3A_945 : vector<16xf32>
        %add3A_947 = arith.constant 256 : i32
        %add3A_948 = arith.addi %add3A_947, %add3A_815 : i32
        %get3A_949 = arith.index_cast %add3A_948 : i32 to index
        %get3A_950 = arith.constant 64 : index
        %get3A_951 = tpu.vector_load %arg8[%get3A_949, %get3A_950] {strides = array<i32>} : memref<384x128xf32, #tpu.memory_space<vmem>>, vector<1x16xf32>,
        %get3A_952 = vector.shape_cast %get3A_951 : vector<1x16xf32> to vector<16xf32>
        %mul3A_953 = vector.broadcast %squeeze3A_813 : f32 to vector<16xf32>
        %mul3A_954 = arith.mulf %mul3A_953, %get3A_952 : vector<16xf32>
        %add3A_955 = arith.addf %add3A_946, %mul3A_954 : vector<16xf32>
        %swap3A_956 = arith.index_cast %add3A_815 : i32 to index
        %swap3A_957 = arith.constant 64 : index
        %swap3A_958 = tpu.vector_load %arg9[%swap3A_956, %swap3A_957] {strides = array<i32>} : memref<128x128xf32, #tpu.memory_space<vmem>>, vector<1x16xf32>,
        %swap3A_959 = vector.shape_cast %swap3A_958 : vector<1x16xf32> to vector<16xf32>
        %swap3A_960 = vector.shape_cast %add3A_955 : vector<16xf32> to vector<1x16xf32>
        tpu.vector_store %arg9[%swap3A_956, %swap3A_957], %swap3A_960 {strides = array<i32>} : memref<128x128xf32, #tpu.memory_space<vmem>>, vector<1x16xf32>,
        %get3A_961 = arith.index_cast %add3A_815 : i32 to index
        %get3A_962 = arith.constant 80 : index
        %get3A_963 = tpu.vector_load %arg8[%get3A_961, %get3A_962] {strides = array<i32>} : memref<384x128xf32, #tpu.memory_space<vmem>>, vector<1x16xf32>,
        %get3A_964 = vector.shape_cast %get3A_963 : vector<1x16xf32> to vector<16xf32>
        %mul3A_965 = vector.broadcast %squeeze3A_809 : f32 to vector<16xf32>
        %mul3A_966 = arith.mulf %mul3A_965, %get3A_964 : vector<16xf32>
        %add3A_967 = arith.constant 128 : i32
        %add3A_968 = arith.addi %add3A_967, %add3A_815 : i32
        %get3A_969 = arith.index_cast %add3A_968 : i32 to index
        %get3A_970 = arith.constant 80 : index
        %get3A_971 = tpu.vector_load %arg8[%get3A_969, %get3A_970] {strides = array<i32>} : memref<384x128xf32, #tpu.memory_space<vmem>>, vector<1x16xf32>,
        %get3A_972 = vector.shape_cast %get3A_971 : vector<1x16xf32> to vector<16xf32>
        %mul3A_973 = vector.broadcast %squeeze3A_811 : f32 to vector<16xf32>
        %mul3A_974 = arith.mulf %mul3A_973, %get3A_972 : vector<16xf32>
        %add3A_975 = arith.addf %mul3A_966, %mul3A_974 : vector<16xf32>
        %add3A_976 = arith.constant 256 : i32
        %add3A_977 = arith.addi %add3A_976, %add3A_815 : i32
        %get3A_978 = arith.index_cast %add3A_977 : i32 to index
        %get3A_979 = arith.constant 80 : index
        %get3A_980 = tpu.vector_load %arg8[%get3A_978, %get3A_979] {strides = array<i32>} : memref<384x128xf32, #tpu.memory_space<vmem>>, vector<1x16xf32>,
        %get3A_981 = vector.shape_cast %get3A_980 : vector<1x16xf32> to vector<16xf32>
        %mul3A_982 = vector.broadcast %squeeze3A_813 : f32 to vector<16xf32>
        %mul3A_983 = arith.mulf %mul3A_982, %get3A_981 : vector<16xf32>
        %add3A_984 = arith.addf %add3A_975, %mul3A_983 : vector<16xf32>
        %swap3A_985 = arith.index_cast %add3A_815 : i32 to index
        %swap3A_986 = arith.constant 80 : index
        %swap3A_987 = tpu.vector_load %arg9[%swap3A_985, %swap3A_986] {strides = array<i32>} : memref<128x128xf32, #tpu.memory_space<vmem>>, vector<1x16xf32>,
        %swap3A_988 = vector.shape_cast %swap3A_987 : vector<1x16xf32> to vector<16xf32>
        %swap3A_989 = vector.shape_cast %add3A_984 : vector<16xf32> to vector<1x16xf32>
        tpu.vector_store %arg9[%swap3A_985, %swap3A_986], %swap3A_989 {strides = array<i32>} : memref<128x128xf32, #tpu.memory_space<vmem>>, vector<1x16xf32>,
        %get3A_990 = arith.index_cast %add3A_815 : i32 to index
        %get3A_991 = arith.constant 96 : index
        %get3A_992 = tpu.vector_load %arg8[%get3A_990, %get3A_991] {strides = array<i32>} : memref<384x128xf32, #tpu.memory_space<vmem>>, vector<1x16xf32>,
        %get3A_993 = vector.shape_cast %get3A_992 : vector<1x16xf32> to vector<16xf32>
        %mul3A_994 = vector.broadcast %squeeze3A_809 : f32 to vector<16xf32>
        %mul3A_995 = arith.mulf %mul3A_994, %get3A_993 : vector<16xf32>
        %add3A_996 = arith.constant 128 : i32
        %add3A_997 = arith.addi %add3A_996, %add3A_815 : i32
        %get3A_998 = arith.index_cast %add3A_997 : i32 to index
        %get3A_999 = arith.constant 96 : index
        %get3A_1000 = tpu.vector_load %arg8[%get3A_998, %get3A_999] {strides = array<i32>} : memref<384x128xf32, #tpu.memory_space<vmem>>, vector<1x16xf32>,
        %get3A_1001 = vector.shape_cast %get3A_1000 : vector<1x16xf32> to vector<16xf32>
        %mul3A_1002 = vector.broadcast %squeeze3A_811 : f32 to vector<16xf32>
        %mul3A_1003 = arith.mulf %mul3A_1002, %get3A_1001 : vector<16xf32>
        %add3A_1004 = arith.addf %mul3A_995, %mul3A_1003 : vector<16xf32>
        %add3A_1005 = arith.constant 256 : i32
        %add3A_1006 = arith.addi %add3A_1005, %add3A_815 : i32
        %get3A_1007 = arith.index_cast %add3A_1006 : i32 to index
        %get3A_1008 = arith.constant 96 : index
        %get3A_1009 = tpu.vector_load %arg8[%get3A_1007, %get3A_1008] {strides = array<i32>} : memref<384x128xf32, #tpu.memory_space<vmem>>, vector<1x16xf32>,
        %get3A_1010 = vector.shape_cast %get3A_1009 : vector<1x16xf32> to vector<16xf32>
        %mul3A_1011 = vector.broadcast %squeeze3A_813 : f32 to vector<16xf32>
        %mul3A_1012 = arith.mulf %mul3A_1011, %get3A_1010 : vector<16xf32>
        %add3A_1013 = arith.addf %add3A_1004, %mul3A_1012 : vector<16xf32>
        %swap3A_1014 = arith.index_cast %add3A_815 : i32 to index
        %swap3A_1015 = arith.constant 96 : index
        %swap3A_1016 = tpu.vector_load %arg9[%swap3A_1014, %swap3A_1015] {strides = array<i32>} : memref<128x128xf32, #tpu.memory_space<vmem>>, vector<1x16xf32>,
        %swap3A_1017 = vector.shape_cast %swap3A_1016 : vector<1x16xf32> to vector<16xf32>
        %swap3A_1018 = vector.shape_cast %add3A_1013 : vector<16xf32> to vector<1x16xf32>
        tpu.vector_store %arg9[%swap3A_1014, %swap3A_1015], %swap3A_1018 {strides = array<i32>} : memref<128x128xf32, #tpu.memory_space<vmem>>, vector<1x16xf32>,
        %get3A_1019 = arith.index_cast %add3A_815 : i32 to index
        %get3A_1020 = arith.constant 112 : index
        %get3A_1021 = tpu.vector_load %arg8[%get3A_1019, %get3A_1020] {strides = array<i32>} : memref<384x128xf32, #tpu.memory_space<vmem>>, vector<1x16xf32>,
        %get3A_1022 = vector.shape_cast %get3A_1021 : vector<1x16xf32> to vector<16xf32>
        %mul3A_1023 = vector.broadcast %squeeze3A_809 : f32 to vector<16xf32>
        %mul3A_1024 = arith.mulf %mul3A_1023, %get3A_1022 : vector<16xf32>
        %add3A_1025 = arith.constant 128 : i32
        %add3A_1026 = arith.addi %add3A_1025, %add3A_815 : i32
        %get3A_1027 = arith.index_cast %add3A_1026 : i32 to index
        %get3A_1028 = arith.constant 112 : index
        %get3A_1029 = tpu.vector_load %arg8[%get3A_1027, %get3A_1028] {strides = array<i32>} : memref<384x128xf32, #tpu.memory_space<vmem>>, vector<1x16xf32>,
        %get3A_1030 = vector.shape_cast %get3A_1029 : vector<1x16xf32> to vector<16xf32>
        %mul3A_1031 = vector.broadcast %squeeze3A_811 : f32 to vector<16xf32>
        %mul3A_1032 = arith.mulf %mul3A_1031, %get3A_1030 : vector<16xf32>
        %add3A_1033 = arith.addf %mul3A_1024, %mul3A_1032 : vector<16xf32>
        %add3A_1034 = arith.constant 256 : i32
        %add3A_1035 = arith.addi %add3A_1034, %add3A_815 : i32
        %get3A_1036 = arith.index_cast %add3A_1035 : i32 to index
        %get3A_1037 = arith.constant 112 : index
        %get3A_1038 = tpu.vector_load %arg8[%get3A_1036, %get3A_1037] {strides = array<i32>} : memref<384x128xf32, #tpu.memory_space<vmem>>, vector<1x16xf32>,
        %get3A_1039 = vector.shape_cast %get3A_1038 : vector<1x16xf32> to vector<16xf32>
        %mul3A_1040 = vector.broadcast %squeeze3A_813 : f32 to vector<16xf32>
        %mul3A_1041 = arith.mulf %mul3A_1040, %get3A_1039 : vector<16xf32>
        %add3A_1042 = arith.addf %add3A_1033, %mul3A_1041 : vector<16xf32>
        %swap3A_1043 = arith.index_cast %add3A_815 : i32 to index
        %swap3A_1044 = arith.constant 112 : index
        %swap3A_1045 = tpu.vector_load %arg9[%swap3A_1043, %swap3A_1044] {strides = array<i32>} : memref<128x128xf32, #tpu.memory_space<vmem>>, vector<1x16xf32>,
        %swap3A_1046 = vector.shape_cast %swap3A_1045 : vector<1x16xf32> to vector<16xf32>
        %swap3A_1047 = vector.shape_cast %add3A_1042 : vector<16xf32> to vector<1x16xf32>
        tpu.vector_store %arg9[%swap3A_1043, %swap3A_1044], %swap3A_1047 {strides = array<i32>} : memref<128x128xf32, #tpu.memory_space<vmem>>, vector<1x16xf32>,
        %slice3A_1048 = vector.extract_strided_slice %get3A_80 {offsets = [4], sizes = [1], strides = [1]} : vector<16xf32> to vector<1xf32>
        %squeeze3A_1049 = vector.extract %slice3A_1048[0] : f32 from vector<1xf32>
        %slice3A_1050 = vector.extract_strided_slice %get3A_85 {offsets = [4], sizes = [1], strides = [1]} : vector<16xf32> to vector<1xf32>
        %squeeze3A_1051 = vector.extract %slice3A_1050[0] : f32 from vector<1xf32>
        %slice3A_1052 = vector.extract_strided_slice %get3A_90 {offsets = [4], sizes = [1], strides = [1]} : vector<16xf32> to vector<1xf32>
        %squeeze3A_1053 = vector.extract %slice3A_1052[0] : f32 from vector<1xf32>
        %add3A_1054 = arith.constant 4 : i32
        %add3A_1055 = arith.addi %mul3A_78, %add3A_1054 : i32
        %get3A_1056 = arith.index_cast %add3A_1055 : i32 to index
        %get3A_1057 = arith.constant 0 : index
        %get3A_1058 = tpu.vector_load %arg8[%get3A_1056, %get3A_1057] {strides = array<i32>} : memref<384x128xf32, #tpu.memory_space<vmem>>, vector<1x16xf32>,
        %get3A_1059 = vector.shape_cast %get3A_1058 : vector<1x16xf32> to vector<16xf32>
        %mul3A_1060 = vector.broadcast %squeeze3A_1049 : f32 to vector<16xf32>
        %mul3A_1061 = arith.mulf %mul3A_1060, %get3A_1059 : vector<16xf32>
        %add3A_1062 = arith.constant 128 : i32
        %add3A_1063 = arith.addi %add3A_1062, %add3A_1055 : i32
        %get3A_1064 = arith.index_cast %add3A_1063 : i32 to index
        %get3A_1065 = arith.constant 0 : index
        %get3A_1066 = tpu.vector_load %arg8[%get3A_1064, %get3A_1065] {strides = array<i32>} : memref<384x128xf32, #tpu.memory_space<vmem>>, vector<1x16xf32>,
        %get3A_1067 = vector.shape_cast %get3A_1066 : vector<1x16xf32> to vector<16xf32>
        %mul3A_1068 = vector.broadcast %squeeze3A_1051 : f32 to vector<16xf32>
        %mul3A_1069 = arith.mulf %mul3A_1068, %get3A_1067 : vector<16xf32>
        %add3A_1070 = arith.addf %mul3A_1061, %mul3A_1069 : vector<16xf32>
        %add3A_1071 = arith.constant 256 : i32
        %add3A_1072 = arith.addi %add3A_1071, %add3A_1055 : i32
        %get3A_1073 = arith.index_cast %add3A_1072 : i32 to index
        %get3A_1074 = arith.constant 0 : index
        %get3A_1075 = tpu.vector_load %arg8[%get3A_1073, %get3A_1074] {strides = array<i32>} : memref<384x128xf32, #tpu.memory_space<vmem>>, vector<1x16xf32>,
        %get3A_1076 = vector.shape_cast %get3A_1075 : vector<1x16xf32> to vector<16xf32>
        %mul3A_1077 = vector.broadcast %squeeze3A_1053 : f32 to vector<16xf32>
        %mul3A_1078 = arith.mulf %mul3A_1077, %get3A_1076 : vector<16xf32>
        %add3A_1079 = arith.addf %add3A_1070, %mul3A_1078 : vector<16xf32>
        %swap3A_1080 = arith.index_cast %add3A_1055 : i32 to index
        %swap3A_1081 = arith.constant 0 : index
        %swap3A_1082 = tpu.vector_load %arg9[%swap3A_1080, %swap3A_1081] {strides = array<i32>} : memref<128x128xf32, #tpu.memory_space<vmem>>, vector<1x16xf32>,
        %swap3A_1083 = vector.shape_cast %swap3A_1082 : vector<1x16xf32> to vector<16xf32>
        %swap3A_1084 = vector.shape_cast %add3A_1079 : vector<16xf32> to vector<1x16xf32>
        tpu.vector_store %arg9[%swap3A_1080, %swap3A_1081], %swap3A_1084 {strides = array<i32>} : memref<128x128xf32, #tpu.memory_space<vmem>>, vector<1x16xf32>,
        %get3A_1085 = arith.index_cast %add3A_1055 : i32 to index
        %get3A_1086 = arith.constant 16 : index
        %get3A_1087 = tpu.vector_load %arg8[%get3A_1085, %get3A_1086] {strides = array<i32>} : memref<384x128xf32, #tpu.memory_space<vmem>>, vector<1x16xf32>,
        %get3A_1088 = vector.shape_cast %get3A_1087 : vector<1x16xf32> to vector<16xf32>
        %mul3A_1089 = vector.broadcast %squeeze3A_1049 : f32 to vector<16xf32>
        %mul3A_1090 = arith.mulf %mul3A_1089, %get3A_1088 : vector<16xf32>
        %add3A_1091 = arith.constant 128 : i32
        %add3A_1092 = arith.addi %add3A_1091, %add3A_1055 : i32
        %get3A_1093 = arith.index_cast %add3A_1092 : i32 to index
        %get3A_1094 = arith.constant 16 : index
        %get3A_1095 = tpu.vector_load %arg8[%get3A_1093, %get3A_1094] {strides = array<i32>} : memref<384x128xf32, #tpu.memory_space<vmem>>, vector<1x16xf32>,
        %get3A_1096 = vector.shape_cast %get3A_1095 : vector<1x16xf32> to vector<16xf32>
        %mul3A_1097 = vector.broadcast %squeeze3A_1051 : f32 to vector<16xf32>
        %mul3A_1098 = arith.mulf %mul3A_1097, %get3A_1096 : vector<16xf32>
        %add3A_1099 = arith.addf %mul3A_1090, %mul3A_1098 : vector<16xf32>
        %add3A_1100 = arith.constant 256 : i32
        %add3A_1101 = arith.addi %add3A_1100, %add3A_1055 : i32
        %get3A_1102 = arith.index_cast %add3A_1101 : i32 to index
        %get3A_1103 = arith.constant 16 : index
        %get3A_1104 = tpu.vector_load %arg8[%get3A_1102, %get3A_1103] {strides = array<i32>} : memref<384x128xf32, #tpu.memory_space<vmem>>, vector<1x16xf32>,
        %get3A_1105 = vector.shape_cast %get3A_1104 : vector<1x16xf32> to vector<16xf32>
        %mul3A_1106 = vector.broadcast %squeeze3A_1053 : f32 to vector<16xf32>
        %mul3A_1107 = arith.mulf %mul3A_1106, %get3A_1105 : vector<16xf32>
        %add3A_1108 = arith.addf %add3A_1099, %mul3A_1107 : vector<16xf32>
        %swap3A_1109 = arith.index_cast %add3A_1055 : i32 to index
        %swap3A_1110 = arith.constant 16 : index
        %swap3A_1111 = tpu.vector_load %arg9[%swap3A_1109, %swap3A_1110] {strides = array<i32>} : memref<128x128xf32, #tpu.memory_space<vmem>>, vector<1x16xf32>,
        %swap3A_1112 = vector.shape_cast %swap3A_1111 : vector<1x16xf32> to vector<16xf32>
        %swap3A_1113 = vector.shape_cast %add3A_1108 : vector<16xf32> to vector<1x16xf32>
        tpu.vector_store %arg9[%swap3A_1109, %swap3A_1110], %swap3A_1113 {strides = array<i32>} : memref<128x128xf32, #tpu.memory_space<vmem>>, vector<1x16xf32>,
        %get3A_1114 = arith.index_cast %add3A_1055 : i32 to index
        %get3A_1115 = arith.constant 32 : index
        %get3A_1116 = tpu.vector_load %arg8[%get3A_1114, %get3A_1115] {strides = array<i32>} : memref<384x128xf32, #tpu.memory_space<vmem>>, vector<1x16xf32>,
        %get3A_1117 = vector.shape_cast %get3A_1116 : vector<1x16xf32> to vector<16xf32>
        %mul3A_1118 = vector.broadcast %squeeze3A_1049 : f32 to vector<16xf32>
        %mul3A_1119 = arith.mulf %mul3A_1118, %get3A_1117 : vector<16xf32>
        %add3A_1120 = arith.constant 128 : i32
        %add3A_1121 = arith.addi %add3A_1120, %add3A_1055 : i32
        %get3A_1122 = arith.index_cast %add3A_1121 : i32 to index
        %get3A_1123 = arith.constant 32 : index
        %get3A_1124 = tpu.vector_load %arg8[%get3A_1122, %get3A_1123] {strides = array<i32>} : memref<384x128xf32, #tpu.memory_space<vmem>>, vector<1x16xf32>,
        %get3A_1125 = vector.shape_cast %get3A_1124 : vector<1x16xf32> to vector<16xf32>
        %mul3A_1126 = vector.broadcast %squeeze3A_1051 : f32 to vector<16xf32>
        %mul3A_1127 = arith.mulf %mul3A_1126, %get3A_1125 : vector<16xf32>
        %add3A_1128 = arith.addf %mul3A_1119, %mul3A_1127 : vector<16xf32>
        %add3A_1129 = arith.constant 256 : i32
        %add3A_1130 = arith.addi %add3A_1129, %add3A_1055 : i32
        %get3A_1131 = arith.index_cast %add3A_1130 : i32 to index
        %get3A_1132 = arith.constant 32 : index
        %get3A_1133 = tpu.vector_load %arg8[%get3A_1131, %get3A_1132] {strides = array<i32>} : memref<384x128xf32, #tpu.memory_space<vmem>>, vector<1x16xf32>,
        %get3A_1134 = vector.shape_cast %get3A_1133 : vector<1x16xf32> to vector<16xf32>
        %mul3A_1135 = vector.broadcast %squeeze3A_1053 : f32 to vector<16xf32>
        %mul3A_1136 = arith.mulf %mul3A_1135, %get3A_1134 : vector<16xf32>
        %add3A_1137 = arith.addf %add3A_1128, %mul3A_1136 : vector<16xf32>
        %swap3A_1138 = arith.index_cast %add3A_1055 : i32 to index
        %swap3A_1139 = arith.constant 32 : index
        %swap3A_1140 = tpu.vector_load %arg9[%swap3A_1138, %swap3A_1139] {strides = array<i32>} : memref<128x128xf32, #tpu.memory_space<vmem>>, vector<1x16xf32>,
        %swap3A_1141 = vector.shape_cast %swap3A_1140 : vector<1x16xf32> to vector<16xf32>
        %swap3A_1142 = vector.shape_cast %add3A_1137 : vector<16xf32> to vector<1x16xf32>
        tpu.vector_store %arg9[%swap3A_1138, %swap3A_1139], %swap3A_1142 {strides = array<i32>} : memref<128x128xf32, #tpu.memory_space<vmem>>, vector<1x16xf32>,
        %get3A_1143 = arith.index_cast %add3A_1055 : i32 to index
        %get3A_1144 = arith.constant 48 : index
        %get3A_1145 = tpu.vector_load %arg8[%get3A_1143, %get3A_1144] {strides = array<i32>} : memref<384x128xf32, #tpu.memory_space<vmem>>, vector<1x16xf32>,
        %get3A_1146 = vector.shape_cast %get3A_1145 : vector<1x16xf32> to vector<16xf32>
        %mul3A_1147 = vector.broadcast %squeeze3A_1049 : f32 to vector<16xf32>
        %mul3A_1148 = arith.mulf %mul3A_1147, %get3A_1146 : vector<16xf32>
        %add3A_1149 = arith.constant 128 : i32
        %add3A_1150 = arith.addi %add3A_1149, %add3A_1055 : i32
        %get3A_1151 = arith.index_cast %add3A_1150 : i32 to index
        %get3A_1152 = arith.constant 48 : index
        %get3A_1153 = tpu.vector_load %arg8[%get3A_1151, %get3A_1152] {strides = array<i32>} : memref<384x128xf32, #tpu.memory_space<vmem>>, vector<1x16xf32>,
        %get3A_1154 = vector.shape_cast %get3A_1153 : vector<1x16xf32> to vector<16xf32>
        %mul3A_1155 = vector.broadcast %squeeze3A_1051 : f32 to vector<16xf32>
        %mul3A_1156 = arith.mulf %mul3A_1155, %get3A_1154 : vector<16xf32>
        %add3A_1157 = arith.addf %mul3A_1148, %mul3A_1156 : vector<16xf32>
        %add3A_1158 = arith.constant 256 : i32
        %add3A_1159 = arith.addi %add3A_1158, %add3A_1055 : i32
        %get3A_1160 = arith.index_cast %add3A_1159 : i32 to index
        %get3A_1161 = arith.constant 48 : index
        %get3A_1162 = tpu.vector_load %arg8[%get3A_1160, %get3A_1161] {strides = array<i32>} : memref<384x128xf32, #tpu.memory_space<vmem>>, vector<1x16xf32>,
        %get3A_1163 = vector.shape_cast %get3A_1162 : vector<1x16xf32> to vector<16xf32>
        %mul3A_1164 = vector.broadcast %squeeze3A_1053 : f32 to vector<16xf32>
        %mul3A_1165 = arith.mulf %mul3A_1164, %get3A_1163 : vector<16xf32>
        %add3A_1166 = arith.addf %add3A_1157, %mul3A_1165 : vector<16xf32>
        %swap3A_1167 = arith.index_cast %add3A_1055 : i32 to index
        %swap3A_1168 = arith.constant 48 : index
        %swap3A_1169 = tpu.vector_load %arg9[%swap3A_1167, %swap3A_1168] {strides = array<i32>} : memref<128x128xf32, #tpu.memory_space<vmem>>, vector<1x16xf32>,
        %swap3A_1170 = vector.shape_cast %swap3A_1169 : vector<1x16xf32> to vector<16xf32>
        %swap3A_1171 = vector.shape_cast %add3A_1166 : vector<16xf32> to vector<1x16xf32>
        tpu.vector_store %arg9[%swap3A_1167, %swap3A_1168], %swap3A_1171 {strides = array<i32>} : memref<128x128xf32, #tpu.memory_space<vmem>>, vector<1x16xf32>,
        %get3A_1172 = arith.index_cast %add3A_1055 : i32 to index
        %get3A_1173 = arith.constant 64 : index
        %get3A_1174 = tpu.vector_load %arg8[%get3A_1172, %get3A_1173] {strides = array<i32>} : memref<384x128xf32, #tpu.memory_space<vmem>>, vector<1x16xf32>,
        %get3A_1175 = vector.shape_cast %get3A_1174 : vector<1x16xf32> to vector<16xf32>
        %mul3A_1176 = vector.broadcast %squeeze3A_1049 : f32 to vector<16xf32>
        %mul3A_1177 = arith.mulf %mul3A_1176, %get3A_1175 : vector<16xf32>
        %add3A_1178 = arith.constant 128 : i32
        %add3A_1179 = arith.addi %add3A_1178, %add3A_1055 : i32
        %get3A_1180 = arith.index_cast %add3A_1179 : i32 to index
        %get3A_1181 = arith.constant 64 : index
        %get3A_1182 = tpu.vector_load %arg8[%get3A_1180, %get3A_1181] {strides = array<i32>} : memref<384x128xf32, #tpu.memory_space<vmem>>, vector<1x16xf32>,
        %get3A_1183 = vector.shape_cast %get3A_1182 : vector<1x16xf32> to vector<16xf32>
        %mul3A_1184 = vector.broadcast %squeeze3A_1051 : f32 to vector<16xf32>
        %mul3A_1185 = arith.mulf %mul3A_1184, %get3A_1183 : vector<16xf32>
        %add3A_1186 = arith.addf %mul3A_1177, %mul3A_1185 : vector<16xf32>
        %add3A_1187 = arith.constant 256 : i32
        %add3A_1188 = arith.addi %add3A_1187, %add3A_1055 : i32
        %get3A_1189 = arith.index_cast %add3A_1188 : i32 to index
        %get3A_1190 = arith.constant 64 : index
        %get3A_1191 = tpu.vector_load %arg8[%get3A_1189, %get3A_1190] {strides = array<i32>} : memref<384x128xf32, #tpu.memory_space<vmem>>, vector<1x16xf32>,
        %get3A_1192 = vector.shape_cast %get3A_1191 : vector<1x16xf32> to vector<16xf32>
        %mul3A_1193 = vector.broadcast %squeeze3A_1053 : f32 to vector<16xf32>
        %mul3A_1194 = arith.mulf %mul3A_1193, %get3A_1192 : vector<16xf32>
        %add3A_1195 = arith.addf %add3A_1186, %mul3A_1194 : vector<16xf32>
        %swap3A_1196 = arith.index_cast %add3A_1055 : i32 to index
        %swap3A_1197 = arith.constant 64 : index
        %swap3A_1198 = tpu.vector_load %arg9[%swap3A_1196, %swap3A_1197] {strides = array<i32>} : memref<128x128xf32, #tpu.memory_space<vmem>>, vector<1x16xf32>,
        %swap3A_1199 = vector.shape_cast %swap3A_1198 : vector<1x16xf32> to vector<16xf32>
        %swap3A_1200 = vector.shape_cast %add3A_1195 : vector<16xf32> to vector<1x16xf32>
        tpu.vector_store %arg9[%swap3A_1196, %swap3A_1197], %swap3A_1200 {strides = array<i32>} : memref<128x128xf32, #tpu.memory_space<vmem>>, vector<1x16xf32>,
        %get3A_1201 = arith.index_cast %add3A_1055 : i32 to index
        %get3A_1202 = arith.constant 80 : index
        %get3A_1203 = tpu.vector_load %arg8[%get3A_1201, %get3A_1202] {strides = array<i32>} : memref<384x128xf32, #tpu.memory_space<vmem>>, vector<1x16xf32>,
        %get3A_1204 = vector.shape_cast %get3A_1203 : vector<1x16xf32> to vector<16xf32>
        %mul3A_1205 = vector.broadcast %squeeze3A_1049 : f32 to vector<16xf32>
        %mul3A_1206 = arith.mulf %mul3A_1205, %get3A_1204 : vector<16xf32>
        %add3A_1207 = arith.constant 128 : i32
        %add3A_1208 = arith.addi %add3A_1207, %add3A_1055 : i32
        %get3A_1209 = arith.index_cast %add3A_1208 : i32 to index
        %get3A_1210 = arith.constant 80 : index
        %get3A_1211 = tpu.vector_load %arg8[%get3A_1209, %get3A_1210] {strides = array<i32>} : memref<384x128xf32, #tpu.memory_space<vmem>>, vector<1x16xf32>,
        %get3A_1212 = vector.shape_cast %get3A_1211 : vector<1x16xf32> to vector<16xf32>
        %mul3A_1213 = vector.broadcast %squeeze3A_1051 : f32 to vector<16xf32>
        %mul3A_1214 = arith.mulf %mul3A_1213, %get3A_1212 : vector<16xf32>
        %add3A_1215 = arith.addf %mul3A_1206, %mul3A_1214 : vector<16xf32>
        %add3A_1216 = arith.constant 256 : i32
        %add3A_1217 = arith.addi %add3A_1216, %add3A_1055 : i32
        %get3A_1218 = arith.index_cast %add3A_1217 : i32 to index
        %get3A_1219 = arith.constant 80 : index
        %get3A_1220 = tpu.vector_load %arg8[%get3A_1218, %get3A_1219] {strides = array<i32>} : memref<384x128xf32, #tpu.memory_space<vmem>>, vector<1x16xf32>,
        %get3A_1221 = vector.shape_cast %get3A_1220 : vector<1x16xf32> to vector<16xf32>
        %mul3A_1222 = vector.broadcast %squeeze3A_1053 : f32 to vector<16xf32>
        %mul3A_1223 = arith.mulf %mul3A_1222, %get3A_1221 : vector<16xf32>
        %add3A_1224 = arith.addf %add3A_1215, %mul3A_1223 : vector<16xf32>
        %swap3A_1225 = arith.index_cast %add3A_1055 : i32 to index
        %swap3A_1226 = arith.constant 80 : index
        %swap3A_1227 = tpu.vector_load %arg9[%swap3A_1225, %swap3A_1226] {strides = array<i32>} : memref<128x128xf32, #tpu.memory_space<vmem>>, vector<1x16xf32>,
        %swap3A_1228 = vector.shape_cast %swap3A_1227 : vector<1x16xf32> to vector<16xf32>
        %swap3A_1229 = vector.shape_cast %add3A_1224 : vector<16xf32> to vector<1x16xf32>
        tpu.vector_store %arg9[%swap3A_1225, %swap3A_1226], %swap3A_1229 {strides = array<i32>} : memref<128x128xf32, #tpu.memory_space<vmem>>, vector<1x16xf32>,
        %get3A_1230 = arith.index_cast %add3A_1055 : i32 to index
        %get3A_1231 = arith.constant 96 : index
        %get3A_1232 = tpu.vector_load %arg8[%get3A_1230, %get3A_1231] {strides = array<i32>} : memref<384x128xf32, #tpu.memory_space<vmem>>, vector<1x16xf32>,
        %get3A_1233 = vector.shape_cast %get3A_1232 : vector<1x16xf32> to vector<16xf32>
        %mul3A_1234 = vector.broadcast %squeeze3A_1049 : f32 to vector<16xf32>
        %mul3A_1235 = arith.mulf %mul3A_1234, %get3A_1233 : vector<16xf32>
        %add3A_1236 = arith.constant 128 : i32
        %add3A_1237 = arith.addi %add3A_1236, %add3A_1055 : i32
        %get3A_1238 = arith.index_cast %add3A_1237 : i32 to index
        %get3A_1239 = arith.constant 96 : index
        %get3A_1240 = tpu.vector_load %arg8[%get3A_1238, %get3A_1239] {strides = array<i32>} : memref<384x128xf32, #tpu.memory_space<vmem>>, vector<1x16xf32>,
        %get3A_1241 = vector.shape_cast %get3A_1240 : vector<1x16xf32> to vector<16xf32>
        %mul3A_1242 = vector.broadcast %squeeze3A_1051 : f32 to vector<16xf32>
        %mul3A_1243 = arith.mulf %mul3A_1242, %get3A_1241 : vector<16xf32>
        %add3A_1244 = arith.addf %mul3A_1235, %mul3A_1243 : vector<16xf32>
        %add3A_1245 = arith.constant 256 : i32
        %add3A_1246 = arith.addi %add3A_1245, %add3A_1055 : i32
        %get3A_1247 = arith.index_cast %add3A_1246 : i32 to index
        %get3A_1248 = arith.constant 96 : index
        %get3A_1249 = tpu.vector_load %arg8[%get3A_1247, %get3A_1248] {strides = array<i32>} : memref<384x128xf32, #tpu.memory_space<vmem>>, vector<1x16xf32>,
        %get3A_1250 = vector.shape_cast %get3A_1249 : vector<1x16xf32> to vector<16xf32>
        %mul3A_1251 = vector.broadcast %squeeze3A_1053 : f32 to vector<16xf32>
        %mul3A_1252 = arith.mulf %mul3A_1251, %get3A_1250 : vector<16xf32>
        %add3A_1253 = arith.addf %add3A_1244, %mul3A_1252 : vector<16xf32>
        %swap3A_1254 = arith.index_cast %add3A_1055 : i32 to index
        %swap3A_1255 = arith.constant 96 : index
        %swap3A_1256 = tpu.vector_load %arg9[%swap3A_1254, %swap3A_1255] {strides = array<i32>} : memref<128x128xf32, #tpu.memory_space<vmem>>, vector<1x16xf32>,
        %swap3A_1257 = vector.shape_cast %swap3A_1256 : vector<1x16xf32> to vector<16xf32>
        %swap3A_1258 = vector.shape_cast %add3A_1253 : vector<16xf32> to vector<1x16xf32>
        tpu.vector_store %arg9[%swap3A_1254, %swap3A_1255], %swap3A_1258 {strides = array<i32>} : memref<128x128xf32, #tpu.memory_space<vmem>>, vector<1x16xf32>,
        %get3A_1259 = arith.index_cast %add3A_1055 : i32 to index
        %get3A_1260 = arith.constant 112 : index
        %get3A_1261 = tpu.vector_load %arg8[%get3A_1259, %get3A_1260] {strides = array<i32>} : memref<384x128xf32, #tpu.memory_space<vmem>>, vector<1x16xf32>,
        %get3A_1262 = vector.shape_cast %get3A_1261 : vector<1x16xf32> to vector<16xf32>
        %mul3A_1263 = vector.broadcast %squeeze3A_1049 : f32 to vector<16xf32>
        %mul3A_1264 = arith.mulf %mul3A_1263, %get3A_1262 : vector<16xf32>
        %add3A_1265 = arith.constant 128 : i32
        %add3A_1266 = arith.addi %add3A_1265, %add3A_1055 : i32
        %get3A_1267 = arith.index_cast %add3A_1266 : i32 to index
        %get3A_1268 = arith.constant 112 : index
        %get3A_1269 = tpu.vector_load %arg8[%get3A_1267, %get3A_1268] {strides = array<i32>} : memref<384x128xf32, #tpu.memory_space<vmem>>, vector<1x16xf32>,
        %get3A_1270 = vector.shape_cast %get3A_1269 : vector<1x16xf32> to vector<16xf32>
        %mul3A_1271 = vector.broadcast %squeeze3A_1051 : f32 to vector<16xf32>
        %mul3A_1272 = arith.mulf %mul3A_1271, %get3A_1270 : vector<16xf32>
        %add3A_1273 = arith.addf %mul3A_1264, %mul3A_1272 : vector<16xf32>
        %add3A_1274 = arith.constant 256 : i32
        %add3A_1275 = arith.addi %add3A_1274, %add3A_1055 : i32
        %get3A_1276 = arith.index_cast %add3A_1275 : i32 to index
        %get3A_1277 = arith.constant 112 : index
        %get3A_1278 = tpu.vector_load %arg8[%get3A_1276, %get3A_1277] {strides = array<i32>} : memref<384x128xf32, #tpu.memory_space<vmem>>, vector<1x16xf32>,
        %get3A_1279 = vector.shape_cast %get3A_1278 : vector<1x16xf32> to vector<16xf32>
        %mul3A_1280 = vector.broadcast %squeeze3A_1053 : f32 to vector<16xf32>
        %mul3A_1281 = arith.mulf %mul3A_1280, %get3A_1279 : vector<16xf32>
        %add3A_1282 = arith.addf %add3A_1273, %mul3A_1281 : vector<16xf32>
        %swap3A_1283 = arith.index_cast %add3A_1055 : i32 to index
        %swap3A_1284 = arith.constant 112 : index
        %swap3A_1285 = tpu.vector_load %arg9[%swap3A_1283, %swap3A_1284] {strides = array<i32>} : memref<128x128xf32, #tpu.memory_space<vmem>>, vector<1x16xf32>,
        %swap3A_1286 = vector.shape_cast %swap3A_1285 : vector<1x16xf32> to vector<16xf32>
        %swap3A_1287 = vector.shape_cast %add3A_1282 : vector<16xf32> to vector<1x16xf32>
        tpu.vector_store %arg9[%swap3A_1283, %swap3A_1284], %swap3A_1287 {strides = array<i32>} : memref<128x128xf32, #tpu.memory_space<vmem>>, vector<1x16xf32>,
        %slice3A_1288 = vector.extract_strided_slice %get3A_80 {offsets = [5], sizes = [1], strides = [1]} : vector<16xf32> to vector<1xf32>
        %squeeze3A_1289 = vector.extract %slice3A_1288[0] : f32 from vector<1xf32>
        %slice3A_1290 = vector.extract_strided_slice %get3A_85 {offsets = [5], sizes = [1], strides = [1]} : vector<16xf32> to vector<1xf32>
        %squeeze3A_1291 = vector.extract %slice3A_1290[0] : f32 from vector<1xf32>
        %slice3A_1292 = vector.extract_strided_slice %get3A_90 {offsets = [5], sizes = [1], strides = [1]} : vector<16xf32> to vector<1xf32>
        %squeeze3A_1293 = vector.extract %slice3A_1292[0] : f32 from vector<1xf32>
        %add3A_1294 = arith.constant 5 : i32
        %add3A_1295 = arith.addi %mul3A_78, %add3A_1294 : i32
        %get3A_1296 = arith.index_cast %add3A_1295 : i32 to index
        %get3A_1297 = arith.constant 0 : index
        %get3A_1298 = tpu.vector_load %arg8[%get3A_1296, %get3A_1297] {strides = array<i32>} : memref<384x128xf32, #tpu.memory_space<vmem>>, vector<1x16xf32>,
        %get3A_1299 = vector.shape_cast %get3A_1298 : vector<1x16xf32> to vector<16xf32>
        %mul3A_1300 = vector.broadcast %squeeze3A_1289 : f32 to vector<16xf32>
        %mul3A_1301 = arith.mulf %mul3A_1300, %get3A_1299 : vector<16xf32>
        %add3A_1302 = arith.constant 128 : i32
        %add3A_1303 = arith.addi %add3A_1302, %add3A_1295 : i32
        %get3A_1304 = arith.index_cast %add3A_1303 : i32 to index
        %get3A_1305 = arith.constant 0 : index
        %get3A_1306 = tpu.vector_load %arg8[%get3A_1304, %get3A_1305] {strides = array<i32>} : memref<384x128xf32, #tpu.memory_space<vmem>>, vector<1x16xf32>,
        %get3A_1307 = vector.shape_cast %get3A_1306 : vector<1x16xf32> to vector<16xf32>
        %mul3A_1308 = vector.broadcast %squeeze3A_1291 : f32 to vector<16xf32>
        %mul3A_1309 = arith.mulf %mul3A_1308, %get3A_1307 : vector<16xf32>
        %add3A_1310 = arith.addf %mul3A_1301, %mul3A_1309 : vector<16xf32>
        %add3A_1311 = arith.constant 256 : i32
        %add3A_1312 = arith.addi %add3A_1311, %add3A_1295 : i32
        %get3A_1313 = arith.index_cast %add3A_1312 : i32 to index
        %get3A_1314 = arith.constant 0 : index
        %get3A_1315 = tpu.vector_load %arg8[%get3A_1313, %get3A_1314] {strides = array<i32>} : memref<384x128xf32, #tpu.memory_space<vmem>>, vector<1x16xf32>,
        %get3A_1316 = vector.shape_cast %get3A_1315 : vector<1x16xf32> to vector<16xf32>
        %mul3A_1317 = vector.broadcast %squeeze3A_1293 : f32 to vector<16xf32>
        %mul3A_1318 = arith.mulf %mul3A_1317, %get3A_1316 : vector<16xf32>
        %add3A_1319 = arith.addf %add3A_1310, %mul3A_1318 : vector<16xf32>
        %swap3A_1320 = arith.index_cast %add3A_1295 : i32 to index
        %swap3A_1321 = arith.constant 0 : index
        %swap3A_1322 = tpu.vector_load %arg9[%swap3A_1320, %swap3A_1321] {strides = array<i32>} : memref<128x128xf32, #tpu.memory_space<vmem>>, vector<1x16xf32>,
        %swap3A_1323 = vector.shape_cast %swap3A_1322 : vector<1x16xf32> to vector<16xf32>
        %swap3A_1324 = vector.shape_cast %add3A_1319 : vector<16xf32> to vector<1x16xf32>
        tpu.vector_store %arg9[%swap3A_1320, %swap3A_1321], %swap3A_1324 {strides = array<i32>} : memref<128x128xf32, #tpu.memory_space<vmem>>, vector<1x16xf32>,
        %get3A_1325 = arith.index_cast %add3A_1295 : i32 to index
        %get3A_1326 = arith.constant 16 : index
        %get3A_1327 = tpu.vector_load %arg8[%get3A_1325, %get3A_1326] {strides = array<i32>} : memref<384x128xf32, #tpu.memory_space<vmem>>, vector<1x16xf32>,
        %get3A_1328 = vector.shape_cast %get3A_1327 : vector<1x16xf32> to vector<16xf32>
        %mul3A_1329 = vector.broadcast %squeeze3A_1289 : f32 to vector<16xf32>
        %mul3A_1330 = arith.mulf %mul3A_1329, %get3A_1328 : vector<16xf32>
        %add3A_1331 = arith.constant 128 : i32
        %add3A_1332 = arith.addi %add3A_1331, %add3A_1295 : i32
        %get3A_1333 = arith.index_cast %add3A_1332 : i32 to index
        %get3A_1334 = arith.constant 16 : index
        %get3A_1335 = tpu.vector_load %arg8[%get3A_1333, %get3A_1334] {strides = array<i32>} : memref<384x128xf32, #tpu.memory_space<vmem>>, vector<1x16xf32>,
        %get3A_1336 = vector.shape_cast %get3A_1335 : vector<1x16xf32> to vector<16xf32>
        %mul3A_1337 = vector.broadcast %squeeze3A_1291 : f32 to vector<16xf32>
        %mul3A_1338 = arith.mulf %mul3A_1337, %get3A_1336 : vector<16xf32>
        %add3A_1339 = arith.addf %mul3A_1330, %mul3A_1338 : vector<16xf32>
        %add3A_1340 = arith.constant 256 : i32
        %add3A_1341 = arith.addi %add3A_1340, %add3A_1295 : i32
        %get3A_1342 = arith.index_cast %add3A_1341 : i32 to index
        %get3A_1343 = arith.constant 16 : index
        %get3A_1344 = tpu.vector_load %arg8[%get3A_1342, %get3A_1343] {strides = array<i32>} : memref<384x128xf32, #tpu.memory_space<vmem>>, vector<1x16xf32>,
        %get3A_1345 = vector.shape_cast %get3A_1344 : vector<1x16xf32> to vector<16xf32>
        %mul3A_1346 = vector.broadcast %squeeze3A_1293 : f32 to vector<16xf32>
        %mul3A_1347 = arith.mulf %mul3A_1346, %get3A_1345 : vector<16xf32>
        %add3A_1348 = arith.addf %add3A_1339, %mul3A_1347 : vector<16xf32>
        %swap3A_1349 = arith.index_cast %add3A_1295 : i32 to index
        %swap3A_1350 = arith.constant 16 : index
        %swap3A_1351 = tpu.vector_load %arg9[%swap3A_1349, %swap3A_1350] {strides = array<i32>} : memref<128x128xf32, #tpu.memory_space<vmem>>, vector<1x16xf32>,
        %swap3A_1352 = vector.shape_cast %swap3A_1351 : vector<1x16xf32> to vector<16xf32>
        %swap3A_1353 = vector.shape_cast %add3A_1348 : vector<16xf32> to vector<1x16xf32>
        tpu.vector_store %arg9[%swap3A_1349, %swap3A_1350], %swap3A_1353 {strides = array<i32>} : memref<128x128xf32, #tpu.memory_space<vmem>>, vector<1x16xf32>,
        %get3A_1354 = arith.index_cast %add3A_1295 : i32 to index
        %get3A_1355 = arith.constant 32 : index
        %get3A_1356 = tpu.vector_load %arg8[%get3A_1354, %get3A_1355] {strides = array<i32>} : memref<384x128xf32, #tpu.memory_space<vmem>>, vector<1x16xf32>,
        %get3A_1357 = vector.shape_cast %get3A_1356 : vector<1x16xf32> to vector<16xf32>
        %mul3A_1358 = vector.broadcast %squeeze3A_1289 : f32 to vector<16xf32>
        %mul3A_1359 = arith.mulf %mul3A_1358, %get3A_1357 : vector<16xf32>
        %add3A_1360 = arith.constant 128 : i32
        %add3A_1361 = arith.addi %add3A_1360, %add3A_1295 : i32
        %get3A_1362 = arith.index_cast %add3A_1361 : i32 to index
        %get3A_1363 = arith.constant 32 : index
        %get3A_1364 = tpu.vector_load %arg8[%get3A_1362, %get3A_1363] {strides = array<i32>} : memref<384x128xf32, #tpu.memory_space<vmem>>, vector<1x16xf32>,
        %get3A_1365 = vector.shape_cast %get3A_1364 : vector<1x16xf32> to vector<16xf32>
        %mul3A_1366 = vector.broadcast %squeeze3A_1291 : f32 to vector<16xf32>
        %mul3A_1367 = arith.mulf %mul3A_1366, %get3A_1365 : vector<16xf32>
        %add3A_1368 = arith.addf %mul3A_1359, %mul3A_1367 : vector<16xf32>
        %add3A_1369 = arith.constant 256 : i32
        %add3A_1370 = arith.addi %add3A_1369, %add3A_1295 : i32
        %get3A_1371 = arith.index_cast %add3A_1370 : i32 to index
        %get3A_1372 = arith.constant 32 : index
        %get3A_1373 = tpu.vector_load %arg8[%get3A_1371, %get3A_1372] {strides = array<i32>} : memref<384x128xf32, #tpu.memory_space<vmem>>, vector<1x16xf32>,
        %get3A_1374 = vector.shape_cast %get3A_1373 : vector<1x16xf32> to vector<16xf32>
        %mul3A_1375 = vector.broadcast %squeeze3A_1293 : f32 to vector<16xf32>
        %mul3A_1376 = arith.mulf %mul3A_1375, %get3A_1374 : vector<16xf32>
        %add3A_1377 = arith.addf %add3A_1368, %mul3A_1376 : vector<16xf32>
        %swap3A_1378 = arith.index_cast %add3A_1295 : i32 to index
        %swap3A_1379 = arith.constant 32 : index
        %swap3A_1380 = tpu.vector_load %arg9[%swap3A_1378, %swap3A_1379] {strides = array<i32>} : memref<128x128xf32, #tpu.memory_space<vmem>>, vector<1x16xf32>,
        %swap3A_1381 = vector.shape_cast %swap3A_1380 : vector<1x16xf32> to vector<16xf32>
        %swap3A_1382 = vector.shape_cast %add3A_1377 : vector<16xf32> to vector<1x16xf32>
        tpu.vector_store %arg9[%swap3A_1378, %swap3A_1379], %swap3A_1382 {strides = array<i32>} : memref<128x128xf32, #tpu.memory_space<vmem>>, vector<1x16xf32>,
        %get3A_1383 = arith.index_cast %add3A_1295 : i32 to index
        %get3A_1384 = arith.constant 48 : index
        %get3A_1385 = tpu.vector_load %arg8[%get3A_1383, %get3A_1384] {strides = array<i32>} : memref<384x128xf32, #tpu.memory_space<vmem>>, vector<1x16xf32>,
        %get3A_1386 = vector.shape_cast %get3A_1385 : vector<1x16xf32> to vector<16xf32>
        %mul3A_1387 = vector.broadcast %squeeze3A_1289 : f32 to vector<16xf32>
        %mul3A_1388 = arith.mulf %mul3A_1387, %get3A_1386 : vector<16xf32>
        %add3A_1389 = arith.constant 128 : i32
        %add3A_1390 = arith.addi %add3A_1389, %add3A_1295 : i32
        %get3A_1391 = arith.index_cast %add3A_1390 : i32 to index
        %get3A_1392 = arith.constant 48 : index
        %get3A_1393 = tpu.vector_load %arg8[%get3A_1391, %get3A_1392] {strides = array<i32>} : memref<384x128xf32, #tpu.memory_space<vmem>>, vector<1x16xf32>,
        %get3A_1394 = vector.shape_cast %get3A_1393 : vector<1x16xf32> to vector<16xf32>
        %mul3A_1395 = vector.broadcast %squeeze3A_1291 : f32 to vector<16xf32>
        %mul3A_1396 = arith.mulf %mul3A_1395, %get3A_1394 : vector<16xf32>
        %add3A_1397 = arith.addf %mul3A_1388, %mul3A_1396 : vector<16xf32>
        %add3A_1398 = arith.constant 256 : i32
        %add3A_1399 = arith.addi %add3A_1398, %add3A_1295 : i32
        %get3A_1400 = arith.index_cast %add3A_1399 : i32 to index
        %get3A_1401 = arith.constant 48 : index
        %get3A_1402 = tpu.vector_load %arg8[%get3A_1400, %get3A_1401] {strides = array<i32>} : memref<384x128xf32, #tpu.memory_space<vmem>>, vector<1x16xf32>,
        %get3A_1403 = vector.shape_cast %get3A_1402 : vector<1x16xf32> to vector<16xf32>
        %mul3A_1404 = vector.broadcast %squeeze3A_1293 : f32 to vector<16xf32>
        %mul3A_1405 = arith.mulf %mul3A_1404, %get3A_1403 : vector<16xf32>
        %add3A_1406 = arith.addf %add3A_1397, %mul3A_1405 : vector<16xf32>
        %swap3A_1407 = arith.index_cast %add3A_1295 : i32 to index
        %swap3A_1408 = arith.constant 48 : index
        %swap3A_1409 = tpu.vector_load %arg9[%swap3A_1407, %swap3A_1408] {strides = array<i32>} : memref<128x128xf32, #tpu.memory_space<vmem>>, vector<1x16xf32>,
        %swap3A_1410 = vector.shape_cast %swap3A_1409 : vector<1x16xf32> to vector<16xf32>
        %swap3A_1411 = vector.shape_cast %add3A_1406 : vector<16xf32> to vector<1x16xf32>
        tpu.vector_store %arg9[%swap3A_1407, %swap3A_1408], %swap3A_1411 {strides = array<i32>} : memref<128x128xf32, #tpu.memory_space<vmem>>, vector<1x16xf32>,
        %get3A_1412 = arith.index_cast %add3A_1295 : i32 to index
        %get3A_1413 = arith.constant 64 : index
        %get3A_1414 = tpu.vector_load %arg8[%get3A_1412, %get3A_1413] {strides = array<i32>} : memref<384x128xf32, #tpu.memory_space<vmem>>, vector<1x16xf32>,
        %get3A_1415 = vector.shape_cast %get3A_1414 : vector<1x16xf32> to vector<16xf32>
        %mul3A_1416 = vector.broadcast %squeeze3A_1289 : f32 to vector<16xf32>
        %mul3A_1417 = arith.mulf %mul3A_1416, %get3A_1415 : vector<16xf32>
        %add3A_1418 = arith.constant 128 : i32
        %add3A_1419 = arith.addi %add3A_1418, %add3A_1295 : i32
        %get3A_1420 = arith.index_cast %add3A_1419 : i32 to index
        %get3A_1421 = arith.constant 64 : index
        %get3A_1422 = tpu.vector_load %arg8[%get3A_1420, %get3A_1421] {strides = array<i32>} : memref<384x128xf32, #tpu.memory_space<vmem>>, vector<1x16xf32>,
        %get3A_1423 = vector.shape_cast %get3A_1422 : vector<1x16xf32> to vector<16xf32>
        %mul3A_1424 = vector.broadcast %squeeze3A_1291 : f32 to vector<16xf32>
        %mul3A_1425 = arith.mulf %mul3A_1424, %get3A_1423 : vector<16xf32>
        %add3A_1426 = arith.addf %mul3A_1417, %mul3A_1425 : vector<16xf32>
        %add3A_1427 = arith.constant 256 : i32
        %add3A_1428 = arith.addi %add3A_1427, %add3A_1295 : i32
        %get3A_1429 = arith.index_cast %add3A_1428 : i32 to index
        %get3A_1430 = arith.constant 64 : index
        %get3A_1431 = tpu.vector_load %arg8[%get3A_1429, %get3A_1430] {strides = array<i32>} : memref<384x128xf32, #tpu.memory_space<vmem>>, vector<1x16xf32>,
        %get3A_1432 = vector.shape_cast %get3A_1431 : vector<1x16xf32> to vector<16xf32>
        %mul3A_1433 = vector.broadcast %squeeze3A_1293 : f32 to vector<16xf32>
        %mul3A_1434 = arith.mulf %mul3A_1433, %get3A_1432 : vector<16xf32>
        %add3A_1435 = arith.addf %add3A_1426, %mul3A_1434 : vector<16xf32>
        %swap3A_1436 = arith.index_cast %add3A_1295 : i32 to index
        %swap3A_1437 = arith.constant 64 : index
        %swap3A_1438 = tpu.vector_load %arg9[%swap3A_1436, %swap3A_1437] {strides = array<i32>} : memref<128x128xf32, #tpu.memory_space<vmem>>, vector<1x16xf32>,
        %swap3A_1439 = vector.shape_cast %swap3A_1438 : vector<1x16xf32> to vector<16xf32>
        %swap3A_1440 = vector.shape_cast %add3A_1435 : vector<16xf32> to vector<1x16xf32>
        tpu.vector_store %arg9[%swap3A_1436, %swap3A_1437], %swap3A_1440 {strides = array<i32>} : memref<128x128xf32, #tpu.memory_space<vmem>>, vector<1x16xf32>,
        %get3A_1441 = arith.index_cast %add3A_1295 : i32 to index
        %get3A_1442 = arith.constant 80 : index
        %get3A_1443 = tpu.vector_load %arg8[%get3A_1441, %get3A_1442] {strides = array<i32>} : memref<384x128xf32, #tpu.memory_space<vmem>>, vector<1x16xf32>,
        %get3A_1444 = vector.shape_cast %get3A_1443 : vector<1x16xf32> to vector<16xf32>
        %mul3A_1445 = vector.broadcast %squeeze3A_1289 : f32 to vector<16xf32>
        %mul3A_1446 = arith.mulf %mul3A_1445, %get3A_1444 : vector<16xf32>
        %add3A_1447 = arith.constant 128 : i32
        %add3A_1448 = arith.addi %add3A_1447, %add3A_1295 : i32
        %get3A_1449 = arith.index_cast %add3A_1448 : i32 to index
        %get3A_1450 = arith.constant 80 : index
        %get3A_1451 = tpu.vector_load %arg8[%get3A_1449, %get3A_1450] {strides = array<i32>} : memref<384x128xf32, #tpu.memory_space<vmem>>, vector<1x16xf32>,
        %get3A_1452 = vector.shape_cast %get3A_1451 : vector<1x16xf32> to vector<16xf32>
        %mul3A_1453 = vector.broadcast %squeeze3A_1291 : f32 to vector<16xf32>
        %mul3A_1454 = arith.mulf %mul3A_1453, %get3A_1452 : vector<16xf32>
        %add3A_1455 = arith.addf %mul3A_1446, %mul3A_1454 : vector<16xf32>
        %add3A_1456 = arith.constant 256 : i32
        %add3A_1457 = arith.addi %add3A_1456, %add3A_1295 : i32
        %get3A_1458 = arith.index_cast %add3A_1457 : i32 to index
        %get3A_1459 = arith.constant 80 : index
        %get3A_1460 = tpu.vector_load %arg8[%get3A_1458, %get3A_1459] {strides = array<i32>} : memref<384x128xf32, #tpu.memory_space<vmem>>, vector<1x16xf32>,
        %get3A_1461 = vector.shape_cast %get3A_1460 : vector<1x16xf32> to vector<16xf32>
        %mul3A_1462 = vector.broadcast %squeeze3A_1293 : f32 to vector<16xf32>
        %mul3A_1463 = arith.mulf %mul3A_1462, %get3A_1461 : vector<16xf32>
        %add3A_1464 = arith.addf %add3A_1455, %mul3A_1463 : vector<16xf32>
        %swap3A_1465 = arith.index_cast %add3A_1295 : i32 to index
        %swap3A_1466 = arith.constant 80 : index
        %swap3A_1467 = tpu.vector_load %arg9[%swap3A_1465, %swap3A_1466] {strides = array<i32>} : memref<128x128xf32, #tpu.memory_space<vmem>>, vector<1x16xf32>,
        %swap3A_1468 = vector.shape_cast %swap3A_1467 : vector<1x16xf32> to vector<16xf32>
        %swap3A_1469 = vector.shape_cast %add3A_1464 : vector<16xf32> to vector<1x16xf32>
        tpu.vector_store %arg9[%swap3A_1465, %swap3A_1466], %swap3A_1469 {strides = array<i32>} : memref<128x128xf32, #tpu.memory_space<vmem>>, vector<1x16xf32>,
        %get3A_1470 = arith.index_cast %add3A_1295 : i32 to index
        %get3A_1471 = arith.constant 96 : index
        %get3A_1472 = tpu.vector_load %arg8[%get3A_1470, %get3A_1471] {strides = array<i32>} : memref<384x128xf32, #tpu.memory_space<vmem>>, vector<1x16xf32>,
        %get3A_1473 = vector.shape_cast %get3A_1472 : vector<1x16xf32> to vector<16xf32>
        %mul3A_1474 = vector.broadcast %squeeze3A_1289 : f32 to vector<16xf32>
        %mul3A_1475 = arith.mulf %mul3A_1474, %get3A_1473 : vector<16xf32>
        %add3A_1476 = arith.constant 128 : i32
        %add3A_1477 = arith.addi %add3A_1476, %add3A_1295 : i32
        %get3A_1478 = arith.index_cast %add3A_1477 : i32 to index
        %get3A_1479 = arith.constant 96 : index
        %get3A_1480 = tpu.vector_load %arg8[%get3A_1478, %get3A_1479] {strides = array<i32>} : memref<384x128xf32, #tpu.memory_space<vmem>>, vector<1x16xf32>,
        %get3A_1481 = vector.shape_cast %get3A_1480 : vector<1x16xf32> to vector<16xf32>
        %mul3A_1482 = vector.broadcast %squeeze3A_1291 : f32 to vector<16xf32>
        %mul3A_1483 = arith.mulf %mul3A_1482, %get3A_1481 : vector<16xf32>
        %add3A_1484 = arith.addf %mul3A_1475, %mul3A_1483 : vector<16xf32>
        %add3A_1485 = arith.constant 256 : i32
        %add3A_1486 = arith.addi %add3A_1485, %add3A_1295 : i32
        %get3A_1487 = arith.index_cast %add3A_1486 : i32 to index
        %get3A_1488 = arith.constant 96 : index
        %get3A_1489 = tpu.vector_load %arg8[%get3A_1487, %get3A_1488] {strides = array<i32>} : memref<384x128xf32, #tpu.memory_space<vmem>>, vector<1x16xf32>,
        %get3A_1490 = vector.shape_cast %get3A_1489 : vector<1x16xf32> to vector<16xf32>
        %mul3A_1491 = vector.broadcast %squeeze3A_1293 : f32 to vector<16xf32>
        %mul3A_1492 = arith.mulf %mul3A_1491, %get3A_1490 : vector<16xf32>
        %add3A_1493 = arith.addf %add3A_1484, %mul3A_1492 : vector<16xf32>
        %swap3A_1494 = arith.index_cast %add3A_1295 : i32 to index
        %swap3A_1495 = arith.constant 96 : index
        %swap3A_1496 = tpu.vector_load %arg9[%swap3A_1494, %swap3A_1495] {strides = array<i32>} : memref<128x128xf32, #tpu.memory_space<vmem>>, vector<1x16xf32>,
        %swap3A_1497 = vector.shape_cast %swap3A_1496 : vector<1x16xf32> to vector<16xf32>
        %swap3A_1498 = vector.shape_cast %add3A_1493 : vector<16xf32> to vector<1x16xf32>
        tpu.vector_store %arg9[%swap3A_1494, %swap3A_1495], %swap3A_1498 {strides = array<i32>} : memref<128x128xf32, #tpu.memory_space<vmem>>, vector<1x16xf32>,
        %get3A_1499 = arith.index_cast %add3A_1295 : i32 to index
        %get3A_1500 = arith.constant 112 : index
        %get3A_1501 = tpu.vector_load %arg8[%get3A_1499, %get3A_1500] {strides = array<i32>} : memref<384x128xf32, #tpu.memory_space<vmem>>, vector<1x16xf32>,
        %get3A_1502 = vector.shape_cast %get3A_1501 : vector<1x16xf32> to vector<16xf32>
        %mul3A_1503 = vector.broadcast %squeeze3A_1289 : f32 to vector<16xf32>
        %mul3A_1504 = arith.mulf %mul3A_1503, %get3A_1502 : vector<16xf32>
        %add3A_1505 = arith.constant 128 : i32
        %add3A_1506 = arith.addi %add3A_1505, %add3A_1295 : i32
        %get3A_1507 = arith.index_cast %add3A_1506 : i32 to index
        %get3A_1508 = arith.constant 112 : index
        %get3A_1509 = tpu.vector_load %arg8[%get3A_1507, %get3A_1508] {strides = array<i32>} : memref<384x128xf32, #tpu.memory_space<vmem>>, vector<1x16xf32>,
        %get3A_1510 = vector.shape_cast %get3A_1509 : vector<1x16xf32> to vector<16xf32>
        %mul3A_1511 = vector.broadcast %squeeze3A_1291 : f32 to vector<16xf32>
        %mul3A_1512 = arith.mulf %mul3A_1511, %get3A_1510 : vector<16xf32>
        %add3A_1513 = arith.addf %mul3A_1504, %mul3A_1512 : vector<16xf32>
        %add3A_1514 = arith.constant 256 : i32
        %add3A_1515 = arith.addi %add3A_1514, %add3A_1295 : i32
        %get3A_1516 = arith.index_cast %add3A_1515 : i32 to index
        %get3A_1517 = arith.constant 112 : index
        %get3A_1518 = tpu.vector_load %arg8[%get3A_1516, %get3A_1517] {strides = array<i32>} : memref<384x128xf32, #tpu.memory_space<vmem>>, vector<1x16xf32>,
        %get3A_1519 = vector.shape_cast %get3A_1518 : vector<1x16xf32> to vector<16xf32>
        %mul3A_1520 = vector.broadcast %squeeze3A_1293 : f32 to vector<16xf32>
        %mul3A_1521 = arith.mulf %mul3A_1520, %get3A_1519 : vector<16xf32>
        %add3A_1522 = arith.addf %add3A_1513, %mul3A_1521 : vector<16xf32>
        %swap3A_1523 = arith.index_cast %add3A_1295 : i32 to index
        %swap3A_1524 = arith.constant 112 : index
        %swap3A_1525 = tpu.vector_load %arg9[%swap3A_1523, %swap3A_1524] {strides = array<i32>} : memref<128x128xf32, #tpu.memory_space<vmem>>, vector<1x16xf32>,
        %swap3A_1526 = vector.shape_cast %swap3A_1525 : vector<1x16xf32> to vector<16xf32>
        %swap3A_1527 = vector.shape_cast %add3A_1522 : vector<16xf32> to vector<1x16xf32>
        tpu.vector_store %arg9[%swap3A_1523, %swap3A_1524], %swap3A_1527 {strides = array<i32>} : memref<128x128xf32, #tpu.memory_space<vmem>>, vector<1x16xf32>,
        %slice3A_1528 = vector.extract_strided_slice %get3A_80 {offsets = [6], sizes = [1], strides = [1]} : vector<16xf32> to vector<1xf32>
        %squeeze3A_1529 = vector.extract %slice3A_1528[0] : f32 from vector<1xf32>
        %slice3A_1530 = vector.extract_strided_slice %get3A_85 {offsets = [6], sizes = [1], strides = [1]} : vector<16xf32> to vector<1xf32>
        %squeeze3A_1531 = vector.extract %slice3A_1530[0] : f32 from vector<1xf32>
        %slice3A_1532 = vector.extract_strided_slice %get3A_90 {offsets = [6], sizes = [1], strides = [1]} : vector<16xf32> to vector<1xf32>
        %squeeze3A_1533 = vector.extract %slice3A_1532[0] : f32 from vector<1xf32>
        %add3A_1534 = arith.constant 6 : i32
        %add3A_1535 = arith.addi %mul3A_78, %add3A_1534 : i32
        %get3A_1536 = arith.index_cast %add3A_1535 : i32 to index
        %get3A_1537 = arith.constant 0 : index
        %get3A_1538 = tpu.vector_load %arg8[%get3A_1536, %get3A_1537] {strides = array<i32>} : memref<384x128xf32, #tpu.memory_space<vmem>>, vector<1x16xf32>,
        %get3A_1539 = vector.shape_cast %get3A_1538 : vector<1x16xf32> to vector<16xf32>
        %mul3A_1540 = vector.broadcast %squeeze3A_1529 : f32 to vector<16xf32>
        %mul3A_1541 = arith.mulf %mul3A_1540, %get3A_1539 : vector<16xf32>
        %add3A_1542 = arith.constant 128 : i32
        %add3A_1543 = arith.addi %add3A_1542, %add3A_1535 : i32
        %get3A_1544 = arith.index_cast %add3A_1543 : i32 to index
        %get3A_1545 = arith.constant 0 : index
        %get3A_1546 = tpu.vector_load %arg8[%get3A_1544, %get3A_1545] {strides = array<i32>} : memref<384x128xf32, #tpu.memory_space<vmem>>, vector<1x16xf32>,
        %get3A_1547 = vector.shape_cast %get3A_1546 : vector<1x16xf32> to vector<16xf32>
        %mul3A_1548 = vector.broadcast %squeeze3A_1531 : f32 to vector<16xf32>
        %mul3A_1549 = arith.mulf %mul3A_1548, %get3A_1547 : vector<16xf32>
        %add3A_1550 = arith.addf %mul3A_1541, %mul3A_1549 : vector<16xf32>
        %add3A_1551 = arith.constant 256 : i32
        %add3A_1552 = arith.addi %add3A_1551, %add3A_1535 : i32
        %get3A_1553 = arith.index_cast %add3A_1552 : i32 to index
        %get3A_1554 = arith.constant 0 : index
        %get3A_1555 = tpu.vector_load %arg8[%get3A_1553, %get3A_1554] {strides = array<i32>} : memref<384x128xf32, #tpu.memory_space<vmem>>, vector<1x16xf32>,
        %get3A_1556 = vector.shape_cast %get3A_1555 : vector<1x16xf32> to vector<16xf32>
        %mul3A_1557 = vector.broadcast %squeeze3A_1533 : f32 to vector<16xf32>
        %mul3A_1558 = arith.mulf %mul3A_1557, %get3A_1556 : vector<16xf32>
        %add3A_1559 = arith.addf %add3A_1550, %mul3A_1558 : vector<16xf32>
        %swap3A_1560 = arith.index_cast %add3A_1535 : i32 to index
        %swap3A_1561 = arith.constant 0 : index
        %swap3A_1562 = tpu.vector_load %arg9[%swap3A_1560, %swap3A_1561] {strides = array<i32>} : memref<128x128xf32, #tpu.memory_space<vmem>>, vector<1x16xf32>,
        %swap3A_1563 = vector.shape_cast %swap3A_1562 : vector<1x16xf32> to vector<16xf32>
        %swap3A_1564 = vector.shape_cast %add3A_1559 : vector<16xf32> to vector<1x16xf32>
        tpu.vector_store %arg9[%swap3A_1560, %swap3A_1561], %swap3A_1564 {strides = array<i32>} : memref<128x128xf32, #tpu.memory_space<vmem>>, vector<1x16xf32>,
        %get3A_1565 = arith.index_cast %add3A_1535 : i32 to index
        %get3A_1566 = arith.constant 16 : index
        %get3A_1567 = tpu.vector_load %arg8[%get3A_1565, %get3A_1566] {strides = array<i32>} : memref<384x128xf32, #tpu.memory_space<vmem>>, vector<1x16xf32>,
        %get3A_1568 = vector.shape_cast %get3A_1567 : vector<1x16xf32> to vector<16xf32>
        %mul3A_1569 = vector.broadcast %squeeze3A_1529 : f32 to vector<16xf32>
        %mul3A_1570 = arith.mulf %mul3A_1569, %get3A_1568 : vector<16xf32>
        %add3A_1571 = arith.constant 128 : i32
        %add3A_1572 = arith.addi %add3A_1571, %add3A_1535 : i32
        %get3A_1573 = arith.index_cast %add3A_1572 : i32 to index
        %get3A_1574 = arith.constant 16 : index
        %get3A_1575 = tpu.vector_load %arg8[%get3A_1573, %get3A_1574] {strides = array<i32>} : memref<384x128xf32, #tpu.memory_space<vmem>>, vector<1x16xf32>,
        %get3A_1576 = vector.shape_cast %get3A_1575 : vector<1x16xf32> to vector<16xf32>
        %mul3A_1577 = vector.broadcast %squeeze3A_1531 : f32 to vector<16xf32>
        %mul3A_1578 = arith.mulf %mul3A_1577, %get3A_1576 : vector<16xf32>
        %add3A_1579 = arith.addf %mul3A_1570, %mul3A_1578 : vector<16xf32>
        %add3A_1580 = arith.constant 256 : i32
        %add3A_1581 = arith.addi %add3A_1580, %add3A_1535 : i32
        %get3A_1582 = arith.index_cast %add3A_1581 : i32 to index
        %get3A_1583 = arith.constant 16 : index
        %get3A_1584 = tpu.vector_load %arg8[%get3A_1582, %get3A_1583] {strides = array<i32>} : memref<384x128xf32, #tpu.memory_space<vmem>>, vector<1x16xf32>,
        %get3A_1585 = vector.shape_cast %get3A_1584 : vector<1x16xf32> to vector<16xf32>
        %mul3A_1586 = vector.broadcast %squeeze3A_1533 : f32 to vector<16xf32>
        %mul3A_1587 = arith.mulf %mul3A_1586, %get3A_1585 : vector<16xf32>
        %add3A_1588 = arith.addf %add3A_1579, %mul3A_1587 : vector<16xf32>
        %swap3A_1589 = arith.index_cast %add3A_1535 : i32 to index
        %swap3A_1590 = arith.constant 16 : index
        %swap3A_1591 = tpu.vector_load %arg9[%swap3A_1589, %swap3A_1590] {strides = array<i32>} : memref<128x128xf32, #tpu.memory_space<vmem>>, vector<1x16xf32>,
        %swap3A_1592 = vector.shape_cast %swap3A_1591 : vector<1x16xf32> to vector<16xf32>
        %swap3A_1593 = vector.shape_cast %add3A_1588 : vector<16xf32> to vector<1x16xf32>
        tpu.vector_store %arg9[%swap3A_1589, %swap3A_1590], %swap3A_1593 {strides = array<i32>} : memref<128x128xf32, #tpu.memory_space<vmem>>, vector<1x16xf32>,
        %get3A_1594 = arith.index_cast %add3A_1535 : i32 to index
        %get3A_1595 = arith.constant 32 : index
        %get3A_1596 = tpu.vector_load %arg8[%get3A_1594, %get3A_1595] {strides = array<i32>} : memref<384x128xf32, #tpu.memory_space<vmem>>, vector<1x16xf32>,
        %get3A_1597 = vector.shape_cast %get3A_1596 : vector<1x16xf32> to vector<16xf32>
        %mul3A_1598 = vector.broadcast %squeeze3A_1529 : f32 to vector<16xf32>
        %mul3A_1599 = arith.mulf %mul3A_1598, %get3A_1597 : vector<16xf32>
        %add3A_1600 = arith.constant 128 : i32
        %add3A_1601 = arith.addi %add3A_1600, %add3A_1535 : i32
        %get3A_1602 = arith.index_cast %add3A_1601 : i32 to index
        %get3A_1603 = arith.constant 32 : index
        %get3A_1604 = tpu.vector_load %arg8[%get3A_1602, %get3A_1603] {strides = array<i32>} : memref<384x128xf32, #tpu.memory_space<vmem>>, vector<1x16xf32>,
        %get3A_1605 = vector.shape_cast %get3A_1604 : vector<1x16xf32> to vector<16xf32>
        %mul3A_1606 = vector.broadcast %squeeze3A_1531 : f32 to vector<16xf32>
        %mul3A_1607 = arith.mulf %mul3A_1606, %get3A_1605 : vector<16xf32>
        %add3A_1608 = arith.addf %mul3A_1599, %mul3A_1607 : vector<16xf32>
        %add3A_1609 = arith.constant 256 : i32
        %add3A_1610 = arith.addi %add3A_1609, %add3A_1535 : i32
        %get3A_1611 = arith.index_cast %add3A_1610 : i32 to index
        %get3A_1612 = arith.constant 32 : index
        %get3A_1613 = tpu.vector_load %arg8[%get3A_1611, %get3A_1612] {strides = array<i32>} : memref<384x128xf32, #tpu.memory_space<vmem>>, vector<1x16xf32>,
        %get3A_1614 = vector.shape_cast %get3A_1613 : vector<1x16xf32> to vector<16xf32>
        %mul3A_1615 = vector.broadcast %squeeze3A_1533 : f32 to vector<16xf32>
        %mul3A_1616 = arith.mulf %mul3A_1615, %get3A_1614 : vector<16xf32>
        %add3A_1617 = arith.addf %add3A_1608, %mul3A_1616 : vector<16xf32>
        %swap3A_1618 = arith.index_cast %add3A_1535 : i32 to index
        %swap3A_1619 = arith.constant 32 : index
        %swap3A_1620 = tpu.vector_load %arg9[%swap3A_1618, %swap3A_1619] {strides = array<i32>} : memref<128x128xf32, #tpu.memory_space<vmem>>, vector<1x16xf32>,
        %swap3A_1621 = vector.shape_cast %swap3A_1620 : vector<1x16xf32> to vector<16xf32>
        %swap3A_1622 = vector.shape_cast %add3A_1617 : vector<16xf32> to vector<1x16xf32>
        tpu.vector_store %arg9[%swap3A_1618, %swap3A_1619], %swap3A_1622 {strides = array<i32>} : memref<128x128xf32, #tpu.memory_space<vmem>>, vector<1x16xf32>,
        %get3A_1623 = arith.index_cast %add3A_1535 : i32 to index
        %get3A_1624 = arith.constant 48 : index
        %get3A_1625 = tpu.vector_load %arg8[%get3A_1623, %get3A_1624] {strides = array<i32>} : memref<384x128xf32, #tpu.memory_space<vmem>>, vector<1x16xf32>,
        %get3A_1626 = vector.shape_cast %get3A_1625 : vector<1x16xf32> to vector<16xf32>
        %mul3A_1627 = vector.broadcast %squeeze3A_1529 : f32 to vector<16xf32>
        %mul3A_1628 = arith.mulf %mul3A_1627, %get3A_1626 : vector<16xf32>
        %add3A_1629 = arith.constant 128 : i32
        %add3A_1630 = arith.addi %add3A_1629, %add3A_1535 : i32
        %get3A_1631 = arith.index_cast %add3A_1630 : i32 to index
        %get3A_1632 = arith.constant 48 : index
        %get3A_1633 = tpu.vector_load %arg8[%get3A_1631, %get3A_1632] {strides = array<i32>} : memref<384x128xf32, #tpu.memory_space<vmem>>, vector<1x16xf32>,
        %get3A_1634 = vector.shape_cast %get3A_1633 : vector<1x16xf32> to vector<16xf32>
        %mul3A_1635 = vector.broadcast %squeeze3A_1531 : f32 to vector<16xf32>
        %mul3A_1636 = arith.mulf %mul3A_1635, %get3A_1634 : vector<16xf32>
        %add3A_1637 = arith.addf %mul3A_1628, %mul3A_1636 : vector<16xf32>
        %add3A_1638 = arith.constant 256 : i32
        %add3A_1639 = arith.addi %add3A_1638, %add3A_1535 : i32
        %get3A_1640 = arith.index_cast %add3A_1639 : i32 to index
        %get3A_1641 = arith.constant 48 : index
        %get3A_1642 = tpu.vector_load %arg8[%get3A_1640, %get3A_1641] {strides = array<i32>} : memref<384x128xf32, #tpu.memory_space<vmem>>, vector<1x16xf32>,
        %get3A_1643 = vector.shape_cast %get3A_1642 : vector<1x16xf32> to vector<16xf32>
        %mul3A_1644 = vector.broadcast %squeeze3A_1533 : f32 to vector<16xf32>
        %mul3A_1645 = arith.mulf %mul3A_1644, %get3A_1643 : vector<16xf32>
        %add3A_1646 = arith.addf %add3A_1637, %mul3A_1645 : vector<16xf32>
        %swap3A_1647 = arith.index_cast %add3A_1535 : i32 to index
        %swap3A_1648 = arith.constant 48 : index
        %swap3A_1649 = tpu.vector_load %arg9[%swap3A_1647, %swap3A_1648] {strides = array<i32>} : memref<128x128xf32, #tpu.memory_space<vmem>>, vector<1x16xf32>,
        %swap3A_1650 = vector.shape_cast %swap3A_1649 : vector<1x16xf32> to vector<16xf32>
        %swap3A_1651 = vector.shape_cast %add3A_1646 : vector<16xf32> to vector<1x16xf32>
        tpu.vector_store %arg9[%swap3A_1647, %swap3A_1648], %swap3A_1651 {strides = array<i32>} : memref<128x128xf32, #tpu.memory_space<vmem>>, vector<1x16xf32>,
        %get3A_1652 = arith.index_cast %add3A_1535 : i32 to index
        %get3A_1653 = arith.constant 64 : index
        %get3A_1654 = tpu.vector_load %arg8[%get3A_1652, %get3A_1653] {strides = array<i32>} : memref<384x128xf32, #tpu.memory_space<vmem>>, vector<1x16xf32>,
        %get3A_1655 = vector.shape_cast %get3A_1654 : vector<1x16xf32> to vector<16xf32>
        %mul3A_1656 = vector.broadcast %squeeze3A_1529 : f32 to vector<16xf32>
        %mul3A_1657 = arith.mulf %mul3A_1656, %get3A_1655 : vector<16xf32>
        %add3A_1658 = arith.constant 128 : i32
        %add3A_1659 = arith.addi %add3A_1658, %add3A_1535 : i32
        %get3A_1660 = arith.index_cast %add3A_1659 : i32 to index
        %get3A_1661 = arith.constant 64 : index
        %get3A_1662 = tpu.vector_load %arg8[%get3A_1660, %get3A_1661] {strides = array<i32>} : memref<384x128xf32, #tpu.memory_space<vmem>>, vector<1x16xf32>,
        %get3A_1663 = vector.shape_cast %get3A_1662 : vector<1x16xf32> to vector<16xf32>
        %mul3A_1664 = vector.broadcast %squeeze3A_1531 : f32 to vector<16xf32>
        %mul3A_1665 = arith.mulf %mul3A_1664, %get3A_1663 : vector<16xf32>
        %add3A_1666 = arith.addf %mul3A_1657, %mul3A_1665 : vector<16xf32>
        %add3A_1667 = arith.constant 256 : i32
        %add3A_1668 = arith.addi %add3A_1667, %add3A_1535 : i32
        %get3A_1669 = arith.index_cast %add3A_1668 : i32 to index
        %get3A_1670 = arith.constant 64 : index
        %get3A_1671 = tpu.vector_load %arg8[%get3A_1669, %get3A_1670] {strides = array<i32>} : memref<384x128xf32, #tpu.memory_space<vmem>>, vector<1x16xf32>,
        %get3A_1672 = vector.shape_cast %get3A_1671 : vector<1x16xf32> to vector<16xf32>
        %mul3A_1673 = vector.broadcast %squeeze3A_1533 : f32 to vector<16xf32>
        %mul3A_1674 = arith.mulf %mul3A_1673, %get3A_1672 : vector<16xf32>
        %add3A_1675 = arith.addf %add3A_1666, %mul3A_1674 : vector<16xf32>
        %swap3A_1676 = arith.index_cast %add3A_1535 : i32 to index
        %swap3A_1677 = arith.constant 64 : index
        %swap3A_1678 = tpu.vector_load %arg9[%swap3A_1676, %swap3A_1677] {strides = array<i32>} : memref<128x128xf32, #tpu.memory_space<vmem>>, vector<1x16xf32>,
        %swap3A_1679 = vector.shape_cast %swap3A_1678 : vector<1x16xf32> to vector<16xf32>
        %swap3A_1680 = vector.shape_cast %add3A_1675 : vector<16xf32> to vector<1x16xf32>
        tpu.vector_store %arg9[%swap3A_1676, %swap3A_1677], %swap3A_1680 {strides = array<i32>} : memref<128x128xf32, #tpu.memory_space<vmem>>, vector<1x16xf32>,
        %get3A_1681 = arith.index_cast %add3A_1535 : i32 to index
        %get3A_1682 = arith.constant 80 : index
        %get3A_1683 = tpu.vector_load %arg8[%get3A_1681, %get3A_1682] {strides = array<i32>} : memref<384x128xf32, #tpu.memory_space<vmem>>, vector<1x16xf32>,
        %get3A_1684 = vector.shape_cast %get3A_1683 : vector<1x16xf32> to vector<16xf32>
        %mul3A_1685 = vector.broadcast %squeeze3A_1529 : f32 to vector<16xf32>
        %mul3A_1686 = arith.mulf %mul3A_1685, %get3A_1684 : vector<16xf32>
        %add3A_1687 = arith.constant 128 : i32
        %add3A_1688 = arith.addi %add3A_1687, %add3A_1535 : i32
        %get3A_1689 = arith.index_cast %add3A_1688 : i32 to index
        %get3A_1690 = arith.constant 80 : index
        %get3A_1691 = tpu.vector_load %arg8[%get3A_1689, %get3A_1690] {strides = array<i32>} : memref<384x128xf32, #tpu.memory_space<vmem>>, vector<1x16xf32>,
        %get3A_1692 = vector.shape_cast %get3A_1691 : vector<1x16xf32> to vector<16xf32>
        %mul3A_1693 = vector.broadcast %squeeze3A_1531 : f32 to vector<16xf32>
        %mul3A_1694 = arith.mulf %mul3A_1693, %get3A_1692 : vector<16xf32>
        %add3A_1695 = arith.addf %mul3A_1686, %mul3A_1694 : vector<16xf32>
        %add3A_1696 = arith.constant 256 : i32
        %add3A_1697 = arith.addi %add3A_1696, %add3A_1535 : i32
        %get3A_1698 = arith.index_cast %add3A_1697 : i32 to index
        %get3A_1699 = arith.constant 80 : index
        %get3A_1700 = tpu.vector_load %arg8[%get3A_1698, %get3A_1699] {strides = array<i32>} : memref<384x128xf32, #tpu.memory_space<vmem>>, vector<1x16xf32>,
        %get3A_1701 = vector.shape_cast %get3A_1700 : vector<1x16xf32> to vector<16xf32>
        %mul3A_1702 = vector.broadcast %squeeze3A_1533 : f32 to vector<16xf32>
        %mul3A_1703 = arith.mulf %mul3A_1702, %get3A_1701 : vector<16xf32>
        %add3A_1704 = arith.addf %add3A_1695, %mul3A_1703 : vector<16xf32>
        %swap3A_1705 = arith.index_cast %add3A_1535 : i32 to index
        %swap3A_1706 = arith.constant 80 : index
        %swap3A_1707 = tpu.vector_load %arg9[%swap3A_1705, %swap3A_1706] {strides = array<i32>} : memref<128x128xf32, #tpu.memory_space<vmem>>, vector<1x16xf32>,
        %swap3A_1708 = vector.shape_cast %swap3A_1707 : vector<1x16xf32> to vector<16xf32>
        %swap3A_1709 = vector.shape_cast %add3A_1704 : vector<16xf32> to vector<1x16xf32>
        tpu.vector_store %arg9[%swap3A_1705, %swap3A_1706], %swap3A_1709 {strides = array<i32>} : memref<128x128xf32, #tpu.memory_space<vmem>>, vector<1x16xf32>,
        %get3A_1710 = arith.index_cast %add3A_1535 : i32 to index
        %get3A_1711 = arith.constant 96 : index
        %get3A_1712 = tpu.vector_load %arg8[%get3A_1710, %get3A_1711] {strides = array<i32>} : memref<384x128xf32, #tpu.memory_space<vmem>>, vector<1x16xf32>,
        %get3A_1713 = vector.shape_cast %get3A_1712 : vector<1x16xf32> to vector<16xf32>
        %mul3A_1714 = vector.broadcast %squeeze3A_1529 : f32 to vector<16xf32>
        %mul3A_1715 = arith.mulf %mul3A_1714, %get3A_1713 : vector<16xf32>
        %add3A_1716 = arith.constant 128 : i32
        %add3A_1717 = arith.addi %add3A_1716, %add3A_1535 : i32
        %get3A_1718 = arith.index_cast %add3A_1717 : i32 to index
        %get3A_1719 = arith.constant 96 : index
        %get3A_1720 = tpu.vector_load %arg8[%get3A_1718, %get3A_1719] {strides = array<i32>} : memref<384x128xf32, #tpu.memory_space<vmem>>, vector<1x16xf32>,
        %get3A_1721 = vector.shape_cast %get3A_1720 : vector<1x16xf32> to vector<16xf32>
        %mul3A_1722 = vector.broadcast %squeeze3A_1531 : f32 to vector<16xf32>
        %mul3A_1723 = arith.mulf %mul3A_1722, %get3A_1721 : vector<16xf32>
        %add3A_1724 = arith.addf %mul3A_1715, %mul3A_1723 : vector<16xf32>
        %add3A_1725 = arith.constant 256 : i32
        %add3A_1726 = arith.addi %add3A_1725, %add3A_1535 : i32
        %get3A_1727 = arith.index_cast %add3A_1726 : i32 to index
        %get3A_1728 = arith.constant 96 : index
        %get3A_1729 = tpu.vector_load %arg8[%get3A_1727, %get3A_1728] {strides = array<i32>} : memref<384x128xf32, #tpu.memory_space<vmem>>, vector<1x16xf32>,
        %get3A_1730 = vector.shape_cast %get3A_1729 : vector<1x16xf32> to vector<16xf32>
        %mul3A_1731 = vector.broadcast %squeeze3A_1533 : f32 to vector<16xf32>
        %mul3A_1732 = arith.mulf %mul3A_1731, %get3A_1730 : vector<16xf32>
        %add3A_1733 = arith.addf %add3A_1724, %mul3A_1732 : vector<16xf32>
        %swap3A_1734 = arith.index_cast %add3A_1535 : i32 to index
        %swap3A_1735 = arith.constant 96 : index
        %swap3A_1736 = tpu.vector_load %arg9[%swap3A_1734, %swap3A_1735] {strides = array<i32>} : memref<128x128xf32, #tpu.memory_space<vmem>>, vector<1x16xf32>,
        %swap3A_1737 = vector.shape_cast %swap3A_1736 : vector<1x16xf32> to vector<16xf32>
        %swap3A_1738 = vector.shape_cast %add3A_1733 : vector<16xf32> to vector<1x16xf32>
        tpu.vector_store %arg9[%swap3A_1734, %swap3A_1735], %swap3A_1738 {strides = array<i32>} : memref<128x128xf32, #tpu.memory_space<vmem>>, vector<1x16xf32>,
        %get3A_1739 = arith.index_cast %add3A_1535 : i32 to index
        %get3A_1740 = arith.constant 112 : index
        %get3A_1741 = tpu.vector_load %arg8[%get3A_1739, %get3A_1740] {strides = array<i32>} : memref<384x128xf32, #tpu.memory_space<vmem>>, vector<1x16xf32>,
        %get3A_1742 = vector.shape_cast %get3A_1741 : vector<1x16xf32> to vector<16xf32>
        %mul3A_1743 = vector.broadcast %squeeze3A_1529 : f32 to vector<16xf32>
        %mul3A_1744 = arith.mulf %mul3A_1743, %get3A_1742 : vector<16xf32>
        %add3A_1745 = arith.constant 128 : i32
        %add3A_1746 = arith.addi %add3A_1745, %add3A_1535 : i32
        %get3A_1747 = arith.index_cast %add3A_1746 : i32 to index
        %get3A_1748 = arith.constant 112 : index
        %get3A_1749 = tpu.vector_load %arg8[%get3A_1747, %get3A_1748] {strides = array<i32>} : memref<384x128xf32, #tpu.memory_space<vmem>>, vector<1x16xf32>,
        %get3A_1750 = vector.shape_cast %get3A_1749 : vector<1x16xf32> to vector<16xf32>
        %mul3A_1751 = vector.broadcast %squeeze3A_1531 : f32 to vector<16xf32>
        %mul3A_1752 = arith.mulf %mul3A_1751, %get3A_1750 : vector<16xf32>
        %add3A_1753 = arith.addf %mul3A_1744, %mul3A_1752 : vector<16xf32>
        %add3A_1754 = arith.constant 256 : i32
        %add3A_1755 = arith.addi %add3A_1754, %add3A_1535 : i32
        %get3A_1756 = arith.index_cast %add3A_1755 : i32 to index
        %get3A_1757 = arith.constant 112 : index
        %get3A_1758 = tpu.vector_load %arg8[%get3A_1756, %get3A_1757] {strides = array<i32>} : memref<384x128xf32, #tpu.memory_space<vmem>>, vector<1x16xf32>,
        %get3A_1759 = vector.shape_cast %get3A_1758 : vector<1x16xf32> to vector<16xf32>
        %mul3A_1760 = vector.broadcast %squeeze3A_1533 : f32 to vector<16xf32>
        %mul3A_1761 = arith.mulf %mul3A_1760, %get3A_1759 : vector<16xf32>
        %add3A_1762 = arith.addf %add3A_1753, %mul3A_1761 : vector<16xf32>
        %swap3A_1763 = arith.index_cast %add3A_1535 : i32 to index
        %swap3A_1764 = arith.constant 112 : index
        %swap3A_1765 = tpu.vector_load %arg9[%swap3A_1763, %swap3A_1764] {strides = array<i32>} : memref<128x128xf32, #tpu.memory_space<vmem>>, vector<1x16xf32>,
        %swap3A_1766 = vector.shape_cast %swap3A_1765 : vector<1x16xf32> to vector<16xf32>
        %swap3A_1767 = vector.shape_cast %add3A_1762 : vector<16xf32> to vector<1x16xf32>
        tpu.vector_store %arg9[%swap3A_1763, %swap3A_1764], %swap3A_1767 {strides = array<i32>} : memref<128x128xf32, #tpu.memory_space<vmem>>, vector<1x16xf32>,
        %slice3A_1768 = vector.extract_strided_slice %get3A_80 {offsets = [7], sizes = [1], strides = [1]} : vector<16xf32> to vector<1xf32>
        %squeeze3A_1769 = vector.extract %slice3A_1768[0] : f32 from vector<1xf32>
        %slice3A_1770 = vector.extract_strided_slice %get3A_85 {offsets = [7], sizes = [1], strides = [1]} : vector<16xf32> to vector<1xf32>
        %squeeze3A_1771 = vector.extract %slice3A_1770[0] : f32 from vector<1xf32>
        %slice3A_1772 = vector.extract_strided_slice %get3A_90 {offsets = [7], sizes = [1], strides = [1]} : vector<16xf32> to vector<1xf32>
        %squeeze3A_1773 = vector.extract %slice3A_1772[0] : f32 from vector<1xf32>
        %add3A_1774 = arith.constant 7 : i32
        %add3A_1775 = arith.addi %mul3A_78, %add3A_1774 : i32
        %get3A_1776 = arith.index_cast %add3A_1775 : i32 to index
        %get3A_1777 = arith.constant 0 : index
        %get3A_1778 = tpu.vector_load %arg8[%get3A_1776, %get3A_1777] {strides = array<i32>} : memref<384x128xf32, #tpu.memory_space<vmem>>, vector<1x16xf32>,
        %get3A_1779 = vector.shape_cast %get3A_1778 : vector<1x16xf32> to vector<16xf32>
        %mul3A_1780 = vector.broadcast %squeeze3A_1769 : f32 to vector<16xf32>
        %mul3A_1781 = arith.mulf %mul3A_1780, %get3A_1779 : vector<16xf32>
        %add3A_1782 = arith.constant 128 : i32
        %add3A_1783 = arith.addi %add3A_1782, %add3A_1775 : i32
        %get3A_1784 = arith.index_cast %add3A_1783 : i32 to index
        %get3A_1785 = arith.constant 0 : index
        %get3A_1786 = tpu.vector_load %arg8[%get3A_1784, %get3A_1785] {strides = array<i32>} : memref<384x128xf32, #tpu.memory_space<vmem>>, vector<1x16xf32>,
        %get3A_1787 = vector.shape_cast %get3A_1786 : vector<1x16xf32> to vector<16xf32>
        %mul3A_1788 = vector.broadcast %squeeze3A_1771 : f32 to vector<16xf32>
        %mul3A_1789 = arith.mulf %mul3A_1788, %get3A_1787 : vector<16xf32>
        %add3A_1790 = arith.addf %mul3A_1781, %mul3A_1789 : vector<16xf32>
        %add3A_1791 = arith.constant 256 : i32
        %add3A_1792 = arith.addi %add3A_1791, %add3A_1775 : i32
        %get3A_1793 = arith.index_cast %add3A_1792 : i32 to index
        %get3A_1794 = arith.constant 0 : index
        %get3A_1795 = tpu.vector_load %arg8[%get3A_1793, %get3A_1794] {strides = array<i32>} : memref<384x128xf32, #tpu.memory_space<vmem>>, vector<1x16xf32>,
        %get3A_1796 = vector.shape_cast %get3A_1795 : vector<1x16xf32> to vector<16xf32>
        %mul3A_1797 = vector.broadcast %squeeze3A_1773 : f32 to vector<16xf32>
        %mul3A_1798 = arith.mulf %mul3A_1797, %get3A_1796 : vector<16xf32>
        %add3A_1799 = arith.addf %add3A_1790, %mul3A_1798 : vector<16xf32>
        %swap3A_1800 = arith.index_cast %add3A_1775 : i32 to index
        %swap3A_1801 = arith.constant 0 : index
        %swap3A_1802 = tpu.vector_load %arg9[%swap3A_1800, %swap3A_1801] {strides = array<i32>} : memref<128x128xf32, #tpu.memory_space<vmem>>, vector<1x16xf32>,
        %swap3A_1803 = vector.shape_cast %swap3A_1802 : vector<1x16xf32> to vector<16xf32>
        %swap3A_1804 = vector.shape_cast %add3A_1799 : vector<16xf32> to vector<1x16xf32>
        tpu.vector_store %arg9[%swap3A_1800, %swap3A_1801], %swap3A_1804 {strides = array<i32>} : memref<128x128xf32, #tpu.memory_space<vmem>>, vector<1x16xf32>,
        %get3A_1805 = arith.index_cast %add3A_1775 : i32 to index
        %get3A_1806 = arith.constant 16 : index
        %get3A_1807 = tpu.vector_load %arg8[%get3A_1805, %get3A_1806] {strides = array<i32>} : memref<384x128xf32, #tpu.memory_space<vmem>>, vector<1x16xf32>,
        %get3A_1808 = vector.shape_cast %get3A_1807 : vector<1x16xf32> to vector<16xf32>
        %mul3A_1809 = vector.broadcast %squeeze3A_1769 : f32 to vector<16xf32>
        %mul3A_1810 = arith.mulf %mul3A_1809, %get3A_1808 : vector<16xf32>
        %add3A_1811 = arith.constant 128 : i32
        %add3A_1812 = arith.addi %add3A_1811, %add3A_1775 : i32
        %get3A_1813 = arith.index_cast %add3A_1812 : i32 to index
        %get3A_1814 = arith.constant 16 : index
        %get3A_1815 = tpu.vector_load %arg8[%get3A_1813, %get3A_1814] {strides = array<i32>} : memref<384x128xf32, #tpu.memory_space<vmem>>, vector<1x16xf32>,
        %get3A_1816 = vector.shape_cast %get3A_1815 : vector<1x16xf32> to vector<16xf32>
        %mul3A_1817 = vector.broadcast %squeeze3A_1771 : f32 to vector<16xf32>
        %mul3A_1818 = arith.mulf %mul3A_1817, %get3A_1816 : vector<16xf32>
        %add3A_1819 = arith.addf %mul3A_1810, %mul3A_1818 : vector<16xf32>
        %add3A_1820 = arith.constant 256 : i32
        %add3A_1821 = arith.addi %add3A_1820, %add3A_1775 : i32
        %get3A_1822 = arith.index_cast %add3A_1821 : i32 to index
        %get3A_1823 = arith.constant 16 : index
        %get3A_1824 = tpu.vector_load %arg8[%get3A_1822, %get3A_1823] {strides = array<i32>} : memref<384x128xf32, #tpu.memory_space<vmem>>, vector<1x16xf32>,
        %get3A_1825 = vector.shape_cast %get3A_1824 : vector<1x16xf32> to vector<16xf32>
        %mul3A_1826 = vector.broadcast %squeeze3A_1773 : f32 to vector<16xf32>
        %mul3A_1827 = arith.mulf %mul3A_1826, %get3A_1825 : vector<16xf32>
        %add3A_1828 = arith.addf %add3A_1819, %mul3A_1827 : vector<16xf32>
        %swap3A_1829 = arith.index_cast %add3A_1775 : i32 to index
        %swap3A_1830 = arith.constant 16 : index
        %swap3A_1831 = tpu.vector_load %arg9[%swap3A_1829, %swap3A_1830] {strides = array<i32>} : memref<128x128xf32, #tpu.memory_space<vmem>>, vector<1x16xf32>,
        %swap3A_1832 = vector.shape_cast %swap3A_1831 : vector<1x16xf32> to vector<16xf32>
        %swap3A_1833 = vector.shape_cast %add3A_1828 : vector<16xf32> to vector<1x16xf32>
        tpu.vector_store %arg9[%swap3A_1829, %swap3A_1830], %swap3A_1833 {strides = array<i32>} : memref<128x128xf32, #tpu.memory_space<vmem>>, vector<1x16xf32>,
        %get3A_1834 = arith.index_cast %add3A_1775 : i32 to index
        %get3A_1835 = arith.constant 32 : index
        %get3A_1836 = tpu.vector_load %arg8[%get3A_1834, %get3A_1835] {strides = array<i32>} : memref<384x128xf32, #tpu.memory_space<vmem>>, vector<1x16xf32>,
        %get3A_1837 = vector.shape_cast %get3A_1836 : vector<1x16xf32> to vector<16xf32>
        %mul3A_1838 = vector.broadcast %squeeze3A_1769 : f32 to vector<16xf32>
        %mul3A_1839 = arith.mulf %mul3A_1838, %get3A_1837 : vector<16xf32>
        %add3A_1840 = arith.constant 128 : i32
        %add3A_1841 = arith.addi %add3A_1840, %add3A_1775 : i32
        %get3A_1842 = arith.index_cast %add3A_1841 : i32 to index
        %get3A_1843 = arith.constant 32 : index
        %get3A_1844 = tpu.vector_load %arg8[%get3A_1842, %get3A_1843] {strides = array<i32>} : memref<384x128xf32, #tpu.memory_space<vmem>>, vector<1x16xf32>,
        %get3A_1845 = vector.shape_cast %get3A_1844 : vector<1x16xf32> to vector<16xf32>
        %mul3A_1846 = vector.broadcast %squeeze3A_1771 : f32 to vector<16xf32>
        %mul3A_1847 = arith.mulf %mul3A_1846, %get3A_1845 : vector<16xf32>
        %add3A_1848 = arith.addf %mul3A_1839, %mul3A_1847 : vector<16xf32>
        %add3A_1849 = arith.constant 256 : i32
        %add3A_1850 = arith.addi %add3A_1849, %add3A_1775 : i32
        %get3A_1851 = arith.index_cast %add3A_1850 : i32 to index
        %get3A_1852 = arith.constant 32 : index
        %get3A_1853 = tpu.vector_load %arg8[%get3A_1851, %get3A_1852] {strides = array<i32>} : memref<384x128xf32, #tpu.memory_space<vmem>>, vector<1x16xf32>,
        %get3A_1854 = vector.shape_cast %get3A_1853 : vector<1x16xf32> to vector<16xf32>
        %mul3A_1855 = vector.broadcast %squeeze3A_1773 : f32 to vector<16xf32>
        %mul3A_1856 = arith.mulf %mul3A_1855, %get3A_1854 : vector<16xf32>
        %add3A_1857 = arith.addf %add3A_1848, %mul3A_1856 : vector<16xf32>
        %swap3A_1858 = arith.index_cast %add3A_1775 : i32 to index
        %swap3A_1859 = arith.constant 32 : index
        %swap3A_1860 = tpu.vector_load %arg9[%swap3A_1858, %swap3A_1859] {strides = array<i32>} : memref<128x128xf32, #tpu.memory_space<vmem>>, vector<1x16xf32>,
        %swap3A_1861 = vector.shape_cast %swap3A_1860 : vector<1x16xf32> to vector<16xf32>
        %swap3A_1862 = vector.shape_cast %add3A_1857 : vector<16xf32> to vector<1x16xf32>
        tpu.vector_store %arg9[%swap3A_1858, %swap3A_1859], %swap3A_1862 {strides = array<i32>} : memref<128x128xf32, #tpu.memory_space<vmem>>, vector<1x16xf32>,
        %get3A_1863 = arith.index_cast %add3A_1775 : i32 to index
        %get3A_1864 = arith.constant 48 : index
        %get3A_1865 = tpu.vector_load %arg8[%get3A_1863, %get3A_1864] {strides = array<i32>} : memref<384x128xf32, #tpu.memory_space<vmem>>, vector<1x16xf32>,
        %get3A_1866 = vector.shape_cast %get3A_1865 : vector<1x16xf32> to vector<16xf32>
        %mul3A_1867 = vector.broadcast %squeeze3A_1769 : f32 to vector<16xf32>
        %mul3A_1868 = arith.mulf %mul3A_1867, %get3A_1866 : vector<16xf32>
        %add3A_1869 = arith.constant 128 : i32
        %add3A_1870 = arith.addi %add3A_1869, %add3A_1775 : i32
        %get3A_1871 = arith.index_cast %add3A_1870 : i32 to index
        %get3A_1872 = arith.constant 48 : index
        %get3A_1873 = tpu.vector_load %arg8[%get3A_1871, %get3A_1872] {strides = array<i32>} : memref<384x128xf32, #tpu.memory_space<vmem>>, vector<1x16xf32>,
        %get3A_1874 = vector.shape_cast %get3A_1873 : vector<1x16xf32> to vector<16xf32>
        %mul3A_1875 = vector.broadcast %squeeze3A_1771 : f32 to vector<16xf32>
        %mul3A_1876 = arith.mulf %mul3A_1875, %get3A_1874 : vector<16xf32>
        %add3A_1877 = arith.addf %mul3A_1868, %mul3A_1876 : vector<16xf32>
        %add3A_1878 = arith.constant 256 : i32
        %add3A_1879 = arith.addi %add3A_1878, %add3A_1775 : i32
        %get3A_1880 = arith.index_cast %add3A_1879 : i32 to index
        %get3A_1881 = arith.constant 48 : index
        %get3A_1882 = tpu.vector_load %arg8[%get3A_1880, %get3A_1881] {strides = array<i32>} : memref<384x128xf32, #tpu.memory_space<vmem>>, vector<1x16xf32>,
        %get3A_1883 = vector.shape_cast %get3A_1882 : vector<1x16xf32> to vector<16xf32>
        %mul3A_1884 = vector.broadcast %squeeze3A_1773 : f32 to vector<16xf32>
        %mul3A_1885 = arith.mulf %mul3A_1884, %get3A_1883 : vector<16xf32>
        %add3A_1886 = arith.addf %add3A_1877, %mul3A_1885 : vector<16xf32>
        %swap3A_1887 = arith.index_cast %add3A_1775 : i32 to index
        %swap3A_1888 = arith.constant 48 : index
        %swap3A_1889 = tpu.vector_load %arg9[%swap3A_1887, %swap3A_1888] {strides = array<i32>} : memref<128x128xf32, #tpu.memory_space<vmem>>, vector<1x16xf32>,
        %swap3A_1890 = vector.shape_cast %swap3A_1889 : vector<1x16xf32> to vector<16xf32>
        %swap3A_1891 = vector.shape_cast %add3A_1886 : vector<16xf32> to vector<1x16xf32>
        tpu.vector_store %arg9[%swap3A_1887, %swap3A_1888], %swap3A_1891 {strides = array<i32>} : memref<128x128xf32, #tpu.memory_space<vmem>>, vector<1x16xf32>,
        %get3A_1892 = arith.index_cast %add3A_1775 : i32 to index
        %get3A_1893 = arith.constant 64 : index
        %get3A_1894 = tpu.vector_load %arg8[%get3A_1892, %get3A_1893] {strides = array<i32>} : memref<384x128xf32, #tpu.memory_space<vmem>>, vector<1x16xf32>,
        %get3A_1895 = vector.shape_cast %get3A_1894 : vector<1x16xf32> to vector<16xf32>
        %mul3A_1896 = vector.broadcast %squeeze3A_1769 : f32 to vector<16xf32>
        %mul3A_1897 = arith.mulf %mul3A_1896, %get3A_1895 : vector<16xf32>
        %add3A_1898 = arith.constant 128 : i32
        %add3A_1899 = arith.addi %add3A_1898, %add3A_1775 : i32
        %get3A_1900 = arith.index_cast %add3A_1899 : i32 to index
        %get3A_1901 = arith.constant 64 : index
        %get3A_1902 = tpu.vector_load %arg8[%get3A_1900, %get3A_1901] {strides = array<i32>} : memref<384x128xf32, #tpu.memory_space<vmem>>, vector<1x16xf32>,
        %get3A_1903 = vector.shape_cast %get3A_1902 : vector<1x16xf32> to vector<16xf32>
        %mul3A_1904 = vector.broadcast %squeeze3A_1771 : f32 to vector<16xf32>
        %mul3A_1905 = arith.mulf %mul3A_1904, %get3A_1903 : vector<16xf32>
        %add3A_1906 = arith.addf %mul3A_1897, %mul3A_1905 : vector<16xf32>
        %add3A_1907 = arith.constant 256 : i32
        %add3A_1908 = arith.addi %add3A_1907, %add3A_1775 : i32
        %get3A_1909 = arith.index_cast %add3A_1908 : i32 to index
        %get3A_1910 = arith.constant 64 : index
        %get3A_1911 = tpu.vector_load %arg8[%get3A_1909, %get3A_1910] {strides = array<i32>} : memref<384x128xf32, #tpu.memory_space<vmem>>, vector<1x16xf32>,
        %get3A_1912 = vector.shape_cast %get3A_1911 : vector<1x16xf32> to vector<16xf32>
        %mul3A_1913 = vector.broadcast %squeeze3A_1773 : f32 to vector<16xf32>
        %mul3A_1914 = arith.mulf %mul3A_1913, %get3A_1912 : vector<16xf32>
        %add3A_1915 = arith.addf %add3A_1906, %mul3A_1914 : vector<16xf32>
        %swap3A_1916 = arith.index_cast %add3A_1775 : i32 to index
        %swap3A_1917 = arith.constant 64 : index
        %swap3A_1918 = tpu.vector_load %arg9[%swap3A_1916, %swap3A_1917] {strides = array<i32>} : memref<128x128xf32, #tpu.memory_space<vmem>>, vector<1x16xf32>,
        %swap3A_1919 = vector.shape_cast %swap3A_1918 : vector<1x16xf32> to vector<16xf32>
        %swap3A_1920 = vector.shape_cast %add3A_1915 : vector<16xf32> to vector<1x16xf32>
        tpu.vector_store %arg9[%swap3A_1916, %swap3A_1917], %swap3A_1920 {strides = array<i32>} : memref<128x128xf32, #tpu.memory_space<vmem>>, vector<1x16xf32>,
        %get3A_1921 = arith.index_cast %add3A_1775 : i32 to index
        %get3A_1922 = arith.constant 80 : index
        %get3A_1923 = tpu.vector_load %arg8[%get3A_1921, %get3A_1922] {strides = array<i32>} : memref<384x128xf32, #tpu.memory_space<vmem>>, vector<1x16xf32>,
        %get3A_1924 = vector.shape_cast %get3A_1923 : vector<1x16xf32> to vector<16xf32>
        %mul3A_1925 = vector.broadcast %squeeze3A_1769 : f32 to vector<16xf32>
        %mul3A_1926 = arith.mulf %mul3A_1925, %get3A_1924 : vector<16xf32>
        %add3A_1927 = arith.constant 128 : i32
        %add3A_1928 = arith.addi %add3A_1927, %add3A_1775 : i32
        %get3A_1929 = arith.index_cast %add3A_1928 : i32 to index
        %get3A_1930 = arith.constant 80 : index
        %get3A_1931 = tpu.vector_load %arg8[%get3A_1929, %get3A_1930] {strides = array<i32>} : memref<384x128xf32, #tpu.memory_space<vmem>>, vector<1x16xf32>,
        %get3A_1932 = vector.shape_cast %get3A_1931 : vector<1x16xf32> to vector<16xf32>
        %mul3A_1933 = vector.broadcast %squeeze3A_1771 : f32 to vector<16xf32>
        %mul3A_1934 = arith.mulf %mul3A_1933, %get3A_1932 : vector<16xf32>
        %add3A_1935 = arith.addf %mul3A_1926, %mul3A_1934 : vector<16xf32>
        %add3A_1936 = arith.constant 256 : i32
        %add3A_1937 = arith.addi %add3A_1936, %add3A_1775 : i32
        %get3A_1938 = arith.index_cast %add3A_1937 : i32 to index
        %get3A_1939 = arith.constant 80 : index
        %get3A_1940 = tpu.vector_load %arg8[%get3A_1938, %get3A_1939] {strides = array<i32>} : memref<384x128xf32, #tpu.memory_space<vmem>>, vector<1x16xf32>,
        %get3A_1941 = vector.shape_cast %get3A_1940 : vector<1x16xf32> to vector<16xf32>
        %mul3A_1942 = vector.broadcast %squeeze3A_1773 : f32 to vector<16xf32>
        %mul3A_1943 = arith.mulf %mul3A_1942, %get3A_1941 : vector<16xf32>
        %add3A_1944 = arith.addf %add3A_1935, %mul3A_1943 : vector<16xf32>
        %swap3A_1945 = arith.index_cast %add3A_1775 : i32 to index
        %swap3A_1946 = arith.constant 80 : index
        %swap3A_1947 = tpu.vector_load %arg9[%swap3A_1945, %swap3A_1946] {strides = array<i32>} : memref<128x128xf32, #tpu.memory_space<vmem>>, vector<1x16xf32>,
        %swap3A_1948 = vector.shape_cast %swap3A_1947 : vector<1x16xf32> to vector<16xf32>
        %swap3A_1949 = vector.shape_cast %add3A_1944 : vector<16xf32> to vector<1x16xf32>
        tpu.vector_store %arg9[%swap3A_1945, %swap3A_1946], %swap3A_1949 {strides = array<i32>} : memref<128x128xf32, #tpu.memory_space<vmem>>, vector<1x16xf32>,
        %get3A_1950 = arith.index_cast %add3A_1775 : i32 to index
        %get3A_1951 = arith.constant 96 : index
        %get3A_1952 = tpu.vector_load %arg8[%get3A_1950, %get3A_1951] {strides = array<i32>} : memref<384x128xf32, #tpu.memory_space<vmem>>, vector<1x16xf32>,
        %get3A_1953 = vector.shape_cast %get3A_1952 : vector<1x16xf32> to vector<16xf32>
        %mul3A_1954 = vector.broadcast %squeeze3A_1769 : f32 to vector<16xf32>
        %mul3A_1955 = arith.mulf %mul3A_1954, %get3A_1953 : vector<16xf32>
        %add3A_1956 = arith.constant 128 : i32
        %add3A_1957 = arith.addi %add3A_1956, %add3A_1775 : i32
        %get3A_1958 = arith.index_cast %add3A_1957 : i32 to index
        %get3A_1959 = arith.constant 96 : index
        %get3A_1960 = tpu.vector_load %arg8[%get3A_1958, %get3A_1959] {strides = array<i32>} : memref<384x128xf32, #tpu.memory_space<vmem>>, vector<1x16xf32>,
        %get3A_1961 = vector.shape_cast %get3A_1960 : vector<1x16xf32> to vector<16xf32>
        %mul3A_1962 = vector.broadcast %squeeze3A_1771 : f32 to vector<16xf32>
        %mul3A_1963 = arith.mulf %mul3A_1962, %get3A_1961 : vector<16xf32>
        %add3A_1964 = arith.addf %mul3A_1955, %mul3A_1963 : vector<16xf32>
        %add3A_1965 = arith.constant 256 : i32
        %add3A_1966 = arith.addi %add3A_1965, %add3A_1775 : i32
        %get3A_1967 = arith.index_cast %add3A_1966 : i32 to index
        %get3A_1968 = arith.constant 96 : index
        %get3A_1969 = tpu.vector_load %arg8[%get3A_1967, %get3A_1968] {strides = array<i32>} : memref<384x128xf32, #tpu.memory_space<vmem>>, vector<1x16xf32>,
        %get3A_1970 = vector.shape_cast %get3A_1969 : vector<1x16xf32> to vector<16xf32>
        %mul3A_1971 = vector.broadcast %squeeze3A_1773 : f32 to vector<16xf32>
        %mul3A_1972 = arith.mulf %mul3A_1971, %get3A_1970 : vector<16xf32>
        %add3A_1973 = arith.addf %add3A_1964, %mul3A_1972 : vector<16xf32>
        %swap3A_1974 = arith.index_cast %add3A_1775 : i32 to index
        %swap3A_1975 = arith.constant 96 : index
        %swap3A_1976 = tpu.vector_load %arg9[%swap3A_1974, %swap3A_1975] {strides = array<i32>} : memref<128x128xf32, #tpu.memory_space<vmem>>, vector<1x16xf32>,
        %swap3A_1977 = vector.shape_cast %swap3A_1976 : vector<1x16xf32> to vector<16xf32>
        %swap3A_1978 = vector.shape_cast %add3A_1973 : vector<16xf32> to vector<1x16xf32>
        tpu.vector_store %arg9[%swap3A_1974, %swap3A_1975], %swap3A_1978 {strides = array<i32>} : memref<128x128xf32, #tpu.memory_space<vmem>>, vector<1x16xf32>,
        %get3A_1979 = arith.index_cast %add3A_1775 : i32 to index
        %get3A_1980 = arith.constant 112 : index
        %get3A_1981 = tpu.vector_load %arg8[%get3A_1979, %get3A_1980] {strides = array<i32>} : memref<384x128xf32, #tpu.memory_space<vmem>>, vector<1x16xf32>,
        %get3A_1982 = vector.shape_cast %get3A_1981 : vector<1x16xf32> to vector<16xf32>
        %mul3A_1983 = vector.broadcast %squeeze3A_1769 : f32 to vector<16xf32>
        %mul3A_1984 = arith.mulf %mul3A_1983, %get3A_1982 : vector<16xf32>
        %add3A_1985 = arith.constant 128 : i32
        %add3A_1986 = arith.addi %add3A_1985, %add3A_1775 : i32
        %get3A_1987 = arith.index_cast %add3A_1986 : i32 to index
        %get3A_1988 = arith.constant 112 : index
        %get3A_1989 = tpu.vector_load %arg8[%get3A_1987, %get3A_1988] {strides = array<i32>} : memref<384x128xf32, #tpu.memory_space<vmem>>, vector<1x16xf32>,
        %get3A_1990 = vector.shape_cast %get3A_1989 : vector<1x16xf32> to vector<16xf32>
        %mul3A_1991 = vector.broadcast %squeeze3A_1771 : f32 to vector<16xf32>
        %mul3A_1992 = arith.mulf %mul3A_1991, %get3A_1990 : vector<16xf32>
        %add3A_1993 = arith.addf %mul3A_1984, %mul3A_1992 : vector<16xf32>
        %add3A_1994 = arith.constant 256 : i32
        %add3A_1995 = arith.addi %add3A_1994, %add3A_1775 : i32
        %get3A_1996 = arith.index_cast %add3A_1995 : i32 to index
        %get3A_1997 = arith.constant 112 : index
        %get3A_1998 = tpu.vector_load %arg8[%get3A_1996, %get3A_1997] {strides = array<i32>} : memref<384x128xf32, #tpu.memory_space<vmem>>, vector<1x16xf32>,
        %get3A_1999 = vector.shape_cast %get3A_1998 : vector<1x16xf32> to vector<16xf32>
        %mul3A_2000 = vector.broadcast %squeeze3A_1773 : f32 to vector<16xf32>
        %mul3A_2001 = arith.mulf %mul3A_2000, %get3A_1999 : vector<16xf32>
        %add3A_2002 = arith.addf %add3A_1993, %mul3A_2001 : vector<16xf32>
        %swap3A_2003 = arith.index_cast %add3A_1775 : i32 to index
        %swap3A_2004 = arith.constant 112 : index
        %swap3A_2005 = tpu.vector_load %arg9[%swap3A_2003, %swap3A_2004] {strides = array<i32>} : memref<128x128xf32, #tpu.memory_space<vmem>>, vector<1x16xf32>,
        %swap3A_2006 = vector.shape_cast %swap3A_2005 : vector<1x16xf32> to vector<16xf32>
        %swap3A_2007 = vector.shape_cast %add3A_2002 : vector<16xf32> to vector<1x16xf32>
        tpu.vector_store %arg9[%swap3A_2003, %swap3A_2004], %swap3A_2007 {strides = array<i32>} : memref<128x128xf32, #tpu.memory_space<vmem>>, vector<1x16xf32>,
        %slice3A_2008 = vector.extract_strided_slice %get3A_80 {offsets = [8], sizes = [1], strides = [1]} : vector<16xf32> to vector<1xf32>
        %squeeze3A_2009 = vector.extract %slice3A_2008[0] : f32 from vector<1xf32>
        %slice3A_2010 = vector.extract_strided_slice %get3A_85 {offsets = [8], sizes = [1], strides = [1]} : vector<16xf32> to vector<1xf32>
        %squeeze3A_2011 = vector.extract %slice3A_2010[0] : f32 from vector<1xf32>
        %slice3A_2012 = vector.extract_strided_slice %get3A_90 {offsets = [8], sizes = [1], strides = [1]} : vector<16xf32> to vector<1xf32>
        %squeeze3A_2013 = vector.extract %slice3A_2012[0] : f32 from vector<1xf32>
        %add3A_2014 = arith.constant 8 : i32
        %add3A_2015 = arith.addi %mul3A_78, %add3A_2014 : i32
        %get3A_2016 = arith.index_cast %add3A_2015 : i32 to index
        %get3A_2017 = arith.constant 0 : index
        %get3A_2018 = tpu.vector_load %arg8[%get3A_2016, %get3A_2017] {strides = array<i32>} : memref<384x128xf32, #tpu.memory_space<vmem>>, vector<1x16xf32>,
        %get3A_2019 = vector.shape_cast %get3A_2018 : vector<1x16xf32> to vector<16xf32>
        %mul3A_2020 = vector.broadcast %squeeze3A_2009 : f32 to vector<16xf32>
        %mul3A_2021 = arith.mulf %mul3A_2020, %get3A_2019 : vector<16xf32>
        %add3A_2022 = arith.constant 128 : i32
        %add3A_2023 = arith.addi %add3A_2022, %add3A_2015 : i32
        %get3A_2024 = arith.index_cast %add3A_2023 : i32 to index
        %get3A_2025 = arith.constant 0 : index
        %get3A_2026 = tpu.vector_load %arg8[%get3A_2024, %get3A_2025] {strides = array<i32>} : memref<384x128xf32, #tpu.memory_space<vmem>>, vector<1x16xf32>,
        %get3A_2027 = vector.shape_cast %get3A_2026 : vector<1x16xf32> to vector<16xf32>
        %mul3A_2028 = vector.broadcast %squeeze3A_2011 : f32 to vector<16xf32>
        %mul3A_2029 = arith.mulf %mul3A_2028, %get3A_2027 : vector<16xf32>
        %add3A_2030 = arith.addf %mul3A_2021, %mul3A_2029 : vector<16xf32>
        %add3A_2031 = arith.constant 256 : i32
        %add3A_2032 = arith.addi %add3A_2031, %add3A_2015 : i32
        %get3A_2033 = arith.index_cast %add3A_2032 : i32 to index
        %get3A_2034 = arith.constant 0 : index
        %get3A_2035 = tpu.vector_load %arg8[%get3A_2033, %get3A_2034] {strides = array<i32>} : memref<384x128xf32, #tpu.memory_space<vmem>>, vector<1x16xf32>,
        %get3A_2036 = vector.shape_cast %get3A_2035 : vector<1x16xf32> to vector<16xf32>
        %mul3A_2037 = vector.broadcast %squeeze3A_2013 : f32 to vector<16xf32>
        %mul3A_2038 = arith.mulf %mul3A_2037, %get3A_2036 : vector<16xf32>
        %add3A_2039 = arith.addf %add3A_2030, %mul3A_2038 : vector<16xf32>
        %swap3A_2040 = arith.index_cast %add3A_2015 : i32 to index
        %swap3A_2041 = arith.constant 0 : index
        %swap3A_2042 = tpu.vector_load %arg9[%swap3A_2040, %swap3A_2041] {strides = array<i32>} : memref<128x128xf32, #tpu.memory_space<vmem>>, vector<1x16xf32>,
        %swap3A_2043 = vector.shape_cast %swap3A_2042 : vector<1x16xf32> to vector<16xf32>
        %swap3A_2044 = vector.shape_cast %add3A_2039 : vector<16xf32> to vector<1x16xf32>
        tpu.vector_store %arg9[%swap3A_2040, %swap3A_2041], %swap3A_2044 {strides = array<i32>} : memref<128x128xf32, #tpu.memory_space<vmem>>, vector<1x16xf32>,
        %get3A_2045 = arith.index_cast %add3A_2015 : i32 to index
        %get3A_2046 = arith.constant 16 : index
        %get3A_2047 = tpu.vector_load %arg8[%get3A_2045, %get3A_2046] {strides = array<i32>} : memref<384x128xf32, #tpu.memory_space<vmem>>, vector<1x16xf32>,
        %get3A_2048 = vector.shape_cast %get3A_2047 : vector<1x16xf32> to vector<16xf32>
        %mul3A_2049 = vector.broadcast %squeeze3A_2009 : f32 to vector<16xf32>
        %mul3A_2050 = arith.mulf %mul3A_2049, %get3A_2048 : vector<16xf32>
        %add3A_2051 = arith.constant 128 : i32
        %add3A_2052 = arith.addi %add3A_2051, %add3A_2015 : i32
        %get3A_2053 = arith.index_cast %add3A_2052 : i32 to index
        %get3A_2054 = arith.constant 16 : index
        %get3A_2055 = tpu.vector_load %arg8[%get3A_2053, %get3A_2054] {strides = array<i32>} : memref<384x128xf32, #tpu.memory_space<vmem>>, vector<1x16xf32>,
        %get3A_2056 = vector.shape_cast %get3A_2055 : vector<1x16xf32> to vector<16xf32>
        %mul3A_2057 = vector.broadcast %squeeze3A_2011 : f32 to vector<16xf32>
        %mul3A_2058 = arith.mulf %mul3A_2057, %get3A_2056 : vector<16xf32>
        %add3A_2059 = arith.addf %mul3A_2050, %mul3A_2058 : vector<16xf32>
        %add3A_2060 = arith.constant 256 : i32
        %add3A_2061 = arith.addi %add3A_2060, %add3A_2015 : i32
        %get3A_2062 = arith.index_cast %add3A_2061 : i32 to index
        %get3A_2063 = arith.constant 16 : index
        %get3A_2064 = tpu.vector_load %arg8[%get3A_2062, %get3A_2063] {strides = array<i32>} : memref<384x128xf32, #tpu.memory_space<vmem>>, vector<1x16xf32>,
        %get3A_2065 = vector.shape_cast %get3A_2064 : vector<1x16xf32> to vector<16xf32>
        %mul3A_2066 = vector.broadcast %squeeze3A_2013 : f32 to vector<16xf32>
        %mul3A_2067 = arith.mulf %mul3A_2066, %get3A_2065 : vector<16xf32>
        %add3A_2068 = arith.addf %add3A_2059, %mul3A_2067 : vector<16xf32>
        %swap3A_2069 = arith.index_cast %add3A_2015 : i32 to index
        %swap3A_2070 = arith.constant 16 : index
        %swap3A_2071 = tpu.vector_load %arg9[%swap3A_2069, %swap3A_2070] {strides = array<i32>} : memref<128x128xf32, #tpu.memory_space<vmem>>, vector<1x16xf32>,
        %swap3A_2072 = vector.shape_cast %swap3A_2071 : vector<1x16xf32> to vector<16xf32>
        %swap3A_2073 = vector.shape_cast %add3A_2068 : vector<16xf32> to vector<1x16xf32>
        tpu.vector_store %arg9[%swap3A_2069, %swap3A_2070], %swap3A_2073 {strides = array<i32>} : memref<128x128xf32, #tpu.memory_space<vmem>>, vector<1x16xf32>,
        %get3A_2074 = arith.index_cast %add3A_2015 : i32 to index
        %get3A_2075 = arith.constant 32 : index
        %get3A_2076 = tpu.vector_load %arg8[%get3A_2074, %get3A_2075] {strides = array<i32>} : memref<384x128xf32, #tpu.memory_space<vmem>>, vector<1x16xf32>,
        %get3A_2077 = vector.shape_cast %get3A_2076 : vector<1x16xf32> to vector<16xf32>
        %mul3A_2078 = vector.broadcast %squeeze3A_2009 : f32 to vector<16xf32>
        %mul3A_2079 = arith.mulf %mul3A_2078, %get3A_2077 : vector<16xf32>
        %add3A_2080 = arith.constant 128 : i32
        %add3A_2081 = arith.addi %add3A_2080, %add3A_2015 : i32
        %get3A_2082 = arith.index_cast %add3A_2081 : i32 to index
        %get3A_2083 = arith.constant 32 : index
        %get3A_2084 = tpu.vector_load %arg8[%get3A_2082, %get3A_2083] {strides = array<i32>} : memref<384x128xf32, #tpu.memory_space<vmem>>, vector<1x16xf32>,
        %get3A_2085 = vector.shape_cast %get3A_2084 : vector<1x16xf32> to vector<16xf32>
        %mul3A_2086 = vector.broadcast %squeeze3A_2011 : f32 to vector<16xf32>
        %mul3A_2087 = arith.mulf %mul3A_2086, %get3A_2085 : vector<16xf32>
        %add3A_2088 = arith.addf %mul3A_2079, %mul3A_2087 : vector<16xf32>
        %add3A_2089 = arith.constant 256 : i32
        %add3A_2090 = arith.addi %add3A_2089, %add3A_2015 : i32
        %get3A_2091 = arith.index_cast %add3A_2090 : i32 to index
        %get3A_2092 = arith.constant 32 : index
        %get3A_2093 = tpu.vector_load %arg8[%get3A_2091, %get3A_2092] {strides = array<i32>} : memref<384x128xf32, #tpu.memory_space<vmem>>, vector<1x16xf32>,
        %get3A_2094 = vector.shape_cast %get3A_2093 : vector<1x16xf32> to vector<16xf32>
        %mul3A_2095 = vector.broadcast %squeeze3A_2013 : f32 to vector<16xf32>
        %mul3A_2096 = arith.mulf %mul3A_2095, %get3A_2094 : vector<16xf32>
        %add3A_2097 = arith.addf %add3A_2088, %mul3A_2096 : vector<16xf32>
        %swap3A_2098 = arith.index_cast %add3A_2015 : i32 to index
        %swap3A_2099 = arith.constant 32 : index
        %swap3A_2100 = tpu.vector_load %arg9[%swap3A_2098, %swap3A_2099] {strides = array<i32>} : memref<128x128xf32, #tpu.memory_space<vmem>>, vector<1x16xf32>,
        %swap3A_2101 = vector.shape_cast %swap3A_2100 : vector<1x16xf32> to vector<16xf32>
        %swap3A_2102 = vector.shape_cast %add3A_2097 : vector<16xf32> to vector<1x16xf32>
        tpu.vector_store %arg9[%swap3A_2098, %swap3A_2099], %swap3A_2102 {strides = array<i32>} : memref<128x128xf32, #tpu.memory_space<vmem>>, vector<1x16xf32>,
        %get3A_2103 = arith.index_cast %add3A_2015 : i32 to index
        %get3A_2104 = arith.constant 48 : index
        %get3A_2105 = tpu.vector_load %arg8[%get3A_2103, %get3A_2104] {strides = array<i32>} : memref<384x128xf32, #tpu.memory_space<vmem>>, vector<1x16xf32>,
        %get3A_2106 = vector.shape_cast %get3A_2105 : vector<1x16xf32> to vector<16xf32>
        %mul3A_2107 = vector.broadcast %squeeze3A_2009 : f32 to vector<16xf32>
        %mul3A_2108 = arith.mulf %mul3A_2107, %get3A_2106 : vector<16xf32>
        %add3A_2109 = arith.constant 128 : i32
        %add3A_2110 = arith.addi %add3A_2109, %add3A_2015 : i32
        %get3A_2111 = arith.index_cast %add3A_2110 : i32 to index
        %get3A_2112 = arith.constant 48 : index
        %get3A_2113 = tpu.vector_load %arg8[%get3A_2111, %get3A_2112] {strides = array<i32>} : memref<384x128xf32, #tpu.memory_space<vmem>>, vector<1x16xf32>,
        %get3A_2114 = vector.shape_cast %get3A_2113 : vector<1x16xf32> to vector<16xf32>
        %mul3A_2115 = vector.broadcast %squeeze3A_2011 : f32 to vector<16xf32>
        %mul3A_2116 = arith.mulf %mul3A_2115, %get3A_2114 : vector<16xf32>
        %add3A_2117 = arith.addf %mul3A_2108, %mul3A_2116 : vector<16xf32>
        %add3A_2118 = arith.constant 256 : i32
        %add3A_2119 = arith.addi %add3A_2118, %add3A_2015 : i32
        %get3A_2120 = arith.index_cast %add3A_2119 : i32 to index
        %get3A_2121 = arith.constant 48 : index
        %get3A_2122 = tpu.vector_load %arg8[%get3A_2120, %get3A_2121] {strides = array<i32>} : memref<384x128xf32, #tpu.memory_space<vmem>>, vector<1x16xf32>,
        %get3A_2123 = vector.shape_cast %get3A_2122 : vector<1x16xf32> to vector<16xf32>
        %mul3A_2124 = vector.broadcast %squeeze3A_2013 : f32 to vector<16xf32>
        %mul3A_2125 = arith.mulf %mul3A_2124, %get3A_2123 : vector<16xf32>
        %add3A_2126 = arith.addf %add3A_2117, %mul3A_2125 : vector<16xf32>
        %swap3A_2127 = arith.index_cast %add3A_2015 : i32 to index
        %swap3A_2128 = arith.constant 48 : index
        %swap3A_2129 = tpu.vector_load %arg9[%swap3A_2127, %swap3A_2128] {strides = array<i32>} : memref<128x128xf32, #tpu.memory_space<vmem>>, vector<1x16xf32>,
        %swap3A_2130 = vector.shape_cast %swap3A_2129 : vector<1x16xf32> to vector<16xf32>
        %swap3A_2131 = vector.shape_cast %add3A_2126 : vector<16xf32> to vector<1x16xf32>
        tpu.vector_store %arg9[%swap3A_2127, %swap3A_2128], %swap3A_2131 {strides = array<i32>} : memref<128x128xf32, #tpu.memory_space<vmem>>, vector<1x16xf32>,
        %get3A_2132 = arith.index_cast %add3A_2015 : i32 to index
        %get3A_2133 = arith.constant 64 : index
        %get3A_2134 = tpu.vector_load %arg8[%get3A_2132, %get3A_2133] {strides = array<i32>} : memref<384x128xf32, #tpu.memory_space<vmem>>, vector<1x16xf32>,
        %get3A_2135 = vector.shape_cast %get3A_2134 : vector<1x16xf32> to vector<16xf32>
        %mul3A_2136 = vector.broadcast %squeeze3A_2009 : f32 to vector<16xf32>
        %mul3A_2137 = arith.mulf %mul3A_2136, %get3A_2135 : vector<16xf32>
        %add3A_2138 = arith.constant 128 : i32
        %add3A_2139 = arith.addi %add3A_2138, %add3A_2015 : i32
        %get3A_2140 = arith.index_cast %add3A_2139 : i32 to index
        %get3A_2141 = arith.constant 64 : index
        %get3A_2142 = tpu.vector_load %arg8[%get3A_2140, %get3A_2141] {strides = array<i32>} : memref<384x128xf32, #tpu.memory_space<vmem>>, vector<1x16xf32>,
        %get3A_2143 = vector.shape_cast %get3A_2142 : vector<1x16xf32> to vector<16xf32>
        %mul3A_2144 = vector.broadcast %squeeze3A_2011 : f32 to vector<16xf32>
        %mul3A_2145 = arith.mulf %mul3A_2144, %get3A_2143 : vector<16xf32>
        %add3A_2146 = arith.addf %mul3A_2137, %mul3A_2145 : vector<16xf32>
        %add3A_2147 = arith.constant 256 : i32
        %add3A_2148 = arith.addi %add3A_2147, %add3A_2015 : i32
        %get3A_2149 = arith.index_cast %add3A_2148 : i32 to index
        %get3A_2150 = arith.constant 64 : index
        %get3A_2151 = tpu.vector_load %arg8[%get3A_2149, %get3A_2150] {strides = array<i32>} : memref<384x128xf32, #tpu.memory_space<vmem>>, vector<1x16xf32>,
        %get3A_2152 = vector.shape_cast %get3A_2151 : vector<1x16xf32> to vector<16xf32>
        %mul3A_2153 = vector.broadcast %squeeze3A_2013 : f32 to vector<16xf32>
        %mul3A_2154 = arith.mulf %mul3A_2153, %get3A_2152 : vector<16xf32>
        %add3A_2155 = arith.addf %add3A_2146, %mul3A_2154 : vector<16xf32>
        %swap3A_2156 = arith.index_cast %add3A_2015 : i32 to index
        %swap3A_2157 = arith.constant 64 : index
        %swap3A_2158 = tpu.vector_load %arg9[%swap3A_2156, %swap3A_2157] {strides = array<i32>} : memref<128x128xf32, #tpu.memory_space<vmem>>, vector<1x16xf32>,
        %swap3A_2159 = vector.shape_cast %swap3A_2158 : vector<1x16xf32> to vector<16xf32>
        %swap3A_2160 = vector.shape_cast %add3A_2155 : vector<16xf32> to vector<1x16xf32>
        tpu.vector_store %arg9[%swap3A_2156, %swap3A_2157], %swap3A_2160 {strides = array<i32>} : memref<128x128xf32, #tpu.memory_space<vmem>>, vector<1x16xf32>,
        %get3A_2161 = arith.index_cast %add3A_2015 : i32 to index
        %get3A_2162 = arith.constant 80 : index
        %get3A_2163 = tpu.vector_load %arg8[%get3A_2161, %get3A_2162] {strides = array<i32>} : memref<384x128xf32, #tpu.memory_space<vmem>>, vector<1x16xf32>,
        %get3A_2164 = vector.shape_cast %get3A_2163 : vector<1x16xf32> to vector<16xf32>
        %mul3A_2165 = vector.broadcast %squeeze3A_2009 : f32 to vector<16xf32>
        %mul3A_2166 = arith.mulf %mul3A_2165, %get3A_2164 : vector<16xf32>
        %add3A_2167 = arith.constant 128 : i32
        %add3A_2168 = arith.addi %add3A_2167, %add3A_2015 : i32
        %get3A_2169 = arith.index_cast %add3A_2168 : i32 to index
        %get3A_2170 = arith.constant 80 : index
        %get3A_2171 = tpu.vector_load %arg8[%get3A_2169, %get3A_2170] {strides = array<i32>} : memref<384x128xf32, #tpu.memory_space<vmem>>, vector<1x16xf32>,
        %get3A_2172 = vector.shape_cast %get3A_2171 : vector<1x16xf32> to vector<16xf32>
        %mul3A_2173 = vector.broadcast %squeeze3A_2011 : f32 to vector<16xf32>
        %mul3A_2174 = arith.mulf %mul3A_2173, %get3A_2172 : vector<16xf32>
        %add3A_2175 = arith.addf %mul3A_2166, %mul3A_2174 : vector<16xf32>
        %add3A_2176 = arith.constant 256 : i32
        %add3A_2177 = arith.addi %add3A_2176, %add3A_2015 : i32
        %get3A_2178 = arith.index_cast %add3A_2177 : i32 to index
        %get3A_2179 = arith.constant 80 : index
        %get3A_2180 = tpu.vector_load %arg8[%get3A_2178, %get3A_2179] {strides = array<i32>} : memref<384x128xf32, #tpu.memory_space<vmem>>, vector<1x16xf32>,
        %get3A_2181 = vector.shape_cast %get3A_2180 : vector<1x16xf32> to vector<16xf32>
        %mul3A_2182 = vector.broadcast %squeeze3A_2013 : f32 to vector<16xf32>
        %mul3A_2183 = arith.mulf %mul3A_2182, %get3A_2181 : vector<16xf32>
        %add3A_2184 = arith.addf %add3A_2175, %mul3A_2183 : vector<16xf32>
        %swap3A_2185 = arith.index_cast %add3A_2015 : i32 to index
        %swap3A_2186 = arith.constant 80 : index
        %swap3A_2187 = tpu.vector_load %arg9[%swap3A_2185, %swap3A_2186] {strides = array<i32>} : memref<128x128xf32, #tpu.memory_space<vmem>>, vector<1x16xf32>,
        %swap3A_2188 = vector.shape_cast %swap3A_2187 : vector<1x16xf32> to vector<16xf32>
        %swap3A_2189 = vector.shape_cast %add3A_2184 : vector<16xf32> to vector<1x16xf32>
        tpu.vector_store %arg9[%swap3A_2185, %swap3A_2186], %swap3A_2189 {strides = array<i32>} : memref<128x128xf32, #tpu.memory_space<vmem>>, vector<1x16xf32>,
        %get3A_2190 = arith.index_cast %add3A_2015 : i32 to index
        %get3A_2191 = arith.constant 96 : index
        %get3A_2192 = tpu.vector_load %arg8[%get3A_2190, %get3A_2191] {strides = array<i32>} : memref<384x128xf32, #tpu.memory_space<vmem>>, vector<1x16xf32>,
        %get3A_2193 = vector.shape_cast %get3A_2192 : vector<1x16xf32> to vector<16xf32>
        %mul3A_2194 = vector.broadcast %squeeze3A_2009 : f32 to vector<16xf32>
        %mul3A_2195 = arith.mulf %mul3A_2194, %get3A_2193 : vector<16xf32>
        %add3A_2196 = arith.constant 128 : i32
        %add3A_2197 = arith.addi %add3A_2196, %add3A_2015 : i32
        %get3A_2198 = arith.index_cast %add3A_2197 : i32 to index
        %get3A_2199 = arith.constant 96 : index
        %get3A_2200 = tpu.vector_load %arg8[%get3A_2198, %get3A_2199] {strides = array<i32>} : memref<384x128xf32, #tpu.memory_space<vmem>>, vector<1x16xf32>,
        %get3A_2201 = vector.shape_cast %get3A_2200 : vector<1x16xf32> to vector<16xf32>
        %mul3A_2202 = vector.broadcast %squeeze3A_2011 : f32 to vector<16xf32>
        %mul3A_2203 = arith.mulf %mul3A_2202, %get3A_2201 : vector<16xf32>
        %add3A_2204 = arith.addf %mul3A_2195, %mul3A_2203 : vector<16xf32>
        %add3A_2205 = arith.constant 256 : i32
        %add3A_2206 = arith.addi %add3A_2205, %add3A_2015 : i32
        %get3A_2207 = arith.index_cast %add3A_2206 : i32 to index
        %get3A_2208 = arith.constant 96 : index
        %get3A_2209 = tpu.vector_load %arg8[%get3A_2207, %get3A_2208] {strides = array<i32>} : memref<384x128xf32, #tpu.memory_space<vmem>>, vector<1x16xf32>,
        %get3A_2210 = vector.shape_cast %get3A_2209 : vector<1x16xf32> to vector<16xf32>
        %mul3A_2211 = vector.broadcast %squeeze3A_2013 : f32 to vector<16xf32>
        %mul3A_2212 = arith.mulf %mul3A_2211, %get3A_2210 : vector<16xf32>
        %add3A_2213 = arith.addf %add3A_2204, %mul3A_2212 : vector<16xf32>
        %swap3A_2214 = arith.index_cast %add3A_2015 : i32 to index
        %swap3A_2215 = arith.constant 96 : index
        %swap3A_2216 = tpu.vector_load %arg9[%swap3A_2214, %swap3A_2215] {strides = array<i32>} : memref<128x128xf32, #tpu.memory_space<vmem>>, vector<1x16xf32>,
        %swap3A_2217 = vector.shape_cast %swap3A_2216 : vector<1x16xf32> to vector<16xf32>
        %swap3A_2218 = vector.shape_cast %add3A_2213 : vector<16xf32> to vector<1x16xf32>
        tpu.vector_store %arg9[%swap3A_2214, %swap3A_2215], %swap3A_2218 {strides = array<i32>} : memref<128x128xf32, #tpu.memory_space<vmem>>, vector<1x16xf32>,
        %get3A_2219 = arith.index_cast %add3A_2015 : i32 to index
        %get3A_2220 = arith.constant 112 : index
        %get3A_2221 = tpu.vector_load %arg8[%get3A_2219, %get3A_2220] {strides = array<i32>} : memref<384x128xf32, #tpu.memory_space<vmem>>, vector<1x16xf32>,
        %get3A_2222 = vector.shape_cast %get3A_2221 : vector<1x16xf32> to vector<16xf32>
        %mul3A_2223 = vector.broadcast %squeeze3A_2009 : f32 to vector<16xf32>
        %mul3A_2224 = arith.mulf %mul3A_2223, %get3A_2222 : vector<16xf32>
        %add3A_2225 = arith.constant 128 : i32
        %add3A_2226 = arith.addi %add3A_2225, %add3A_2015 : i32
        %get3A_2227 = arith.index_cast %add3A_2226 : i32 to index
        %get3A_2228 = arith.constant 112 : index
        %get3A_2229 = tpu.vector_load %arg8[%get3A_2227, %get3A_2228] {strides = array<i32>} : memref<384x128xf32, #tpu.memory_space<vmem>>, vector<1x16xf32>,
        %get3A_2230 = vector.shape_cast %get3A_2229 : vector<1x16xf32> to vector<16xf32>
        %mul3A_2231 = vector.broadcast %squeeze3A_2011 : f32 to vector<16xf32>
        %mul3A_2232 = arith.mulf %mul3A_2231, %get3A_2230 : vector<16xf32>
        %add3A_2233 = arith.addf %mul3A_2224, %mul3A_2232 : vector<16xf32>
        %add3A_2234 = arith.constant 256 : i32
        %add3A_2235 = arith.addi %add3A_2234, %add3A_2015 : i32
        %get3A_2236 = arith.index_cast %add3A_2235 : i32 to index
        %get3A_2237 = arith.constant 112 : index
        %get3A_2238 = tpu.vector_load %arg8[%get3A_2236, %get3A_2237] {strides = array<i32>} : memref<384x128xf32, #tpu.memory_space<vmem>>, vector<1x16xf32>,
        %get3A_2239 = vector.shape_cast %get3A_2238 : vector<1x16xf32> to vector<16xf32>
        %mul3A_2240 = vector.broadcast %squeeze3A_2013 : f32 to vector<16xf32>
        %mul3A_2241 = arith.mulf %mul3A_2240, %get3A_2239 : vector<16xf32>
        %add3A_2242 = arith.addf %add3A_2233, %mul3A_2241 : vector<16xf32>
        %swap3A_2243 = arith.index_cast %add3A_2015 : i32 to index
        %swap3A_2244 = arith.constant 112 : index
        %swap3A_2245 = tpu.vector_load %arg9[%swap3A_2243, %swap3A_2244] {strides = array<i32>} : memref<128x128xf32, #tpu.memory_space<vmem>>, vector<1x16xf32>,
        %swap3A_2246 = vector.shape_cast %swap3A_2245 : vector<1x16xf32> to vector<16xf32>
        %swap3A_2247 = vector.shape_cast %add3A_2242 : vector<16xf32> to vector<1x16xf32>
        tpu.vector_store %arg9[%swap3A_2243, %swap3A_2244], %swap3A_2247 {strides = array<i32>} : memref<128x128xf32, #tpu.memory_space<vmem>>, vector<1x16xf32>,
        %slice3A_2248 = vector.extract_strided_slice %get3A_80 {offsets = [9], sizes = [1], strides = [1]} : vector<16xf32> to vector<1xf32>
        %squeeze3A_2249 = vector.extract %slice3A_2248[0] : f32 from vector<1xf32>
        %slice3A_2250 = vector.extract_strided_slice %get3A_85 {offsets = [9], sizes = [1], strides = [1]} : vector<16xf32> to vector<1xf32>
        %squeeze3A_2251 = vector.extract %slice3A_2250[0] : f32 from vector<1xf32>
        %slice3A_2252 = vector.extract_strided_slice %get3A_90 {offsets = [9], sizes = [1], strides = [1]} : vector<16xf32> to vector<1xf32>
        %squeeze3A_2253 = vector.extract %slice3A_2252[0] : f32 from vector<1xf32>
        %add3A_2254 = arith.constant 9 : i32
        %add3A_2255 = arith.addi %mul3A_78, %add3A_2254 : i32
        %get3A_2256 = arith.index_cast %add3A_2255 : i32 to index
        %get3A_2257 = arith.constant 0 : index
        %get3A_2258 = tpu.vector_load %arg8[%get3A_2256, %get3A_2257] {strides = array<i32>} : memref<384x128xf32, #tpu.memory_space<vmem>>, vector<1x16xf32>,
        %get3A_2259 = vector.shape_cast %get3A_2258 : vector<1x16xf32> to vector<16xf32>
        %mul3A_2260 = vector.broadcast %squeeze3A_2249 : f32 to vector<16xf32>
        %mul3A_2261 = arith.mulf %mul3A_2260, %get3A_2259 : vector<16xf32>
        %add3A_2262 = arith.constant 128 : i32
        %add3A_2263 = arith.addi %add3A_2262, %add3A_2255 : i32
        %get3A_2264 = arith.index_cast %add3A_2263 : i32 to index
        %get3A_2265 = arith.constant 0 : index
        %get3A_2266 = tpu.vector_load %arg8[%get3A_2264, %get3A_2265] {strides = array<i32>} : memref<384x128xf32, #tpu.memory_space<vmem>>, vector<1x16xf32>,
        %get3A_2267 = vector.shape_cast %get3A_2266 : vector<1x16xf32> to vector<16xf32>
        %mul3A_2268 = vector.broadcast %squeeze3A_2251 : f32 to vector<16xf32>
        %mul3A_2269 = arith.mulf %mul3A_2268, %get3A_2267 : vector<16xf32>
        %add3A_2270 = arith.addf %mul3A_2261, %mul3A_2269 : vector<16xf32>
        %add3A_2271 = arith.constant 256 : i32
        %add3A_2272 = arith.addi %add3A_2271, %add3A_2255 : i32
        %get3A_2273 = arith.index_cast %add3A_2272 : i32 to index
        %get3A_2274 = arith.constant 0 : index
        %get3A_2275 = tpu.vector_load %arg8[%get3A_2273, %get3A_2274] {strides = array<i32>} : memref<384x128xf32, #tpu.memory_space<vmem>>, vector<1x16xf32>,
        %get3A_2276 = vector.shape_cast %get3A_2275 : vector<1x16xf32> to vector<16xf32>
        %mul3A_2277 = vector.broadcast %squeeze3A_2253 : f32 to vector<16xf32>
        %mul3A_2278 = arith.mulf %mul3A_2277, %get3A_2276 : vector<16xf32>
        %add3A_2279 = arith.addf %add3A_2270, %mul3A_2278 : vector<16xf32>
        %swap3A_2280 = arith.index_cast %add3A_2255 : i32 to index
        %swap3A_2281 = arith.constant 0 : index
        %swap3A_2282 = tpu.vector_load %arg9[%swap3A_2280, %swap3A_2281] {strides = array<i32>} : memref<128x128xf32, #tpu.memory_space<vmem>>, vector<1x16xf32>,
        %swap3A_2283 = vector.shape_cast %swap3A_2282 : vector<1x16xf32> to vector<16xf32>
        %swap3A_2284 = vector.shape_cast %add3A_2279 : vector<16xf32> to vector<1x16xf32>
        tpu.vector_store %arg9[%swap3A_2280, %swap3A_2281], %swap3A_2284 {strides = array<i32>} : memref<128x128xf32, #tpu.memory_space<vmem>>, vector<1x16xf32>,
        %get3A_2285 = arith.index_cast %add3A_2255 : i32 to index
        %get3A_2286 = arith.constant 16 : index
        %get3A_2287 = tpu.vector_load %arg8[%get3A_2285, %get3A_2286] {strides = array<i32>} : memref<384x128xf32, #tpu.memory_space<vmem>>, vector<1x16xf32>,
        %get3A_2288 = vector.shape_cast %get3A_2287 : vector<1x16xf32> to vector<16xf32>
        %mul3A_2289 = vector.broadcast %squeeze3A_2249 : f32 to vector<16xf32>
        %mul3A_2290 = arith.mulf %mul3A_2289, %get3A_2288 : vector<16xf32>
        %add3A_2291 = arith.constant 128 : i32
        %add3A_2292 = arith.addi %add3A_2291, %add3A_2255 : i32
        %get3A_2293 = arith.index_cast %add3A_2292 : i32 to index
        %get3A_2294 = arith.constant 16 : index
        %get3A_2295 = tpu.vector_load %arg8[%get3A_2293, %get3A_2294] {strides = array<i32>} : memref<384x128xf32, #tpu.memory_space<vmem>>, vector<1x16xf32>,
        %get3A_2296 = vector.shape_cast %get3A_2295 : vector<1x16xf32> to vector<16xf32>
        %mul3A_2297 = vector.broadcast %squeeze3A_2251 : f32 to vector<16xf32>
        %mul3A_2298 = arith.mulf %mul3A_2297, %get3A_2296 : vector<16xf32>
        %add3A_2299 = arith.addf %mul3A_2290, %mul3A_2298 : vector<16xf32>
        %add3A_2300 = arith.constant 256 : i32
        %add3A_2301 = arith.addi %add3A_2300, %add3A_2255 : i32
        %get3A_2302 = arith.index_cast %add3A_2301 : i32 to index
        %get3A_2303 = arith.constant 16 : index
        %get3A_2304 = tpu.vector_load %arg8[%get3A_2302, %get3A_2303] {strides = array<i32>} : memref<384x128xf32, #tpu.memory_space<vmem>>, vector<1x16xf32>,
        %get3A_2305 = vector.shape_cast %get3A_2304 : vector<1x16xf32> to vector<16xf32>
        %mul3A_2306 = vector.broadcast %squeeze3A_2253 : f32 to vector<16xf32>
        %mul3A_2307 = arith.mulf %mul3A_2306, %get3A_2305 : vector<16xf32>
        %add3A_2308 = arith.addf %add3A_2299, %mul3A_2307 : vector<16xf32>
        %swap3A_2309 = arith.index_cast %add3A_2255 : i32 to index
        %swap3A_2310 = arith.constant 16 : index
        %swap3A_2311 = tpu.vector_load %arg9[%swap3A_2309, %swap3A_2310] {strides = array<i32>} : memref<128x128xf32, #tpu.memory_space<vmem>>, vector<1x16xf32>,
        %swap3A_2312 = vector.shape_cast %swap3A_2311 : vector<1x16xf32> to vector<16xf32>
        %swap3A_2313 = vector.shape_cast %add3A_2308 : vector<16xf32> to vector<1x16xf32>
        tpu.vector_store %arg9[%swap3A_2309, %swap3A_2310], %swap3A_2313 {strides = array<i32>} : memref<128x128xf32, #tpu.memory_space<vmem>>, vector<1x16xf32>,
        %get3A_2314 = arith.index_cast %add3A_2255 : i32 to index
        %get3A_2315 = arith.constant 32 : index
        %get3A_2316 = tpu.vector_load %arg8[%get3A_2314, %get3A_2315] {strides = array<i32>} : memref<384x128xf32, #tpu.memory_space<vmem>>, vector<1x16xf32>,
        %get3A_2317 = vector.shape_cast %get3A_2316 : vector<1x16xf32> to vector<16xf32>
        %mul3A_2318 = vector.broadcast %squeeze3A_2249 : f32 to vector<16xf32>
        %mul3A_2319 = arith.mulf %mul3A_2318, %get3A_2317 : vector<16xf32>
        %add3A_2320 = arith.constant 128 : i32
        %add3A_2321 = arith.addi %add3A_2320, %add3A_2255 : i32
        %get3A_2322 = arith.index_cast %add3A_2321 : i32 to index
        %get3A_2323 = arith.constant 32 : index
        %get3A_2324 = tpu.vector_load %arg8[%get3A_2322, %get3A_2323] {strides = array<i32>} : memref<384x128xf32, #tpu.memory_space<vmem>>, vector<1x16xf32>,
        %get3A_2325 = vector.shape_cast %get3A_2324 : vector<1x16xf32> to vector<16xf32>
        %mul3A_2326 = vector.broadcast %squeeze3A_2251 : f32 to vector<16xf32>
        %mul3A_2327 = arith.mulf %mul3A_2326, %get3A_2325 : vector<16xf32>
        %add3A_2328 = arith.addf %mul3A_2319, %mul3A_2327 : vector<16xf32>
        %add3A_2329 = arith.constant 256 : i32
        %add3A_2330 = arith.addi %add3A_2329, %add3A_2255 : i32
        %get3A_2331 = arith.index_cast %add3A_2330 : i32 to index
        %get3A_2332 = arith.constant 32 : index
        %get3A_2333 = tpu.vector_load %arg8[%get3A_2331, %get3A_2332] {strides = array<i32>} : memref<384x128xf32, #tpu.memory_space<vmem>>, vector<1x16xf32>,
        %get3A_2334 = vector.shape_cast %get3A_2333 : vector<1x16xf32> to vector<16xf32>
        %mul3A_2335 = vector.broadcast %squeeze3A_2253 : f32 to vector<16xf32>
        %mul3A_2336 = arith.mulf %mul3A_2335, %get3A_2334 : vector<16xf32>
        %add3A_2337 = arith.addf %add3A_2328, %mul3A_2336 : vector<16xf32>
        %swap3A_2338 = arith.index_cast %add3A_2255 : i32 to index
        %swap3A_2339 = arith.constant 32 : index
        %swap3A_2340 = tpu.vector_load %arg9[%swap3A_2338, %swap3A_2339] {strides = array<i32>} : memref<128x128xf32, #tpu.memory_space<vmem>>, vector<1x16xf32>,
        %swap3A_2341 = vector.shape_cast %swap3A_2340 : vector<1x16xf32> to vector<16xf32>
        %swap3A_2342 = vector.shape_cast %add3A_2337 : vector<16xf32> to vector<1x16xf32>
        tpu.vector_store %arg9[%swap3A_2338, %swap3A_2339], %swap3A_2342 {strides = array<i32>} : memref<128x128xf32, #tpu.memory_space<vmem>>, vector<1x16xf32>,
        %get3A_2343 = arith.index_cast %add3A_2255 : i32 to index
        %get3A_2344 = arith.constant 48 : index
        %get3A_2345 = tpu.vector_load %arg8[%get3A_2343, %get3A_2344] {strides = array<i32>} : memref<384x128xf32, #tpu.memory_space<vmem>>, vector<1x16xf32>,
        %get3A_2346 = vector.shape_cast %get3A_2345 : vector<1x16xf32> to vector<16xf32>
        %mul3A_2347 = vector.broadcast %squeeze3A_2249 : f32 to vector<16xf32>
        %mul3A_2348 = arith.mulf %mul3A_2347, %get3A_2346 : vector<16xf32>
        %add3A_2349 = arith.constant 128 : i32
        %add3A_2350 = arith.addi %add3A_2349, %add3A_2255 : i32
        %get3A_2351 = arith.index_cast %add3A_2350 : i32 to index
        %get3A_2352 = arith.constant 48 : index
        %get3A_2353 = tpu.vector_load %arg8[%get3A_2351, %get3A_2352] {strides = array<i32>} : memref<384x128xf32, #tpu.memory_space<vmem>>, vector<1x16xf32>,
        %get3A_2354 = vector.shape_cast %get3A_2353 : vector<1x16xf32> to vector<16xf32>
        %mul3A_2355 = vector.broadcast %squeeze3A_2251 : f32 to vector<16xf32>
        %mul3A_2356 = arith.mulf %mul3A_2355, %get3A_2354 : vector<16xf32>
        %add3A_2357 = arith.addf %mul3A_2348, %mul3A_2356 : vector<16xf32>
        %add3A_2358 = arith.constant 256 : i32
        %add3A_2359 = arith.addi %add3A_2358, %add3A_2255 : i32
        %get3A_2360 = arith.index_cast %add3A_2359 : i32 to index
        %get3A_2361 = arith.constant 48 : index
        %get3A_2362 = tpu.vector_load %arg8[%get3A_2360, %get3A_2361] {strides = array<i32>} : memref<384x128xf32, #tpu.memory_space<vmem>>, vector<1x16xf32>,
        %get3A_2363 = vector.shape_cast %get3A_2362 : vector<1x16xf32> to vector<16xf32>
        %mul3A_2364 = vector.broadcast %squeeze3A_2253 : f32 to vector<16xf32>
        %mul3A_2365 = arith.mulf %mul3A_2364, %get3A_2363 : vector<16xf32>
        %add3A_2366 = arith.addf %add3A_2357, %mul3A_2365 : vector<16xf32>
        %swap3A_2367 = arith.index_cast %add3A_2255 : i32 to index
        %swap3A_2368 = arith.constant 48 : index
        %swap3A_2369 = tpu.vector_load %arg9[%swap3A_2367, %swap3A_2368] {strides = array<i32>} : memref<128x128xf32, #tpu.memory_space<vmem>>, vector<1x16xf32>,
        %swap3A_2370 = vector.shape_cast %swap3A_2369 : vector<1x16xf32> to vector<16xf32>
        %swap3A_2371 = vector.shape_cast %add3A_2366 : vector<16xf32> to vector<1x16xf32>
        tpu.vector_store %arg9[%swap3A_2367, %swap3A_2368], %swap3A_2371 {strides = array<i32>} : memref<128x128xf32, #tpu.memory_space<vmem>>, vector<1x16xf32>,
        %get3A_2372 = arith.index_cast %add3A_2255 : i32 to index
        %get3A_2373 = arith.constant 64 : index
        %get3A_2374 = tpu.vector_load %arg8[%get3A_2372, %get3A_2373] {strides = array<i32>} : memref<384x128xf32, #tpu.memory_space<vmem>>, vector<1x16xf32>,
        %get3A_2375 = vector.shape_cast %get3A_2374 : vector<1x16xf32> to vector<16xf32>
        %mul3A_2376 = vector.broadcast %squeeze3A_2249 : f32 to vector<16xf32>
        %mul3A_2377 = arith.mulf %mul3A_2376, %get3A_2375 : vector<16xf32>
        %add3A_2378 = arith.constant 128 : i32
        %add3A_2379 = arith.addi %add3A_2378, %add3A_2255 : i32
        %get3A_2380 = arith.index_cast %add3A_2379 : i32 to index
        %get3A_2381 = arith.constant 64 : index
        %get3A_2382 = tpu.vector_load %arg8[%get3A_2380, %get3A_2381] {strides = array<i32>} : memref<384x128xf32, #tpu.memory_space<vmem>>, vector<1x16xf32>,
        %get3A_2383 = vector.shape_cast %get3A_2382 : vector<1x16xf32> to vector<16xf32>
        %mul3A_2384 = vector.broadcast %squeeze3A_2251 : f32 to vector<16xf32>
        %mul3A_2385 = arith.mulf %mul3A_2384, %get3A_2383 : vector<16xf32>
        %add3A_2386 = arith.addf %mul3A_2377, %mul3A_2385 : vector<16xf32>
        %add3A_2387 = arith.constant 256 : i32
        %add3A_2388 = arith.addi %add3A_2387, %add3A_2255 : i32
        %get3A_2389 = arith.index_cast %add3A_2388 : i32 to index
        %get3A_2390 = arith.constant 64 : index
        %get3A_2391 = tpu.vector_load %arg8[%get3A_2389, %get3A_2390] {strides = array<i32>} : memref<384x128xf32, #tpu.memory_space<vmem>>, vector<1x16xf32>,
        %get3A_2392 = vector.shape_cast %get3A_2391 : vector<1x16xf32> to vector<16xf32>
        %mul3A_2393 = vector.broadcast %squeeze3A_2253 : f32 to vector<16xf32>
        %mul3A_2394 = arith.mulf %mul3A_2393, %get3A_2392 : vector<16xf32>
        %add3A_2395 = arith.addf %add3A_2386, %mul3A_2394 : vector<16xf32>
        %swap3A_2396 = arith.index_cast %add3A_2255 : i32 to index
        %swap3A_2397 = arith.constant 64 : index
        %swap3A_2398 = tpu.vector_load %arg9[%swap3A_2396, %swap3A_2397] {strides = array<i32>} : memref<128x128xf32, #tpu.memory_space<vmem>>, vector<1x16xf32>,
        %swap3A_2399 = vector.shape_cast %swap3A_2398 : vector<1x16xf32> to vector<16xf32>
        %swap3A_2400 = vector.shape_cast %add3A_2395 : vector<16xf32> to vector<1x16xf32>
        tpu.vector_store %arg9[%swap3A_2396, %swap3A_2397], %swap3A_2400 {strides = array<i32>} : memref<128x128xf32, #tpu.memory_space<vmem>>, vector<1x16xf32>,
        %get3A_2401 = arith.index_cast %add3A_2255 : i32 to index
        %get3A_2402 = arith.constant 80 : index
        %get3A_2403 = tpu.vector_load %arg8[%get3A_2401, %get3A_2402] {strides = array<i32>} : memref<384x128xf32, #tpu.memory_space<vmem>>, vector<1x16xf32>,
        %get3A_2404 = vector.shape_cast %get3A_2403 : vector<1x16xf32> to vector<16xf32>
        %mul3A_2405 = vector.broadcast %squeeze3A_2249 : f32 to vector<16xf32>
        %mul3A_2406 = arith.mulf %mul3A_2405, %get3A_2404 : vector<16xf32>
        %add3A_2407 = arith.constant 128 : i32
        %add3A_2408 = arith.addi %add3A_2407, %add3A_2255 : i32
        %get3A_2409 = arith.index_cast %add3A_2408 : i32 to index
        %get3A_2410 = arith.constant 80 : index
        %get3A_2411 = tpu.vector_load %arg8[%get3A_2409, %get3A_2410] {strides = array<i32>} : memref<384x128xf32, #tpu.memory_space<vmem>>, vector<1x16xf32>,
        %get3A_2412 = vector.shape_cast %get3A_2411 : vector<1x16xf32> to vector<16xf32>
        %mul3A_2413 = vector.broadcast %squeeze3A_2251 : f32 to vector<16xf32>
        %mul3A_2414 = arith.mulf %mul3A_2413, %get3A_2412 : vector<16xf32>
        %add3A_2415 = arith.addf %mul3A_2406, %mul3A_2414 : vector<16xf32>
        %add3A_2416 = arith.constant 256 : i32
        %add3A_2417 = arith.addi %add3A_2416, %add3A_2255 : i32
        %get3A_2418 = arith.index_cast %add3A_2417 : i32 to index
        %get3A_2419 = arith.constant 80 : index
        %get3A_2420 = tpu.vector_load %arg8[%get3A_2418, %get3A_2419] {strides = array<i32>} : memref<384x128xf32, #tpu.memory_space<vmem>>, vector<1x16xf32>,
        %get3A_2421 = vector.shape_cast %get3A_2420 : vector<1x16xf32> to vector<16xf32>
        %mul3A_2422 = vector.broadcast %squeeze3A_2253 : f32 to vector<16xf32>
        %mul3A_2423 = arith.mulf %mul3A_2422, %get3A_2421 : vector<16xf32>
        %add3A_2424 = arith.addf %add3A_2415, %mul3A_2423 : vector<16xf32>
        %swap3A_2425 = arith.index_cast %add3A_2255 : i32 to index
        %swap3A_2426 = arith.constant 80 : index
        %swap3A_2427 = tpu.vector_load %arg9[%swap3A_2425, %swap3A_2426] {strides = array<i32>} : memref<128x128xf32, #tpu.memory_space<vmem>>, vector<1x16xf32>,
        %swap3A_2428 = vector.shape_cast %swap3A_2427 : vector<1x16xf32> to vector<16xf32>
        %swap3A_2429 = vector.shape_cast %add3A_2424 : vector<16xf32> to vector<1x16xf32>
        tpu.vector_store %arg9[%swap3A_2425, %swap3A_2426], %swap3A_2429 {strides = array<i32>} : memref<128x128xf32, #tpu.memory_space<vmem>>, vector<1x16xf32>,
        %get3A_2430 = arith.index_cast %add3A_2255 : i32 to index
        %get3A_2431 = arith.constant 96 : index
        %get3A_2432 = tpu.vector_load %arg8[%get3A_2430, %get3A_2431] {strides = array<i32>} : memref<384x128xf32, #tpu.memory_space<vmem>>, vector<1x16xf32>,
        %get3A_2433 = vector.shape_cast %get3A_2432 : vector<1x16xf32> to vector<16xf32>
        %mul3A_2434 = vector.broadcast %squeeze3A_2249 : f32 to vector<16xf32>
        %mul3A_2435 = arith.mulf %mul3A_2434, %get3A_2433 : vector<16xf32>
        %add3A_2436 = arith.constant 128 : i32
        %add3A_2437 = arith.addi %add3A_2436, %add3A_2255 : i32
        %get3A_2438 = arith.index_cast %add3A_2437 : i32 to index
        %get3A_2439 = arith.constant 96 : index
        %get3A_2440 = tpu.vector_load %arg8[%get3A_2438, %get3A_2439] {strides = array<i32>} : memref<384x128xf32, #tpu.memory_space<vmem>>, vector<1x16xf32>,
        %get3A_2441 = vector.shape_cast %get3A_2440 : vector<1x16xf32> to vector<16xf32>
        %mul3A_2442 = vector.broadcast %squeeze3A_2251 : f32 to vector<16xf32>
        %mul3A_2443 = arith.mulf %mul3A_2442, %get3A_2441 : vector<16xf32>
        %add3A_2444 = arith.addf %mul3A_2435, %mul3A_2443 : vector<16xf32>
        %add3A_2445 = arith.constant 256 : i32
        %add3A_2446 = arith.addi %add3A_2445, %add3A_2255 : i32
        %get3A_2447 = arith.index_cast %add3A_2446 : i32 to index
        %get3A_2448 = arith.constant 96 : index
        %get3A_2449 = tpu.vector_load %arg8[%get3A_2447, %get3A_2448] {strides = array<i32>} : memref<384x128xf32, #tpu.memory_space<vmem>>, vector<1x16xf32>,
        %get3A_2450 = vector.shape_cast %get3A_2449 : vector<1x16xf32> to vector<16xf32>
        %mul3A_2451 = vector.broadcast %squeeze3A_2253 : f32 to vector<16xf32>
        %mul3A_2452 = arith.mulf %mul3A_2451, %get3A_2450 : vector<16xf32>
        %add3A_2453 = arith.addf %add3A_2444, %mul3A_2452 : vector<16xf32>
        %swap3A_2454 = arith.index_cast %add3A_2255 : i32 to index
        %swap3A_2455 = arith.constant 96 : index
        %swap3A_2456 = tpu.vector_load %arg9[%swap3A_2454, %swap3A_2455] {strides = array<i32>} : memref<128x128xf32, #tpu.memory_space<vmem>>, vector<1x16xf32>,
        %swap3A_2457 = vector.shape_cast %swap3A_2456 : vector<1x16xf32> to vector<16xf32>
        %swap3A_2458 = vector.shape_cast %add3A_2453 : vector<16xf32> to vector<1x16xf32>
        tpu.vector_store %arg9[%swap3A_2454, %swap3A_2455], %swap3A_2458 {strides = array<i32>} : memref<128x128xf32, #tpu.memory_space<vmem>>, vector<1x16xf32>,
        %get3A_2459 = arith.index_cast %add3A_2255 : i32 to index
        %get3A_2460 = arith.constant 112 : index
        %get3A_2461 = tpu.vector_load %arg8[%get3A_2459, %get3A_2460] {strides = array<i32>} : memref<384x128xf32, #tpu.memory_space<vmem>>, vector<1x16xf32>,
        %get3A_2462 = vector.shape_cast %get3A_2461 : vector<1x16xf32> to vector<16xf32>
        %mul3A_2463 = vector.broadcast %squeeze3A_2249 : f32 to vector<16xf32>
        %mul3A_2464 = arith.mulf %mul3A_2463, %get3A_2462 : vector<16xf32>
        %add3A_2465 = arith.constant 128 : i32
        %add3A_2466 = arith.addi %add3A_2465, %add3A_2255 : i32
        %get3A_2467 = arith.index_cast %add3A_2466 : i32 to index
        %get3A_2468 = arith.constant 112 : index
        %get3A_2469 = tpu.vector_load %arg8[%get3A_2467, %get3A_2468] {strides = array<i32>} : memref<384x128xf32, #tpu.memory_space<vmem>>, vector<1x16xf32>,
        %get3A_2470 = vector.shape_cast %get3A_2469 : vector<1x16xf32> to vector<16xf32>
        %mul3A_2471 = vector.broadcast %squeeze3A_2251 : f32 to vector<16xf32>
        %mul3A_2472 = arith.mulf %mul3A_2471, %get3A_2470 : vector<16xf32>
        %add3A_2473 = arith.addf %mul3A_2464, %mul3A_2472 : vector<16xf32>
        %add3A_2474 = arith.constant 256 : i32
        %add3A_2475 = arith.addi %add3A_2474, %add3A_2255 : i32
        %get3A_2476 = arith.index_cast %add3A_2475 : i32 to index
        %get3A_2477 = arith.constant 112 : index
        %get3A_2478 = tpu.vector_load %arg8[%get3A_2476, %get3A_2477] {strides = array<i32>} : memref<384x128xf32, #tpu.memory_space<vmem>>, vector<1x16xf32>,
        %get3A_2479 = vector.shape_cast %get3A_2478 : vector<1x16xf32> to vector<16xf32>
        %mul3A_2480 = vector.broadcast %squeeze3A_2253 : f32 to vector<16xf32>
        %mul3A_2481 = arith.mulf %mul3A_2480, %get3A_2479 : vector<16xf32>
        %add3A_2482 = arith.addf %add3A_2473, %mul3A_2481 : vector<16xf32>
        %swap3A_2483 = arith.index_cast %add3A_2255 : i32 to index
        %swap3A_2484 = arith.constant 112 : index
        %swap3A_2485 = tpu.vector_load %arg9[%swap3A_2483, %swap3A_2484] {strides = array<i32>} : memref<128x128xf32, #tpu.memory_space<vmem>>, vector<1x16xf32>,
        %swap3A_2486 = vector.shape_cast %swap3A_2485 : vector<1x16xf32> to vector<16xf32>
        %swap3A_2487 = vector.shape_cast %add3A_2482 : vector<16xf32> to vector<1x16xf32>
        tpu.vector_store %arg9[%swap3A_2483, %swap3A_2484], %swap3A_2487 {strides = array<i32>} : memref<128x128xf32, #tpu.memory_space<vmem>>, vector<1x16xf32>,
        %slice3A_2488 = vector.extract_strided_slice %get3A_80 {offsets = [10], sizes = [1], strides = [1]} : vector<16xf32> to vector<1xf32>
        %squeeze3A_2489 = vector.extract %slice3A_2488[0] : f32 from vector<1xf32>
        %slice3A_2490 = vector.extract_strided_slice %get3A_85 {offsets = [10], sizes = [1], strides = [1]} : vector<16xf32> to vector<1xf32>
        %squeeze3A_2491 = vector.extract %slice3A_2490[0] : f32 from vector<1xf32>
        %slice3A_2492 = vector.extract_strided_slice %get3A_90 {offsets = [10], sizes = [1], strides = [1]} : vector<16xf32> to vector<1xf32>
        %squeeze3A_2493 = vector.extract %slice3A_2492[0] : f32 from vector<1xf32>
        %add3A_2494 = arith.constant 10 : i32
        %add3A_2495 = arith.addi %mul3A_78, %add3A_2494 : i32
        %get3A_2496 = arith.index_cast %add3A_2495 : i32 to index
        %get3A_2497 = arith.constant 0 : index
        %get3A_2498 = tpu.vector_load %arg8[%get3A_2496, %get3A_2497] {strides = array<i32>} : memref<384x128xf32, #tpu.memory_space<vmem>>, vector<1x16xf32>,
        %get3A_2499 = vector.shape_cast %get3A_2498 : vector<1x16xf32> to vector<16xf32>
        %mul3A_2500 = vector.broadcast %squeeze3A_2489 : f32 to vector<16xf32>
        %mul3A_2501 = arith.mulf %mul3A_2500, %get3A_2499 : vector<16xf32>
        %add3A_2502 = arith.constant 128 : i32
        %add3A_2503 = arith.addi %add3A_2502, %add3A_2495 : i32
        %get3A_2504 = arith.index_cast %add3A_2503 : i32 to index
        %get3A_2505 = arith.constant 0 : index
        %get3A_2506 = tpu.vector_load %arg8[%get3A_2504, %get3A_2505] {strides = array<i32>} : memref<384x128xf32, #tpu.memory_space<vmem>>, vector<1x16xf32>,
        %get3A_2507 = vector.shape_cast %get3A_2506 : vector<1x16xf32> to vector<16xf32>
        %mul3A_2508 = vector.broadcast %squeeze3A_2491 : f32 to vector<16xf32>
        %mul3A_2509 = arith.mulf %mul3A_2508, %get3A_2507 : vector<16xf32>
        %add3A_2510 = arith.addf %mul3A_2501, %mul3A_2509 : vector<16xf32>
        %add3A_2511 = arith.constant 256 : i32
        %add3A_2512 = arith.addi %add3A_2511, %add3A_2495 : i32
        %get3A_2513 = arith.index_cast %add3A_2512 : i32 to index
        %get3A_2514 = arith.constant 0 : index
        %get3A_2515 = tpu.vector_load %arg8[%get3A_2513, %get3A_2514] {strides = array<i32>} : memref<384x128xf32, #tpu.memory_space<vmem>>, vector<1x16xf32>,
        %get3A_2516 = vector.shape_cast %get3A_2515 : vector<1x16xf32> to vector<16xf32>
        %mul3A_2517 = vector.broadcast %squeeze3A_2493 : f32 to vector<16xf32>
        %mul3A_2518 = arith.mulf %mul3A_2517, %get3A_2516 : vector<16xf32>
        %add3A_2519 = arith.addf %add3A_2510, %mul3A_2518 : vector<16xf32>
        %swap3A_2520 = arith.index_cast %add3A_2495 : i32 to index
        %swap3A_2521 = arith.constant 0 : index
        %swap3A_2522 = tpu.vector_load %arg9[%swap3A_2520, %swap3A_2521] {strides = array<i32>} : memref<128x128xf32, #tpu.memory_space<vmem>>, vector<1x16xf32>,
        %swap3A_2523 = vector.shape_cast %swap3A_2522 : vector<1x16xf32> to vector<16xf32>
        %swap3A_2524 = vector.shape_cast %add3A_2519 : vector<16xf32> to vector<1x16xf32>
        tpu.vector_store %arg9[%swap3A_2520, %swap3A_2521], %swap3A_2524 {strides = array<i32>} : memref<128x128xf32, #tpu.memory_space<vmem>>, vector<1x16xf32>,
        %get3A_2525 = arith.index_cast %add3A_2495 : i32 to index
        %get3A_2526 = arith.constant 16 : index
        %get3A_2527 = tpu.vector_load %arg8[%get3A_2525, %get3A_2526] {strides = array<i32>} : memref<384x128xf32, #tpu.memory_space<vmem>>, vector<1x16xf32>,
        %get3A_2528 = vector.shape_cast %get3A_2527 : vector<1x16xf32> to vector<16xf32>
        %mul3A_2529 = vector.broadcast %squeeze3A_2489 : f32 to vector<16xf32>
        %mul3A_2530 = arith.mulf %mul3A_2529, %get3A_2528 : vector<16xf32>
        %add3A_2531 = arith.constant 128 : i32
        %add3A_2532 = arith.addi %add3A_2531, %add3A_2495 : i32
        %get3A_2533 = arith.index_cast %add3A_2532 : i32 to index
        %get3A_2534 = arith.constant 16 : index
        %get3A_2535 = tpu.vector_load %arg8[%get3A_2533, %get3A_2534] {strides = array<i32>} : memref<384x128xf32, #tpu.memory_space<vmem>>, vector<1x16xf32>,
        %get3A_2536 = vector.shape_cast %get3A_2535 : vector<1x16xf32> to vector<16xf32>
        %mul3A_2537 = vector.broadcast %squeeze3A_2491 : f32 to vector<16xf32>
        %mul3A_2538 = arith.mulf %mul3A_2537, %get3A_2536 : vector<16xf32>
        %add3A_2539 = arith.addf %mul3A_2530, %mul3A_2538 : vector<16xf32>
        %add3A_2540 = arith.constant 256 : i32
        %add3A_2541 = arith.addi %add3A_2540, %add3A_2495 : i32
        %get3A_2542 = arith.index_cast %add3A_2541 : i32 to index
        %get3A_2543 = arith.constant 16 : index
        %get3A_2544 = tpu.vector_load %arg8[%get3A_2542, %get3A_2543] {strides = array<i32>} : memref<384x128xf32, #tpu.memory_space<vmem>>, vector<1x16xf32>,
        %get3A_2545 = vector.shape_cast %get3A_2544 : vector<1x16xf32> to vector<16xf32>
        %mul3A_2546 = vector.broadcast %squeeze3A_2493 : f32 to vector<16xf32>
        %mul3A_2547 = arith.mulf %mul3A_2546, %get3A_2545 : vector<16xf32>
        %add3A_2548 = arith.addf %add3A_2539, %mul3A_2547 : vector<16xf32>
        %swap3A_2549 = arith.index_cast %add3A_2495 : i32 to index
        %swap3A_2550 = arith.constant 16 : index
        %swap3A_2551 = tpu.vector_load %arg9[%swap3A_2549, %swap3A_2550] {strides = array<i32>} : memref<128x128xf32, #tpu.memory_space<vmem>>, vector<1x16xf32>,
        %swap3A_2552 = vector.shape_cast %swap3A_2551 : vector<1x16xf32> to vector<16xf32>
        %swap3A_2553 = vector.shape_cast %add3A_2548 : vector<16xf32> to vector<1x16xf32>
        tpu.vector_store %arg9[%swap3A_2549, %swap3A_2550], %swap3A_2553 {strides = array<i32>} : memref<128x128xf32, #tpu.memory_space<vmem>>, vector<1x16xf32>,
        %get3A_2554 = arith.index_cast %add3A_2495 : i32 to index
        %get3A_2555 = arith.constant 32 : index
        %get3A_2556 = tpu.vector_load %arg8[%get3A_2554, %get3A_2555] {strides = array<i32>} : memref<384x128xf32, #tpu.memory_space<vmem>>, vector<1x16xf32>,
        %get3A_2557 = vector.shape_cast %get3A_2556 : vector<1x16xf32> to vector<16xf32>
        %mul3A_2558 = vector.broadcast %squeeze3A_2489 : f32 to vector<16xf32>
        %mul3A_2559 = arith.mulf %mul3A_2558, %get3A_2557 : vector<16xf32>
        %add3A_2560 = arith.constant 128 : i32
        %add3A_2561 = arith.addi %add3A_2560, %add3A_2495 : i32
        %get3A_2562 = arith.index_cast %add3A_2561 : i32 to index
        %get3A_2563 = arith.constant 32 : index
        %get3A_2564 = tpu.vector_load %arg8[%get3A_2562, %get3A_2563] {strides = array<i32>} : memref<384x128xf32, #tpu.memory_space<vmem>>, vector<1x16xf32>,
        %get3A_2565 = vector.shape_cast %get3A_2564 : vector<1x16xf32> to vector<16xf32>
        %mul3A_2566 = vector.broadcast %squeeze3A_2491 : f32 to vector<16xf32>
        %mul3A_2567 = arith.mulf %mul3A_2566, %get3A_2565 : vector<16xf32>
        %add3A_2568 = arith.addf %mul3A_2559, %mul3A_2567 : vector<16xf32>
        %add3A_2569 = arith.constant 256 : i32
        %add3A_2570 = arith.addi %add3A_2569, %add3A_2495 : i32
        %get3A_2571 = arith.index_cast %add3A_2570 : i32 to index
        %get3A_2572 = arith.constant 32 : index
        %get3A_2573 = tpu.vector_load %arg8[%get3A_2571, %get3A_2572] {strides = array<i32>} : memref<384x128xf32, #tpu.memory_space<vmem>>, vector<1x16xf32>,
        %get3A_2574 = vector.shape_cast %get3A_2573 : vector<1x16xf32> to vector<16xf32>
        %mul3A_2575 = vector.broadcast %squeeze3A_2493 : f32 to vector<16xf32>
        %mul3A_2576 = arith.mulf %mul3A_2575, %get3A_2574 : vector<16xf32>
        %add3A_2577 = arith.addf %add3A_2568, %mul3A_2576 : vector<16xf32>
        %swap3A_2578 = arith.index_cast %add3A_2495 : i32 to index
        %swap3A_2579 = arith.constant 32 : index
        %swap3A_2580 = tpu.vector_load %arg9[%swap3A_2578, %swap3A_2579] {strides = array<i32>} : memref<128x128xf32, #tpu.memory_space<vmem>>, vector<1x16xf32>,
        %swap3A_2581 = vector.shape_cast %swap3A_2580 : vector<1x16xf32> to vector<16xf32>
        %swap3A_2582 = vector.shape_cast %add3A_2577 : vector<16xf32> to vector<1x16xf32>
        tpu.vector_store %arg9[%swap3A_2578, %swap3A_2579], %swap3A_2582 {strides = array<i32>} : memref<128x128xf32, #tpu.memory_space<vmem>>, vector<1x16xf32>,
        %get3A_2583 = arith.index_cast %add3A_2495 : i32 to index
        %get3A_2584 = arith.constant 48 : index
        %get3A_2585 = tpu.vector_load %arg8[%get3A_2583, %get3A_2584] {strides = array<i32>} : memref<384x128xf32, #tpu.memory_space<vmem>>, vector<1x16xf32>,
        %get3A_2586 = vector.shape_cast %get3A_2585 : vector<1x16xf32> to vector<16xf32>
        %mul3A_2587 = vector.broadcast %squeeze3A_2489 : f32 to vector<16xf32>
        %mul3A_2588 = arith.mulf %mul3A_2587, %get3A_2586 : vector<16xf32>
        %add3A_2589 = arith.constant 128 : i32
        %add3A_2590 = arith.addi %add3A_2589, %add3A_2495 : i32
        %get3A_2591 = arith.index_cast %add3A_2590 : i32 to index
        %get3A_2592 = arith.constant 48 : index
        %get3A_2593 = tpu.vector_load %arg8[%get3A_2591, %get3A_2592] {strides = array<i32>} : memref<384x128xf32, #tpu.memory_space<vmem>>, vector<1x16xf32>,
        %get3A_2594 = vector.shape_cast %get3A_2593 : vector<1x16xf32> to vector<16xf32>
        %mul3A_2595 = vector.broadcast %squeeze3A_2491 : f32 to vector<16xf32>
        %mul3A_2596 = arith.mulf %mul3A_2595, %get3A_2594 : vector<16xf32>
        %add3A_2597 = arith.addf %mul3A_2588, %mul3A_2596 : vector<16xf32>
        %add3A_2598 = arith.constant 256 : i32
        %add3A_2599 = arith.addi %add3A_2598, %add3A_2495 : i32
        %get3A_2600 = arith.index_cast %add3A_2599 : i32 to index
        %get3A_2601 = arith.constant 48 : index
        %get3A_2602 = tpu.vector_load %arg8[%get3A_2600, %get3A_2601] {strides = array<i32>} : memref<384x128xf32, #tpu.memory_space<vmem>>, vector<1x16xf32>,
        %get3A_2603 = vector.shape_cast %get3A_2602 : vector<1x16xf32> to vector<16xf32>
        %mul3A_2604 = vector.broadcast %squeeze3A_2493 : f32 to vector<16xf32>
        %mul3A_2605 = arith.mulf %mul3A_2604, %get3A_2603 : vector<16xf32>
        %add3A_2606 = arith.addf %add3A_2597, %mul3A_2605 : vector<16xf32>
        %swap3A_2607 = arith.index_cast %add3A_2495 : i32 to index
        %swap3A_2608 = arith.constant 48 : index
        %swap3A_2609 = tpu.vector_load %arg9[%swap3A_2607, %swap3A_2608] {strides = array<i32>} : memref<128x128xf32, #tpu.memory_space<vmem>>, vector<1x16xf32>,
        %swap3A_2610 = vector.shape_cast %swap3A_2609 : vector<1x16xf32> to vector<16xf32>
        %swap3A_2611 = vector.shape_cast %add3A_2606 : vector<16xf32> to vector<1x16xf32>
        tpu.vector_store %arg9[%swap3A_2607, %swap3A_2608], %swap3A_2611 {strides = array<i32>} : memref<128x128xf32, #tpu.memory_space<vmem>>, vector<1x16xf32>,
        %get3A_2612 = arith.index_cast %add3A_2495 : i32 to index
        %get3A_2613 = arith.constant 64 : index
        %get3A_2614 = tpu.vector_load %arg8[%get3A_2612, %get3A_2613] {strides = array<i32>} : memref<384x128xf32, #tpu.memory_space<vmem>>, vector<1x16xf32>,
        %get3A_2615 = vector.shape_cast %get3A_2614 : vector<1x16xf32> to vector<16xf32>
        %mul3A_2616 = vector.broadcast %squeeze3A_2489 : f32 to vector<16xf32>
        %mul3A_2617 = arith.mulf %mul3A_2616, %get3A_2615 : vector<16xf32>
        %add3A_2618 = arith.constant 128 : i32
        %add3A_2619 = arith.addi %add3A_2618, %add3A_2495 : i32
        %get3A_2620 = arith.index_cast %add3A_2619 : i32 to index
        %get3A_2621 = arith.constant 64 : index
        %get3A_2622 = tpu.vector_load %arg8[%get3A_2620, %get3A_2621] {strides = array<i32>} : memref<384x128xf32, #tpu.memory_space<vmem>>, vector<1x16xf32>,
        %get3A_2623 = vector.shape_cast %get3A_2622 : vector<1x16xf32> to vector<16xf32>
        %mul3A_2624 = vector.broadcast %squeeze3A_2491 : f32 to vector<16xf32>
        %mul3A_2625 = arith.mulf %mul3A_2624, %get3A_2623 : vector<16xf32>
        %add3A_2626 = arith.addf %mul3A_2617, %mul3A_2625 : vector<16xf32>
        %add3A_2627 = arith.constant 256 : i32
        %add3A_2628 = arith.addi %add3A_2627, %add3A_2495 : i32
        %get3A_2629 = arith.index_cast %add3A_2628 : i32 to index
        %get3A_2630 = arith.constant 64 : index
        %get3A_2631 = tpu.vector_load %arg8[%get3A_2629, %get3A_2630] {strides = array<i32>} : memref<384x128xf32, #tpu.memory_space<vmem>>, vector<1x16xf32>,
        %get3A_2632 = vector.shape_cast %get3A_2631 : vector<1x16xf32> to vector<16xf32>
        %mul3A_2633 = vector.broadcast %squeeze3A_2493 : f32 to vector<16xf32>
        %mul3A_2634 = arith.mulf %mul3A_2633, %get3A_2632 : vector<16xf32>
        %add3A_2635 = arith.addf %add3A_2626, %mul3A_2634 : vector<16xf32>
        %swap3A_2636 = arith.index_cast %add3A_2495 : i32 to index
        %swap3A_2637 = arith.constant 64 : index
        %swap3A_2638 = tpu.vector_load %arg9[%swap3A_2636, %swap3A_2637] {strides = array<i32>} : memref<128x128xf32, #tpu.memory_space<vmem>>, vector<1x16xf32>,
        %swap3A_2639 = vector.shape_cast %swap3A_2638 : vector<1x16xf32> to vector<16xf32>
        %swap3A_2640 = vector.shape_cast %add3A_2635 : vector<16xf32> to vector<1x16xf32>
        tpu.vector_store %arg9[%swap3A_2636, %swap3A_2637], %swap3A_2640 {strides = array<i32>} : memref<128x128xf32, #tpu.memory_space<vmem>>, vector<1x16xf32>,
        %get3A_2641 = arith.index_cast %add3A_2495 : i32 to index
        %get3A_2642 = arith.constant 80 : index
        %get3A_2643 = tpu.vector_load %arg8[%get3A_2641, %get3A_2642] {strides = array<i32>} : memref<384x128xf32, #tpu.memory_space<vmem>>, vector<1x16xf32>,
        %get3A_2644 = vector.shape_cast %get3A_2643 : vector<1x16xf32> to vector<16xf32>
        %mul3A_2645 = vector.broadcast %squeeze3A_2489 : f32 to vector<16xf32>
        %mul3A_2646 = arith.mulf %mul3A_2645, %get3A_2644 : vector<16xf32>
        %add3A_2647 = arith.constant 128 : i32
        %add3A_2648 = arith.addi %add3A_2647, %add3A_2495 : i32
        %get3A_2649 = arith.index_cast %add3A_2648 : i32 to index
        %get3A_2650 = arith.constant 80 : index
        %get3A_2651 = tpu.vector_load %arg8[%get3A_2649, %get3A_2650] {strides = array<i32>} : memref<384x128xf32, #tpu.memory_space<vmem>>, vector<1x16xf32>,
        %get3A_2652 = vector.shape_cast %get3A_2651 : vector<1x16xf32> to vector<16xf32>
        %mul3A_2653 = vector.broadcast %squeeze3A_2491 : f32 to vector<16xf32>
        %mul3A_2654 = arith.mulf %mul3A_2653, %get3A_2652 : vector<16xf32>
        %add3A_2655 = arith.addf %mul3A_2646, %mul3A_2654 : vector<16xf32>
        %add3A_2656 = arith.constant 256 : i32
        %add3A_2657 = arith.addi %add3A_2656, %add3A_2495 : i32
        %get3A_2658 = arith.index_cast %add3A_2657 : i32 to index
        %get3A_2659 = arith.constant 80 : index
        %get3A_2660 = tpu.vector_load %arg8[%get3A_2658, %get3A_2659] {strides = array<i32>} : memref<384x128xf32, #tpu.memory_space<vmem>>, vector<1x16xf32>,
        %get3A_2661 = vector.shape_cast %get3A_2660 : vector<1x16xf32> to vector<16xf32>
        %mul3A_2662 = vector.broadcast %squeeze3A_2493 : f32 to vector<16xf32>
        %mul3A_2663 = arith.mulf %mul3A_2662, %get3A_2661 : vector<16xf32>
        %add3A_2664 = arith.addf %add3A_2655, %mul3A_2663 : vector<16xf32>
        %swap3A_2665 = arith.index_cast %add3A_2495 : i32 to index
        %swap3A_2666 = arith.constant 80 : index
        %swap3A_2667 = tpu.vector_load %arg9[%swap3A_2665, %swap3A_2666] {strides = array<i32>} : memref<128x128xf32, #tpu.memory_space<vmem>>, vector<1x16xf32>,
        %swap3A_2668 = vector.shape_cast %swap3A_2667 : vector<1x16xf32> to vector<16xf32>
        %swap3A_2669 = vector.shape_cast %add3A_2664 : vector<16xf32> to vector<1x16xf32>
        tpu.vector_store %arg9[%swap3A_2665, %swap3A_2666], %swap3A_2669 {strides = array<i32>} : memref<128x128xf32, #tpu.memory_space<vmem>>, vector<1x16xf32>,
        %get3A_2670 = arith.index_cast %add3A_2495 : i32 to index
        %get3A_2671 = arith.constant 96 : index
        %get3A_2672 = tpu.vector_load %arg8[%get3A_2670, %get3A_2671] {strides = array<i32>} : memref<384x128xf32, #tpu.memory_space<vmem>>, vector<1x16xf32>,
        %get3A_2673 = vector.shape_cast %get3A_2672 : vector<1x16xf32> to vector<16xf32>
        %mul3A_2674 = vector.broadcast %squeeze3A_2489 : f32 to vector<16xf32>
        %mul3A_2675 = arith.mulf %mul3A_2674, %get3A_2673 : vector<16xf32>
        %add3A_2676 = arith.constant 128 : i32
        %add3A_2677 = arith.addi %add3A_2676, %add3A_2495 : i32
        %get3A_2678 = arith.index_cast %add3A_2677 : i32 to index
        %get3A_2679 = arith.constant 96 : index
        %get3A_2680 = tpu.vector_load %arg8[%get3A_2678, %get3A_2679] {strides = array<i32>} : memref<384x128xf32, #tpu.memory_space<vmem>>, vector<1x16xf32>,
        %get3A_2681 = vector.shape_cast %get3A_2680 : vector<1x16xf32> to vector<16xf32>
        %mul3A_2682 = vector.broadcast %squeeze3A_2491 : f32 to vector<16xf32>
        %mul3A_2683 = arith.mulf %mul3A_2682, %get3A_2681 : vector<16xf32>
        %add3A_2684 = arith.addf %mul3A_2675, %mul3A_2683 : vector<16xf32>
        %add3A_2685 = arith.constant 256 : i32
        %add3A_2686 = arith.addi %add3A_2685, %add3A_2495 : i32
        %get3A_2687 = arith.index_cast %add3A_2686 : i32 to index
        %get3A_2688 = arith.constant 96 : index
        %get3A_2689 = tpu.vector_load %arg8[%get3A_2687, %get3A_2688] {strides = array<i32>} : memref<384x128xf32, #tpu.memory_space<vmem>>, vector<1x16xf32>,
        %get3A_2690 = vector.shape_cast %get3A_2689 : vector<1x16xf32> to vector<16xf32>
        %mul3A_2691 = vector.broadcast %squeeze3A_2493 : f32 to vector<16xf32>
        %mul3A_2692 = arith.mulf %mul3A_2691, %get3A_2690 : vector<16xf32>
        %add3A_2693 = arith.addf %add3A_2684, %mul3A_2692 : vector<16xf32>
        %swap3A_2694 = arith.index_cast %add3A_2495 : i32 to index
        %swap3A_2695 = arith.constant 96 : index
        %swap3A_2696 = tpu.vector_load %arg9[%swap3A_2694, %swap3A_2695] {strides = array<i32>} : memref<128x128xf32, #tpu.memory_space<vmem>>, vector<1x16xf32>,
        %swap3A_2697 = vector.shape_cast %swap3A_2696 : vector<1x16xf32> to vector<16xf32>
        %swap3A_2698 = vector.shape_cast %add3A_2693 : vector<16xf32> to vector<1x16xf32>
        tpu.vector_store %arg9[%swap3A_2694, %swap3A_2695], %swap3A_2698 {strides = array<i32>} : memref<128x128xf32, #tpu.memory_space<vmem>>, vector<1x16xf32>,
        %get3A_2699 = arith.index_cast %add3A_2495 : i32 to index
        %get3A_2700 = arith.constant 112 : index
        %get3A_2701 = tpu.vector_load %arg8[%get3A_2699, %get3A_2700] {strides = array<i32>} : memref<384x128xf32, #tpu.memory_space<vmem>>, vector<1x16xf32>,
        %get3A_2702 = vector.shape_cast %get3A_2701 : vector<1x16xf32> to vector<16xf32>
        %mul3A_2703 = vector.broadcast %squeeze3A_2489 : f32 to vector<16xf32>
        %mul3A_2704 = arith.mulf %mul3A_2703, %get3A_2702 : vector<16xf32>
        %add3A_2705 = arith.constant 128 : i32
        %add3A_2706 = arith.addi %add3A_2705, %add3A_2495 : i32
        %get3A_2707 = arith.index_cast %add3A_2706 : i32 to index
        %get3A_2708 = arith.constant 112 : index
        %get3A_2709 = tpu.vector_load %arg8[%get3A_2707, %get3A_2708] {strides = array<i32>} : memref<384x128xf32, #tpu.memory_space<vmem>>, vector<1x16xf32>,
        %get3A_2710 = vector.shape_cast %get3A_2709 : vector<1x16xf32> to vector<16xf32>
        %mul3A_2711 = vector.broadcast %squeeze3A_2491 : f32 to vector<16xf32>
        %mul3A_2712 = arith.mulf %mul3A_2711, %get3A_2710 : vector<16xf32>
        %add3A_2713 = arith.addf %mul3A_2704, %mul3A_2712 : vector<16xf32>
        %add3A_2714 = arith.constant 256 : i32
        %add3A_2715 = arith.addi %add3A_2714, %add3A_2495 : i32
        %get3A_2716 = arith.index_cast %add3A_2715 : i32 to index
        %get3A_2717 = arith.constant 112 : index
        %get3A_2718 = tpu.vector_load %arg8[%get3A_2716, %get3A_2717] {strides = array<i32>} : memref<384x128xf32, #tpu.memory_space<vmem>>, vector<1x16xf32>,
        %get3A_2719 = vector.shape_cast %get3A_2718 : vector<1x16xf32> to vector<16xf32>
        %mul3A_2720 = vector.broadcast %squeeze3A_2493 : f32 to vector<16xf32>
        %mul3A_2721 = arith.mulf %mul3A_2720, %get3A_2719 : vector<16xf32>
        %add3A_2722 = arith.addf %add3A_2713, %mul3A_2721 : vector<16xf32>
        %swap3A_2723 = arith.index_cast %add3A_2495 : i32 to index
        %swap3A_2724 = arith.constant 112 : index
        %swap3A_2725 = tpu.vector_load %arg9[%swap3A_2723, %swap3A_2724] {strides = array<i32>} : memref<128x128xf32, #tpu.memory_space<vmem>>, vector<1x16xf32>,
        %swap3A_2726 = vector.shape_cast %swap3A_2725 : vector<1x16xf32> to vector<16xf32>
        %swap3A_2727 = vector.shape_cast %add3A_2722 : vector<16xf32> to vector<1x16xf32>
        tpu.vector_store %arg9[%swap3A_2723, %swap3A_2724], %swap3A_2727 {strides = array<i32>} : memref<128x128xf32, #tpu.memory_space<vmem>>, vector<1x16xf32>,
        %slice3A_2728 = vector.extract_strided_slice %get3A_80 {offsets = [11], sizes = [1], strides = [1]} : vector<16xf32> to vector<1xf32>
        %squeeze3A_2729 = vector.extract %slice3A_2728[0] : f32 from vector<1xf32>
        %slice3A_2730 = vector.extract_strided_slice %get3A_85 {offsets = [11], sizes = [1], strides = [1]} : vector<16xf32> to vector<1xf32>
        %squeeze3A_2731 = vector.extract %slice3A_2730[0] : f32 from vector<1xf32>
        %slice3A_2732 = vector.extract_strided_slice %get3A_90 {offsets = [11], sizes = [1], strides = [1]} : vector<16xf32> to vector<1xf32>
        %squeeze3A_2733 = vector.extract %slice3A_2732[0] : f32 from vector<1xf32>
        %add3A_2734 = arith.constant 11 : i32
        %add3A_2735 = arith.addi %mul3A_78, %add3A_2734 : i32
        %get3A_2736 = arith.index_cast %add3A_2735 : i32 to index
        %get3A_2737 = arith.constant 0 : index
        %get3A_2738 = tpu.vector_load %arg8[%get3A_2736, %get3A_2737] {strides = array<i32>} : memref<384x128xf32, #tpu.memory_space<vmem>>, vector<1x16xf32>,
        %get3A_2739 = vector.shape_cast %get3A_2738 : vector<1x16xf32> to vector<16xf32>
        %mul3A_2740 = vector.broadcast %squeeze3A_2729 : f32 to vector<16xf32>
        %mul3A_2741 = arith.mulf %mul3A_2740, %get3A_2739 : vector<16xf32>
        %add3A_2742 = arith.constant 128 : i32
        %add3A_2743 = arith.addi %add3A_2742, %add3A_2735 : i32
        %get3A_2744 = arith.index_cast %add3A_2743 : i32 to index
        %get3A_2745 = arith.constant 0 : index
        %get3A_2746 = tpu.vector_load %arg8[%get3A_2744, %get3A_2745] {strides = array<i32>} : memref<384x128xf32, #tpu.memory_space<vmem>>, vector<1x16xf32>,
        %get3A_2747 = vector.shape_cast %get3A_2746 : vector<1x16xf32> to vector<16xf32>
        %mul3A_2748 = vector.broadcast %squeeze3A_2731 : f32 to vector<16xf32>
        %mul3A_2749 = arith.mulf %mul3A_2748, %get3A_2747 : vector<16xf32>
        %add3A_2750 = arith.addf %mul3A_2741, %mul3A_2749 : vector<16xf32>
        %add3A_2751 = arith.constant 256 : i32
        %add3A_2752 = arith.addi %add3A_2751, %add3A_2735 : i32
        %get3A_2753 = arith.index_cast %add3A_2752 : i32 to index
        %get3A_2754 = arith.constant 0 : index
        %get3A_2755 = tpu.vector_load %arg8[%get3A_2753, %get3A_2754] {strides = array<i32>} : memref<384x128xf32, #tpu.memory_space<vmem>>, vector<1x16xf32>,
        %get3A_2756 = vector.shape_cast %get3A_2755 : vector<1x16xf32> to vector<16xf32>
        %mul3A_2757 = vector.broadcast %squeeze3A_2733 : f32 to vector<16xf32>
        %mul3A_2758 = arith.mulf %mul3A_2757, %get3A_2756 : vector<16xf32>
        %add3A_2759 = arith.addf %add3A_2750, %mul3A_2758 : vector<16xf32>
        %swap3A_2760 = arith.index_cast %add3A_2735 : i32 to index
        %swap3A_2761 = arith.constant 0 : index
        %swap3A_2762 = tpu.vector_load %arg9[%swap3A_2760, %swap3A_2761] {strides = array<i32>} : memref<128x128xf32, #tpu.memory_space<vmem>>, vector<1x16xf32>,
        %swap3A_2763 = vector.shape_cast %swap3A_2762 : vector<1x16xf32> to vector<16xf32>
        %swap3A_2764 = vector.shape_cast %add3A_2759 : vector<16xf32> to vector<1x16xf32>
        tpu.vector_store %arg9[%swap3A_2760, %swap3A_2761], %swap3A_2764 {strides = array<i32>} : memref<128x128xf32, #tpu.memory_space<vmem>>, vector<1x16xf32>,
        %get3A_2765 = arith.index_cast %add3A_2735 : i32 to index
        %get3A_2766 = arith.constant 16 : index
        %get3A_2767 = tpu.vector_load %arg8[%get3A_2765, %get3A_2766] {strides = array<i32>} : memref<384x128xf32, #tpu.memory_space<vmem>>, vector<1x16xf32>,
        %get3A_2768 = vector.shape_cast %get3A_2767 : vector<1x16xf32> to vector<16xf32>
        %mul3A_2769 = vector.broadcast %squeeze3A_2729 : f32 to vector<16xf32>
        %mul3A_2770 = arith.mulf %mul3A_2769, %get3A_2768 : vector<16xf32>
        %add3A_2771 = arith.constant 128 : i32
        %add3A_2772 = arith.addi %add3A_2771, %add3A_2735 : i32
        %get3A_2773 = arith.index_cast %add3A_2772 : i32 to index
        %get3A_2774 = arith.constant 16 : index
        %get3A_2775 = tpu.vector_load %arg8[%get3A_2773, %get3A_2774] {strides = array<i32>} : memref<384x128xf32, #tpu.memory_space<vmem>>, vector<1x16xf32>,
        %get3A_2776 = vector.shape_cast %get3A_2775 : vector<1x16xf32> to vector<16xf32>
        %mul3A_2777 = vector.broadcast %squeeze3A_2731 : f32 to vector<16xf32>
        %mul3A_2778 = arith.mulf %mul3A_2777, %get3A_2776 : vector<16xf32>
        %add3A_2779 = arith.addf %mul3A_2770, %mul3A_2778 : vector<16xf32>
        %add3A_2780 = arith.constant 256 : i32
        %add3A_2781 = arith.addi %add3A_2780, %add3A_2735 : i32
        %get3A_2782 = arith.index_cast %add3A_2781 : i32 to index
        %get3A_2783 = arith.constant 16 : index
        %get3A_2784 = tpu.vector_load %arg8[%get3A_2782, %get3A_2783] {strides = array<i32>} : memref<384x128xf32, #tpu.memory_space<vmem>>, vector<1x16xf32>,
        %get3A_2785 = vector.shape_cast %get3A_2784 : vector<1x16xf32> to vector<16xf32>
        %mul3A_2786 = vector.broadcast %squeeze3A_2733 : f32 to vector<16xf32>
        %mul3A_2787 = arith.mulf %mul3A_2786, %get3A_2785 : vector<16xf32>
        %add3A_2788 = arith.addf %add3A_2779, %mul3A_2787 : vector<16xf32>
        %swap3A_2789 = arith.index_cast %add3A_2735 : i32 to index
        %swap3A_2790 = arith.constant 16 : index
        %swap3A_2791 = tpu.vector_load %arg9[%swap3A_2789, %swap3A_2790] {strides = array<i32>} : memref<128x128xf32, #tpu.memory_space<vmem>>, vector<1x16xf32>,
        %swap3A_2792 = vector.shape_cast %swap3A_2791 : vector<1x16xf32> to vector<16xf32>
        %swap3A_2793 = vector.shape_cast %add3A_2788 : vector<16xf32> to vector<1x16xf32>
        tpu.vector_store %arg9[%swap3A_2789, %swap3A_2790], %swap3A_2793 {strides = array<i32>} : memref<128x128xf32, #tpu.memory_space<vmem>>, vector<1x16xf32>,
        %get3A_2794 = arith.index_cast %add3A_2735 : i32 to index
        %get3A_2795 = arith.constant 32 : index
        %get3A_2796 = tpu.vector_load %arg8[%get3A_2794, %get3A_2795] {strides = array<i32>} : memref<384x128xf32, #tpu.memory_space<vmem>>, vector<1x16xf32>,
        %get3A_2797 = vector.shape_cast %get3A_2796 : vector<1x16xf32> to vector<16xf32>
        %mul3A_2798 = vector.broadcast %squeeze3A_2729 : f32 to vector<16xf32>
        %mul3A_2799 = arith.mulf %mul3A_2798, %get3A_2797 : vector<16xf32>
        %add3A_2800 = arith.constant 128 : i32
        %add3A_2801 = arith.addi %add3A_2800, %add3A_2735 : i32
        %get3A_2802 = arith.index_cast %add3A_2801 : i32 to index
        %get3A_2803 = arith.constant 32 : index
        %get3A_2804 = tpu.vector_load %arg8[%get3A_2802, %get3A_2803] {strides = array<i32>} : memref<384x128xf32, #tpu.memory_space<vmem>>, vector<1x16xf32>,
        %get3A_2805 = vector.shape_cast %get3A_2804 : vector<1x16xf32> to vector<16xf32>
        %mul3A_2806 = vector.broadcast %squeeze3A_2731 : f32 to vector<16xf32>
        %mul3A_2807 = arith.mulf %mul3A_2806, %get3A_2805 : vector<16xf32>
        %add3A_2808 = arith.addf %mul3A_2799, %mul3A_2807 : vector<16xf32>
        %add3A_2809 = arith.constant 256 : i32
        %add3A_2810 = arith.addi %add3A_2809, %add3A_2735 : i32
        %get3A_2811 = arith.index_cast %add3A_2810 : i32 to index
        %get3A_2812 = arith.constant 32 : index
        %get3A_2813 = tpu.vector_load %arg8[%get3A_2811, %get3A_2812] {strides = array<i32>} : memref<384x128xf32, #tpu.memory_space<vmem>>, vector<1x16xf32>,
        %get3A_2814 = vector.shape_cast %get3A_2813 : vector<1x16xf32> to vector<16xf32>
        %mul3A_2815 = vector.broadcast %squeeze3A_2733 : f32 to vector<16xf32>
        %mul3A_2816 = arith.mulf %mul3A_2815, %get3A_2814 : vector<16xf32>
        %add3A_2817 = arith.addf %add3A_2808, %mul3A_2816 : vector<16xf32>
        %swap3A_2818 = arith.index_cast %add3A_2735 : i32 to index
        %swap3A_2819 = arith.constant 32 : index
        %swap3A_2820 = tpu.vector_load %arg9[%swap3A_2818, %swap3A_2819] {strides = array<i32>} : memref<128x128xf32, #tpu.memory_space<vmem>>, vector<1x16xf32>,
        %swap3A_2821 = vector.shape_cast %swap3A_2820 : vector<1x16xf32> to vector<16xf32>
        %swap3A_2822 = vector.shape_cast %add3A_2817 : vector<16xf32> to vector<1x16xf32>
        tpu.vector_store %arg9[%swap3A_2818, %swap3A_2819], %swap3A_2822 {strides = array<i32>} : memref<128x128xf32, #tpu.memory_space<vmem>>, vector<1x16xf32>,
        %get3A_2823 = arith.index_cast %add3A_2735 : i32 to index
        %get3A_2824 = arith.constant 48 : index
        %get3A_2825 = tpu.vector_load %arg8[%get3A_2823, %get3A_2824] {strides = array<i32>} : memref<384x128xf32, #tpu.memory_space<vmem>>, vector<1x16xf32>,
        %get3A_2826 = vector.shape_cast %get3A_2825 : vector<1x16xf32> to vector<16xf32>
        %mul3A_2827 = vector.broadcast %squeeze3A_2729 : f32 to vector<16xf32>
        %mul3A_2828 = arith.mulf %mul3A_2827, %get3A_2826 : vector<16xf32>
        %add3A_2829 = arith.constant 128 : i32
        %add3A_2830 = arith.addi %add3A_2829, %add3A_2735 : i32
        %get3A_2831 = arith.index_cast %add3A_2830 : i32 to index
        %get3A_2832 = arith.constant 48 : index
        %get3A_2833 = tpu.vector_load %arg8[%get3A_2831, %get3A_2832] {strides = array<i32>} : memref<384x128xf32, #tpu.memory_space<vmem>>, vector<1x16xf32>,
        %get3A_2834 = vector.shape_cast %get3A_2833 : vector<1x16xf32> to vector<16xf32>
        %mul3A_2835 = vector.broadcast %squeeze3A_2731 : f32 to vector<16xf32>
        %mul3A_2836 = arith.mulf %mul3A_2835, %get3A_2834 : vector<16xf32>
        %add3A_2837 = arith.addf %mul3A_2828, %mul3A_2836 : vector<16xf32>
        %add3A_2838 = arith.constant 256 : i32
        %add3A_2839 = arith.addi %add3A_2838, %add3A_2735 : i32
        %get3A_2840 = arith.index_cast %add3A_2839 : i32 to index
        %get3A_2841 = arith.constant 48 : index
        %get3A_2842 = tpu.vector_load %arg8[%get3A_2840, %get3A_2841] {strides = array<i32>} : memref<384x128xf32, #tpu.memory_space<vmem>>, vector<1x16xf32>,
        %get3A_2843 = vector.shape_cast %get3A_2842 : vector<1x16xf32> to vector<16xf32>
        %mul3A_2844 = vector.broadcast %squeeze3A_2733 : f32 to vector<16xf32>
        %mul3A_2845 = arith.mulf %mul3A_2844, %get3A_2843 : vector<16xf32>
        %add3A_2846 = arith.addf %add3A_2837, %mul3A_2845 : vector<16xf32>
        %swap3A_2847 = arith.index_cast %add3A_2735 : i32 to index
        %swap3A_2848 = arith.constant 48 : index
        %swap3A_2849 = tpu.vector_load %arg9[%swap3A_2847, %swap3A_2848] {strides = array<i32>} : memref<128x128xf32, #tpu.memory_space<vmem>>, vector<1x16xf32>,
        %swap3A_2850 = vector.shape_cast %swap3A_2849 : vector<1x16xf32> to vector<16xf32>
        %swap3A_2851 = vector.shape_cast %add3A_2846 : vector<16xf32> to vector<1x16xf32>
        tpu.vector_store %arg9[%swap3A_2847, %swap3A_2848], %swap3A_2851 {strides = array<i32>} : memref<128x128xf32, #tpu.memory_space<vmem>>, vector<1x16xf32>,
        %get3A_2852 = arith.index_cast %add3A_2735 : i32 to index
        %get3A_2853 = arith.constant 64 : index
        %get3A_2854 = tpu.vector_load %arg8[%get3A_2852, %get3A_2853] {strides = array<i32>} : memref<384x128xf32, #tpu.memory_space<vmem>>, vector<1x16xf32>,
        %get3A_2855 = vector.shape_cast %get3A_2854 : vector<1x16xf32> to vector<16xf32>
        %mul3A_2856 = vector.broadcast %squeeze3A_2729 : f32 to vector<16xf32>
        %mul3A_2857 = arith.mulf %mul3A_2856, %get3A_2855 : vector<16xf32>
        %add3A_2858 = arith.constant 128 : i32
        %add3A_2859 = arith.addi %add3A_2858, %add3A_2735 : i32
        %get3A_2860 = arith.index_cast %add3A_2859 : i32 to index
        %get3A_2861 = arith.constant 64 : index
        %get3A_2862 = tpu.vector_load %arg8[%get3A_2860, %get3A_2861] {strides = array<i32>} : memref<384x128xf32, #tpu.memory_space<vmem>>, vector<1x16xf32>,
        %get3A_2863 = vector.shape_cast %get3A_2862 : vector<1x16xf32> to vector<16xf32>
        %mul3A_2864 = vector.broadcast %squeeze3A_2731 : f32 to vector<16xf32>
        %mul3A_2865 = arith.mulf %mul3A_2864, %get3A_2863 : vector<16xf32>
        %add3A_2866 = arith.addf %mul3A_2857, %mul3A_2865 : vector<16xf32>
        %add3A_2867 = arith.constant 256 : i32
        %add3A_2868 = arith.addi %add3A_2867, %add3A_2735 : i32
        %get3A_2869 = arith.index_cast %add3A_2868 : i32 to index
        %get3A_2870 = arith.constant 64 : index
        %get3A_2871 = tpu.vector_load %arg8[%get3A_2869, %get3A_2870] {strides = array<i32>} : memref<384x128xf32, #tpu.memory_space<vmem>>, vector<1x16xf32>,
        %get3A_2872 = vector.shape_cast %get3A_2871 : vector<1x16xf32> to vector<16xf32>
        %mul3A_2873 = vector.broadcast %squeeze3A_2733 : f32 to vector<16xf32>
        %mul3A_2874 = arith.mulf %mul3A_2873, %get3A_2872 : vector<16xf32>
        %add3A_2875 = arith.addf %add3A_2866, %mul3A_2874 : vector<16xf32>
        %swap3A_2876 = arith.index_cast %add3A_2735 : i32 to index
        %swap3A_2877 = arith.constant 64 : index
        %swap3A_2878 = tpu.vector_load %arg9[%swap3A_2876, %swap3A_2877] {strides = array<i32>} : memref<128x128xf32, #tpu.memory_space<vmem>>, vector<1x16xf32>,
        %swap3A_2879 = vector.shape_cast %swap3A_2878 : vector<1x16xf32> to vector<16xf32>
        %swap3A_2880 = vector.shape_cast %add3A_2875 : vector<16xf32> to vector<1x16xf32>
        tpu.vector_store %arg9[%swap3A_2876, %swap3A_2877], %swap3A_2880 {strides = array<i32>} : memref<128x128xf32, #tpu.memory_space<vmem>>, vector<1x16xf32>,
        %get3A_2881 = arith.index_cast %add3A_2735 : i32 to index
        %get3A_2882 = arith.constant 80 : index
        %get3A_2883 = tpu.vector_load %arg8[%get3A_2881, %get3A_2882] {strides = array<i32>} : memref<384x128xf32, #tpu.memory_space<vmem>>, vector<1x16xf32>,
        %get3A_2884 = vector.shape_cast %get3A_2883 : vector<1x16xf32> to vector<16xf32>
        %mul3A_2885 = vector.broadcast %squeeze3A_2729 : f32 to vector<16xf32>
        %mul3A_2886 = arith.mulf %mul3A_2885, %get3A_2884 : vector<16xf32>
        %add3A_2887 = arith.constant 128 : i32
        %add3A_2888 = arith.addi %add3A_2887, %add3A_2735 : i32
        %get3A_2889 = arith.index_cast %add3A_2888 : i32 to index
        %get3A_2890 = arith.constant 80 : index
        %get3A_2891 = tpu.vector_load %arg8[%get3A_2889, %get3A_2890] {strides = array<i32>} : memref<384x128xf32, #tpu.memory_space<vmem>>, vector<1x16xf32>,
        %get3A_2892 = vector.shape_cast %get3A_2891 : vector<1x16xf32> to vector<16xf32>
        %mul3A_2893 = vector.broadcast %squeeze3A_2731 : f32 to vector<16xf32>
        %mul3A_2894 = arith.mulf %mul3A_2893, %get3A_2892 : vector<16xf32>
        %add3A_2895 = arith.addf %mul3A_2886, %mul3A_2894 : vector<16xf32>
        %add3A_2896 = arith.constant 256 : i32
        %add3A_2897 = arith.addi %add3A_2896, %add3A_2735 : i32
        %get3A_2898 = arith.index_cast %add3A_2897 : i32 to index
        %get3A_2899 = arith.constant 80 : index
        %get3A_2900 = tpu.vector_load %arg8[%get3A_2898, %get3A_2899] {strides = array<i32>} : memref<384x128xf32, #tpu.memory_space<vmem>>, vector<1x16xf32>,
        %get3A_2901 = vector.shape_cast %get3A_2900 : vector<1x16xf32> to vector<16xf32>
        %mul3A_2902 = vector.broadcast %squeeze3A_2733 : f32 to vector<16xf32>
        %mul3A_2903 = arith.mulf %mul3A_2902, %get3A_2901 : vector<16xf32>
        %add3A_2904 = arith.addf %add3A_2895, %mul3A_2903 : vector<16xf32>
        %swap3A_2905 = arith.index_cast %add3A_2735 : i32 to index
        %swap3A_2906 = arith.constant 80 : index
        %swap3A_2907 = tpu.vector_load %arg9[%swap3A_2905, %swap3A_2906] {strides = array<i32>} : memref<128x128xf32, #tpu.memory_space<vmem>>, vector<1x16xf32>,
        %swap3A_2908 = vector.shape_cast %swap3A_2907 : vector<1x16xf32> to vector<16xf32>
        %swap3A_2909 = vector.shape_cast %add3A_2904 : vector<16xf32> to vector<1x16xf32>
        tpu.vector_store %arg9[%swap3A_2905, %swap3A_2906], %swap3A_2909 {strides = array<i32>} : memref<128x128xf32, #tpu.memory_space<vmem>>, vector<1x16xf32>,
        %get3A_2910 = arith.index_cast %add3A_2735 : i32 to index
        %get3A_2911 = arith.constant 96 : index
        %get3A_2912 = tpu.vector_load %arg8[%get3A_2910, %get3A_2911] {strides = array<i32>} : memref<384x128xf32, #tpu.memory_space<vmem>>, vector<1x16xf32>,
        %get3A_2913 = vector.shape_cast %get3A_2912 : vector<1x16xf32> to vector<16xf32>
        %mul3A_2914 = vector.broadcast %squeeze3A_2729 : f32 to vector<16xf32>
        %mul3A_2915 = arith.mulf %mul3A_2914, %get3A_2913 : vector<16xf32>
        %add3A_2916 = arith.constant 128 : i32
        %add3A_2917 = arith.addi %add3A_2916, %add3A_2735 : i32
        %get3A_2918 = arith.index_cast %add3A_2917 : i32 to index
        %get3A_2919 = arith.constant 96 : index
        %get3A_2920 = tpu.vector_load %arg8[%get3A_2918, %get3A_2919] {strides = array<i32>} : memref<384x128xf32, #tpu.memory_space<vmem>>, vector<1x16xf32>,
        %get3A_2921 = vector.shape_cast %get3A_2920 : vector<1x16xf32> to vector<16xf32>
        %mul3A_2922 = vector.broadcast %squeeze3A_2731 : f32 to vector<16xf32>
        %mul3A_2923 = arith.mulf %mul3A_2922, %get3A_2921 : vector<16xf32>
        %add3A_2924 = arith.addf %mul3A_2915, %mul3A_2923 : vector<16xf32>
        %add3A_2925 = arith.constant 256 : i32
        %add3A_2926 = arith.addi %add3A_2925, %add3A_2735 : i32
        %get3A_2927 = arith.index_cast %add3A_2926 : i32 to index
        %get3A_2928 = arith.constant 96 : index
        %get3A_2929 = tpu.vector_load %arg8[%get3A_2927, %get3A_2928] {strides = array<i32>} : memref<384x128xf32, #tpu.memory_space<vmem>>, vector<1x16xf32>,
        %get3A_2930 = vector.shape_cast %get3A_2929 : vector<1x16xf32> to vector<16xf32>
        %mul3A_2931 = vector.broadcast %squeeze3A_2733 : f32 to vector<16xf32>
        %mul3A_2932 = arith.mulf %mul3A_2931, %get3A_2930 : vector<16xf32>
        %add3A_2933 = arith.addf %add3A_2924, %mul3A_2932 : vector<16xf32>
        %swap3A_2934 = arith.index_cast %add3A_2735 : i32 to index
        %swap3A_2935 = arith.constant 96 : index
        %swap3A_2936 = tpu.vector_load %arg9[%swap3A_2934, %swap3A_2935] {strides = array<i32>} : memref<128x128xf32, #tpu.memory_space<vmem>>, vector<1x16xf32>,
        %swap3A_2937 = vector.shape_cast %swap3A_2936 : vector<1x16xf32> to vector<16xf32>
        %swap3A_2938 = vector.shape_cast %add3A_2933 : vector<16xf32> to vector<1x16xf32>
        tpu.vector_store %arg9[%swap3A_2934, %swap3A_2935], %swap3A_2938 {strides = array<i32>} : memref<128x128xf32, #tpu.memory_space<vmem>>, vector<1x16xf32>,
        %get3A_2939 = arith.index_cast %add3A_2735 : i32 to index
        %get3A_2940 = arith.constant 112 : index
        %get3A_2941 = tpu.vector_load %arg8[%get3A_2939, %get3A_2940] {strides = array<i32>} : memref<384x128xf32, #tpu.memory_space<vmem>>, vector<1x16xf32>,
        %get3A_2942 = vector.shape_cast %get3A_2941 : vector<1x16xf32> to vector<16xf32>
        %mul3A_2943 = vector.broadcast %squeeze3A_2729 : f32 to vector<16xf32>
        %mul3A_2944 = arith.mulf %mul3A_2943, %get3A_2942 : vector<16xf32>
        %add3A_2945 = arith.constant 128 : i32
        %add3A_2946 = arith.addi %add3A_2945, %add3A_2735 : i32
        %get3A_2947 = arith.index_cast %add3A_2946 : i32 to index
        %get3A_2948 = arith.constant 112 : index
        %get3A_2949 = tpu.vector_load %arg8[%get3A_2947, %get3A_2948] {strides = array<i32>} : memref<384x128xf32, #tpu.memory_space<vmem>>, vector<1x16xf32>,
        %get3A_2950 = vector.shape_cast %get3A_2949 : vector<1x16xf32> to vector<16xf32>
        %mul3A_2951 = vector.broadcast %squeeze3A_2731 : f32 to vector<16xf32>
        %mul3A_2952 = arith.mulf %mul3A_2951, %get3A_2950 : vector<16xf32>
        %add3A_2953 = arith.addf %mul3A_2944, %mul3A_2952 : vector<16xf32>
        %add3A_2954 = arith.constant 256 : i32
        %add3A_2955 = arith.addi %add3A_2954, %add3A_2735 : i32
        %get3A_2956 = arith.index_cast %add3A_2955 : i32 to index
        %get3A_2957 = arith.constant 112 : index
        %get3A_2958 = tpu.vector_load %arg8[%get3A_2956, %get3A_2957] {strides = array<i32>} : memref<384x128xf32, #tpu.memory_space<vmem>>, vector<1x16xf32>,
        %get3A_2959 = vector.shape_cast %get3A_2958 : vector<1x16xf32> to vector<16xf32>
        %mul3A_2960 = vector.broadcast %squeeze3A_2733 : f32 to vector<16xf32>
        %mul3A_2961 = arith.mulf %mul3A_2960, %get3A_2959 : vector<16xf32>
        %add3A_2962 = arith.addf %add3A_2953, %mul3A_2961 : vector<16xf32>
        %swap3A_2963 = arith.index_cast %add3A_2735 : i32 to index
        %swap3A_2964 = arith.constant 112 : index
        %swap3A_2965 = tpu.vector_load %arg9[%swap3A_2963, %swap3A_2964] {strides = array<i32>} : memref<128x128xf32, #tpu.memory_space<vmem>>, vector<1x16xf32>,
        %swap3A_2966 = vector.shape_cast %swap3A_2965 : vector<1x16xf32> to vector<16xf32>
        %swap3A_2967 = vector.shape_cast %add3A_2962 : vector<16xf32> to vector<1x16xf32>
        tpu.vector_store %arg9[%swap3A_2963, %swap3A_2964], %swap3A_2967 {strides = array<i32>} : memref<128x128xf32, #tpu.memory_space<vmem>>, vector<1x16xf32>,
        %slice3A_2968 = vector.extract_strided_slice %get3A_80 {offsets = [12], sizes = [1], strides = [1]} : vector<16xf32> to vector<1xf32>
        %squeeze3A_2969 = vector.extract %slice3A_2968[0] : f32 from vector<1xf32>
        %slice3A_2970 = vector.extract_strided_slice %get3A_85 {offsets = [12], sizes = [1], strides = [1]} : vector<16xf32> to vector<1xf32>
        %squeeze3A_2971 = vector.extract %slice3A_2970[0] : f32 from vector<1xf32>
        %slice3A_2972 = vector.extract_strided_slice %get3A_90 {offsets = [12], sizes = [1], strides = [1]} : vector<16xf32> to vector<1xf32>
        %squeeze3A_2973 = vector.extract %slice3A_2972[0] : f32 from vector<1xf32>
        %add3A_2974 = arith.constant 12 : i32
        %add3A_2975 = arith.addi %mul3A_78, %add3A_2974 : i32
        %get3A_2976 = arith.index_cast %add3A_2975 : i32 to index
        %get3A_2977 = arith.constant 0 : index
        %get3A_2978 = tpu.vector_load %arg8[%get3A_2976, %get3A_2977] {strides = array<i32>} : memref<384x128xf32, #tpu.memory_space<vmem>>, vector<1x16xf32>,
        %get3A_2979 = vector.shape_cast %get3A_2978 : vector<1x16xf32> to vector<16xf32>
        %mul3A_2980 = vector.broadcast %squeeze3A_2969 : f32 to vector<16xf32>
        %mul3A_2981 = arith.mulf %mul3A_2980, %get3A_2979 : vector<16xf32>
        %add3A_2982 = arith.constant 128 : i32
        %add3A_2983 = arith.addi %add3A_2982, %add3A_2975 : i32
        %get3A_2984 = arith.index_cast %add3A_2983 : i32 to index
        %get3A_2985 = arith.constant 0 : index
        %get3A_2986 = tpu.vector_load %arg8[%get3A_2984, %get3A_2985] {strides = array<i32>} : memref<384x128xf32, #tpu.memory_space<vmem>>, vector<1x16xf32>,
        %get3A_2987 = vector.shape_cast %get3A_2986 : vector<1x16xf32> to vector<16xf32>
        %mul3A_2988 = vector.broadcast %squeeze3A_2971 : f32 to vector<16xf32>
        %mul3A_2989 = arith.mulf %mul3A_2988, %get3A_2987 : vector<16xf32>
        %add3A_2990 = arith.addf %mul3A_2981, %mul3A_2989 : vector<16xf32>
        %add3A_2991 = arith.constant 256 : i32
        %add3A_2992 = arith.addi %add3A_2991, %add3A_2975 : i32
        %get3A_2993 = arith.index_cast %add3A_2992 : i32 to index
        %get3A_2994 = arith.constant 0 : index
        %get3A_2995 = tpu.vector_load %arg8[%get3A_2993, %get3A_2994] {strides = array<i32>} : memref<384x128xf32, #tpu.memory_space<vmem>>, vector<1x16xf32>,
        %get3A_2996 = vector.shape_cast %get3A_2995 : vector<1x16xf32> to vector<16xf32>
        %mul3A_2997 = vector.broadcast %squeeze3A_2973 : f32 to vector<16xf32>
        %mul3A_2998 = arith.mulf %mul3A_2997, %get3A_2996 : vector<16xf32>
        %add3A_2999 = arith.addf %add3A_2990, %mul3A_2998 : vector<16xf32>
        %swap3A_3000 = arith.index_cast %add3A_2975 : i32 to index
        %swap3A_3001 = arith.constant 0 : index
        %swap3A_3002 = tpu.vector_load %arg9[%swap3A_3000, %swap3A_3001] {strides = array<i32>} : memref<128x128xf32, #tpu.memory_space<vmem>>, vector<1x16xf32>,
        %swap3A_3003 = vector.shape_cast %swap3A_3002 : vector<1x16xf32> to vector<16xf32>
        %swap3A_3004 = vector.shape_cast %add3A_2999 : vector<16xf32> to vector<1x16xf32>
        tpu.vector_store %arg9[%swap3A_3000, %swap3A_3001], %swap3A_3004 {strides = array<i32>} : memref<128x128xf32, #tpu.memory_space<vmem>>, vector<1x16xf32>,
        %get3A_3005 = arith.index_cast %add3A_2975 : i32 to index
        %get3A_3006 = arith.constant 16 : index
        %get3A_3007 = tpu.vector_load %arg8[%get3A_3005, %get3A_3006] {strides = array<i32>} : memref<384x128xf32, #tpu.memory_space<vmem>>, vector<1x16xf32>,
        %get3A_3008 = vector.shape_cast %get3A_3007 : vector<1x16xf32> to vector<16xf32>
        %mul3A_3009 = vector.broadcast %squeeze3A_2969 : f32 to vector<16xf32>
        %mul3A_3010 = arith.mulf %mul3A_3009, %get3A_3008 : vector<16xf32>
        %add3A_3011 = arith.constant 128 : i32
        %add3A_3012 = arith.addi %add3A_3011, %add3A_2975 : i32
        %get3A_3013 = arith.index_cast %add3A_3012 : i32 to index
        %get3A_3014 = arith.constant 16 : index
        %get3A_3015 = tpu.vector_load %arg8[%get3A_3013, %get3A_3014] {strides = array<i32>} : memref<384x128xf32, #tpu.memory_space<vmem>>, vector<1x16xf32>,
        %get3A_3016 = vector.shape_cast %get3A_3015 : vector<1x16xf32> to vector<16xf32>
        %mul3A_3017 = vector.broadcast %squeeze3A_2971 : f32 to vector<16xf32>
        %mul3A_3018 = arith.mulf %mul3A_3017, %get3A_3016 : vector<16xf32>
        %add3A_3019 = arith.addf %mul3A_3010, %mul3A_3018 : vector<16xf32>
        %add3A_3020 = arith.constant 256 : i32
        %add3A_3021 = arith.addi %add3A_3020, %add3A_2975 : i32
        %get3A_3022 = arith.index_cast %add3A_3021 : i32 to index
        %get3A_3023 = arith.constant 16 : index
        %get3A_3024 = tpu.vector_load %arg8[%get3A_3022, %get3A_3023] {strides = array<i32>} : memref<384x128xf32, #tpu.memory_space<vmem>>, vector<1x16xf32>,
        %get3A_3025 = vector.shape_cast %get3A_3024 : vector<1x16xf32> to vector<16xf32>
        %mul3A_3026 = vector.broadcast %squeeze3A_2973 : f32 to vector<16xf32>
        %mul3A_3027 = arith.mulf %mul3A_3026, %get3A_3025 : vector<16xf32>
        %add3A_3028 = arith.addf %add3A_3019, %mul3A_3027 : vector<16xf32>
        %swap3A_3029 = arith.index_cast %add3A_2975 : i32 to index
        %swap3A_3030 = arith.constant 16 : index
        %swap3A_3031 = tpu.vector_load %arg9[%swap3A_3029, %swap3A_3030] {strides = array<i32>} : memref<128x128xf32, #tpu.memory_space<vmem>>, vector<1x16xf32>,
        %swap3A_3032 = vector.shape_cast %swap3A_3031 : vector<1x16xf32> to vector<16xf32>
        %swap3A_3033 = vector.shape_cast %add3A_3028 : vector<16xf32> to vector<1x16xf32>
        tpu.vector_store %arg9[%swap3A_3029, %swap3A_3030], %swap3A_3033 {strides = array<i32>} : memref<128x128xf32, #tpu.memory_space<vmem>>, vector<1x16xf32>,
        %get3A_3034 = arith.index_cast %add3A_2975 : i32 to index
        %get3A_3035 = arith.constant 32 : index
        %get3A_3036 = tpu.vector_load %arg8[%get3A_3034, %get3A_3035] {strides = array<i32>} : memref<384x128xf32, #tpu.memory_space<vmem>>, vector<1x16xf32>,
        %get3A_3037 = vector.shape_cast %get3A_3036 : vector<1x16xf32> to vector<16xf32>
        %mul3A_3038 = vector.broadcast %squeeze3A_2969 : f32 to vector<16xf32>
        %mul3A_3039 = arith.mulf %mul3A_3038, %get3A_3037 : vector<16xf32>
        %add3A_3040 = arith.constant 128 : i32
        %add3A_3041 = arith.addi %add3A_3040, %add3A_2975 : i32
        %get3A_3042 = arith.index_cast %add3A_3041 : i32 to index
        %get3A_3043 = arith.constant 32 : index
        %get3A_3044 = tpu.vector_load %arg8[%get3A_3042, %get3A_3043] {strides = array<i32>} : memref<384x128xf32, #tpu.memory_space<vmem>>, vector<1x16xf32>,
        %get3A_3045 = vector.shape_cast %get3A_3044 : vector<1x16xf32> to vector<16xf32>
        %mul3A_3046 = vector.broadcast %squeeze3A_2971 : f32 to vector<16xf32>
        %mul3A_3047 = arith.mulf %mul3A_3046, %get3A_3045 : vector<16xf32>
        %add3A_3048 = arith.addf %mul3A_3039, %mul3A_3047 : vector<16xf32>
        %add3A_3049 = arith.constant 256 : i32
        %add3A_3050 = arith.addi %add3A_3049, %add3A_2975 : i32
        %get3A_3051 = arith.index_cast %add3A_3050 : i32 to index
        %get3A_3052 = arith.constant 32 : index
        %get3A_3053 = tpu.vector_load %arg8[%get3A_3051, %get3A_3052] {strides = array<i32>} : memref<384x128xf32, #tpu.memory_space<vmem>>, vector<1x16xf32>,
        %get3A_3054 = vector.shape_cast %get3A_3053 : vector<1x16xf32> to vector<16xf32>
        %mul3A_3055 = vector.broadcast %squeeze3A_2973 : f32 to vector<16xf32>
        %mul3A_3056 = arith.mulf %mul3A_3055, %get3A_3054 : vector<16xf32>
        %add3A_3057 = arith.addf %add3A_3048, %mul3A_3056 : vector<16xf32>
        %swap3A_3058 = arith.index_cast %add3A_2975 : i32 to index
        %swap3A_3059 = arith.constant 32 : index
        %swap3A_3060 = tpu.vector_load %arg9[%swap3A_3058, %swap3A_3059] {strides = array<i32>} : memref<128x128xf32, #tpu.memory_space<vmem>>, vector<1x16xf32>,
        %swap3A_3061 = vector.shape_cast %swap3A_3060 : vector<1x16xf32> to vector<16xf32>
        %swap3A_3062 = vector.shape_cast %add3A_3057 : vector<16xf32> to vector<1x16xf32>
        tpu.vector_store %arg9[%swap3A_3058, %swap3A_3059], %swap3A_3062 {strides = array<i32>} : memref<128x128xf32, #tpu.memory_space<vmem>>, vector<1x16xf32>,
        %get3A_3063 = arith.index_cast %add3A_2975 : i32 to index
        %get3A_3064 = arith.constant 48 : index
        %get3A_3065 = tpu.vector_load %arg8[%get3A_3063, %get3A_3064] {strides = array<i32>} : memref<384x128xf32, #tpu.memory_space<vmem>>, vector<1x16xf32>,
        %get3A_3066 = vector.shape_cast %get3A_3065 : vector<1x16xf32> to vector<16xf32>
        %mul3A_3067 = vector.broadcast %squeeze3A_2969 : f32 to vector<16xf32>
        %mul3A_3068 = arith.mulf %mul3A_3067, %get3A_3066 : vector<16xf32>
        %add3A_3069 = arith.constant 128 : i32
        %add3A_3070 = arith.addi %add3A_3069, %add3A_2975 : i32
        %get3A_3071 = arith.index_cast %add3A_3070 : i32 to index
        %get3A_3072 = arith.constant 48 : index
        %get3A_3073 = tpu.vector_load %arg8[%get3A_3071, %get3A_3072] {strides = array<i32>} : memref<384x128xf32, #tpu.memory_space<vmem>>, vector<1x16xf32>,
        %get3A_3074 = vector.shape_cast %get3A_3073 : vector<1x16xf32> to vector<16xf32>
        %mul3A_3075 = vector.broadcast %squeeze3A_2971 : f32 to vector<16xf32>
        %mul3A_3076 = arith.mulf %mul3A_3075, %get3A_3074 : vector<16xf32>
        %add3A_3077 = arith.addf %mul3A_3068, %mul3A_3076 : vector<16xf32>
        %add3A_3078 = arith.constant 256 : i32
        %add3A_3079 = arith.addi %add3A_3078, %add3A_2975 : i32
        %get3A_3080 = arith.index_cast %add3A_3079 : i32 to index
        %get3A_3081 = arith.constant 48 : index
        %get3A_3082 = tpu.vector_load %arg8[%get3A_3080, %get3A_3081] {strides = array<i32>} : memref<384x128xf32, #tpu.memory_space<vmem>>, vector<1x16xf32>,
        %get3A_3083 = vector.shape_cast %get3A_3082 : vector<1x16xf32> to vector<16xf32>
        %mul3A_3084 = vector.broadcast %squeeze3A_2973 : f32 to vector<16xf32>
        %mul3A_3085 = arith.mulf %mul3A_3084, %get3A_3083 : vector<16xf32>
        %add3A_3086 = arith.addf %add3A_3077, %mul3A_3085 : vector<16xf32>
        %swap3A_3087 = arith.index_cast %add3A_2975 : i32 to index
        %swap3A_3088 = arith.constant 48 : index
        %swap3A_3089 = tpu.vector_load %arg9[%swap3A_3087, %swap3A_3088] {strides = array<i32>} : memref<128x128xf32, #tpu.memory_space<vmem>>, vector<1x16xf32>,
        %swap3A_3090 = vector.shape_cast %swap3A_3089 : vector<1x16xf32> to vector<16xf32>
        %swap3A_3091 = vector.shape_cast %add3A_3086 : vector<16xf32> to vector<1x16xf32>
        tpu.vector_store %arg9[%swap3A_3087, %swap3A_3088], %swap3A_3091 {strides = array<i32>} : memref<128x128xf32, #tpu.memory_space<vmem>>, vector<1x16xf32>,
        %get3A_3092 = arith.index_cast %add3A_2975 : i32 to index
        %get3A_3093 = arith.constant 64 : index
        %get3A_3094 = tpu.vector_load %arg8[%get3A_3092, %get3A_3093] {strides = array<i32>} : memref<384x128xf32, #tpu.memory_space<vmem>>, vector<1x16xf32>,
        %get3A_3095 = vector.shape_cast %get3A_3094 : vector<1x16xf32> to vector<16xf32>
        %mul3A_3096 = vector.broadcast %squeeze3A_2969 : f32 to vector<16xf32>
        %mul3A_3097 = arith.mulf %mul3A_3096, %get3A_3095 : vector<16xf32>
        %add3A_3098 = arith.constant 128 : i32
        %add3A_3099 = arith.addi %add3A_3098, %add3A_2975 : i32
        %get3A_3100 = arith.index_cast %add3A_3099 : i32 to index
        %get3A_3101 = arith.constant 64 : index
        %get3A_3102 = tpu.vector_load %arg8[%get3A_3100, %get3A_3101] {strides = array<i32>} : memref<384x128xf32, #tpu.memory_space<vmem>>, vector<1x16xf32>,
        %get3A_3103 = vector.shape_cast %get3A_3102 : vector<1x16xf32> to vector<16xf32>
        %mul3A_3104 = vector.broadcast %squeeze3A_2971 : f32 to vector<16xf32>
        %mul3A_3105 = arith.mulf %mul3A_3104, %get3A_3103 : vector<16xf32>
        %add3A_3106 = arith.addf %mul3A_3097, %mul3A_3105 : vector<16xf32>
        %add3A_3107 = arith.constant 256 : i32
        %add3A_3108 = arith.addi %add3A_3107, %add3A_2975 : i32
        %get3A_3109 = arith.index_cast %add3A_3108 : i32 to index
        %get3A_3110 = arith.constant 64 : index
        %get3A_3111 = tpu.vector_load %arg8[%get3A_3109, %get3A_3110] {strides = array<i32>} : memref<384x128xf32, #tpu.memory_space<vmem>>, vector<1x16xf32>,
        %get3A_3112 = vector.shape_cast %get3A_3111 : vector<1x16xf32> to vector<16xf32>
        %mul3A_3113 = vector.broadcast %squeeze3A_2973 : f32 to vector<16xf32>
        %mul3A_3114 = arith.mulf %mul3A_3113, %get3A_3112 : vector<16xf32>
        %add3A_3115 = arith.addf %add3A_3106, %mul3A_3114 : vector<16xf32>
        %swap3A_3116 = arith.index_cast %add3A_2975 : i32 to index
        %swap3A_3117 = arith.constant 64 : index
        %swap3A_3118 = tpu.vector_load %arg9[%swap3A_3116, %swap3A_3117] {strides = array<i32>} : memref<128x128xf32, #tpu.memory_space<vmem>>, vector<1x16xf32>,
        %swap3A_3119 = vector.shape_cast %swap3A_3118 : vector<1x16xf32> to vector<16xf32>
        %swap3A_3120 = vector.shape_cast %add3A_3115 : vector<16xf32> to vector<1x16xf32>
        tpu.vector_store %arg9[%swap3A_3116, %swap3A_3117], %swap3A_3120 {strides = array<i32>} : memref<128x128xf32, #tpu.memory_space<vmem>>, vector<1x16xf32>,
        %get3A_3121 = arith.index_cast %add3A_2975 : i32 to index
        %get3A_3122 = arith.constant 80 : index
        %get3A_3123 = tpu.vector_load %arg8[%get3A_3121, %get3A_3122] {strides = array<i32>} : memref<384x128xf32, #tpu.memory_space<vmem>>, vector<1x16xf32>,
        %get3A_3124 = vector.shape_cast %get3A_3123 : vector<1x16xf32> to vector<16xf32>
        %mul3A_3125 = vector.broadcast %squeeze3A_2969 : f32 to vector<16xf32>
        %mul3A_3126 = arith.mulf %mul3A_3125, %get3A_3124 : vector<16xf32>
        %add3A_3127 = arith.constant 128 : i32
        %add3A_3128 = arith.addi %add3A_3127, %add3A_2975 : i32
        %get3A_3129 = arith.index_cast %add3A_3128 : i32 to index
        %get3A_3130 = arith.constant 80 : index
        %get3A_3131 = tpu.vector_load %arg8[%get3A_3129, %get3A_3130] {strides = array<i32>} : memref<384x128xf32, #tpu.memory_space<vmem>>, vector<1x16xf32>,
        %get3A_3132 = vector.shape_cast %get3A_3131 : vector<1x16xf32> to vector<16xf32>
        %mul3A_3133 = vector.broadcast %squeeze3A_2971 : f32 to vector<16xf32>
        %mul3A_3134 = arith.mulf %mul3A_3133, %get3A_3132 : vector<16xf32>
        %add3A_3135 = arith.addf %mul3A_3126, %mul3A_3134 : vector<16xf32>
        %add3A_3136 = arith.constant 256 : i32
        %add3A_3137 = arith.addi %add3A_3136, %add3A_2975 : i32
        %get3A_3138 = arith.index_cast %add3A_3137 : i32 to index
        %get3A_3139 = arith.constant 80 : index
        %get3A_3140 = tpu.vector_load %arg8[%get3A_3138, %get3A_3139] {strides = array<i32>} : memref<384x128xf32, #tpu.memory_space<vmem>>, vector<1x16xf32>,
        %get3A_3141 = vector.shape_cast %get3A_3140 : vector<1x16xf32> to vector<16xf32>
        %mul3A_3142 = vector.broadcast %squeeze3A_2973 : f32 to vector<16xf32>
        %mul3A_3143 = arith.mulf %mul3A_3142, %get3A_3141 : vector<16xf32>
        %add3A_3144 = arith.addf %add3A_3135, %mul3A_3143 : vector<16xf32>
        %swap3A_3145 = arith.index_cast %add3A_2975 : i32 to index
        %swap3A_3146 = arith.constant 80 : index
        %swap3A_3147 = tpu.vector_load %arg9[%swap3A_3145, %swap3A_3146] {strides = array<i32>} : memref<128x128xf32, #tpu.memory_space<vmem>>, vector<1x16xf32>,
        %swap3A_3148 = vector.shape_cast %swap3A_3147 : vector<1x16xf32> to vector<16xf32>
        %swap3A_3149 = vector.shape_cast %add3A_3144 : vector<16xf32> to vector<1x16xf32>
        tpu.vector_store %arg9[%swap3A_3145, %swap3A_3146], %swap3A_3149 {strides = array<i32>} : memref<128x128xf32, #tpu.memory_space<vmem>>, vector<1x16xf32>,
        %get3A_3150 = arith.index_cast %add3A_2975 : i32 to index
        %get3A_3151 = arith.constant 96 : index
        %get3A_3152 = tpu.vector_load %arg8[%get3A_3150, %get3A_3151] {strides = array<i32>} : memref<384x128xf32, #tpu.memory_space<vmem>>, vector<1x16xf32>,
        %get3A_3153 = vector.shape_cast %get3A_3152 : vector<1x16xf32> to vector<16xf32>
        %mul3A_3154 = vector.broadcast %squeeze3A_2969 : f32 to vector<16xf32>
        %mul3A_3155 = arith.mulf %mul3A_3154, %get3A_3153 : vector<16xf32>
        %add3A_3156 = arith.constant 128 : i32
        %add3A_3157 = arith.addi %add3A_3156, %add3A_2975 : i32
        %get3A_3158 = arith.index_cast %add3A_3157 : i32 to index
        %get3A_3159 = arith.constant 96 : index
        %get3A_3160 = tpu.vector_load %arg8[%get3A_3158, %get3A_3159] {strides = array<i32>} : memref<384x128xf32, #tpu.memory_space<vmem>>, vector<1x16xf32>,
        %get3A_3161 = vector.shape_cast %get3A_3160 : vector<1x16xf32> to vector<16xf32>
        %mul3A_3162 = vector.broadcast %squeeze3A_2971 : f32 to vector<16xf32>
        %mul3A_3163 = arith.mulf %mul3A_3162, %get3A_3161 : vector<16xf32>
        %add3A_3164 = arith.addf %mul3A_3155, %mul3A_3163 : vector<16xf32>
        %add3A_3165 = arith.constant 256 : i32
        %add3A_3166 = arith.addi %add3A_3165, %add3A_2975 : i32
        %get3A_3167 = arith.index_cast %add3A_3166 : i32 to index
        %get3A_3168 = arith.constant 96 : index
        %get3A_3169 = tpu.vector_load %arg8[%get3A_3167, %get3A_3168] {strides = array<i32>} : memref<384x128xf32, #tpu.memory_space<vmem>>, vector<1x16xf32>,
        %get3A_3170 = vector.shape_cast %get3A_3169 : vector<1x16xf32> to vector<16xf32>
        %mul3A_3171 = vector.broadcast %squeeze3A_2973 : f32 to vector<16xf32>
        %mul3A_3172 = arith.mulf %mul3A_3171, %get3A_3170 : vector<16xf32>
        %add3A_3173 = arith.addf %add3A_3164, %mul3A_3172 : vector<16xf32>
        %swap3A_3174 = arith.index_cast %add3A_2975 : i32 to index
        %swap3A_3175 = arith.constant 96 : index
        %swap3A_3176 = tpu.vector_load %arg9[%swap3A_3174, %swap3A_3175] {strides = array<i32>} : memref<128x128xf32, #tpu.memory_space<vmem>>, vector<1x16xf32>,
        %swap3A_3177 = vector.shape_cast %swap3A_3176 : vector<1x16xf32> to vector<16xf32>
        %swap3A_3178 = vector.shape_cast %add3A_3173 : vector<16xf32> to vector<1x16xf32>
        tpu.vector_store %arg9[%swap3A_3174, %swap3A_3175], %swap3A_3178 {strides = array<i32>} : memref<128x128xf32, #tpu.memory_space<vmem>>, vector<1x16xf32>,
        %get3A_3179 = arith.index_cast %add3A_2975 : i32 to index
        %get3A_3180 = arith.constant 112 : index
        %get3A_3181 = tpu.vector_load %arg8[%get3A_3179, %get3A_3180] {strides = array<i32>} : memref<384x128xf32, #tpu.memory_space<vmem>>, vector<1x16xf32>,
        %get3A_3182 = vector.shape_cast %get3A_3181 : vector<1x16xf32> to vector<16xf32>
        %mul3A_3183 = vector.broadcast %squeeze3A_2969 : f32 to vector<16xf32>
        %mul3A_3184 = arith.mulf %mul3A_3183, %get3A_3182 : vector<16xf32>
        %add3A_3185 = arith.constant 128 : i32
        %add3A_3186 = arith.addi %add3A_3185, %add3A_2975 : i32
        %get3A_3187 = arith.index_cast %add3A_3186 : i32 to index
        %get3A_3188 = arith.constant 112 : index
        %get3A_3189 = tpu.vector_load %arg8[%get3A_3187, %get3A_3188] {strides = array<i32>} : memref<384x128xf32, #tpu.memory_space<vmem>>, vector<1x16xf32>,
        %get3A_3190 = vector.shape_cast %get3A_3189 : vector<1x16xf32> to vector<16xf32>
        %mul3A_3191 = vector.broadcast %squeeze3A_2971 : f32 to vector<16xf32>
        %mul3A_3192 = arith.mulf %mul3A_3191, %get3A_3190 : vector<16xf32>
        %add3A_3193 = arith.addf %mul3A_3184, %mul3A_3192 : vector<16xf32>
        %add3A_3194 = arith.constant 256 : i32
        %add3A_3195 = arith.addi %add3A_3194, %add3A_2975 : i32
        %get3A_3196 = arith.index_cast %add3A_3195 : i32 to index
        %get3A_3197 = arith.constant 112 : index
        %get3A_3198 = tpu.vector_load %arg8[%get3A_3196, %get3A_3197] {strides = array<i32>} : memref<384x128xf32, #tpu.memory_space<vmem>>, vector<1x16xf32>,
        %get3A_3199 = vector.shape_cast %get3A_3198 : vector<1x16xf32> to vector<16xf32>
        %mul3A_3200 = vector.broadcast %squeeze3A_2973 : f32 to vector<16xf32>
        %mul3A_3201 = arith.mulf %mul3A_3200, %get3A_3199 : vector<16xf32>
        %add3A_3202 = arith.addf %add3A_3193, %mul3A_3201 : vector<16xf32>
        %swap3A_3203 = arith.index_cast %add3A_2975 : i32 to index
        %swap3A_3204 = arith.constant 112 : index
        %swap3A_3205 = tpu.vector_load %arg9[%swap3A_3203, %swap3A_3204] {strides = array<i32>} : memref<128x128xf32, #tpu.memory_space<vmem>>, vector<1x16xf32>,
        %swap3A_3206 = vector.shape_cast %swap3A_3205 : vector<1x16xf32> to vector<16xf32>
        %swap3A_3207 = vector.shape_cast %add3A_3202 : vector<16xf32> to vector<1x16xf32>
        tpu.vector_store %arg9[%swap3A_3203, %swap3A_3204], %swap3A_3207 {strides = array<i32>} : memref<128x128xf32, #tpu.memory_space<vmem>>, vector<1x16xf32>,
        %slice3A_3208 = vector.extract_strided_slice %get3A_80 {offsets = [13], sizes = [1], strides = [1]} : vector<16xf32> to vector<1xf32>
        %squeeze3A_3209 = vector.extract %slice3A_3208[0] : f32 from vector<1xf32>
        %slice3A_3210 = vector.extract_strided_slice %get3A_85 {offsets = [13], sizes = [1], strides = [1]} : vector<16xf32> to vector<1xf32>
        %squeeze3A_3211 = vector.extract %slice3A_3210[0] : f32 from vector<1xf32>
        %slice3A_3212 = vector.extract_strided_slice %get3A_90 {offsets = [13], sizes = [1], strides = [1]} : vector<16xf32> to vector<1xf32>
        %squeeze3A_3213 = vector.extract %slice3A_3212[0] : f32 from vector<1xf32>
        %add3A_3214 = arith.constant 13 : i32
        %add3A_3215 = arith.addi %mul3A_78, %add3A_3214 : i32
        %get3A_3216 = arith.index_cast %add3A_3215 : i32 to index
        %get3A_3217 = arith.constant 0 : index
        %get3A_3218 = tpu.vector_load %arg8[%get3A_3216, %get3A_3217] {strides = array<i32>} : memref<384x128xf32, #tpu.memory_space<vmem>>, vector<1x16xf32>,
        %get3A_3219 = vector.shape_cast %get3A_3218 : vector<1x16xf32> to vector<16xf32>
        %mul3A_3220 = vector.broadcast %squeeze3A_3209 : f32 to vector<16xf32>
        %mul3A_3221 = arith.mulf %mul3A_3220, %get3A_3219 : vector<16xf32>
        %add3A_3222 = arith.constant 128 : i32
        %add3A_3223 = arith.addi %add3A_3222, %add3A_3215 : i32
        %get3A_3224 = arith.index_cast %add3A_3223 : i32 to index
        %get3A_3225 = arith.constant 0 : index
        %get3A_3226 = tpu.vector_load %arg8[%get3A_3224, %get3A_3225] {strides = array<i32>} : memref<384x128xf32, #tpu.memory_space<vmem>>, vector<1x16xf32>,
        %get3A_3227 = vector.shape_cast %get3A_3226 : vector<1x16xf32> to vector<16xf32>
        %mul3A_3228 = vector.broadcast %squeeze3A_3211 : f32 to vector<16xf32>
        %mul3A_3229 = arith.mulf %mul3A_3228, %get3A_3227 : vector<16xf32>
        %add3A_3230 = arith.addf %mul3A_3221, %mul3A_3229 : vector<16xf32>
        %add3A_3231 = arith.constant 256 : i32
        %add3A_3232 = arith.addi %add3A_3231, %add3A_3215 : i32
        %get3A_3233 = arith.index_cast %add3A_3232 : i32 to index
        %get3A_3234 = arith.constant 0 : index
        %get3A_3235 = tpu.vector_load %arg8[%get3A_3233, %get3A_3234] {strides = array<i32>} : memref<384x128xf32, #tpu.memory_space<vmem>>, vector<1x16xf32>,
        %get3A_3236 = vector.shape_cast %get3A_3235 : vector<1x16xf32> to vector<16xf32>
        %mul3A_3237 = vector.broadcast %squeeze3A_3213 : f32 to vector<16xf32>
        %mul3A_3238 = arith.mulf %mul3A_3237, %get3A_3236 : vector<16xf32>
        %add3A_3239 = arith.addf %add3A_3230, %mul3A_3238 : vector<16xf32>
        %swap3A_3240 = arith.index_cast %add3A_3215 : i32 to index
        %swap3A_3241 = arith.constant 0 : index
        %swap3A_3242 = tpu.vector_load %arg9[%swap3A_3240, %swap3A_3241] {strides = array<i32>} : memref<128x128xf32, #tpu.memory_space<vmem>>, vector<1x16xf32>,
        %swap3A_3243 = vector.shape_cast %swap3A_3242 : vector<1x16xf32> to vector<16xf32>
        %swap3A_3244 = vector.shape_cast %add3A_3239 : vector<16xf32> to vector<1x16xf32>
        tpu.vector_store %arg9[%swap3A_3240, %swap3A_3241], %swap3A_3244 {strides = array<i32>} : memref<128x128xf32, #tpu.memory_space<vmem>>, vector<1x16xf32>,
        %get3A_3245 = arith.index_cast %add3A_3215 : i32 to index
        %get3A_3246 = arith.constant 16 : index
        %get3A_3247 = tpu.vector_load %arg8[%get3A_3245, %get3A_3246] {strides = array<i32>} : memref<384x128xf32, #tpu.memory_space<vmem>>, vector<1x16xf32>,
        %get3A_3248 = vector.shape_cast %get3A_3247 : vector<1x16xf32> to vector<16xf32>
        %mul3A_3249 = vector.broadcast %squeeze3A_3209 : f32 to vector<16xf32>
        %mul3A_3250 = arith.mulf %mul3A_3249, %get3A_3248 : vector<16xf32>
        %add3A_3251 = arith.constant 128 : i32
        %add3A_3252 = arith.addi %add3A_3251, %add3A_3215 : i32
        %get3A_3253 = arith.index_cast %add3A_3252 : i32 to index
        %get3A_3254 = arith.constant 16 : index
        %get3A_3255 = tpu.vector_load %arg8[%get3A_3253, %get3A_3254] {strides = array<i32>} : memref<384x128xf32, #tpu.memory_space<vmem>>, vector<1x16xf32>,
        %get3A_3256 = vector.shape_cast %get3A_3255 : vector<1x16xf32> to vector<16xf32>
        %mul3A_3257 = vector.broadcast %squeeze3A_3211 : f32 to vector<16xf32>
        %mul3A_3258 = arith.mulf %mul3A_3257, %get3A_3256 : vector<16xf32>
        %add3A_3259 = arith.addf %mul3A_3250, %mul3A_3258 : vector<16xf32>
        %add3A_3260 = arith.constant 256 : i32
        %add3A_3261 = arith.addi %add3A_3260, %add3A_3215 : i32
        %get3A_3262 = arith.index_cast %add3A_3261 : i32 to index
        %get3A_3263 = arith.constant 16 : index
        %get3A_3264 = tpu.vector_load %arg8[%get3A_3262, %get3A_3263] {strides = array<i32>} : memref<384x128xf32, #tpu.memory_space<vmem>>, vector<1x16xf32>,
        %get3A_3265 = vector.shape_cast %get3A_3264 : vector<1x16xf32> to vector<16xf32>
        %mul3A_3266 = vector.broadcast %squeeze3A_3213 : f32 to vector<16xf32>
        %mul3A_3267 = arith.mulf %mul3A_3266, %get3A_3265 : vector<16xf32>
        %add3A_3268 = arith.addf %add3A_3259, %mul3A_3267 : vector<16xf32>
        %swap3A_3269 = arith.index_cast %add3A_3215 : i32 to index
        %swap3A_3270 = arith.constant 16 : index
        %swap3A_3271 = tpu.vector_load %arg9[%swap3A_3269, %swap3A_3270] {strides = array<i32>} : memref<128x128xf32, #tpu.memory_space<vmem>>, vector<1x16xf32>,
        %swap3A_3272 = vector.shape_cast %swap3A_3271 : vector<1x16xf32> to vector<16xf32>
        %swap3A_3273 = vector.shape_cast %add3A_3268 : vector<16xf32> to vector<1x16xf32>
        tpu.vector_store %arg9[%swap3A_3269, %swap3A_3270], %swap3A_3273 {strides = array<i32>} : memref<128x128xf32, #tpu.memory_space<vmem>>, vector<1x16xf32>,
        %get3A_3274 = arith.index_cast %add3A_3215 : i32 to index
        %get3A_3275 = arith.constant 32 : index
        %get3A_3276 = tpu.vector_load %arg8[%get3A_3274, %get3A_3275] {strides = array<i32>} : memref<384x128xf32, #tpu.memory_space<vmem>>, vector<1x16xf32>,
        %get3A_3277 = vector.shape_cast %get3A_3276 : vector<1x16xf32> to vector<16xf32>
        %mul3A_3278 = vector.broadcast %squeeze3A_3209 : f32 to vector<16xf32>
        %mul3A_3279 = arith.mulf %mul3A_3278, %get3A_3277 : vector<16xf32>
        %add3A_3280 = arith.constant 128 : i32
        %add3A_3281 = arith.addi %add3A_3280, %add3A_3215 : i32
        %get3A_3282 = arith.index_cast %add3A_3281 : i32 to index
        %get3A_3283 = arith.constant 32 : index
        %get3A_3284 = tpu.vector_load %arg8[%get3A_3282, %get3A_3283] {strides = array<i32>} : memref<384x128xf32, #tpu.memory_space<vmem>>, vector<1x16xf32>,
        %get3A_3285 = vector.shape_cast %get3A_3284 : vector<1x16xf32> to vector<16xf32>
        %mul3A_3286 = vector.broadcast %squeeze3A_3211 : f32 to vector<16xf32>
        %mul3A_3287 = arith.mulf %mul3A_3286, %get3A_3285 : vector<16xf32>
        %add3A_3288 = arith.addf %mul3A_3279, %mul3A_3287 : vector<16xf32>
        %add3A_3289 = arith.constant 256 : i32
        %add3A_3290 = arith.addi %add3A_3289, %add3A_3215 : i32
        %get3A_3291 = arith.index_cast %add3A_3290 : i32 to index
        %get3A_3292 = arith.constant 32 : index
        %get3A_3293 = tpu.vector_load %arg8[%get3A_3291, %get3A_3292] {strides = array<i32>} : memref<384x128xf32, #tpu.memory_space<vmem>>, vector<1x16xf32>,
        %get3A_3294 = vector.shape_cast %get3A_3293 : vector<1x16xf32> to vector<16xf32>
        %mul3A_3295 = vector.broadcast %squeeze3A_3213 : f32 to vector<16xf32>
        %mul3A_3296 = arith.mulf %mul3A_3295, %get3A_3294 : vector<16xf32>
        %add3A_3297 = arith.addf %add3A_3288, %mul3A_3296 : vector<16xf32>
        %swap3A_3298 = arith.index_cast %add3A_3215 : i32 to index
        %swap3A_3299 = arith.constant 32 : index
        %swap3A_3300 = tpu.vector_load %arg9[%swap3A_3298, %swap3A_3299] {strides = array<i32>} : memref<128x128xf32, #tpu.memory_space<vmem>>, vector<1x16xf32>,
        %swap3A_3301 = vector.shape_cast %swap3A_3300 : vector<1x16xf32> to vector<16xf32>
        %swap3A_3302 = vector.shape_cast %add3A_3297 : vector<16xf32> to vector<1x16xf32>
        tpu.vector_store %arg9[%swap3A_3298, %swap3A_3299], %swap3A_3302 {strides = array<i32>} : memref<128x128xf32, #tpu.memory_space<vmem>>, vector<1x16xf32>,
        %get3A_3303 = arith.index_cast %add3A_3215 : i32 to index
        %get3A_3304 = arith.constant 48 : index
        %get3A_3305 = tpu.vector_load %arg8[%get3A_3303, %get3A_3304] {strides = array<i32>} : memref<384x128xf32, #tpu.memory_space<vmem>>, vector<1x16xf32>,
        %get3A_3306 = vector.shape_cast %get3A_3305 : vector<1x16xf32> to vector<16xf32>
        %mul3A_3307 = vector.broadcast %squeeze3A_3209 : f32 to vector<16xf32>
        %mul3A_3308 = arith.mulf %mul3A_3307, %get3A_3306 : vector<16xf32>
        %add3A_3309 = arith.constant 128 : i32
        %add3A_3310 = arith.addi %add3A_3309, %add3A_3215 : i32
        %get3A_3311 = arith.index_cast %add3A_3310 : i32 to index
        %get3A_3312 = arith.constant 48 : index
        %get3A_3313 = tpu.vector_load %arg8[%get3A_3311, %get3A_3312] {strides = array<i32>} : memref<384x128xf32, #tpu.memory_space<vmem>>, vector<1x16xf32>,
        %get3A_3314 = vector.shape_cast %get3A_3313 : vector<1x16xf32> to vector<16xf32>
        %mul3A_3315 = vector.broadcast %squeeze3A_3211 : f32 to vector<16xf32>
        %mul3A_3316 = arith.mulf %mul3A_3315, %get3A_3314 : vector<16xf32>
        %add3A_3317 = arith.addf %mul3A_3308, %mul3A_3316 : vector<16xf32>
        %add3A_3318 = arith.constant 256 : i32
        %add3A_3319 = arith.addi %add3A_3318, %add3A_3215 : i32
        %get3A_3320 = arith.index_cast %add3A_3319 : i32 to index
        %get3A_3321 = arith.constant 48 : index
        %get3A_3322 = tpu.vector_load %arg8[%get3A_3320, %get3A_3321] {strides = array<i32>} : memref<384x128xf32, #tpu.memory_space<vmem>>, vector<1x16xf32>,
        %get3A_3323 = vector.shape_cast %get3A_3322 : vector<1x16xf32> to vector<16xf32>
        %mul3A_3324 = vector.broadcast %squeeze3A_3213 : f32 to vector<16xf32>
        %mul3A_3325 = arith.mulf %mul3A_3324, %get3A_3323 : vector<16xf32>
        %add3A_3326 = arith.addf %add3A_3317, %mul3A_3325 : vector<16xf32>
        %swap3A_3327 = arith.index_cast %add3A_3215 : i32 to index
        %swap3A_3328 = arith.constant 48 : index
        %swap3A_3329 = tpu.vector_load %arg9[%swap3A_3327, %swap3A_3328] {strides = array<i32>} : memref<128x128xf32, #tpu.memory_space<vmem>>, vector<1x16xf32>,
        %swap3A_3330 = vector.shape_cast %swap3A_3329 : vector<1x16xf32> to vector<16xf32>
        %swap3A_3331 = vector.shape_cast %add3A_3326 : vector<16xf32> to vector<1x16xf32>
        tpu.vector_store %arg9[%swap3A_3327, %swap3A_3328], %swap3A_3331 {strides = array<i32>} : memref<128x128xf32, #tpu.memory_space<vmem>>, vector<1x16xf32>,
        %get3A_3332 = arith.index_cast %add3A_3215 : i32 to index
        %get3A_3333 = arith.constant 64 : index
        %get3A_3334 = tpu.vector_load %arg8[%get3A_3332, %get3A_3333] {strides = array<i32>} : memref<384x128xf32, #tpu.memory_space<vmem>>, vector<1x16xf32>,
        %get3A_3335 = vector.shape_cast %get3A_3334 : vector<1x16xf32> to vector<16xf32>
        %mul3A_3336 = vector.broadcast %squeeze3A_3209 : f32 to vector<16xf32>
        %mul3A_3337 = arith.mulf %mul3A_3336, %get3A_3335 : vector<16xf32>
        %add3A_3338 = arith.constant 128 : i32
        %add3A_3339 = arith.addi %add3A_3338, %add3A_3215 : i32
        %get3A_3340 = arith.index_cast %add3A_3339 : i32 to index
        %get3A_3341 = arith.constant 64 : index
        %get3A_3342 = tpu.vector_load %arg8[%get3A_3340, %get3A_3341] {strides = array<i32>} : memref<384x128xf32, #tpu.memory_space<vmem>>, vector<1x16xf32>,
        %get3A_3343 = vector.shape_cast %get3A_3342 : vector<1x16xf32> to vector<16xf32>
        %mul3A_3344 = vector.broadcast %squeeze3A_3211 : f32 to vector<16xf32>
        %mul3A_3345 = arith.mulf %mul3A_3344, %get3A_3343 : vector<16xf32>
        %add3A_3346 = arith.addf %mul3A_3337, %mul3A_3345 : vector<16xf32>
        %add3A_3347 = arith.constant 256 : i32
        %add3A_3348 = arith.addi %add3A_3347, %add3A_3215 : i32
        %get3A_3349 = arith.index_cast %add3A_3348 : i32 to index
        %get3A_3350 = arith.constant 64 : index
        %get3A_3351 = tpu.vector_load %arg8[%get3A_3349, %get3A_3350] {strides = array<i32>} : memref<384x128xf32, #tpu.memory_space<vmem>>, vector<1x16xf32>,
        %get3A_3352 = vector.shape_cast %get3A_3351 : vector<1x16xf32> to vector<16xf32>
        %mul3A_3353 = vector.broadcast %squeeze3A_3213 : f32 to vector<16xf32>
        %mul3A_3354 = arith.mulf %mul3A_3353, %get3A_3352 : vector<16xf32>
        %add3A_3355 = arith.addf %add3A_3346, %mul3A_3354 : vector<16xf32>
        %swap3A_3356 = arith.index_cast %add3A_3215 : i32 to index
        %swap3A_3357 = arith.constant 64 : index
        %swap3A_3358 = tpu.vector_load %arg9[%swap3A_3356, %swap3A_3357] {strides = array<i32>} : memref<128x128xf32, #tpu.memory_space<vmem>>, vector<1x16xf32>,
        %swap3A_3359 = vector.shape_cast %swap3A_3358 : vector<1x16xf32> to vector<16xf32>
        %swap3A_3360 = vector.shape_cast %add3A_3355 : vector<16xf32> to vector<1x16xf32>
        tpu.vector_store %arg9[%swap3A_3356, %swap3A_3357], %swap3A_3360 {strides = array<i32>} : memref<128x128xf32, #tpu.memory_space<vmem>>, vector<1x16xf32>,
        %get3A_3361 = arith.index_cast %add3A_3215 : i32 to index
        %get3A_3362 = arith.constant 80 : index
        %get3A_3363 = tpu.vector_load %arg8[%get3A_3361, %get3A_3362] {strides = array<i32>} : memref<384x128xf32, #tpu.memory_space<vmem>>, vector<1x16xf32>,
        %get3A_3364 = vector.shape_cast %get3A_3363 : vector<1x16xf32> to vector<16xf32>
        %mul3A_3365 = vector.broadcast %squeeze3A_3209 : f32 to vector<16xf32>
        %mul3A_3366 = arith.mulf %mul3A_3365, %get3A_3364 : vector<16xf32>
        %add3A_3367 = arith.constant 128 : i32
        %add3A_3368 = arith.addi %add3A_3367, %add3A_3215 : i32
        %get3A_3369 = arith.index_cast %add3A_3368 : i32 to index
        %get3A_3370 = arith.constant 80 : index
        %get3A_3371 = tpu.vector_load %arg8[%get3A_3369, %get3A_3370] {strides = array<i32>} : memref<384x128xf32, #tpu.memory_space<vmem>>, vector<1x16xf32>,
        %get3A_3372 = vector.shape_cast %get3A_3371 : vector<1x16xf32> to vector<16xf32>
        %mul3A_3373 = vector.broadcast %squeeze3A_3211 : f32 to vector<16xf32>
        %mul3A_3374 = arith.mulf %mul3A_3373, %get3A_3372 : vector<16xf32>
        %add3A_3375 = arith.addf %mul3A_3366, %mul3A_3374 : vector<16xf32>
        %add3A_3376 = arith.constant 256 : i32
        %add3A_3377 = arith.addi %add3A_3376, %add3A_3215 : i32
        %get3A_3378 = arith.index_cast %add3A_3377 : i32 to index
        %get3A_3379 = arith.constant 80 : index
        %get3A_3380 = tpu.vector_load %arg8[%get3A_3378, %get3A_3379] {strides = array<i32>} : memref<384x128xf32, #tpu.memory_space<vmem>>, vector<1x16xf32>,
        %get3A_3381 = vector.shape_cast %get3A_3380 : vector<1x16xf32> to vector<16xf32>
        %mul3A_3382 = vector.broadcast %squeeze3A_3213 : f32 to vector<16xf32>
        %mul3A_3383 = arith.mulf %mul3A_3382, %get3A_3381 : vector<16xf32>
        %add3A_3384 = arith.addf %add3A_3375, %mul3A_3383 : vector<16xf32>
        %swap3A_3385 = arith.index_cast %add3A_3215 : i32 to index
        %swap3A_3386 = arith.constant 80 : index
        %swap3A_3387 = tpu.vector_load %arg9[%swap3A_3385, %swap3A_3386] {strides = array<i32>} : memref<128x128xf32, #tpu.memory_space<vmem>>, vector<1x16xf32>,
        %swap3A_3388 = vector.shape_cast %swap3A_3387 : vector<1x16xf32> to vector<16xf32>
        %swap3A_3389 = vector.shape_cast %add3A_3384 : vector<16xf32> to vector<1x16xf32>
        tpu.vector_store %arg9[%swap3A_3385, %swap3A_3386], %swap3A_3389 {strides = array<i32>} : memref<128x128xf32, #tpu.memory_space<vmem>>, vector<1x16xf32>,
        %get3A_3390 = arith.index_cast %add3A_3215 : i32 to index
        %get3A_3391 = arith.constant 96 : index
        %get3A_3392 = tpu.vector_load %arg8[%get3A_3390, %get3A_3391] {strides = array<i32>} : memref<384x128xf32, #tpu.memory_space<vmem>>, vector<1x16xf32>,
        %get3A_3393 = vector.shape_cast %get3A_3392 : vector<1x16xf32> to vector<16xf32>
        %mul3A_3394 = vector.broadcast %squeeze3A_3209 : f32 to vector<16xf32>
        %mul3A_3395 = arith.mulf %mul3A_3394, %get3A_3393 : vector<16xf32>
        %add3A_3396 = arith.constant 128 : i32
        %add3A_3397 = arith.addi %add3A_3396, %add3A_3215 : i32
        %get3A_3398 = arith.index_cast %add3A_3397 : i32 to index
        %get3A_3399 = arith.constant 96 : index
        %get3A_3400 = tpu.vector_load %arg8[%get3A_3398, %get3A_3399] {strides = array<i32>} : memref<384x128xf32, #tpu.memory_space<vmem>>, vector<1x16xf32>,
        %get3A_3401 = vector.shape_cast %get3A_3400 : vector<1x16xf32> to vector<16xf32>
        %mul3A_3402 = vector.broadcast %squeeze3A_3211 : f32 to vector<16xf32>
        %mul3A_3403 = arith.mulf %mul3A_3402, %get3A_3401 : vector<16xf32>
        %add3A_3404 = arith.addf %mul3A_3395, %mul3A_3403 : vector<16xf32>
        %add3A_3405 = arith.constant 256 : i32
        %add3A_3406 = arith.addi %add3A_3405, %add3A_3215 : i32
        %get3A_3407 = arith.index_cast %add3A_3406 : i32 to index
        %get3A_3408 = arith.constant 96 : index
        %get3A_3409 = tpu.vector_load %arg8[%get3A_3407, %get3A_3408] {strides = array<i32>} : memref<384x128xf32, #tpu.memory_space<vmem>>, vector<1x16xf32>,
        %get3A_3410 = vector.shape_cast %get3A_3409 : vector<1x16xf32> to vector<16xf32>
        %mul3A_3411 = vector.broadcast %squeeze3A_3213 : f32 to vector<16xf32>
        %mul3A_3412 = arith.mulf %mul3A_3411, %get3A_3410 : vector<16xf32>
        %add3A_3413 = arith.addf %add3A_3404, %mul3A_3412 : vector<16xf32>
        %swap3A_3414 = arith.index_cast %add3A_3215 : i32 to index
        %swap3A_3415 = arith.constant 96 : index
        %swap3A_3416 = tpu.vector_load %arg9[%swap3A_3414, %swap3A_3415] {strides = array<i32>} : memref<128x128xf32, #tpu.memory_space<vmem>>, vector<1x16xf32>,
        %swap3A_3417 = vector.shape_cast %swap3A_3416 : vector<1x16xf32> to vector<16xf32>
        %swap3A_3418 = vector.shape_cast %add3A_3413 : vector<16xf32> to vector<1x16xf32>
        tpu.vector_store %arg9[%swap3A_3414, %swap3A_3415], %swap3A_3418 {strides = array<i32>} : memref<128x128xf32, #tpu.memory_space<vmem>>, vector<1x16xf32>,
        %get3A_3419 = arith.index_cast %add3A_3215 : i32 to index
        %get3A_3420 = arith.constant 112 : index
        %get3A_3421 = tpu.vector_load %arg8[%get3A_3419, %get3A_3420] {strides = array<i32>} : memref<384x128xf32, #tpu.memory_space<vmem>>, vector<1x16xf32>,
        %get3A_3422 = vector.shape_cast %get3A_3421 : vector<1x16xf32> to vector<16xf32>
        %mul3A_3423 = vector.broadcast %squeeze3A_3209 : f32 to vector<16xf32>
        %mul3A_3424 = arith.mulf %mul3A_3423, %get3A_3422 : vector<16xf32>
        %add3A_3425 = arith.constant 128 : i32
        %add3A_3426 = arith.addi %add3A_3425, %add3A_3215 : i32
        %get3A_3427 = arith.index_cast %add3A_3426 : i32 to index
        %get3A_3428 = arith.constant 112 : index
        %get3A_3429 = tpu.vector_load %arg8[%get3A_3427, %get3A_3428] {strides = array<i32>} : memref<384x128xf32, #tpu.memory_space<vmem>>, vector<1x16xf32>,
        %get3A_3430 = vector.shape_cast %get3A_3429 : vector<1x16xf32> to vector<16xf32>
        %mul3A_3431 = vector.broadcast %squeeze3A_3211 : f32 to vector<16xf32>
        %mul3A_3432 = arith.mulf %mul3A_3431, %get3A_3430 : vector<16xf32>
        %add3A_3433 = arith.addf %mul3A_3424, %mul3A_3432 : vector<16xf32>
        %add3A_3434 = arith.constant 256 : i32
        %add3A_3435 = arith.addi %add3A_3434, %add3A_3215 : i32
        %get3A_3436 = arith.index_cast %add3A_3435 : i32 to index
        %get3A_3437 = arith.constant 112 : index
        %get3A_3438 = tpu.vector_load %arg8[%get3A_3436, %get3A_3437] {strides = array<i32>} : memref<384x128xf32, #tpu.memory_space<vmem>>, vector<1x16xf32>,
        %get3A_3439 = vector.shape_cast %get3A_3438 : vector<1x16xf32> to vector<16xf32>
        %mul3A_3440 = vector.broadcast %squeeze3A_3213 : f32 to vector<16xf32>
        %mul3A_3441 = arith.mulf %mul3A_3440, %get3A_3439 : vector<16xf32>
        %add3A_3442 = arith.addf %add3A_3433, %mul3A_3441 : vector<16xf32>
        %swap3A_3443 = arith.index_cast %add3A_3215 : i32 to index
        %swap3A_3444 = arith.constant 112 : index
        %swap3A_3445 = tpu.vector_load %arg9[%swap3A_3443, %swap3A_3444] {strides = array<i32>} : memref<128x128xf32, #tpu.memory_space<vmem>>, vector<1x16xf32>,
        %swap3A_3446 = vector.shape_cast %swap3A_3445 : vector<1x16xf32> to vector<16xf32>
        %swap3A_3447 = vector.shape_cast %add3A_3442 : vector<16xf32> to vector<1x16xf32>
        tpu.vector_store %arg9[%swap3A_3443, %swap3A_3444], %swap3A_3447 {strides = array<i32>} : memref<128x128xf32, #tpu.memory_space<vmem>>, vector<1x16xf32>,
        %slice3A_3448 = vector.extract_strided_slice %get3A_80 {offsets = [14], sizes = [1], strides = [1]} : vector<16xf32> to vector<1xf32>
        %squeeze3A_3449 = vector.extract %slice3A_3448[0] : f32 from vector<1xf32>
        %slice3A_3450 = vector.extract_strided_slice %get3A_85 {offsets = [14], sizes = [1], strides = [1]} : vector<16xf32> to vector<1xf32>
        %squeeze3A_3451 = vector.extract %slice3A_3450[0] : f32 from vector<1xf32>
        %slice3A_3452 = vector.extract_strided_slice %get3A_90 {offsets = [14], sizes = [1], strides = [1]} : vector<16xf32> to vector<1xf32>
        %squeeze3A_3453 = vector.extract %slice3A_3452[0] : f32 from vector<1xf32>
        %add3A_3454 = arith.constant 14 : i32
        %add3A_3455 = arith.addi %mul3A_78, %add3A_3454 : i32
        %get3A_3456 = arith.index_cast %add3A_3455 : i32 to index
        %get3A_3457 = arith.constant 0 : index
        %get3A_3458 = tpu.vector_load %arg8[%get3A_3456, %get3A_3457] {strides = array<i32>} : memref<384x128xf32, #tpu.memory_space<vmem>>, vector<1x16xf32>,
        %get3A_3459 = vector.shape_cast %get3A_3458 : vector<1x16xf32> to vector<16xf32>
        %mul3A_3460 = vector.broadcast %squeeze3A_3449 : f32 to vector<16xf32>
        %mul3A_3461 = arith.mulf %mul3A_3460, %get3A_3459 : vector<16xf32>
        %add3A_3462 = arith.constant 128 : i32
        %add3A_3463 = arith.addi %add3A_3462, %add3A_3455 : i32
        %get3A_3464 = arith.index_cast %add3A_3463 : i32 to index
        %get3A_3465 = arith.constant 0 : index
        %get3A_3466 = tpu.vector_load %arg8[%get3A_3464, %get3A_3465] {strides = array<i32>} : memref<384x128xf32, #tpu.memory_space<vmem>>, vector<1x16xf32>,
        %get3A_3467 = vector.shape_cast %get3A_3466 : vector<1x16xf32> to vector<16xf32>
        %mul3A_3468 = vector.broadcast %squeeze3A_3451 : f32 to vector<16xf32>
        %mul3A_3469 = arith.mulf %mul3A_3468, %get3A_3467 : vector<16xf32>
        %add3A_3470 = arith.addf %mul3A_3461, %mul3A_3469 : vector<16xf32>
        %add3A_3471 = arith.constant 256 : i32
        %add3A_3472 = arith.addi %add3A_3471, %add3A_3455 : i32
        %get3A_3473 = arith.index_cast %add3A_3472 : i32 to index
        %get3A_3474 = arith.constant 0 : index
        %get3A_3475 = tpu.vector_load %arg8[%get3A_3473, %get3A_3474] {strides = array<i32>} : memref<384x128xf32, #tpu.memory_space<vmem>>, vector<1x16xf32>,
        %get3A_3476 = vector.shape_cast %get3A_3475 : vector<1x16xf32> to vector<16xf32>
        %mul3A_3477 = vector.broadcast %squeeze3A_3453 : f32 to vector<16xf32>
        %mul3A_3478 = arith.mulf %mul3A_3477, %get3A_3476 : vector<16xf32>
        %add3A_3479 = arith.addf %add3A_3470, %mul3A_3478 : vector<16xf32>
        %swap3A_3480 = arith.index_cast %add3A_3455 : i32 to index
        %swap3A_3481 = arith.constant 0 : index
        %swap3A_3482 = tpu.vector_load %arg9[%swap3A_3480, %swap3A_3481] {strides = array<i32>} : memref<128x128xf32, #tpu.memory_space<vmem>>, vector<1x16xf32>,
        %swap3A_3483 = vector.shape_cast %swap3A_3482 : vector<1x16xf32> to vector<16xf32>
        %swap3A_3484 = vector.shape_cast %add3A_3479 : vector<16xf32> to vector<1x16xf32>
        tpu.vector_store %arg9[%swap3A_3480, %swap3A_3481], %swap3A_3484 {strides = array<i32>} : memref<128x128xf32, #tpu.memory_space<vmem>>, vector<1x16xf32>,
        %get3A_3485 = arith.index_cast %add3A_3455 : i32 to index
        %get3A_3486 = arith.constant 16 : index
        %get3A_3487 = tpu.vector_load %arg8[%get3A_3485, %get3A_3486] {strides = array<i32>} : memref<384x128xf32, #tpu.memory_space<vmem>>, vector<1x16xf32>,
        %get3A_3488 = vector.shape_cast %get3A_3487 : vector<1x16xf32> to vector<16xf32>
        %mul3A_3489 = vector.broadcast %squeeze3A_3449 : f32 to vector<16xf32>
        %mul3A_3490 = arith.mulf %mul3A_3489, %get3A_3488 : vector<16xf32>
        %add3A_3491 = arith.constant 128 : i32
        %add3A_3492 = arith.addi %add3A_3491, %add3A_3455 : i32
        %get3A_3493 = arith.index_cast %add3A_3492 : i32 to index
        %get3A_3494 = arith.constant 16 : index
        %get3A_3495 = tpu.vector_load %arg8[%get3A_3493, %get3A_3494] {strides = array<i32>} : memref<384x128xf32, #tpu.memory_space<vmem>>, vector<1x16xf32>,
        %get3A_3496 = vector.shape_cast %get3A_3495 : vector<1x16xf32> to vector<16xf32>
        %mul3A_3497 = vector.broadcast %squeeze3A_3451 : f32 to vector<16xf32>
        %mul3A_3498 = arith.mulf %mul3A_3497, %get3A_3496 : vector<16xf32>
        %add3A_3499 = arith.addf %mul3A_3490, %mul3A_3498 : vector<16xf32>
        %add3A_3500 = arith.constant 256 : i32
        %add3A_3501 = arith.addi %add3A_3500, %add3A_3455 : i32
        %get3A_3502 = arith.index_cast %add3A_3501 : i32 to index
        %get3A_3503 = arith.constant 16 : index
        %get3A_3504 = tpu.vector_load %arg8[%get3A_3502, %get3A_3503] {strides = array<i32>} : memref<384x128xf32, #tpu.memory_space<vmem>>, vector<1x16xf32>,
        %get3A_3505 = vector.shape_cast %get3A_3504 : vector<1x16xf32> to vector<16xf32>
        %mul3A_3506 = vector.broadcast %squeeze3A_3453 : f32 to vector<16xf32>
        %mul3A_3507 = arith.mulf %mul3A_3506, %get3A_3505 : vector<16xf32>
        %add3A_3508 = arith.addf %add3A_3499, %mul3A_3507 : vector<16xf32>
        %swap3A_3509 = arith.index_cast %add3A_3455 : i32 to index
        %swap3A_3510 = arith.constant 16 : index
        %swap3A_3511 = tpu.vector_load %arg9[%swap3A_3509, %swap3A_3510] {strides = array<i32>} : memref<128x128xf32, #tpu.memory_space<vmem>>, vector<1x16xf32>,
        %swap3A_3512 = vector.shape_cast %swap3A_3511 : vector<1x16xf32> to vector<16xf32>
        %swap3A_3513 = vector.shape_cast %add3A_3508 : vector<16xf32> to vector<1x16xf32>
        tpu.vector_store %arg9[%swap3A_3509, %swap3A_3510], %swap3A_3513 {strides = array<i32>} : memref<128x128xf32, #tpu.memory_space<vmem>>, vector<1x16xf32>,
        %get3A_3514 = arith.index_cast %add3A_3455 : i32 to index
        %get3A_3515 = arith.constant 32 : index
        %get3A_3516 = tpu.vector_load %arg8[%get3A_3514, %get3A_3515] {strides = array<i32>} : memref<384x128xf32, #tpu.memory_space<vmem>>, vector<1x16xf32>,
        %get3A_3517 = vector.shape_cast %get3A_3516 : vector<1x16xf32> to vector<16xf32>
        %mul3A_3518 = vector.broadcast %squeeze3A_3449 : f32 to vector<16xf32>
        %mul3A_3519 = arith.mulf %mul3A_3518, %get3A_3517 : vector<16xf32>
        %add3A_3520 = arith.constant 128 : i32
        %add3A_3521 = arith.addi %add3A_3520, %add3A_3455 : i32
        %get3A_3522 = arith.index_cast %add3A_3521 : i32 to index
        %get3A_3523 = arith.constant 32 : index
        %get3A_3524 = tpu.vector_load %arg8[%get3A_3522, %get3A_3523] {strides = array<i32>} : memref<384x128xf32, #tpu.memory_space<vmem>>, vector<1x16xf32>,
        %get3A_3525 = vector.shape_cast %get3A_3524 : vector<1x16xf32> to vector<16xf32>
        %mul3A_3526 = vector.broadcast %squeeze3A_3451 : f32 to vector<16xf32>
        %mul3A_3527 = arith.mulf %mul3A_3526, %get3A_3525 : vector<16xf32>
        %add3A_3528 = arith.addf %mul3A_3519, %mul3A_3527 : vector<16xf32>
        %add3A_3529 = arith.constant 256 : i32
        %add3A_3530 = arith.addi %add3A_3529, %add3A_3455 : i32
        %get3A_3531 = arith.index_cast %add3A_3530 : i32 to index
        %get3A_3532 = arith.constant 32 : index
        %get3A_3533 = tpu.vector_load %arg8[%get3A_3531, %get3A_3532] {strides = array<i32>} : memref<384x128xf32, #tpu.memory_space<vmem>>, vector<1x16xf32>,
        %get3A_3534 = vector.shape_cast %get3A_3533 : vector<1x16xf32> to vector<16xf32>
        %mul3A_3535 = vector.broadcast %squeeze3A_3453 : f32 to vector<16xf32>
        %mul3A_3536 = arith.mulf %mul3A_3535, %get3A_3534 : vector<16xf32>
        %add3A_3537 = arith.addf %add3A_3528, %mul3A_3536 : vector<16xf32>
        %swap3A_3538 = arith.index_cast %add3A_3455 : i32 to index
        %swap3A_3539 = arith.constant 32 : index
        %swap3A_3540 = tpu.vector_load %arg9[%swap3A_3538, %swap3A_3539] {strides = array<i32>} : memref<128x128xf32, #tpu.memory_space<vmem>>, vector<1x16xf32>,
        %swap3A_3541 = vector.shape_cast %swap3A_3540 : vector<1x16xf32> to vector<16xf32>
        %swap3A_3542 = vector.shape_cast %add3A_3537 : vector<16xf32> to vector<1x16xf32>
        tpu.vector_store %arg9[%swap3A_3538, %swap3A_3539], %swap3A_3542 {strides = array<i32>} : memref<128x128xf32, #tpu.memory_space<vmem>>, vector<1x16xf32>,
        %get3A_3543 = arith.index_cast %add3A_3455 : i32 to index
        %get3A_3544 = arith.constant 48 : index
        %get3A_3545 = tpu.vector_load %arg8[%get3A_3543, %get3A_3544] {strides = array<i32>} : memref<384x128xf32, #tpu.memory_space<vmem>>, vector<1x16xf32>,
        %get3A_3546 = vector.shape_cast %get3A_3545 : vector<1x16xf32> to vector<16xf32>
        %mul3A_3547 = vector.broadcast %squeeze3A_3449 : f32 to vector<16xf32>
        %mul3A_3548 = arith.mulf %mul3A_3547, %get3A_3546 : vector<16xf32>
        %add3A_3549 = arith.constant 128 : i32
        %add3A_3550 = arith.addi %add3A_3549, %add3A_3455 : i32
        %get3A_3551 = arith.index_cast %add3A_3550 : i32 to index
        %get3A_3552 = arith.constant 48 : index
        %get3A_3553 = tpu.vector_load %arg8[%get3A_3551, %get3A_3552] {strides = array<i32>} : memref<384x128xf32, #tpu.memory_space<vmem>>, vector<1x16xf32>,
        %get3A_3554 = vector.shape_cast %get3A_3553 : vector<1x16xf32> to vector<16xf32>
        %mul3A_3555 = vector.broadcast %squeeze3A_3451 : f32 to vector<16xf32>
        %mul3A_3556 = arith.mulf %mul3A_3555, %get3A_3554 : vector<16xf32>
        %add3A_3557 = arith.addf %mul3A_3548, %mul3A_3556 : vector<16xf32>
        %add3A_3558 = arith.constant 256 : i32
        %add3A_3559 = arith.addi %add3A_3558, %add3A_3455 : i32
        %get3A_3560 = arith.index_cast %add3A_3559 : i32 to index
        %get3A_3561 = arith.constant 48 : index
        %get3A_3562 = tpu.vector_load %arg8[%get3A_3560, %get3A_3561] {strides = array<i32>} : memref<384x128xf32, #tpu.memory_space<vmem>>, vector<1x16xf32>,
        %get3A_3563 = vector.shape_cast %get3A_3562 : vector<1x16xf32> to vector<16xf32>
        %mul3A_3564 = vector.broadcast %squeeze3A_3453 : f32 to vector<16xf32>
        %mul3A_3565 = arith.mulf %mul3A_3564, %get3A_3563 : vector<16xf32>
        %add3A_3566 = arith.addf %add3A_3557, %mul3A_3565 : vector<16xf32>
        %swap3A_3567 = arith.index_cast %add3A_3455 : i32 to index
        %swap3A_3568 = arith.constant 48 : index
        %swap3A_3569 = tpu.vector_load %arg9[%swap3A_3567, %swap3A_3568] {strides = array<i32>} : memref<128x128xf32, #tpu.memory_space<vmem>>, vector<1x16xf32>,
        %swap3A_3570 = vector.shape_cast %swap3A_3569 : vector<1x16xf32> to vector<16xf32>
        %swap3A_3571 = vector.shape_cast %add3A_3566 : vector<16xf32> to vector<1x16xf32>
        tpu.vector_store %arg9[%swap3A_3567, %swap3A_3568], %swap3A_3571 {strides = array<i32>} : memref<128x128xf32, #tpu.memory_space<vmem>>, vector<1x16xf32>,
        %get3A_3572 = arith.index_cast %add3A_3455 : i32 to index
        %get3A_3573 = arith.constant 64 : index
        %get3A_3574 = tpu.vector_load %arg8[%get3A_3572, %get3A_3573] {strides = array<i32>} : memref<384x128xf32, #tpu.memory_space<vmem>>, vector<1x16xf32>,
        %get3A_3575 = vector.shape_cast %get3A_3574 : vector<1x16xf32> to vector<16xf32>
        %mul3A_3576 = vector.broadcast %squeeze3A_3449 : f32 to vector<16xf32>
        %mul3A_3577 = arith.mulf %mul3A_3576, %get3A_3575 : vector<16xf32>
        %add3A_3578 = arith.constant 128 : i32
        %add3A_3579 = arith.addi %add3A_3578, %add3A_3455 : i32
        %get3A_3580 = arith.index_cast %add3A_3579 : i32 to index
        %get3A_3581 = arith.constant 64 : index
        %get3A_3582 = tpu.vector_load %arg8[%get3A_3580, %get3A_3581] {strides = array<i32>} : memref<384x128xf32, #tpu.memory_space<vmem>>, vector<1x16xf32>,
        %get3A_3583 = vector.shape_cast %get3A_3582 : vector<1x16xf32> to vector<16xf32>
        %mul3A_3584 = vector.broadcast %squeeze3A_3451 : f32 to vector<16xf32>
        %mul3A_3585 = arith.mulf %mul3A_3584, %get3A_3583 : vector<16xf32>
        %add3A_3586 = arith.addf %mul3A_3577, %mul3A_3585 : vector<16xf32>
        %add3A_3587 = arith.constant 256 : i32
        %add3A_3588 = arith.addi %add3A_3587, %add3A_3455 : i32
        %get3A_3589 = arith.index_cast %add3A_3588 : i32 to index
        %get3A_3590 = arith.constant 64 : index
        %get3A_3591 = tpu.vector_load %arg8[%get3A_3589, %get3A_3590] {strides = array<i32>} : memref<384x128xf32, #tpu.memory_space<vmem>>, vector<1x16xf32>,
        %get3A_3592 = vector.shape_cast %get3A_3591 : vector<1x16xf32> to vector<16xf32>
        %mul3A_3593 = vector.broadcast %squeeze3A_3453 : f32 to vector<16xf32>
        %mul3A_3594 = arith.mulf %mul3A_3593, %get3A_3592 : vector<16xf32>
        %add3A_3595 = arith.addf %add3A_3586, %mul3A_3594 : vector<16xf32>
        %swap3A_3596 = arith.index_cast %add3A_3455 : i32 to index
        %swap3A_3597 = arith.constant 64 : index
        %swap3A_3598 = tpu.vector_load %arg9[%swap3A_3596, %swap3A_3597] {strides = array<i32>} : memref<128x128xf32, #tpu.memory_space<vmem>>, vector<1x16xf32>,
        %swap3A_3599 = vector.shape_cast %swap3A_3598 : vector<1x16xf32> to vector<16xf32>
        %swap3A_3600 = vector.shape_cast %add3A_3595 : vector<16xf32> to vector<1x16xf32>
        tpu.vector_store %arg9[%swap3A_3596, %swap3A_3597], %swap3A_3600 {strides = array<i32>} : memref<128x128xf32, #tpu.memory_space<vmem>>, vector<1x16xf32>,
        %get3A_3601 = arith.index_cast %add3A_3455 : i32 to index
        %get3A_3602 = arith.constant 80 : index
        %get3A_3603 = tpu.vector_load %arg8[%get3A_3601, %get3A_3602] {strides = array<i32>} : memref<384x128xf32, #tpu.memory_space<vmem>>, vector<1x16xf32>,
        %get3A_3604 = vector.shape_cast %get3A_3603 : vector<1x16xf32> to vector<16xf32>
        %mul3A_3605 = vector.broadcast %squeeze3A_3449 : f32 to vector<16xf32>
        %mul3A_3606 = arith.mulf %mul3A_3605, %get3A_3604 : vector<16xf32>
        %add3A_3607 = arith.constant 128 : i32
        %add3A_3608 = arith.addi %add3A_3607, %add3A_3455 : i32
        %get3A_3609 = arith.index_cast %add3A_3608 : i32 to index
        %get3A_3610 = arith.constant 80 : index
        %get3A_3611 = tpu.vector_load %arg8[%get3A_3609, %get3A_3610] {strides = array<i32>} : memref<384x128xf32, #tpu.memory_space<vmem>>, vector<1x16xf32>,
        %get3A_3612 = vector.shape_cast %get3A_3611 : vector<1x16xf32> to vector<16xf32>
        %mul3A_3613 = vector.broadcast %squeeze3A_3451 : f32 to vector<16xf32>
        %mul3A_3614 = arith.mulf %mul3A_3613, %get3A_3612 : vector<16xf32>
        %add3A_3615 = arith.addf %mul3A_3606, %mul3A_3614 : vector<16xf32>
        %add3A_3616 = arith.constant 256 : i32
        %add3A_3617 = arith.addi %add3A_3616, %add3A_3455 : i32
        %get3A_3618 = arith.index_cast %add3A_3617 : i32 to index
        %get3A_3619 = arith.constant 80 : index
        %get3A_3620 = tpu.vector_load %arg8[%get3A_3618, %get3A_3619] {strides = array<i32>} : memref<384x128xf32, #tpu.memory_space<vmem>>, vector<1x16xf32>,
        %get3A_3621 = vector.shape_cast %get3A_3620 : vector<1x16xf32> to vector<16xf32>
        %mul3A_3622 = vector.broadcast %squeeze3A_3453 : f32 to vector<16xf32>
        %mul3A_3623 = arith.mulf %mul3A_3622, %get3A_3621 : vector<16xf32>
        %add3A_3624 = arith.addf %add3A_3615, %mul3A_3623 : vector<16xf32>
        %swap3A_3625 = arith.index_cast %add3A_3455 : i32 to index
        %swap3A_3626 = arith.constant 80 : index
        %swap3A_3627 = tpu.vector_load %arg9[%swap3A_3625, %swap3A_3626] {strides = array<i32>} : memref<128x128xf32, #tpu.memory_space<vmem>>, vector<1x16xf32>,
        %swap3A_3628 = vector.shape_cast %swap3A_3627 : vector<1x16xf32> to vector<16xf32>
        %swap3A_3629 = vector.shape_cast %add3A_3624 : vector<16xf32> to vector<1x16xf32>
        tpu.vector_store %arg9[%swap3A_3625, %swap3A_3626], %swap3A_3629 {strides = array<i32>} : memref<128x128xf32, #tpu.memory_space<vmem>>, vector<1x16xf32>,
        %get3A_3630 = arith.index_cast %add3A_3455 : i32 to index
        %get3A_3631 = arith.constant 96 : index
        %get3A_3632 = tpu.vector_load %arg8[%get3A_3630, %get3A_3631] {strides = array<i32>} : memref<384x128xf32, #tpu.memory_space<vmem>>, vector<1x16xf32>,
        %get3A_3633 = vector.shape_cast %get3A_3632 : vector<1x16xf32> to vector<16xf32>
        %mul3A_3634 = vector.broadcast %squeeze3A_3449 : f32 to vector<16xf32>
        %mul3A_3635 = arith.mulf %mul3A_3634, %get3A_3633 : vector<16xf32>
        %add3A_3636 = arith.constant 128 : i32
        %add3A_3637 = arith.addi %add3A_3636, %add3A_3455 : i32
        %get3A_3638 = arith.index_cast %add3A_3637 : i32 to index
        %get3A_3639 = arith.constant 96 : index
        %get3A_3640 = tpu.vector_load %arg8[%get3A_3638, %get3A_3639] {strides = array<i32>} : memref<384x128xf32, #tpu.memory_space<vmem>>, vector<1x16xf32>,
        %get3A_3641 = vector.shape_cast %get3A_3640 : vector<1x16xf32> to vector<16xf32>
        %mul3A_3642 = vector.broadcast %squeeze3A_3451 : f32 to vector<16xf32>
        %mul3A_3643 = arith.mulf %mul3A_3642, %get3A_3641 : vector<16xf32>
        %add3A_3644 = arith.addf %mul3A_3635, %mul3A_3643 : vector<16xf32>
        %add3A_3645 = arith.constant 256 : i32
        %add3A_3646 = arith.addi %add3A_3645, %add3A_3455 : i32
        %get3A_3647 = arith.index_cast %add3A_3646 : i32 to index
        %get3A_3648 = arith.constant 96 : index
        %get3A_3649 = tpu.vector_load %arg8[%get3A_3647, %get3A_3648] {strides = array<i32>} : memref<384x128xf32, #tpu.memory_space<vmem>>, vector<1x16xf32>,
        %get3A_3650 = vector.shape_cast %get3A_3649 : vector<1x16xf32> to vector<16xf32>
        %mul3A_3651 = vector.broadcast %squeeze3A_3453 : f32 to vector<16xf32>
        %mul3A_3652 = arith.mulf %mul3A_3651, %get3A_3650 : vector<16xf32>
        %add3A_3653 = arith.addf %add3A_3644, %mul3A_3652 : vector<16xf32>
        %swap3A_3654 = arith.index_cast %add3A_3455 : i32 to index
        %swap3A_3655 = arith.constant 96 : index
        %swap3A_3656 = tpu.vector_load %arg9[%swap3A_3654, %swap3A_3655] {strides = array<i32>} : memref<128x128xf32, #tpu.memory_space<vmem>>, vector<1x16xf32>,
        %swap3A_3657 = vector.shape_cast %swap3A_3656 : vector<1x16xf32> to vector<16xf32>
        %swap3A_3658 = vector.shape_cast %add3A_3653 : vector<16xf32> to vector<1x16xf32>
        tpu.vector_store %arg9[%swap3A_3654, %swap3A_3655], %swap3A_3658 {strides = array<i32>} : memref<128x128xf32, #tpu.memory_space<vmem>>, vector<1x16xf32>,
        %get3A_3659 = arith.index_cast %add3A_3455 : i32 to index
        %get3A_3660 = arith.constant 112 : index
        %get3A_3661 = tpu.vector_load %arg8[%get3A_3659, %get3A_3660] {strides = array<i32>} : memref<384x128xf32, #tpu.memory_space<vmem>>, vector<1x16xf32>,
        %get3A_3662 = vector.shape_cast %get3A_3661 : vector<1x16xf32> to vector<16xf32>
        %mul3A_3663 = vector.broadcast %squeeze3A_3449 : f32 to vector<16xf32>
        %mul3A_3664 = arith.mulf %mul3A_3663, %get3A_3662 : vector<16xf32>
        %add3A_3665 = arith.constant 128 : i32
        %add3A_3666 = arith.addi %add3A_3665, %add3A_3455 : i32
        %get3A_3667 = arith.index_cast %add3A_3666 : i32 to index
        %get3A_3668 = arith.constant 112 : index
        %get3A_3669 = tpu.vector_load %arg8[%get3A_3667, %get3A_3668] {strides = array<i32>} : memref<384x128xf32, #tpu.memory_space<vmem>>, vector<1x16xf32>,
        %get3A_3670 = vector.shape_cast %get3A_3669 : vector<1x16xf32> to vector<16xf32>
        %mul3A_3671 = vector.broadcast %squeeze3A_3451 : f32 to vector<16xf32>
        %mul3A_3672 = arith.mulf %mul3A_3671, %get3A_3670 : vector<16xf32>
        %add3A_3673 = arith.addf %mul3A_3664, %mul3A_3672 : vector<16xf32>
        %add3A_3674 = arith.constant 256 : i32
        %add3A_3675 = arith.addi %add3A_3674, %add3A_3455 : i32
        %get3A_3676 = arith.index_cast %add3A_3675 : i32 to index
        %get3A_3677 = arith.constant 112 : index
        %get3A_3678 = tpu.vector_load %arg8[%get3A_3676, %get3A_3677] {strides = array<i32>} : memref<384x128xf32, #tpu.memory_space<vmem>>, vector<1x16xf32>,
        %get3A_3679 = vector.shape_cast %get3A_3678 : vector<1x16xf32> to vector<16xf32>
        %mul3A_3680 = vector.broadcast %squeeze3A_3453 : f32 to vector<16xf32>
        %mul3A_3681 = arith.mulf %mul3A_3680, %get3A_3679 : vector<16xf32>
        %add3A_3682 = arith.addf %add3A_3673, %mul3A_3681 : vector<16xf32>
        %swap3A_3683 = arith.index_cast %add3A_3455 : i32 to index
        %swap3A_3684 = arith.constant 112 : index
        %swap3A_3685 = tpu.vector_load %arg9[%swap3A_3683, %swap3A_3684] {strides = array<i32>} : memref<128x128xf32, #tpu.memory_space<vmem>>, vector<1x16xf32>,
        %swap3A_3686 = vector.shape_cast %swap3A_3685 : vector<1x16xf32> to vector<16xf32>
        %swap3A_3687 = vector.shape_cast %add3A_3682 : vector<16xf32> to vector<1x16xf32>
        tpu.vector_store %arg9[%swap3A_3683, %swap3A_3684], %swap3A_3687 {strides = array<i32>} : memref<128x128xf32, #tpu.memory_space<vmem>>, vector<1x16xf32>,
        %slice3A_3688 = vector.extract_strided_slice %get3A_80 {offsets = [15], sizes = [1], strides = [1]} : vector<16xf32> to vector<1xf32>
        %squeeze3A_3689 = vector.extract %slice3A_3688[0] : f32 from vector<1xf32>
        %slice3A_3690 = vector.extract_strided_slice %get3A_85 {offsets = [15], sizes = [1], strides = [1]} : vector<16xf32> to vector<1xf32>
        %squeeze3A_3691 = vector.extract %slice3A_3690[0] : f32 from vector<1xf32>
        %slice3A_3692 = vector.extract_strided_slice %get3A_90 {offsets = [15], sizes = [1], strides = [1]} : vector<16xf32> to vector<1xf32>
        %squeeze3A_3693 = vector.extract %slice3A_3692[0] : f32 from vector<1xf32>
        %add3A_3694 = arith.constant 15 : i32
        %add3A_3695 = arith.addi %mul3A_78, %add3A_3694 : i32
        %get3A_3696 = arith.index_cast %add3A_3695 : i32 to index
        %get3A_3697 = arith.constant 0 : index
        %get3A_3698 = tpu.vector_load %arg8[%get3A_3696, %get3A_3697] {strides = array<i32>} : memref<384x128xf32, #tpu.memory_space<vmem>>, vector<1x16xf32>,
        %get3A_3699 = vector.shape_cast %get3A_3698 : vector<1x16xf32> to vector<16xf32>
        %mul3A_3700 = vector.broadcast %squeeze3A_3689 : f32 to vector<16xf32>
        %mul3A_3701 = arith.mulf %mul3A_3700, %get3A_3699 : vector<16xf32>
        %add3A_3702 = arith.constant 128 : i32
        %add3A_3703 = arith.addi %add3A_3702, %add3A_3695 : i32
        %get3A_3704 = arith.index_cast %add3A_3703 : i32 to index
        %get3A_3705 = arith.constant 0 : index
        %get3A_3706 = tpu.vector_load %arg8[%get3A_3704, %get3A_3705] {strides = array<i32>} : memref<384x128xf32, #tpu.memory_space<vmem>>, vector<1x16xf32>,
        %get3A_3707 = vector.shape_cast %get3A_3706 : vector<1x16xf32> to vector<16xf32>
        %mul3A_3708 = vector.broadcast %squeeze3A_3691 : f32 to vector<16xf32>
        %mul3A_3709 = arith.mulf %mul3A_3708, %get3A_3707 : vector<16xf32>
        %add3A_3710 = arith.addf %mul3A_3701, %mul3A_3709 : vector<16xf32>
        %add3A_3711 = arith.constant 256 : i32
        %add3A_3712 = arith.addi %add3A_3711, %add3A_3695 : i32
        %get3A_3713 = arith.index_cast %add3A_3712 : i32 to index
        %get3A_3714 = arith.constant 0 : index
        %get3A_3715 = tpu.vector_load %arg8[%get3A_3713, %get3A_3714] {strides = array<i32>} : memref<384x128xf32, #tpu.memory_space<vmem>>, vector<1x16xf32>,
        %get3A_3716 = vector.shape_cast %get3A_3715 : vector<1x16xf32> to vector<16xf32>
        %mul3A_3717 = vector.broadcast %squeeze3A_3693 : f32 to vector<16xf32>
        %mul3A_3718 = arith.mulf %mul3A_3717, %get3A_3716 : vector<16xf32>
        %add3A_3719 = arith.addf %add3A_3710, %mul3A_3718 : vector<16xf32>
        %swap3A_3720 = arith.index_cast %add3A_3695 : i32 to index
        %swap3A_3721 = arith.constant 0 : index
        %swap3A_3722 = tpu.vector_load %arg9[%swap3A_3720, %swap3A_3721] {strides = array<i32>} : memref<128x128xf32, #tpu.memory_space<vmem>>, vector<1x16xf32>,
        %swap3A_3723 = vector.shape_cast %swap3A_3722 : vector<1x16xf32> to vector<16xf32>
        %swap3A_3724 = vector.shape_cast %add3A_3719 : vector<16xf32> to vector<1x16xf32>
        tpu.vector_store %arg9[%swap3A_3720, %swap3A_3721], %swap3A_3724 {strides = array<i32>} : memref<128x128xf32, #tpu.memory_space<vmem>>, vector<1x16xf32>,
        %get3A_3725 = arith.index_cast %add3A_3695 : i32 to index
        %get3A_3726 = arith.constant 16 : index
        %get3A_3727 = tpu.vector_load %arg8[%get3A_3725, %get3A_3726] {strides = array<i32>} : memref<384x128xf32, #tpu.memory_space<vmem>>, vector<1x16xf32>,
        %get3A_3728 = vector.shape_cast %get3A_3727 : vector<1x16xf32> to vector<16xf32>
        %mul3A_3729 = vector.broadcast %squeeze3A_3689 : f32 to vector<16xf32>
        %mul3A_3730 = arith.mulf %mul3A_3729, %get3A_3728 : vector<16xf32>
        %add3A_3731 = arith.constant 128 : i32
        %add3A_3732 = arith.addi %add3A_3731, %add3A_3695 : i32
        %get3A_3733 = arith.index_cast %add3A_3732 : i32 to index
        %get3A_3734 = arith.constant 16 : index
        %get3A_3735 = tpu.vector_load %arg8[%get3A_3733, %get3A_3734] {strides = array<i32>} : memref<384x128xf32, #tpu.memory_space<vmem>>, vector<1x16xf32>,
        %get3A_3736 = vector.shape_cast %get3A_3735 : vector<1x16xf32> to vector<16xf32>
        %mul3A_3737 = vector.broadcast %squeeze3A_3691 : f32 to vector<16xf32>
        %mul3A_3738 = arith.mulf %mul3A_3737, %get3A_3736 : vector<16xf32>
        %add3A_3739 = arith.addf %mul3A_3730, %mul3A_3738 : vector<16xf32>
        %add3A_3740 = arith.constant 256 : i32
        %add3A_3741 = arith.addi %add3A_3740, %add3A_3695 : i32
        %get3A_3742 = arith.index_cast %add3A_3741 : i32 to index
        %get3A_3743 = arith.constant 16 : index
        %get3A_3744 = tpu.vector_load %arg8[%get3A_3742, %get3A_3743] {strides = array<i32>} : memref<384x128xf32, #tpu.memory_space<vmem>>, vector<1x16xf32>,
        %get3A_3745 = vector.shape_cast %get3A_3744 : vector<1x16xf32> to vector<16xf32>
        %mul3A_3746 = vector.broadcast %squeeze3A_3693 : f32 to vector<16xf32>
        %mul3A_3747 = arith.mulf %mul3A_3746, %get3A_3745 : vector<16xf32>
        %add3A_3748 = arith.addf %add3A_3739, %mul3A_3747 : vector<16xf32>
        %swap3A_3749 = arith.index_cast %add3A_3695 : i32 to index
        %swap3A_3750 = arith.constant 16 : index
        %swap3A_3751 = tpu.vector_load %arg9[%swap3A_3749, %swap3A_3750] {strides = array<i32>} : memref<128x128xf32, #tpu.memory_space<vmem>>, vector<1x16xf32>,
        %swap3A_3752 = vector.shape_cast %swap3A_3751 : vector<1x16xf32> to vector<16xf32>
        %swap3A_3753 = vector.shape_cast %add3A_3748 : vector<16xf32> to vector<1x16xf32>
        tpu.vector_store %arg9[%swap3A_3749, %swap3A_3750], %swap3A_3753 {strides = array<i32>} : memref<128x128xf32, #tpu.memory_space<vmem>>, vector<1x16xf32>,
        %get3A_3754 = arith.index_cast %add3A_3695 : i32 to index
        %get3A_3755 = arith.constant 32 : index
        %get3A_3756 = tpu.vector_load %arg8[%get3A_3754, %get3A_3755] {strides = array<i32>} : memref<384x128xf32, #tpu.memory_space<vmem>>, vector<1x16xf32>,
        %get3A_3757 = vector.shape_cast %get3A_3756 : vector<1x16xf32> to vector<16xf32>
        %mul3A_3758 = vector.broadcast %squeeze3A_3689 : f32 to vector<16xf32>
        %mul3A_3759 = arith.mulf %mul3A_3758, %get3A_3757 : vector<16xf32>
        %add3A_3760 = arith.constant 128 : i32
        %add3A_3761 = arith.addi %add3A_3760, %add3A_3695 : i32
        %get3A_3762 = arith.index_cast %add3A_3761 : i32 to index
        %get3A_3763 = arith.constant 32 : index
        %get3A_3764 = tpu.vector_load %arg8[%get3A_3762, %get3A_3763] {strides = array<i32>} : memref<384x128xf32, #tpu.memory_space<vmem>>, vector<1x16xf32>,
        %get3A_3765 = vector.shape_cast %get3A_3764 : vector<1x16xf32> to vector<16xf32>
        %mul3A_3766 = vector.broadcast %squeeze3A_3691 : f32 to vector<16xf32>
        %mul3A_3767 = arith.mulf %mul3A_3766, %get3A_3765 : vector<16xf32>
        %add3A_3768 = arith.addf %mul3A_3759, %mul3A_3767 : vector<16xf32>
        %add3A_3769 = arith.constant 256 : i32
        %add3A_3770 = arith.addi %add3A_3769, %add3A_3695 : i32
        %get3A_3771 = arith.index_cast %add3A_3770 : i32 to index
        %get3A_3772 = arith.constant 32 : index
        %get3A_3773 = tpu.vector_load %arg8[%get3A_3771, %get3A_3772] {strides = array<i32>} : memref<384x128xf32, #tpu.memory_space<vmem>>, vector<1x16xf32>,
        %get3A_3774 = vector.shape_cast %get3A_3773 : vector<1x16xf32> to vector<16xf32>
        %mul3A_3775 = vector.broadcast %squeeze3A_3693 : f32 to vector<16xf32>
        %mul3A_3776 = arith.mulf %mul3A_3775, %get3A_3774 : vector<16xf32>
        %add3A_3777 = arith.addf %add3A_3768, %mul3A_3776 : vector<16xf32>
        %swap3A_3778 = arith.index_cast %add3A_3695 : i32 to index
        %swap3A_3779 = arith.constant 32 : index
        %swap3A_3780 = tpu.vector_load %arg9[%swap3A_3778, %swap3A_3779] {strides = array<i32>} : memref<128x128xf32, #tpu.memory_space<vmem>>, vector<1x16xf32>,
        %swap3A_3781 = vector.shape_cast %swap3A_3780 : vector<1x16xf32> to vector<16xf32>
        %swap3A_3782 = vector.shape_cast %add3A_3777 : vector<16xf32> to vector<1x16xf32>
        tpu.vector_store %arg9[%swap3A_3778, %swap3A_3779], %swap3A_3782 {strides = array<i32>} : memref<128x128xf32, #tpu.memory_space<vmem>>, vector<1x16xf32>,
        %get3A_3783 = arith.index_cast %add3A_3695 : i32 to index
        %get3A_3784 = arith.constant 48 : index
        %get3A_3785 = tpu.vector_load %arg8[%get3A_3783, %get3A_3784] {strides = array<i32>} : memref<384x128xf32, #tpu.memory_space<vmem>>, vector<1x16xf32>,
        %get3A_3786 = vector.shape_cast %get3A_3785 : vector<1x16xf32> to vector<16xf32>
        %mul3A_3787 = vector.broadcast %squeeze3A_3689 : f32 to vector<16xf32>
        %mul3A_3788 = arith.mulf %mul3A_3787, %get3A_3786 : vector<16xf32>
        %add3A_3789 = arith.constant 128 : i32
        %add3A_3790 = arith.addi %add3A_3789, %add3A_3695 : i32
        %get3A_3791 = arith.index_cast %add3A_3790 : i32 to index
        %get3A_3792 = arith.constant 48 : index
        %get3A_3793 = tpu.vector_load %arg8[%get3A_3791, %get3A_3792] {strides = array<i32>} : memref<384x128xf32, #tpu.memory_space<vmem>>, vector<1x16xf32>,
        %get3A_3794 = vector.shape_cast %get3A_3793 : vector<1x16xf32> to vector<16xf32>
        %mul3A_3795 = vector.broadcast %squeeze3A_3691 : f32 to vector<16xf32>
        %mul3A_3796 = arith.mulf %mul3A_3795, %get3A_3794 : vector<16xf32>
        %add3A_3797 = arith.addf %mul3A_3788, %mul3A_3796 : vector<16xf32>
        %add3A_3798 = arith.constant 256 : i32
        %add3A_3799 = arith.addi %add3A_3798, %add3A_3695 : i32
        %get3A_3800 = arith.index_cast %add3A_3799 : i32 to index
        %get3A_3801 = arith.constant 48 : index
        %get3A_3802 = tpu.vector_load %arg8[%get3A_3800, %get3A_3801] {strides = array<i32>} : memref<384x128xf32, #tpu.memory_space<vmem>>, vector<1x16xf32>,
        %get3A_3803 = vector.shape_cast %get3A_3802 : vector<1x16xf32> to vector<16xf32>
        %mul3A_3804 = vector.broadcast %squeeze3A_3693 : f32 to vector<16xf32>
        %mul3A_3805 = arith.mulf %mul3A_3804, %get3A_3803 : vector<16xf32>
        %add3A_3806 = arith.addf %add3A_3797, %mul3A_3805 : vector<16xf32>
        %swap3A_3807 = arith.index_cast %add3A_3695 : i32 to index
        %swap3A_3808 = arith.constant 48 : index
        %swap3A_3809 = tpu.vector_load %arg9[%swap3A_3807, %swap3A_3808] {strides = array<i32>} : memref<128x128xf32, #tpu.memory_space<vmem>>, vector<1x16xf32>,
        %swap3A_3810 = vector.shape_cast %swap3A_3809 : vector<1x16xf32> to vector<16xf32>
        %swap3A_3811 = vector.shape_cast %add3A_3806 : vector<16xf32> to vector<1x16xf32>
        tpu.vector_store %arg9[%swap3A_3807, %swap3A_3808], %swap3A_3811 {strides = array<i32>} : memref<128x128xf32, #tpu.memory_space<vmem>>, vector<1x16xf32>,
        %get3A_3812 = arith.index_cast %add3A_3695 : i32 to index
        %get3A_3813 = arith.constant 64 : index
        %get3A_3814 = tpu.vector_load %arg8[%get3A_3812, %get3A_3813] {strides = array<i32>} : memref<384x128xf32, #tpu.memory_space<vmem>>, vector<1x16xf32>,
        %get3A_3815 = vector.shape_cast %get3A_3814 : vector<1x16xf32> to vector<16xf32>
        %mul3A_3816 = vector.broadcast %squeeze3A_3689 : f32 to vector<16xf32>
        %mul3A_3817 = arith.mulf %mul3A_3816, %get3A_3815 : vector<16xf32>
        %add3A_3818 = arith.constant 128 : i32
        %add3A_3819 = arith.addi %add3A_3818, %add3A_3695 : i32
        %get3A_3820 = arith.index_cast %add3A_3819 : i32 to index
        %get3A_3821 = arith.constant 64 : index
        %get3A_3822 = tpu.vector_load %arg8[%get3A_3820, %get3A_3821] {strides = array<i32>} : memref<384x128xf32, #tpu.memory_space<vmem>>, vector<1x16xf32>,
        %get3A_3823 = vector.shape_cast %get3A_3822 : vector<1x16xf32> to vector<16xf32>
        %mul3A_3824 = vector.broadcast %squeeze3A_3691 : f32 to vector<16xf32>
        %mul3A_3825 = arith.mulf %mul3A_3824, %get3A_3823 : vector<16xf32>
        %add3A_3826 = arith.addf %mul3A_3817, %mul3A_3825 : vector<16xf32>
        %add3A_3827 = arith.constant 256 : i32
        %add3A_3828 = arith.addi %add3A_3827, %add3A_3695 : i32
        %get3A_3829 = arith.index_cast %add3A_3828 : i32 to index
        %get3A_3830 = arith.constant 64 : index
        %get3A_3831 = tpu.vector_load %arg8[%get3A_3829, %get3A_3830] {strides = array<i32>} : memref<384x128xf32, #tpu.memory_space<vmem>>, vector<1x16xf32>,
        %get3A_3832 = vector.shape_cast %get3A_3831 : vector<1x16xf32> to vector<16xf32>
        %mul3A_3833 = vector.broadcast %squeeze3A_3693 : f32 to vector<16xf32>
        %mul3A_3834 = arith.mulf %mul3A_3833, %get3A_3832 : vector<16xf32>
        %add3A_3835 = arith.addf %add3A_3826, %mul3A_3834 : vector<16xf32>
        %swap3A_3836 = arith.index_cast %add3A_3695 : i32 to index
        %swap3A_3837 = arith.constant 64 : index
        %swap3A_3838 = tpu.vector_load %arg9[%swap3A_3836, %swap3A_3837] {strides = array<i32>} : memref<128x128xf32, #tpu.memory_space<vmem>>, vector<1x16xf32>,
        %swap3A_3839 = vector.shape_cast %swap3A_3838 : vector<1x16xf32> to vector<16xf32>
        %swap3A_3840 = vector.shape_cast %add3A_3835 : vector<16xf32> to vector<1x16xf32>
        tpu.vector_store %arg9[%swap3A_3836, %swap3A_3837], %swap3A_3840 {strides = array<i32>} : memref<128x128xf32, #tpu.memory_space<vmem>>, vector<1x16xf32>,
        %get3A_3841 = arith.index_cast %add3A_3695 : i32 to index
        %get3A_3842 = arith.constant 80 : index
        %get3A_3843 = tpu.vector_load %arg8[%get3A_3841, %get3A_3842] {strides = array<i32>} : memref<384x128xf32, #tpu.memory_space<vmem>>, vector<1x16xf32>,
        %get3A_3844 = vector.shape_cast %get3A_3843 : vector<1x16xf32> to vector<16xf32>
        %mul3A_3845 = vector.broadcast %squeeze3A_3689 : f32 to vector<16xf32>
        %mul3A_3846 = arith.mulf %mul3A_3845, %get3A_3844 : vector<16xf32>
        %add3A_3847 = arith.constant 128 : i32
        %add3A_3848 = arith.addi %add3A_3847, %add3A_3695 : i32
        %get3A_3849 = arith.index_cast %add3A_3848 : i32 to index
        %get3A_3850 = arith.constant 80 : index
        %get3A_3851 = tpu.vector_load %arg8[%get3A_3849, %get3A_3850] {strides = array<i32>} : memref<384x128xf32, #tpu.memory_space<vmem>>, vector<1x16xf32>,
        %get3A_3852 = vector.shape_cast %get3A_3851 : vector<1x16xf32> to vector<16xf32>
        %mul3A_3853 = vector.broadcast %squeeze3A_3691 : f32 to vector<16xf32>
        %mul3A_3854 = arith.mulf %mul3A_3853, %get3A_3852 : vector<16xf32>
        %add3A_3855 = arith.addf %mul3A_3846, %mul3A_3854 : vector<16xf32>
        %add3A_3856 = arith.constant 256 : i32
        %add3A_3857 = arith.addi %add3A_3856, %add3A_3695 : i32
        %get3A_3858 = arith.index_cast %add3A_3857 : i32 to index
        %get3A_3859 = arith.constant 80 : index
        %get3A_3860 = tpu.vector_load %arg8[%get3A_3858, %get3A_3859] {strides = array<i32>} : memref<384x128xf32, #tpu.memory_space<vmem>>, vector<1x16xf32>,
        %get3A_3861 = vector.shape_cast %get3A_3860 : vector<1x16xf32> to vector<16xf32>
        %mul3A_3862 = vector.broadcast %squeeze3A_3693 : f32 to vector<16xf32>
        %mul3A_3863 = arith.mulf %mul3A_3862, %get3A_3861 : vector<16xf32>
        %add3A_3864 = arith.addf %add3A_3855, %mul3A_3863 : vector<16xf32>
        %swap3A_3865 = arith.index_cast %add3A_3695 : i32 to index
        %swap3A_3866 = arith.constant 80 : index
        %swap3A_3867 = tpu.vector_load %arg9[%swap3A_3865, %swap3A_3866] {strides = array<i32>} : memref<128x128xf32, #tpu.memory_space<vmem>>, vector<1x16xf32>,
        %swap3A_3868 = vector.shape_cast %swap3A_3867 : vector<1x16xf32> to vector<16xf32>
        %swap3A_3869 = vector.shape_cast %add3A_3864 : vector<16xf32> to vector<1x16xf32>
        tpu.vector_store %arg9[%swap3A_3865, %swap3A_3866], %swap3A_3869 {strides = array<i32>} : memref<128x128xf32, #tpu.memory_space<vmem>>, vector<1x16xf32>,
        %get3A_3870 = arith.index_cast %add3A_3695 : i32 to index
        %get3A_3871 = arith.constant 96 : index
        %get3A_3872 = tpu.vector_load %arg8[%get3A_3870, %get3A_3871] {strides = array<i32>} : memref<384x128xf32, #tpu.memory_space<vmem>>, vector<1x16xf32>,
        %get3A_3873 = vector.shape_cast %get3A_3872 : vector<1x16xf32> to vector<16xf32>
        %mul3A_3874 = vector.broadcast %squeeze3A_3689 : f32 to vector<16xf32>
        %mul3A_3875 = arith.mulf %mul3A_3874, %get3A_3873 : vector<16xf32>
        %add3A_3876 = arith.constant 128 : i32
        %add3A_3877 = arith.addi %add3A_3876, %add3A_3695 : i32
        %get3A_3878 = arith.index_cast %add3A_3877 : i32 to index
        %get3A_3879 = arith.constant 96 : index
        %get3A_3880 = tpu.vector_load %arg8[%get3A_3878, %get3A_3879] {strides = array<i32>} : memref<384x128xf32, #tpu.memory_space<vmem>>, vector<1x16xf32>,
        %get3A_3881 = vector.shape_cast %get3A_3880 : vector<1x16xf32> to vector<16xf32>
        %mul3A_3882 = vector.broadcast %squeeze3A_3691 : f32 to vector<16xf32>
        %mul3A_3883 = arith.mulf %mul3A_3882, %get3A_3881 : vector<16xf32>
        %add3A_3884 = arith.addf %mul3A_3875, %mul3A_3883 : vector<16xf32>
        %add3A_3885 = arith.constant 256 : i32
        %add3A_3886 = arith.addi %add3A_3885, %add3A_3695 : i32
        %get3A_3887 = arith.index_cast %add3A_3886 : i32 to index
        %get3A_3888 = arith.constant 96 : index
        %get3A_3889 = tpu.vector_load %arg8[%get3A_3887, %get3A_3888] {strides = array<i32>} : memref<384x128xf32, #tpu.memory_space<vmem>>, vector<1x16xf32>,
        %get3A_3890 = vector.shape_cast %get3A_3889 : vector<1x16xf32> to vector<16xf32>
        %mul3A_3891 = vector.broadcast %squeeze3A_3693 : f32 to vector<16xf32>
        %mul3A_3892 = arith.mulf %mul3A_3891, %get3A_3890 : vector<16xf32>
        %add3A_3893 = arith.addf %add3A_3884, %mul3A_3892 : vector<16xf32>
        %swap3A_3894 = arith.index_cast %add3A_3695 : i32 to index
        %swap3A_3895 = arith.constant 96 : index
        %swap3A_3896 = tpu.vector_load %arg9[%swap3A_3894, %swap3A_3895] {strides = array<i32>} : memref<128x128xf32, #tpu.memory_space<vmem>>, vector<1x16xf32>,
        %swap3A_3897 = vector.shape_cast %swap3A_3896 : vector<1x16xf32> to vector<16xf32>
        %swap3A_3898 = vector.shape_cast %add3A_3893 : vector<16xf32> to vector<1x16xf32>
        tpu.vector_store %arg9[%swap3A_3894, %swap3A_3895], %swap3A_3898 {strides = array<i32>} : memref<128x128xf32, #tpu.memory_space<vmem>>, vector<1x16xf32>,
        %get3A_3899 = arith.index_cast %add3A_3695 : i32 to index
        %get3A_3900 = arith.constant 112 : index
        %get3A_3901 = tpu.vector_load %arg8[%get3A_3899, %get3A_3900] {strides = array<i32>} : memref<384x128xf32, #tpu.memory_space<vmem>>, vector<1x16xf32>,
        %get3A_3902 = vector.shape_cast %get3A_3901 : vector<1x16xf32> to vector<16xf32>
        %mul3A_3903 = vector.broadcast %squeeze3A_3689 : f32 to vector<16xf32>
        %mul3A_3904 = arith.mulf %mul3A_3903, %get3A_3902 : vector<16xf32>
        %add3A_3905 = arith.constant 128 : i32
        %add3A_3906 = arith.addi %add3A_3905, %add3A_3695 : i32
        %get3A_3907 = arith.index_cast %add3A_3906 : i32 to index
        %get3A_3908 = arith.constant 112 : index
        %get3A_3909 = tpu.vector_load %arg8[%get3A_3907, %get3A_3908] {strides = array<i32>} : memref<384x128xf32, #tpu.memory_space<vmem>>, vector<1x16xf32>,
        %get3A_3910 = vector.shape_cast %get3A_3909 : vector<1x16xf32> to vector<16xf32>
        %mul3A_3911 = vector.broadcast %squeeze3A_3691 : f32 to vector<16xf32>
        %mul3A_3912 = arith.mulf %mul3A_3911, %get3A_3910 : vector<16xf32>
        %add3A_3913 = arith.addf %mul3A_3904, %mul3A_3912 : vector<16xf32>
        %add3A_3914 = arith.constant 256 : i32
        %add3A_3915 = arith.addi %add3A_3914, %add3A_3695 : i32
        %get3A_3916 = arith.index_cast %add3A_3915 : i32 to index
        %get3A_3917 = arith.constant 112 : index
        %get3A_3918 = tpu.vector_load %arg8[%get3A_3916, %get3A_3917] {strides = array<i32>} : memref<384x128xf32, #tpu.memory_space<vmem>>, vector<1x16xf32>,
        %get3A_3919 = vector.shape_cast %get3A_3918 : vector<1x16xf32> to vector<16xf32>
        %mul3A_3920 = vector.broadcast %squeeze3A_3693 : f32 to vector<16xf32>
        %mul3A_3921 = arith.mulf %mul3A_3920, %get3A_3919 : vector<16xf32>
        %add3A_3922 = arith.addf %add3A_3913, %mul3A_3921 : vector<16xf32>
        %swap3A_3923 = arith.index_cast %add3A_3695 : i32 to index
        %swap3A_3924 = arith.constant 112 : index
        %swap3A_3925 = tpu.vector_load %arg9[%swap3A_3923, %swap3A_3924] {strides = array<i32>} : memref<128x128xf32, #tpu.memory_space<vmem>>, vector<1x16xf32>,
        %swap3A_3926 = vector.shape_cast %swap3A_3925 : vector<1x16xf32> to vector<16xf32>
        %swap3A_3927 = vector.shape_cast %add3A_3922 : vector<16xf32> to vector<1x16xf32>
        tpu.vector_store %arg9[%swap3A_3923, %swap3A_3924], %swap3A_3927 {strides = array<i32>} : memref<128x128xf32, #tpu.memory_space<vmem>>, vector<1x16xf32>,
      }
      %scan3A_75 = arith.constant 8 : i32
      "tpu.region"() ({
        %run_scoped3A = tpu.sem_alloc : memref<!tpu.dma_semaphore, #tpu.memory_space<semaphore_mem>>
        %dma_start3A_76 = arith.constant 0 : i32
        %dma_start3A_77 = tpu.memref_slice %arg5[%add3A_11, %dma_start3A_76] : memref<32768x128xf32, #tpu.memory_space<hbm>> -> memref<128x128xf32, #tpu.memory_space<hbm>>
        %dma_start3A_78 = arith.constant 0 : i32
        %dma_start3A_79 = tpu.memref_slice %arg5[%add3A_11, %dma_start3A_78] : memref<32768x128xf32, #tpu.memory_space<hbm>> -> memref<128x128xf32, #tpu.memory_space<hbm>>
        tpu.enqueue_dma source(%arg9 : memref<128x128xf32, #tpu.memory_space<vmem>>) target(%dma_start3A_79 : memref<128x128xf32, #tpu.memory_space<hbm>>) target_semaphore(%run_scoped3A : memref<!tpu.dma_semaphore, #tpu.memory_space<semaphore_mem>>)
        %dma_wait3A_80 = arith.constant 0 : i32
        %dma_wait3A_81 = tpu.memref_slice %arg5[%add3A_11, %dma_wait3A_80] : memref<32768x128xf32, #tpu.memory_space<hbm>> -> memref<128x128xf32, #tpu.memory_space<hbm>>
        %dma_wait3A_82 = arith.constant 0 : i32
        %dma_wait3A_83 = tpu.memref_slice %arg5[%add3A_11, %dma_wait3A_82] : memref<32768x128xf32, #tpu.memory_space<hbm>> -> memref<128x128xf32, #tpu.memory_space<hbm>>
        tpu.wait_dma2 semaphore(%run_scoped3A : memref<!tpu.dma_semaphore, #tpu.memory_space<semaphore_mem>>) src(%arg9 : memref<128x128xf32, #tpu.memory_space<vmem>>) dst(%dma_wait3A_83 : memref<128x128xf32, #tpu.memory_space<hbm>>)
        tpu.yield
      }) : () -> ()
    }
    %scan3A_7 = arith.constant 8 : i32
    return
  }
}

module attributes {stable_mosaic.version = 14 : i64} {
  func.func @_kA(%arg0: i32, %arg1: memref<1x256x2048xf32, #tpu.memory_space<vmem>>, %arg2: memref<1x128x8192xf32, #tpu.memory_space<vmem>>, %arg3: memref<128x256xf32, #tpu.memory_space<vmem>>, %arg4: memref<128x1xf32, #tpu.memory_space<vmem>>, %arg5: memref<128x1xf32, #tpu.memory_space<vmem>>, %arg6: memref<128x128xf32, #tpu.memory_space<vmem>>, %arg7: memref<128x1xf32, #tpu.memory_space<vmem>>, %arg8: memref<128x1xf32, #tpu.memory_space<vmem>>, %arg9: memref<1x128x2048xf32, #tpu.memory_space<vmem>>, %arg10: memref<1x2048x128xf32, #tpu.memory_space<vmem>>, %arg11: memref<1x128x1xf32, #tpu.memory_space<vmem>>, %arg12: memref<1x128x1xf32, #tpu.memory_space<vmem>>) attributes {dimension_semantics = [#tpu.dimension_semantics<arbitrary>], iteration_bounds = array<i64: 4>, scalar_prefetch = 0 : i64, scratch_operands = 0 : i64, tpu.core_type = #tpu.core_type<tc>, window_params = [{transform_indices = @transform_0, window_bounds = array<i64: 1, 256, 2048>}, {transform_indices = @transform_1, window_bounds = array<i64: 1, 128, 8192>}, {pipeline_mode = #tpu.pipeline_mode<synchronous>, transform_indices = @transform_2, window_bounds = array<i64: 128, 256>}, {pipeline_mode = #tpu.pipeline_mode<synchronous>, transform_indices = @transform_3, window_bounds = array<i64: 128, 1>}, {pipeline_mode = #tpu.pipeline_mode<synchronous>, transform_indices = @transform_4, window_bounds = array<i64: 128, 1>}, {pipeline_mode = #tpu.pipeline_mode<synchronous>, transform_indices = @transform_5, window_bounds = array<i64: 128, 128>}, {pipeline_mode = #tpu.pipeline_mode<synchronous>, transform_indices = @transform_6, window_bounds = array<i64: 128, 1>}, {pipeline_mode = #tpu.pipeline_mode<synchronous>, transform_indices = @transform_7, window_bounds = array<i64: 128, 1>}, {transform_indices = @transform_8, window_bounds = array<i64: 1, 128, 2048>}, {transform_indices = @transform_9, window_bounds = array<i64: 1, 2048, 128>}, {transform_indices = @transform_10, window_bounds = array<i64: 1, 128, 1>}, {transform_indices = @transform_11, window_bounds = array<i64: 1, 128, 1>}]} {
    %get3A = arith.constant 0 : index
    %get3A_0 = arith.constant 0 : index
    %get3A_1 = vector.load %arg3[%get3A, %get3A_0] : memref<128x256xf32, #tpu.memory_space<vmem>>, vector<128x256xf32>
    %get3A_2 = arith.constant 0 : index
    %get3A_3 = arith.constant 0 : index
    %get3A_4 = arith.constant 0 : index
    %get3A_5 = vector.load %arg1[%get3A_2, %get3A_3, %get3A_4] : memref<1x256x2048xf32, #tpu.memory_space<vmem>>, vector<1x256x2048xf32>
    %get3A_6 = vector.shape_cast %get3A_5 : vector<1x256x2048xf32> to vector<256x2048xf32>
    %dot_general3A = arith.constant dense<0.000000e+00> : vector<128x2048xf32>
    %dot_general3A_7 = tpu.matmul %get3A_1, %get3A_6, %dot_general3A {dimension_numbers = #tpu.dot_dimension_numbers<[1], [0], [0], [1], [0, 0, 1, 1], [], []>, transpose_lhs_hint = false} : vector<128x256xf32>, vector<256x2048xf32>, vector<128x2048xf32> -> vector<128x2048xf32>
    %get3A_8 = arith.constant 0 : index
    %get3A_9 = arith.constant 0 : index
    %get3A_10 = vector.load %arg4[%get3A_8, %get3A_9] : memref<128x1xf32, #tpu.memory_space<vmem>>, vector<128x1xf32>
    %get3A_11 = arith.constant 0 : index
    %get3A_12 = arith.constant 0 : index
    %get3A_13 = vector.load %arg5[%get3A_11, %get3A_12] : memref<128x1xf32, #tpu.memory_space<vmem>>, vector<128x1xf32>
    %reduce_sum3A = arith.constant dense<0.000000e+00> : vector<128xf32>
    %reduce_sum3A_14 = vector.multi_reduction <add>, %dot_general3A_7, %reduce_sum3A [1] : vector<128x2048xf32> to vector<128xf32>
    %broadcast_in_dim3A = vector.shape_cast %reduce_sum3A_14 : vector<128xf32> to vector<128x1xf32>
    %mul3A = arith.mulf %dot_general3A_7, %dot_general3A_7 : vector<128x2048xf32>
    %reduce_sum3A_15 = arith.constant dense<0.000000e+00> : vector<128xf32>
    %reduce_sum3A_16 = vector.multi_reduction <add>, %mul3A, %reduce_sum3A_15 [1] : vector<128x2048xf32> to vector<128xf32>
    %broadcast_in_dim3A_17 = vector.shape_cast %reduce_sum3A_16 : vector<128xf32> to vector<128x1xf32>
    %iota3A = tpu.iota {dimensions = array<i32: 0>} : vector<128x128xi32>
    %jit3A = arith.constant 16 : i32
    %div3A = vector.broadcast %jit3A : i32 to vector<128x128xi32>
    %div3A_18 = arith.divsi %iota3A, %div3A : vector<128x128xi32>
    %sign3A = arith.constant 0 : i32
    %sign3A_19 = vector.broadcast %sign3A : i32 to vector<128x128xi32>
    %sign3A_20 = arith.cmpi sgt, %iota3A, %sign3A_19 : vector<128x128xi32>
    %sign3A_21 = arith.extui %sign3A_20 : vector<128x128xi1> to vector<128x128xi32>
    %sign3A_22 = arith.constant 0 : i32
    %sign3A_23 = vector.broadcast %sign3A_22 : i32 to vector<128x128xi32>
    %sign3A_24 = arith.cmpi slt, %iota3A, %sign3A_23 : vector<128x128xi32>
    %sign3A_25 = arith.extui %sign3A_24 : vector<128x128xi1> to vector<128x128xi32>
    %sign3A_26 = arith.subi %sign3A_21, %sign3A_25 : vector<128x128xi32>
    %sign3A_27 = arith.constant 0 : i32
    %sign3A_28 = arith.cmpi sgt, %jit3A, %sign3A_27 : i32
    %sign3A_29 = arith.extui %sign3A_28 : i1 to i32
    %sign3A_30 = arith.constant 0 : i32
    %sign3A_31 = arith.cmpi slt, %jit3A, %sign3A_30 : i32
    %sign3A_32 = arith.extui %sign3A_31 : i1 to i32
    %sign3A_33 = arith.subi %sign3A_29, %sign3A_32 : i32
    %ne3A = vector.broadcast %sign3A_33 : i32 to vector<128x128xi32>
    %ne3A_34 = arith.cmpi ne, %sign3A_26, %ne3A : vector<128x128xi32>
    %rem3A = vector.broadcast %jit3A : i32 to vector<128x128xi32>
    %rem3A_35 = arith.remsi %iota3A, %rem3A : vector<128x128xi32>
    %ne3A_36 = arith.constant 0 : i32
    %ne3A_37 = vector.broadcast %ne3A_36 : i32 to vector<128x128xi32>
    %ne3A_38 = arith.cmpi ne, %rem3A_35, %ne3A_37 : vector<128x128xi32>
    %and3A = arith.andi %ne3A_34, %ne3A_38 : vector<128x128xi1>
    %sub3A = arith.constant 1 : i32
    %sub3A_39 = vector.broadcast %sub3A : i32 to vector<128x128xi32>
    %sub3A_40 = arith.subi %div3A_18, %sub3A_39 : vector<128x128xi32>
    %select_n3A = arith.select %and3A, %sub3A_40, %div3A_18 : vector<128x128xi1>, vector<128x128xi32>
    %iota3A_41 = tpu.iota {dimensions = array<i32: 1>} : vector<128x128xi32>
    %jit3A_42 = arith.constant 16 : i32
    %div3A_43 = vector.broadcast %jit3A_42 : i32 to vector<128x128xi32>
    %div3A_44 = arith.divsi %iota3A_41, %div3A_43 : vector<128x128xi32>
    %sign3A_45 = arith.constant 0 : i32
    %sign3A_46 = vector.broadcast %sign3A_45 : i32 to vector<128x128xi32>
    %sign3A_47 = arith.cmpi sgt, %iota3A_41, %sign3A_46 : vector<128x128xi32>
    %sign3A_48 = arith.extui %sign3A_47 : vector<128x128xi1> to vector<128x128xi32>
    %sign3A_49 = arith.constant 0 : i32
    %sign3A_50 = vector.broadcast %sign3A_49 : i32 to vector<128x128xi32>
    %sign3A_51 = arith.cmpi slt, %iota3A_41, %sign3A_50 : vector<128x128xi32>
    %sign3A_52 = arith.extui %sign3A_51 : vector<128x128xi1> to vector<128x128xi32>
    %sign3A_53 = arith.subi %sign3A_48, %sign3A_52 : vector<128x128xi32>
    %sign3A_54 = arith.constant 0 : i32
    %sign3A_55 = arith.cmpi sgt, %jit3A_42, %sign3A_54 : i32
    %sign3A_56 = arith.extui %sign3A_55 : i1 to i32
    %sign3A_57 = arith.constant 0 : i32
    %sign3A_58 = arith.cmpi slt, %jit3A_42, %sign3A_57 : i32
    %sign3A_59 = arith.extui %sign3A_58 : i1 to i32
    %sign3A_60 = arith.subi %sign3A_56, %sign3A_59 : i32
    %ne3A_61 = vector.broadcast %sign3A_60 : i32 to vector<128x128xi32>
    %ne3A_62 = arith.cmpi ne, %sign3A_53, %ne3A_61 : vector<128x128xi32>
    %rem3A_63 = vector.broadcast %jit3A_42 : i32 to vector<128x128xi32>
    %rem3A_64 = arith.remsi %iota3A_41, %rem3A_63 : vector<128x128xi32>
    %ne3A_65 = arith.constant 0 : i32
    %ne3A_66 = vector.broadcast %ne3A_65 : i32 to vector<128x128xi32>
    %ne3A_67 = arith.cmpi ne, %rem3A_64, %ne3A_66 : vector<128x128xi32>
    %and3A_68 = arith.andi %ne3A_62, %ne3A_67 : vector<128x128xi1>
    %sub3A_69 = arith.constant 1 : i32
    %sub3A_70 = vector.broadcast %sub3A_69 : i32 to vector<128x128xi32>
    %sub3A_71 = arith.subi %div3A_44, %sub3A_70 : vector<128x128xi32>
    %select_n3A_72 = arith.select %and3A_68, %sub3A_71, %div3A_44 : vector<128x128xi1>, vector<128x128xi32>
    %eq3A = arith.cmpi eq, %select_n3A, %select_n3A_72 : vector<128x128xi32>
    %convert_element_type3A = arith.extui %eq3A : vector<128x128xi1> to vector<128x128xi32>
    %convert_element_type3A_73 = arith.sitofp %convert_element_type3A : vector<128x128xi32> to vector<128x128xf32>
    %dot_general3A_74 = arith.constant dense<0.000000e+00> : vector<128x1xf32>
    %dot_general3A_75 = tpu.matmul %convert_element_type3A_73, %broadcast_in_dim3A, %dot_general3A_74 {dimension_numbers = #tpu.dot_dimension_numbers<[1], [0], [0], [1], [0, 0, 1, 1], [], []>, precision = #tpu.contract_precision<fp32>, transpose_lhs_hint = false} : vector<128x128xf32>, vector<128x1xf32>, vector<128x1xf32> -> vector<128x1xf32>
    %dot_general3A_76 = arith.constant dense<0.000000e+00> : vector<128x1xf32>
    %dot_general3A_77 = tpu.matmul %convert_element_type3A_73, %broadcast_in_dim3A_17, %dot_general3A_76 {dimension_numbers = #tpu.dot_dimension_numbers<[1], [0], [0], [1], [0, 0, 1, 1], [], []>, precision = #tpu.contract_precision<fp32>, transpose_lhs_hint = false} : vector<128x128xf32>, vector<128x1xf32>, vector<128x1xf32> -> vector<128x1xf32>
    %div3A_78 = arith.constant 3.276800e+04 : f32
    %div3A_79 = vector.broadcast %div3A_78 : f32 to vector<128x1xf32>
    %div3A_80 = arith.divf %dot_general3A_75, %div3A_79 : vector<128x1xf32>
    %div3A_81 = arith.constant 3.276800e+04 : f32
    %div3A_82 = vector.broadcast %div3A_81 : f32 to vector<128x1xf32>
    %div3A_83 = arith.divf %dot_general3A_77, %div3A_82 : vector<128x1xf32>
    %mul3A_84 = arith.mulf %div3A_80, %div3A_80 : vector<128x1xf32>
    %sub3A_85 = arith.subf %div3A_83, %mul3A_84 : vector<128x1xf32>
    %add3A = arith.constant 9.99999974E-6 : f32
    %add3A_86 = vector.broadcast %add3A : f32 to vector<128x1xf32>
    %add3A_87 = arith.addf %sub3A_85, %add3A_86 : vector<128x1xf32>
    %rsqrt3A = math.rsqrt %add3A_87 : vector<128x1xf32>
    %mul3A_88 = arith.mulf %get3A_10, %rsqrt3A : vector<128x1xf32>
    %mul3A_89 = arith.mulf %div3A_80, %mul3A_88 : vector<128x1xf32>
    %sub3A_90 = arith.subf %get3A_13, %mul3A_89 : vector<128x1xf32>
    %mul3A_91 = vector.broadcast %mul3A_88 : vector<128x1xf32> to vector<128x2048xf32>
    %mul3A_92 = arith.mulf %dot_general3A_7, %mul3A_91 : vector<128x2048xf32>
    %add3A_93 = vector.broadcast %sub3A_90 : vector<128x1xf32> to vector<128x2048xf32>
    %add3A_94 = arith.addf %mul3A_92, %add3A_93 : vector<128x2048xf32>
    %max3A = arith.constant 0.000000e+00 : f32
    %max3A_95 = vector.broadcast %max3A : f32 to vector<128x2048xf32>
    %max3A_96 = arith.maximumf %add3A_94, %max3A_95 : vector<128x2048xf32>
    %swap3A = arith.constant 0 : index
    %swap3A_97 = arith.constant 0 : index
    %swap3A_98 = arith.constant 0 : index
    %swap3A_99 = vector.load %arg9[%swap3A, %swap3A_97, %swap3A_98] : memref<1x128x2048xf32, #tpu.memory_space<vmem>>, vector<1x128x2048xf32>
    %swap3A_100 = vector.shape_cast %swap3A_99 : vector<1x128x2048xf32> to vector<128x2048xf32>
    %swap3A_101 = vector.shape_cast %max3A_96 : vector<128x2048xf32> to vector<1x128x2048xf32>
    tpu.vector_store %arg9[%swap3A, %swap3A_97, %swap3A_98], %swap3A_101 {strides = array<i32>} : memref<1x128x2048xf32, #tpu.memory_space<vmem>>, vector<1x128x2048xf32>,
    %transpose3A = tpu.transpose %max3A_96, [1, 0] : vector<128x2048xf32> -> vector<2048x128xf32>
    %swap3A_102 = arith.constant 0 : index
    %swap3A_103 = arith.constant 0 : index
    %swap3A_104 = arith.constant 0 : index
    %swap3A_105 = vector.load %arg10[%swap3A_102, %swap3A_103, %swap3A_104] : memref<1x2048x128xf32, #tpu.memory_space<vmem>>, vector<1x2048x128xf32>
    %swap3A_106 = vector.shape_cast %swap3A_105 : vector<1x2048x128xf32> to vector<2048x128xf32>
    %swap3A_107 = vector.shape_cast %transpose3A : vector<2048x128xf32> to vector<1x2048x128xf32>
    tpu.vector_store %arg10[%swap3A_102, %swap3A_103, %swap3A_104], %swap3A_107 {strides = array<i32>} : memref<1x2048x128xf32, #tpu.memory_space<vmem>>, vector<1x2048x128xf32>,
    %get3A_108 = arith.constant 0 : index
    %get3A_109 = arith.constant 0 : index
    %get3A_110 = vector.load %arg6[%get3A_108, %get3A_109] : memref<128x128xf32, #tpu.memory_space<vmem>>, vector<128x128xf32>
    %get3A_111 = arith.constant 0 : index
    %get3A_112 = arith.constant 0 : index
    %get3A_113 = arith.constant 0 : index
    %get3A_114 = vector.load %arg2[%get3A_111, %get3A_112, %get3A_113] : memref<1x128x8192xf32, #tpu.memory_space<vmem>>, vector<1x128x8192xf32>
    %get3A_115 = vector.shape_cast %get3A_114 : vector<1x128x8192xf32> to vector<128x8192xf32>
    %dot_general3A_116 = arith.constant dense<0.000000e+00> : vector<128x8192xf32>
    %dot_general3A_117 = tpu.matmul %get3A_110, %get3A_115, %dot_general3A_116 {dimension_numbers = #tpu.dot_dimension_numbers<[1], [0], [0], [1], [0, 0, 1, 1], [], []>, transpose_lhs_hint = false} : vector<128x128xf32>, vector<128x8192xf32>, vector<128x8192xf32> -> vector<128x8192xf32>
    %get3A_118 = arith.constant 0 : index
    %get3A_119 = arith.constant 0 : index
    %get3A_120 = vector.load %arg7[%get3A_118, %get3A_119] : memref<128x1xf32, #tpu.memory_space<vmem>>, vector<128x1xf32>
    %get3A_121 = arith.constant 0 : index
    %get3A_122 = arith.constant 0 : index
    %get3A_123 = vector.load %arg8[%get3A_121, %get3A_122] : memref<128x1xf32, #tpu.memory_space<vmem>>, vector<128x1xf32>
    %reduce_sum3A_124 = arith.constant dense<0.000000e+00> : vector<128xf32>
    %reduce_sum3A_125 = vector.multi_reduction <add>, %dot_general3A_117, %reduce_sum3A_124 [1] : vector<128x8192xf32> to vector<128xf32>
    %broadcast_in_dim3A_126 = vector.shape_cast %reduce_sum3A_125 : vector<128xf32> to vector<128x1xf32>
    %mul3A_127 = arith.mulf %dot_general3A_117, %dot_general3A_117 : vector<128x8192xf32>
    %reduce_sum3A_128 = arith.constant dense<0.000000e+00> : vector<128xf32>
    %reduce_sum3A_129 = vector.multi_reduction <add>, %mul3A_127, %reduce_sum3A_128 [1] : vector<128x8192xf32> to vector<128xf32>
    %broadcast_in_dim3A_130 = vector.shape_cast %reduce_sum3A_129 : vector<128xf32> to vector<128x1xf32>
    %iota3A_131 = tpu.iota {dimensions = array<i32: 0>} : vector<128x128xi32>
    %jit3A_132 = arith.constant 16 : i32
    %div3A_133 = vector.broadcast %jit3A_132 : i32 to vector<128x128xi32>
    %div3A_134 = arith.divsi %iota3A_131, %div3A_133 : vector<128x128xi32>
    %sign3A_135 = arith.constant 0 : i32
    %sign3A_136 = vector.broadcast %sign3A_135 : i32 to vector<128x128xi32>
    %sign3A_137 = arith.cmpi sgt, %iota3A_131, %sign3A_136 : vector<128x128xi32>
    %sign3A_138 = arith.extui %sign3A_137 : vector<128x128xi1> to vector<128x128xi32>
    %sign3A_139 = arith.constant 0 : i32
    %sign3A_140 = vector.broadcast %sign3A_139 : i32 to vector<128x128xi32>
    %sign3A_141 = arith.cmpi slt, %iota3A_131, %sign3A_140 : vector<128x128xi32>
    %sign3A_142 = arith.extui %sign3A_141 : vector<128x128xi1> to vector<128x128xi32>
    %sign3A_143 = arith.subi %sign3A_138, %sign3A_142 : vector<128x128xi32>
    %sign3A_144 = arith.constant 0 : i32
    %sign3A_145 = arith.cmpi sgt, %jit3A_132, %sign3A_144 : i32
    %sign3A_146 = arith.extui %sign3A_145 : i1 to i32
    %sign3A_147 = arith.constant 0 : i32
    %sign3A_148 = arith.cmpi slt, %jit3A_132, %sign3A_147 : i32
    %sign3A_149 = arith.extui %sign3A_148 : i1 to i32
    %sign3A_150 = arith.subi %sign3A_146, %sign3A_149 : i32
    %ne3A_151 = vector.broadcast %sign3A_150 : i32 to vector<128x128xi32>
    %ne3A_152 = arith.cmpi ne, %sign3A_143, %ne3A_151 : vector<128x128xi32>
    %rem3A_153 = vector.broadcast %jit3A_132 : i32 to vector<128x128xi32>
    %rem3A_154 = arith.remsi %iota3A_131, %rem3A_153 : vector<128x128xi32>
    %ne3A_155 = arith.constant 0 : i32
    %ne3A_156 = vector.broadcast %ne3A_155 : i32 to vector<128x128xi32>
    %ne3A_157 = arith.cmpi ne, %rem3A_154, %ne3A_156 : vector<128x128xi32>
    %and3A_158 = arith.andi %ne3A_152, %ne3A_157 : vector<128x128xi1>
    %sub3A_159 = arith.constant 1 : i32
    %sub3A_160 = vector.broadcast %sub3A_159 : i32 to vector<128x128xi32>
    %sub3A_161 = arith.subi %div3A_134, %sub3A_160 : vector<128x128xi32>
    %select_n3A_162 = arith.select %and3A_158, %sub3A_161, %div3A_134 : vector<128x128xi1>, vector<128x128xi32>
    %iota3A_163 = tpu.iota {dimensions = array<i32: 1>} : vector<128x128xi32>
    %jit3A_164 = arith.constant 16 : i32
    %div3A_165 = vector.broadcast %jit3A_164 : i32 to vector<128x128xi32>
    %div3A_166 = arith.divsi %iota3A_163, %div3A_165 : vector<128x128xi32>
    %sign3A_167 = arith.constant 0 : i32
    %sign3A_168 = vector.broadcast %sign3A_167 : i32 to vector<128x128xi32>
    %sign3A_169 = arith.cmpi sgt, %iota3A_163, %sign3A_168 : vector<128x128xi32>
    %sign3A_170 = arith.extui %sign3A_169 : vector<128x128xi1> to vector<128x128xi32>
    %sign3A_171 = arith.constant 0 : i32
    %sign3A_172 = vector.broadcast %sign3A_171 : i32 to vector<128x128xi32>
    %sign3A_173 = arith.cmpi slt, %iota3A_163, %sign3A_172 : vector<128x128xi32>
    %sign3A_174 = arith.extui %sign3A_173 : vector<128x128xi1> to vector<128x128xi32>
    %sign3A_175 = arith.subi %sign3A_170, %sign3A_174 : vector<128x128xi32>
    %sign3A_176 = arith.constant 0 : i32
    %sign3A_177 = arith.cmpi sgt, %jit3A_164, %sign3A_176 : i32
    %sign3A_178 = arith.extui %sign3A_177 : i1 to i32
    %sign3A_179 = arith.constant 0 : i32
    %sign3A_180 = arith.cmpi slt, %jit3A_164, %sign3A_179 : i32
    %sign3A_181 = arith.extui %sign3A_180 : i1 to i32
    %sign3A_182 = arith.subi %sign3A_178, %sign3A_181 : i32
    %ne3A_183 = vector.broadcast %sign3A_182 : i32 to vector<128x128xi32>
    %ne3A_184 = arith.cmpi ne, %sign3A_175, %ne3A_183 : vector<128x128xi32>
    %rem3A_185 = vector.broadcast %jit3A_164 : i32 to vector<128x128xi32>
    %rem3A_186 = arith.remsi %iota3A_163, %rem3A_185 : vector<128x128xi32>
    %ne3A_187 = arith.constant 0 : i32
    %ne3A_188 = vector.broadcast %ne3A_187 : i32 to vector<128x128xi32>
    %ne3A_189 = arith.cmpi ne, %rem3A_186, %ne3A_188 : vector<128x128xi32>
    %and3A_190 = arith.andi %ne3A_184, %ne3A_189 : vector<128x128xi1>
    %sub3A_191 = arith.constant 1 : i32
    %sub3A_192 = vector.broadcast %sub3A_191 : i32 to vector<128x128xi32>
    %sub3A_193 = arith.subi %div3A_166, %sub3A_192 : vector<128x128xi32>
    %select_n3A_194 = arith.select %and3A_190, %sub3A_193, %div3A_166 : vector<128x128xi1>, vector<128x128xi32>
    %eq3A_195 = arith.cmpi eq, %select_n3A_162, %select_n3A_194 : vector<128x128xi32>
    %convert_element_type3A_196 = arith.extui %eq3A_195 : vector<128x128xi1> to vector<128x128xi32>
    %convert_element_type3A_197 = arith.sitofp %convert_element_type3A_196 : vector<128x128xi32> to vector<128x128xf32>
    %dot_general3A_198 = arith.constant dense<0.000000e+00> : vector<128x1xf32>
    %dot_general3A_199 = tpu.matmul %convert_element_type3A_197, %broadcast_in_dim3A_126, %dot_general3A_198 {dimension_numbers = #tpu.dot_dimension_numbers<[1], [0], [0], [1], [0, 0, 1, 1], [], []>, precision = #tpu.contract_precision<fp32>, transpose_lhs_hint = false} : vector<128x128xf32>, vector<128x1xf32>, vector<128x1xf32> -> vector<128x1xf32>
    %dot_general3A_200 = arith.constant dense<0.000000e+00> : vector<128x1xf32>
    %dot_general3A_201 = tpu.matmul %convert_element_type3A_197, %broadcast_in_dim3A_130, %dot_general3A_200 {dimension_numbers = #tpu.dot_dimension_numbers<[1], [0], [0], [1], [0, 0, 1, 1], [], []>, precision = #tpu.contract_precision<fp32>, transpose_lhs_hint = false} : vector<128x128xf32>, vector<128x1xf32>, vector<128x1xf32> -> vector<128x1xf32>
    %div3A_202 = arith.constant 1.310720e+05 : f32
    %div3A_203 = vector.broadcast %div3A_202 : f32 to vector<128x1xf32>
    %div3A_204 = arith.divf %dot_general3A_199, %div3A_203 : vector<128x1xf32>
    %div3A_205 = arith.constant 1.310720e+05 : f32
    %div3A_206 = vector.broadcast %div3A_205 : f32 to vector<128x1xf32>
    %div3A_207 = arith.divf %dot_general3A_201, %div3A_206 : vector<128x1xf32>
    %mul3A_208 = arith.mulf %div3A_204, %div3A_204 : vector<128x1xf32>
    %sub3A_209 = arith.subf %div3A_207, %mul3A_208 : vector<128x1xf32>
    %add3A_210 = arith.constant 9.99999974E-6 : f32
    %add3A_211 = vector.broadcast %add3A_210 : f32 to vector<128x1xf32>
    %add3A_212 = arith.addf %sub3A_209, %add3A_211 : vector<128x1xf32>
    %rsqrt3A_213 = math.rsqrt %add3A_212 : vector<128x1xf32>
    %mul3A_214 = arith.mulf %get3A_120, %rsqrt3A_213 : vector<128x1xf32>
    %mul3A_215 = arith.mulf %div3A_204, %mul3A_214 : vector<128x1xf32>
    %sub3A_216 = arith.subf %get3A_123, %mul3A_215 : vector<128x1xf32>
    %swap3A_217 = arith.constant 0 : index
    %swap3A_218 = arith.constant 0 : index
    %swap3A_219 = arith.constant 0 : index
    %swap3A_220 = vector.load %arg11[%swap3A_217, %swap3A_218, %swap3A_219] : memref<1x128x1xf32, #tpu.memory_space<vmem>>, vector<1x128x1xf32>
    %swap3A_221 = vector.shape_cast %swap3A_220 : vector<1x128x1xf32> to vector<128x1xf32>
    %swap3A_222 = vector.shape_cast %mul3A_214 : vector<128x1xf32> to vector<1x128x1xf32>
    tpu.vector_store %arg11[%swap3A_217, %swap3A_218, %swap3A_219], %swap3A_222 {strides = array<i32>} : memref<1x128x1xf32, #tpu.memory_space<vmem>>, vector<1x128x1xf32>,
    %swap3A_223 = arith.constant 0 : index
    %swap3A_224 = arith.constant 0 : index
    %swap3A_225 = arith.constant 0 : index
    %swap3A_226 = vector.load %arg12[%swap3A_223, %swap3A_224, %swap3A_225] : memref<1x128x1xf32, #tpu.memory_space<vmem>>, vector<1x128x1xf32>
    %swap3A_227 = vector.shape_cast %swap3A_226 : vector<1x128x1xf32> to vector<128x1xf32>
    %swap3A_228 = vector.shape_cast %sub3A_216 : vector<128x1xf32> to vector<1x128x1xf32>
    tpu.vector_store %arg12[%swap3A_223, %swap3A_224, %swap3A_225], %swap3A_228 {strides = array<i32>} : memref<1x128x1xf32, #tpu.memory_space<vmem>>, vector<1x128x1xf32>,
    return
  }
  func.func @transform_0(%arg0: i32) -> (i32, i32, i32) {
    %c0_i32 = arith.constant 0 : i32
    %c0_i32_0 = arith.constant 0 : i32
    %c0_i32_1 = arith.constant 0 : i32
    return %arg0, %c0_i32, %c0_i32_0 : i32, i32, i32
  }
  func.func @transform_1(%arg0: i32) -> (i32, i32, i32) {
    %c0_i32 = arith.constant 0 : i32
    %c0_i32_0 = arith.constant 0 : i32
    %c0_i32_1 = arith.constant 0 : i32
    return %arg0, %c0_i32, %c0_i32_0 : i32, i32, i32
  }
  func.func @transform_2(%arg0: i32) -> (i32, i32) {
    %c0_i32 = arith.constant 0 : i32
    %c0_i32_0 = arith.constant 0 : i32
    %c0_i32_1 = arith.constant 0 : i32
    return %c0_i32, %c0_i32_0 : i32, i32
  }
  func.func @transform_3(%arg0: i32) -> (i32, i32) {
    %c0_i32 = arith.constant 0 : i32
    %c0_i32_0 = arith.constant 0 : i32
    %c0_i32_1 = arith.constant 0 : i32
    return %c0_i32, %c0_i32_0 : i32, i32
  }
  func.func @transform_4(%arg0: i32) -> (i32, i32) {
    %c0_i32 = arith.constant 0 : i32
    %c0_i32_0 = arith.constant 0 : i32
    %c0_i32_1 = arith.constant 0 : i32
    return %c0_i32, %c0_i32_0 : i32, i32
  }
  func.func @transform_5(%arg0: i32) -> (i32, i32) {
    %c0_i32 = arith.constant 0 : i32
    %c0_i32_0 = arith.constant 0 : i32
    %c0_i32_1 = arith.constant 0 : i32
    return %c0_i32, %c0_i32_0 : i32, i32
  }
  func.func @transform_6(%arg0: i32) -> (i32, i32) {
    %c0_i32 = arith.constant 0 : i32
    %c0_i32_0 = arith.constant 0 : i32
    %c0_i32_1 = arith.constant 0 : i32
    return %c0_i32, %c0_i32_0 : i32, i32
  }
  func.func @transform_7(%arg0: i32) -> (i32, i32) {
    %c0_i32 = arith.constant 0 : i32
    %c0_i32_0 = arith.constant 0 : i32
    %c0_i32_1 = arith.constant 0 : i32
    return %c0_i32, %c0_i32_0 : i32, i32
  }
  func.func @transform_8(%arg0: i32) -> (i32, i32, i32) {
    %c0_i32 = arith.constant 0 : i32
    %c0_i32_0 = arith.constant 0 : i32
    %c0_i32_1 = arith.constant 0 : i32
    return %arg0, %c0_i32, %c0_i32_0 : i32, i32, i32
  }
  func.func @transform_9(%arg0: i32) -> (i32, i32, i32) {
    %c0_i32 = arith.constant 0 : i32
    %c0_i32_0 = arith.constant 0 : i32
    %c0_i32_1 = arith.constant 0 : i32
    return %arg0, %c0_i32, %c0_i32_0 : i32, i32, i32
  }
  func.func @transform_10(%arg0: i32) -> (i32, i32, i32) {
    %c0_i32 = arith.constant 0 : i32
    %c0_i32_0 = arith.constant 0 : i32
    %c0_i32_1 = arith.constant 0 : i32
    return %arg0, %c0_i32, %c0_i32_0 : i32, i32, i32
  }
  func.func @transform_11(%arg0: i32) -> (i32, i32, i32) {
    %c0_i32 = arith.constant 0 : i32
    %c0_i32_0 = arith.constant 0 : i32
    %c0_i32_1 = arith.constant 0 : i32
    return %arg0, %c0_i32, %c0_i32_0 : i32, i32, i32
  }
}

module attributes {stable_mosaic.version = 14 : i64} {
  func.func @_kB(%arg0: i32, %arg1: i32, %arg2: memref<1x2048x3xf32, #tpu.memory_space<vmem>>, %arg3: memref<1x3x2048xf32, #tpu.memory_space<vmem>>, %arg4: memref<1x512x3xf32, #tpu.memory_space<vmem>>, %arg5: memref<1x128x512xf32, #tpu.memory_space<vmem>>, %arg6: memref<128x128xf32, #tpu.memory_space<vmem>>, %arg7: memref<1x128x1xf32, #tpu.memory_space<vmem>>, %arg8: memref<1x128x1xf32, #tpu.memory_space<vmem>>, %arg9: memref<1x128x512xf32, #tpu.memory_space<vmem>>, %arg10: memref<1x512x3xi32, #tpu.memory_space<vmem>>, %arg11: memref<1x512x3xf32, #tpu.memory_space<vmem>>) attributes {dimension_semantics = [#tpu.dimension_semantics<arbitrary>, #tpu.dimension_semantics<arbitrary>], iteration_bounds = array<i64: 4, 16>, scalar_prefetch = 0 : i64, scratch_operands = 0 : i64, tpu.core_type = #tpu.core_type<tc>, window_params = [{transform_indices = @transform_0, window_bounds = array<i64: 1, 2048, 3>}, {transform_indices = @transform_1, window_bounds = array<i64: 1, 3, 2048>}, {transform_indices = @transform_2, window_bounds = array<i64: 1, 512, 3>}, {transform_indices = @transform_3, window_bounds = array<i64: 1, 128, 512>}, {pipeline_mode = #tpu.pipeline_mode<synchronous>, transform_indices = @transform_4, window_bounds = array<i64: 128, 128>}, {transform_indices = @transform_5, window_bounds = array<i64: 1, 128, 1>}, {transform_indices = @transform_6, window_bounds = array<i64: 1, 128, 1>}, {transform_indices = @transform_7, window_bounds = array<i64: 1, 128, 512>}, {transform_indices = @transform_8, window_bounds = array<i64: 1, 512, 3>}, {transform_indices = @transform_9, window_bounds = array<i64: 1, 512, 3>}]} {
    %get3A = arith.constant 0 : index
    %get3A_0 = arith.constant 0 : index
    %get3A_1 = arith.constant 0 : index
    %get3A_2 = vector.load %arg2[%get3A, %get3A_0, %get3A_1] : memref<1x2048x3xf32, #tpu.memory_space<vmem>>, vector<1x2048x3xf32>
    %get3A_3 = vector.shape_cast %get3A_2 : vector<1x2048x3xf32> to vector<2048x3xf32>
    %get3A_4 = arith.constant 0 : index
    %get3A_5 = arith.constant 0 : index
    %get3A_6 = arith.constant 0 : index
    %get3A_7 = vector.load %arg3[%get3A_4, %get3A_5, %get3A_6] : memref<1x3x2048xf32, #tpu.memory_space<vmem>>, vector<1x3x2048xf32>
    %get3A_8 = vector.shape_cast %get3A_7 : vector<1x3x2048xf32> to vector<3x2048xf32>
    %get3A_9 = arith.constant 0 : index
    %get3A_10 = arith.constant 0 : index
    %get3A_11 = arith.constant 0 : index
    %get3A_12 = vector.load %arg4[%get3A_9, %get3A_10, %get3A_11] : memref<1x512x3xf32, #tpu.memory_space<vmem>>, vector<1x512x3xf32>
    %get3A_13 = vector.shape_cast %get3A_12 : vector<1x512x3xf32> to vector<512x3xf32>
    %dot_general3A = arith.constant dense<0.000000e+00> : vector<512x2048xf32>
    %dot_general3A_14 = tpu.matmul %get3A_13, %get3A_3, %dot_general3A {dimension_numbers = #tpu.dot_dimension_numbers<[1], [1], [0], [0], [0, 0, 1, 0], [], []>, transpose_lhs_hint = false} : vector<512x3xf32>, vector<2048x3xf32>, vector<512x2048xf32> -> vector<512x2048xf32>
    %mul3A = arith.mulf %get3A_13, %get3A_13 : vector<512x3xf32>
    %reduce_sum3A = arith.constant dense<0.000000e+00> : vector<512xf32>
    %reduce_sum3A_15 = vector.multi_reduction <add>, %mul3A, %reduce_sum3A [1] : vector<512x3xf32> to vector<512xf32>
    %broadcast_in_dim3A = vector.shape_cast %reduce_sum3A_15 : vector<512xf32> to vector<512x1xf32>
    %mul3A_16 = arith.mulf %get3A_8, %get3A_8 : vector<3x2048xf32>
    %reduce_sum3A_17 = arith.constant dense<0.000000e+00> : vector<2048xf32>
    %reduce_sum3A_18 = vector.multi_reduction <add>, %mul3A_16, %reduce_sum3A_17 [0] : vector<3x2048xf32> to vector<2048xf32>
    %broadcast_in_dim3A_19 = vector.shape_cast %reduce_sum3A_18 : vector<2048xf32> to vector<1x2048xf32>
    %add3A = vector.broadcast %broadcast_in_dim3A : vector<512x1xf32> to vector<512x2048xf32>
    %add3A_20 = vector.broadcast %broadcast_in_dim3A_19 : vector<1x2048xf32> to vector<512x2048xf32>
    %add3A_21 = arith.addf %add3A, %add3A_20 : vector<512x2048xf32>
    %mul3A_22 = arith.constant 2.000000e+00 : f32
    %mul3A_23 = vector.broadcast %mul3A_22 : f32 to vector<512x2048xf32>
    %mul3A_24 = arith.mulf %mul3A_23, %dot_general3A_14 : vector<512x2048xf32>
    %sub3A = arith.subf %add3A_21, %mul3A_24 : vector<512x2048xf32>
    %iota3A = tpu.iota {dimensions = array<i32: 1>} : vector<512x2048xi32>
    %convert_element_type3A = arith.sitofp %iota3A : vector<512x2048xi32> to vector<512x2048xf32>
    %le3A = arith.constant 0.000000e+00 : f32
    %le3A_25 = vector.broadcast %le3A : f32 to vector<512x2048xf32>
    %le3A_26 = arith.cmpf ole, %sub3A, %le3A_25 : vector<512x2048xf32>
    %mul3A_27 = arith.constant 1.000000e-30 : f32
    %mul3A_28 = vector.broadcast %mul3A_27 : f32 to vector<512x2048xf32>
    %mul3A_29 = arith.mulf %convert_element_type3A, %mul3A_28 : vector<512x2048xf32>
    %select_n3A = arith.select %le3A_26, %mul3A_29, %sub3A : vector<512x2048xi1>, vector<512x2048xf32>
    %iota3A_30 = tpu.iota {dimensions = array<i32: 1>} : vector<512x2048xi32>
    %reduce_min3A = arith.constant dense<0x7F800000> : vector<512xf32>
    %reduce_min3A_31 = vector.multi_reduction <minimumf>, %select_n3A, %reduce_min3A [1] : vector<512x2048xf32> to vector<512xf32>
    %broadcast_in_dim3A_32 = vector.shape_cast %reduce_min3A_31 : vector<512xf32> to vector<512x1xf32>
    %eq3A = vector.broadcast %broadcast_in_dim3A_32 : vector<512x1xf32> to vector<512x2048xf32>
    %eq3A_33 = arith.cmpf oeq, %select_n3A, %eq3A : vector<512x2048xf32>
    %jit3A = arith.constant 0 : i32
    %broadcast_in_dim3A_34 = vector.broadcast %jit3A : i32 to vector<512x2048xi32>
    %select_n3A_35 = arith.select %eq3A_33, %iota3A_30, %broadcast_in_dim3A_34 : vector<512x2048xi1>, vector<512x2048xi32>
    %reduce_max3A = arith.constant dense<-2147483648> : vector<512xi32>
    %reduce_max3A_36 = vector.multi_reduction <maxsi>, %select_n3A_35, %reduce_max3A [1] : vector<512x2048xi32> to vector<512xi32>
    %broadcast_in_dim3A_37 = vector.shape_cast %reduce_max3A_36 : vector<512xi32> to vector<512x1xi32>
    %mul3A_38 = arith.constant 2048 : i32
    %mul3A_39 = arith.muli %arg0, %mul3A_38 : i32
    %add3A_40 = vector.broadcast %mul3A_39 : i32 to vector<512x1xi32>
    %add3A_41 = arith.addi %broadcast_in_dim3A_37, %add3A_40 : vector<512x1xi32>
    %jit3A_42 = arith.constant 1.000000e+30 : f32
    %broadcast_in_dim3A_43 = vector.broadcast %jit3A_42 : f32 to vector<512x2048xf32>
    %select_n3A_44 = arith.select %eq3A_33, %broadcast_in_dim3A_43, %select_n3A : vector<512x2048xi1>, vector<512x2048xf32>
    %reduce_min3A_45 = arith.constant dense<0x7F800000> : vector<512xf32>
    %reduce_min3A_46 = vector.multi_reduction <minimumf>, %select_n3A_44, %reduce_min3A_45 [1] : vector<512x2048xf32> to vector<512xf32>
    %broadcast_in_dim3A_47 = vector.shape_cast %reduce_min3A_46 : vector<512xf32> to vector<512x1xf32>
    %eq3A_48 = vector.broadcast %broadcast_in_dim3A_47 : vector<512x1xf32> to vector<512x2048xf32>
    %eq3A_49 = arith.cmpf oeq, %select_n3A_44, %eq3A_48 : vector<512x2048xf32>
    %jit3A_50 = arith.constant 0 : i32
    %broadcast_in_dim3A_51 = vector.broadcast %jit3A_50 : i32 to vector<512x2048xi32>
    %select_n3A_52 = arith.select %eq3A_49, %iota3A_30, %broadcast_in_dim3A_51 : vector<512x2048xi1>, vector<512x2048xi32>
    %reduce_max3A_53 = arith.constant dense<-2147483648> : vector<512xi32>
    %reduce_max3A_54 = vector.multi_reduction <maxsi>, %select_n3A_52, %reduce_max3A_53 [1] : vector<512x2048xi32> to vector<512xi32>
    %broadcast_in_dim3A_55 = vector.shape_cast %reduce_max3A_54 : vector<512xi32> to vector<512x1xi32>
    %mul3A_56 = arith.constant 2048 : i32
    %mul3A_57 = arith.muli %arg0, %mul3A_56 : i32
    %add3A_58 = vector.broadcast %mul3A_57 : i32 to vector<512x1xi32>
    %add3A_59 = arith.addi %broadcast_in_dim3A_55, %add3A_58 : vector<512x1xi32>
    %jit3A_60 = arith.constant 1.000000e+30 : f32
    %broadcast_in_dim3A_61 = vector.broadcast %jit3A_60 : f32 to vector<512x2048xf32>
    %select_n3A_62 = arith.select %eq3A_49, %broadcast_in_dim3A_61, %select_n3A_44 : vector<512x2048xi1>, vector<512x2048xf32>
    %reduce_min3A_63 = arith.constant dense<0x7F800000> : vector<512xf32>
    %reduce_min3A_64 = vector.multi_reduction <minimumf>, %select_n3A_62, %reduce_min3A_63 [1] : vector<512x2048xf32> to vector<512xf32>
    %broadcast_in_dim3A_65 = vector.shape_cast %reduce_min3A_64 : vector<512xf32> to vector<512x1xf32>
    %eq3A_66 = vector.broadcast %broadcast_in_dim3A_65 : vector<512x1xf32> to vector<512x2048xf32>
    %eq3A_67 = arith.cmpf oeq, %select_n3A_62, %eq3A_66 : vector<512x2048xf32>
    %jit3A_68 = arith.constant 0 : i32
    %broadcast_in_dim3A_69 = vector.broadcast %jit3A_68 : i32 to vector<512x2048xi32>
    %select_n3A_70 = arith.select %eq3A_67, %iota3A_30, %broadcast_in_dim3A_69 : vector<512x2048xi1>, vector<512x2048xi32>
    %reduce_max3A_71 = arith.constant dense<-2147483648> : vector<512xi32>
    %reduce_max3A_72 = vector.multi_reduction <maxsi>, %select_n3A_70, %reduce_max3A_71 [1] : vector<512x2048xi32> to vector<512xi32>
    %broadcast_in_dim3A_73 = vector.shape_cast %reduce_max3A_72 : vector<512xi32> to vector<512x1xi32>
    %mul3A_74 = arith.constant 2048 : i32
    %mul3A_75 = arith.muli %arg0, %mul3A_74 : i32
    %add3A_76 = vector.broadcast %mul3A_75 : i32 to vector<512x1xi32>
    %add3A_77 = arith.addi %broadcast_in_dim3A_73, %add3A_76 : vector<512x1xi32>
    %add3A_78 = arith.constant 9.99999993E-9 : f32
    %add3A_79 = vector.broadcast %add3A_78 : f32 to vector<512x1xf32>
    %add3A_80 = arith.addf %broadcast_in_dim3A_32, %add3A_79 : vector<512x1xf32>
    %div3A = arith.constant 1.000000e+00 : f32
    %div3A_81 = vector.broadcast %div3A : f32 to vector<512x1xf32>
    %div3A_82 = arith.divf %div3A_81, %add3A_80 : vector<512x1xf32>
    %add3A_83 = arith.constant 9.99999993E-9 : f32
    %add3A_84 = vector.broadcast %add3A_83 : f32 to vector<512x1xf32>
    %add3A_85 = arith.addf %broadcast_in_dim3A_47, %add3A_84 : vector<512x1xf32>
    %div3A_86 = arith.constant 1.000000e+00 : f32
    %div3A_87 = vector.broadcast %div3A_86 : f32 to vector<512x1xf32>
    %div3A_88 = arith.divf %div3A_87, %add3A_85 : vector<512x1xf32>
    %add3A_89 = arith.constant 9.99999993E-9 : f32
    %add3A_90 = vector.broadcast %add3A_89 : f32 to vector<512x1xf32>
    %add3A_91 = arith.addf %broadcast_in_dim3A_65, %add3A_90 : vector<512x1xf32>
    %div3A_92 = arith.constant 1.000000e+00 : f32
    %div3A_93 = vector.broadcast %div3A_92 : f32 to vector<512x1xf32>
    %div3A_94 = arith.divf %div3A_93, %add3A_91 : vector<512x1xf32>
    %add3A_95 = arith.addf %div3A_82, %div3A_88 : vector<512x1xf32>
    %add3A_96 = arith.addf %add3A_95, %div3A_94 : vector<512x1xf32>
    %div3A_97 = arith.divf %div3A_82, %add3A_96 : vector<512x1xf32>
    %div3A_98 = arith.divf %div3A_88, %add3A_96 : vector<512x1xf32>
    %div3A_99 = arith.divf %div3A_94, %add3A_96 : vector<512x1xf32>
    %concatenate3A = tpu.concatenate %add3A_41, %add3A_59, %add3A_77 in 1 : vector<512x1xi32>, vector<512x1xi32>, vector<512x1xi32> -> vector<512x3xi32>
    %swap3A = arith.constant 0 : index
    %swap3A_100 = arith.constant 0 : index
    %swap3A_101 = arith.constant 0 : index
    %swap3A_102 = vector.load %arg10[%swap3A, %swap3A_100, %swap3A_101] : memref<1x512x3xi32, #tpu.memory_space<vmem>>, vector<1x512x3xi32>
    %swap3A_103 = vector.shape_cast %swap3A_102 : vector<1x512x3xi32> to vector<512x3xi32>
    %swap3A_104 = vector.shape_cast %concatenate3A : vector<512x3xi32> to vector<1x512x3xi32>
    tpu.vector_store %arg10[%swap3A, %swap3A_100, %swap3A_101], %swap3A_104 {strides = array<i32>} : memref<1x512x3xi32, #tpu.memory_space<vmem>>, vector<1x512x3xi32>,
    %concatenate3A_105 = tpu.concatenate %div3A_97, %div3A_98, %div3A_99 in 1 : vector<512x1xf32>, vector<512x1xf32>, vector<512x1xf32> -> vector<512x3xf32>
    %swap3A_106 = arith.constant 0 : index
    %swap3A_107 = arith.constant 0 : index
    %swap3A_108 = arith.constant 0 : index
    %swap3A_109 = vector.load %arg11[%swap3A_106, %swap3A_107, %swap3A_108] : memref<1x512x3xf32, #tpu.memory_space<vmem>>, vector<1x512x3xf32>
    %swap3A_110 = vector.shape_cast %swap3A_109 : vector<1x512x3xf32> to vector<512x3xf32>
    %swap3A_111 = vector.shape_cast %concatenate3A_105 : vector<512x3xf32> to vector<1x512x3xf32>
    tpu.vector_store %arg11[%swap3A_106, %swap3A_107, %swap3A_108], %swap3A_111 {strides = array<i32>} : memref<1x512x3xf32, #tpu.memory_space<vmem>>, vector<1x512x3xf32>,
    %get3A_112 = arith.constant 0 : index
    %get3A_113 = arith.constant 0 : index
    %get3A_114 = vector.load %arg6[%get3A_112, %get3A_113] : memref<128x128xf32, #tpu.memory_space<vmem>>, vector<128x128xf32>
    %get3A_115 = arith.constant 0 : index
    %get3A_116 = arith.constant 0 : index
    %get3A_117 = arith.constant 0 : index
    %get3A_118 = vector.load %arg5[%get3A_115, %get3A_116, %get3A_117] : memref<1x128x512xf32, #tpu.memory_space<vmem>>, vector<1x128x512xf32>
    %get3A_119 = vector.shape_cast %get3A_118 : vector<1x128x512xf32> to vector<128x512xf32>
    %dot_general3A_120 = arith.constant dense<0.000000e+00> : vector<128x512xf32>
    %dot_general3A_121 = tpu.matmul %get3A_114, %get3A_119, %dot_general3A_120 {dimension_numbers = #tpu.dot_dimension_numbers<[1], [0], [0], [1], [0, 0, 1, 1], [], []>, transpose_lhs_hint = false} : vector<128x128xf32>, vector<128x512xf32>, vector<128x512xf32> -> vector<128x512xf32>
    %get3A_122 = arith.constant 0 : index
    %get3A_123 = arith.constant 0 : index
    %get3A_124 = arith.constant 0 : index
    %get3A_125 = vector.load %arg7[%get3A_122, %get3A_123, %get3A_124] : memref<1x128x1xf32, #tpu.memory_space<vmem>>, vector<1x128x1xf32>
    %get3A_126 = vector.shape_cast %get3A_125 : vector<1x128x1xf32> to vector<128x1xf32>
    %mul3A_127 = vector.broadcast %get3A_126 : vector<128x1xf32> to vector<128x512xf32>
    %mul3A_128 = arith.mulf %dot_general3A_121, %mul3A_127 : vector<128x512xf32>
    %get3A_129 = arith.constant 0 : index
    %get3A_130 = arith.constant 0 : index
    %get3A_131 = arith.constant 0 : index
    %get3A_132 = vector.load %arg8[%get3A_129, %get3A_130, %get3A_131] : memref<1x128x1xf32, #tpu.memory_space<vmem>>, vector<1x128x1xf32>
    %get3A_133 = vector.shape_cast %get3A_132 : vector<1x128x1xf32> to vector<128x1xf32>
    %add3A_134 = vector.broadcast %get3A_133 : vector<128x1xf32> to vector<128x512xf32>
    %add3A_135 = arith.addf %mul3A_128, %add3A_134 : vector<128x512xf32>
    %max3A = arith.constant 0.000000e+00 : f32
    %max3A_136 = vector.broadcast %max3A : f32 to vector<128x512xf32>
    %max3A_137 = arith.maximumf %add3A_135, %max3A_136 : vector<128x512xf32>
    %swap3A_138 = arith.constant 0 : index
    %swap3A_139 = arith.constant 0 : index
    %swap3A_140 = arith.constant 0 : index
    %swap3A_141 = vector.load %arg9[%swap3A_138, %swap3A_139, %swap3A_140] : memref<1x128x512xf32, #tpu.memory_space<vmem>>, vector<1x128x512xf32>
    %swap3A_142 = vector.shape_cast %swap3A_141 : vector<1x128x512xf32> to vector<128x512xf32>
    %swap3A_143 = vector.shape_cast %max3A_137 : vector<128x512xf32> to vector<1x128x512xf32>
    tpu.vector_store %arg9[%swap3A_138, %swap3A_139, %swap3A_140], %swap3A_143 {strides = array<i32>} : memref<1x128x512xf32, #tpu.memory_space<vmem>>, vector<1x128x512xf32>,
    return
  }
  func.func @transform_0(%arg0: i32, %arg1: i32) -> (i32, i32, i32) {
    %c0_i32 = arith.constant 0 : i32
    %c0_i32_0 = arith.constant 0 : i32
    %c0_i32_1 = arith.constant 0 : i32
    return %arg0, %c0_i32, %c0_i32_0 : i32, i32, i32
  }
  func.func @transform_1(%arg0: i32, %arg1: i32) -> (i32, i32, i32) {
    %c0_i32 = arith.constant 0 : i32
    %c0_i32_0 = arith.constant 0 : i32
    %c0_i32_1 = arith.constant 0 : i32
    return %arg0, %c0_i32, %c0_i32_0 : i32, i32, i32
  }
  func.func @transform_2(%arg0: i32, %arg1: i32) -> (i32, i32, i32) {
    %c0_i32 = arith.constant 0 : i32
    %c0_i32_0 = arith.constant 0 : i32
    return %arg0, %arg1, %c0_i32 : i32, i32, i32
  }
  func.func @transform_3(%arg0: i32, %arg1: i32) -> (i32, i32, i32) {
    %c0_i32 = arith.constant 0 : i32
    %c0_i32_0 = arith.constant 0 : i32
    return %arg0, %c0_i32, %arg1 : i32, i32, i32
  }
  func.func @transform_4(%arg0: i32, %arg1: i32) -> (i32, i32) {
    %c0_i32 = arith.constant 0 : i32
    %c0_i32_0 = arith.constant 0 : i32
    %c0_i32_1 = arith.constant 0 : i32
    return %c0_i32, %c0_i32_0 : i32, i32
  }
  func.func @transform_5(%arg0: i32, %arg1: i32) -> (i32, i32, i32) {
    %c0_i32 = arith.constant 0 : i32
    %c0_i32_0 = arith.constant 0 : i32
    %c0_i32_1 = arith.constant 0 : i32
    return %arg0, %c0_i32, %c0_i32_0 : i32, i32, i32
  }
  func.func @transform_6(%arg0: i32, %arg1: i32) -> (i32, i32, i32) {
    %c0_i32 = arith.constant 0 : i32
    %c0_i32_0 = arith.constant 0 : i32
    %c0_i32_1 = arith.constant 0 : i32
    return %arg0, %c0_i32, %c0_i32_0 : i32, i32, i32
  }
  func.func @transform_7(%arg0: i32, %arg1: i32) -> (i32, i32, i32) {
    %c0_i32 = arith.constant 0 : i32
    %c0_i32_0 = arith.constant 0 : i32
    return %arg0, %c0_i32, %arg1 : i32, i32, i32
  }
  func.func @transform_8(%arg0: i32, %arg1: i32) -> (i32, i32, i32) {
    %c0_i32 = arith.constant 0 : i32
    %c0_i32_0 = arith.constant 0 : i32
    return %arg0, %arg1, %c0_i32 : i32, i32, i32
  }
  func.func @transform_9(%arg0: i32, %arg1: i32) -> (i32, i32, i32) {
    %c0_i32 = arith.constant 0 : i32
    %c0_i32_0 = arith.constant 0 : i32
    return %arg0, %arg1, %c0_i32 : i32, i32, i32
  }
}

module attributes {stable_mosaic.version = 14 : i64} {
  func.func @_kD(%arg0: i32, %arg1: i32, %arg2: memref<1x128x512xf32, #tpu.memory_space<vmem>>, %arg3: memref<1x512x128xf32, #tpu.memory_space<vmem>>, %arg4: memref<1x128x512xf32, #tpu.memory_space<vmem>>) attributes {dimension_semantics = [#tpu.dimension_semantics<arbitrary>, #tpu.dimension_semantics<arbitrary>], iteration_bounds = array<i64: 4, 16>, scalar_prefetch = 0 : i64, scratch_operands = 0 : i64, tpu.core_type = #tpu.core_type<tc>, window_params = [{transform_indices = @transform_0, window_bounds = array<i64: 1, 128, 512>}, {transform_indices = @transform_1, window_bounds = array<i64: 1, 512, 128>}, {transform_indices = @transform_2, window_bounds = array<i64: 1, 128, 512>}]} {
    %get3A = arith.constant 0 : index
    %get3A_0 = arith.constant 0 : index
    %get3A_1 = arith.constant 0 : index
    %get3A_2 = vector.load %arg2[%get3A, %get3A_0, %get3A_1] : memref<1x128x512xf32, #tpu.memory_space<vmem>>, vector<1x128x512xf32>
    %get3A_3 = vector.shape_cast %get3A_2 : vector<1x128x512xf32> to vector<128x512xf32>
    %get3A_4 = arith.constant 0 : index
    %get3A_5 = arith.constant 0 : index
    %get3A_6 = arith.constant 0 : index
    %get3A_7 = vector.load %arg3[%get3A_4, %get3A_5, %get3A_6] : memref<1x512x128xf32, #tpu.memory_space<vmem>>, vector<1x512x128xf32>
    %get3A_8 = vector.shape_cast %get3A_7 : vector<1x512x128xf32> to vector<512x128xf32>
    %transpose3A = tpu.transpose %get3A_8, [1, 0] : vector<512x128xf32> -> vector<128x512xf32>
    %add3A = arith.addf %get3A_3, %transpose3A : vector<128x512xf32>
    %swap3A = arith.constant 0 : index
    %swap3A_9 = arith.constant 0 : index
    %swap3A_10 = arith.constant 0 : index
    %swap3A_11 = vector.load %arg4[%swap3A, %swap3A_9, %swap3A_10] : memref<1x128x512xf32, #tpu.memory_space<vmem>>, vector<1x128x512xf32>
    %swap3A_12 = vector.shape_cast %swap3A_11 : vector<1x128x512xf32> to vector<128x512xf32>
    %swap3A_13 = vector.shape_cast %add3A : vector<128x512xf32> to vector<1x128x512xf32>
    tpu.vector_store %arg4[%swap3A, %swap3A_9, %swap3A_10], %swap3A_13 {strides = array<i32>} : memref<1x128x512xf32, #tpu.memory_space<vmem>>, vector<1x128x512xf32>,
    return
  }
  func.func @transform_0(%arg0: i32, %arg1: i32) -> (i32, i32, i32) {
    %c0_i32 = arith.constant 0 : i32
    %c0_i32_0 = arith.constant 0 : i32
    return %arg0, %c0_i32, %arg1 : i32, i32, i32
  }
  func.func @transform_1(%arg0: i32, %arg1: i32) -> (i32, i32, i32) {
    %c0_i32 = arith.constant 0 : i32
    %c0_i32_0 = arith.constant 0 : i32
    return %arg0, %arg1, %c0_i32 : i32, i32, i32
  }
  func.func @transform_2(%arg0: i32, %arg1: i32) -> (i32, i32, i32) {
    %c0_i32 = arith.constant 0 : i32
    %c0_i32_0 = arith.constant 0 : i32
    return %arg0, %c0_i32, %arg1 : i32, i32, i32
  }
}

</mosaic_0001>

<sc_bundles>
// kernel: kernel.6.cloned.1.call-start
scs
__scs_entry_jumppad:
0x0: {  	(pc) =	sbr.rel $0x88, $3  }
0x1: {  	(tag) =	ssettag $0x0;
	lr =	simm.s32 $0x1  }
0x2: {  	[smem:$0x3F97] =	sst lr;
	_ =	strace $0xD0000000  }
0x3: {  	_ = 	snop  }
0x4: {  	_ = 	snop  }
0x5: {  	_ = 	snop  }
0x6: {  	_ = 	snop  }
0x7: {  	_ = 	snop  }
__scs_overlays_trampoline_lowered:
0x8: {  	[smem:$0x3FA6] =	sst s0  }
0x9: {  	[smem:$0x3FA7] =	sst s1  }
0xa: {  	[smem:$0x3FA8] =	sst s2  }
0xb: {  	[smem:$0x3FA9] =	sst s3  }
0xc: {  	[smem:$0x3FAA] =	sst s4  }
0xd: {  	[smem:$0x3FAB] =	sst s5  }
0xe: {  	[smem:$0x3FAC] =	sst s6  }
0xf: {  	[smem:$0x3FAD] =	sst s7  }
0x10: {  	[smem:$0x3FAE] =	sst s8  }
0x11: {  	[smem:$0x3FAF] =	sst s9;
	s0 =	simm.s32 @!p0 $0x0  }
0x12: {  	s1 =	sld [smem:$0x3F95];
	s0 =	simm.s32 @p0 $0x1  }
0x13: {  	[smem:$0x3FB0] =	sst s0;
	s0 =	simm.s32 @!p1 $0x0  }
0x14: {  	s2 =	sld [smem:$0x3F94];
	s0 =	simm.s32 @p1 $0x1  }
0x15: {  	[smem:$0x3FB1] =	sst s0;
	s0 =	simm.s32 @!p2 $0x0  }
0x16: {  	s3 =	sld [smem:$0x3FDB];
	s0 =	simm.s32 @p2 $0x1  }
0x17: {  	s4 =	simm.s32 $0x1BF5;
	[smem:$0x3FB3] =	sst s0  }
0x18: {  	s0 =	sld [smem:$0x3F96];
	_ =	swait.ge [sflag:s4], $0x0  }
0x19: {  	s7 =	sld [smem:$0x3F97]  }
0x1a: {  	s8 =	sadd.s32 $0xFFFFE003, lr  }
0x1b: {  	s9 =	sadd.s32 $0xFFFFFEF7, lr;
	s5 =	simm.s32 $0xFFFFFFFF;
	p2 =	slt.u32 s8, $0xFFFFF086  }
0x1c: {  	p1 =	slt.u32 s9, $0xF7A;
	s5 =	simm.s32 @!p2 $0x0  }
0x1d: {  	s5 =	simm.s32 @p1 $0x1;
	p0 =	seq.s32 s7, s2  }
0x1e: {  	s7 =	smul.u32 @!p0 $0xF7A, s2;
	p2 =	seq.s32 @!p0 s5, $0x0  }
0x1f: {  	s9 =	smul.u32 $0xF7A, s1;
	s8 =	simm.s32 @!p0 $0x1BF5;
	p2 =	por !p2, p0  }
0x20: {  	[sflag:s8] =	ssyncset.s32 @!p0 $0xFFFFF086;
	s6 =	sadd.s32 @!p0 s3, s7;
	s7 =	simm.s32 @!p0 $0x108  }
0x21: {  	s3 =	sadd.s32 s3, s9;
	s6 =	sadd.s32 @!p0 $0x88, s6;
	s7 =	simm.s32 @p2 $0x1082  }
0x22: {  	[simem:s7], [sflag:s8] =	dma.local @!p0 [hbm:s6], $0xF7A  }
0x23: {  	s9 =	sor.u32 $0xD0000000, s2;
	s6 =	simm.s32 $0x108;
	_ =	swait.ge @!p0 [sflag:s8], $0x0  }
0x24: {  	s3 =	sadd.s32 $0x88, s3;
	s6 =	simm.s32 @!p1 $0x1082;
	[sflag:s4] =	ssyncset.s32 $0xFFFFF086  }
0x25: {  	[simem:s6], [sflag:s4] =	dma.local [hbm:s3], $0xF7A  }
0x26: {  	[smem:$0x3F97] =	sst s1;
	(tag) =	ssettag s2;
	_ =	strace s9  }
0x27: {  	s1 =	sld [smem:$0x3FA7]  }
0x28: {  	s2 =	sld [smem:$0x3FA8]  }
0x29: {  	s4 =	sld [smem:$0x3FAA]  }
0x2a: {  	p0 =	seq.s32 s5, $0x0;
	s5 =	sld [smem:$0x3FAB]  }
0x2b: {  	s6 =	sld [smem:$0x3FAC]  }
0x2c: {  	s7 =	sld [smem:$0x3FAD]  }
0x2d: {  	s3 =	simm.s32 $0x108;
	s8 =	sld [smem:$0x3FAE]  }
0x2e: {  	s3 =	simm.s32 @!p0 $0x1082;
	s9 =	sld [smem:$0x3FAF]  }
0x2f: {  	lr =	sadd.s32 s0, s3;
	s0 =	sld [smem:$0x3FA6]  }
0x30: {  	s3 =	sld [smem:$0x3FA9]  }
0x31: {  	[smem:$0x3FB2] =	sst s10  }
0x32: {  	s10 =	sld [smem:$0x3FB0];
	_ =	sdelay $0x3  }
0x33: {  	p0 =	seq.s32 s10, $0x1;
	s10 =	sld [smem:$0x3FB2];
	_ =	sdelay $0x3  }
0x34: {  	[smem:$0x3FB2] =	sst s10  }
0x35: {  	s10 =	sld [smem:$0x3FB1];
	_ =	sdelay $0x3  }
0x36: {  	p1 =	seq.s32 s10, $0x1;
	s10 =	sld [smem:$0x3FB2];
	_ =	sdelay $0x3  }
0x37: {  	[smem:$0x3FB2] =	sst s10  }
0x38: {  	s10 =	sld [smem:$0x3FB3]  }
0x39: {  	_ = 	snop;
	(pc) =	sbr.ind lr, $3  }
0x3a: {  	_ = 	snop  }
0x3b: {  	_ = 	snop  }
0x3c: {  	p2 =	seq.s32 s10, $0x1;
	s10 =	sld [smem:$0x3FB2]  }
0x3d: {  	_ =	shalt  }
0x3e: {  	_ =	shalt  }
0x3f: {  	_ =	shalt  }
0x40: {  	_ =	shalt  }
0x41: {  	_ =	shalt  }
0x42: {  	_ =	shalt  }
0x43: {  	_ =	shalt  }
0x44: {  	_ =	shalt  }
0x45: {  	_ =	shalt  }
0x46: {  	_ =	shalt  }
0x47: {  	_ =	shalt  }
0x48: {  	_ =	shalt  }
0x49: {  	_ =	shalt  }
0x4a: {  	_ =	shalt  }
0x4b: {  	_ =	shalt  }
0x4c: {  	_ =	shalt  }
0x4d: {  	_ =	shalt  }
0x4e: {  	_ =	shalt  }
0x4f: {  	_ =	shalt  }
0x50: {  	_ =	shalt  }
0x51: {  	_ =	shalt  }
0x52: {  	_ =	shalt  }
0x53: {  	_ =	shalt  }
0x54: {  	_ =	shalt  }
0x55: {  	_ =	shalt  }
0x56: {  	_ =	shalt  }
0x57: {  	_ =	shalt  }
0x58: {  	_ =	shalt  }
0x59: {  	_ =	shalt  }
0x5a: {  	_ =	shalt  }
0x5b: {  	_ =	shalt  }
0x5c: {  	_ =	shalt  }
0x5d: {  	_ =	shalt  }
0x5e: {  	_ =	shalt  }
0x5f: {  	_ =	shalt  }
0x60: {  	_ =	shalt  }
0x61: {  	_ =	shalt  }
0x62: {  	_ =	shalt  }
0x63: {  	_ =	shalt  }
0x64: {  	_ =	shalt  }
0x65: {  	_ =	shalt  }
0x66: {  	_ =	shalt  }
0x67: {  	_ =	shalt  }
0x68: {  	_ =	shalt  }
0x69: {  	_ =	shalt  }
0x6a: {  	_ =	shalt  }
0x6b: {  	_ =	shalt  }
0x6c: {  	_ =	shalt  }
0x6d: {  	_ =	shalt  }
0x6e: {  	_ =	shalt  }
0x6f: {  	_ =	shalt  }
0x70: {  	_ =	shalt  }
0x71: {  	_ =	shalt  }
0x72: {  	_ =	shalt  }
0x73: {  	_ =	shalt  }
0x74: {  	_ =	shalt  }
0x75: {  	_ =	shalt  }
0x76: {  	_ =	shalt  }
0x77: {  	_ =	shalt  }
0x78: {  	_ =	shalt  }
0x79: {  	_ =	shalt  }
0x7a: {  	_ =	shalt  }
0x7b: {  	_ =	shalt  }
0x7c: {  	_ =	shalt  }
0x7d: {  	_ =	shalt  }
0x7e: {  	_ =	shalt  }
0x7f: {  	_ =	shalt  }
0x80: {  	_ =	shalt  }
0x81: {  	_ =	shalt  }
0x82: {  	_ =	shalt  }
0x83: {  	_ =	shalt  }
0x84: {  	_ =	shalt  }
0x85: {  	_ =	shalt  }
0x86: {  	_ =	shalt  }
0x87: {  	_ =	shalt  }
.Lfunc_end0:
.L_simem_size_0:
called_computation_lowered:
.L_overlay_start_0:
0x88: {  	s2 =	sld [smem:$0x3FD9]  }
0x89: {  	s3 =	sld [smem:$0x3FFE];
	_ =	sdelay $0x1  }
0x8a: {  	s1 =	srdreg.scid  }
0x8b: {  	s0 =	sand.u32 $0x1, s1  }
0x8c: {  	s14 =	sshll.u32 s0, $0xA;
	s2 =	sadd.s32 s3, s2  }
0x8d: {  	s2 =	sadd.s32 s2, s14  }
0x8e: {  	[smem:$0x3FBE] =	sst s2  }
0x8f: {  	_ = 	snop  }
0x90: {  	s2 =	sld [smem:$0x3FD0];
	_ =	sdelay $0x2  }
0x91: {  	s15 =	simm.s32 $0xA;
	s4 =	simm.s32 $0x10  }
0x92: {  	[smem:s4], [sflag:s15] =	dma.local [hbm:s2], $0x1  }
0x93: {  	_ =	swait.eq [sflag:s15], $0x1  }
0x94: {  	[sflag:s15] =	ssyncset.done $0x0  }
0x95: {  	s16 =	sld [smem:$0x10];
	[sflag:s15] =	ssyncadd.s32 $0xFFFFFFFF  }
0x96: {  	s17 =	sld [smem:$0x11];
	(tm) =	ssettm $0x1  }
0x97: {  	s18 =	sld [smem:$0x3FFB];
	_ =	sdelay $0x3  }
0x98: {  	_ =	strace s18  }
0x99: {  	s4 =	sld [smem:$0x3FFC];
	_ =	sdelay $0x3  }
0x9a: {  	_ =	strace s4  }
0x9b: {  	s4 =	sld [smem:$0x3FFD];
	_ =	sdelay $0x3  }
0x9c: {  	_ =	strace s4  }
0x9d: {  	_ =	strace $0x8FFFFFFF  }
0x9e: {  	s19 =	sld [smem:$0x3FDB];
	_ =	sdelay $0x1  }
0x9f: {  	s5 =	simm.s32 $_scs_section_size  }
0xa0: {  	s6 =	simm.s32 $_size__tile_overlayer_lowered;
	s7 =	simm.s32 $_tile_overlayer_lowered  }
0xa1: {  	s22 =	simm.s32 $0x1BFF;
	s21 =	sshll.u32 s7, $0x1;
	s4 =	sadd.s32 s5, s19  }
0xa2: {  	s8 =	simm.s32 $0x0;
	s20 =	sshll.u32 s6, $0x1;
	s6 =	sadd.s32 s21, s4  }
0xa3: {  	[timem:s8], [sflag:s22] =	dma.local [hbm:s6], s20  }
0xa4: {  	_ =	swait.ge [sflag:s22], s20  }
0xa5: {  	s5 =	ssub.s32 $0x0, s20;
	[sflag:s22] =	ssyncset.done $0x0  }
0xa6: {  	[sflag:s22] =	ssyncadd.s32 s5;
	_ =	sdelay $0x1  }
0xa7: {  	s23 =	simm.s32 $0x1B8B  }
0xa8: {  	_ =	swait.ge [sflag:s23], $0x1  }
0xa9: {  	[sflag:s23] =	ssyncset.done $0x0  }
0xaa: {  	s25 =	simm.s32 $0x1B8E;
	s24 =	sld [smem:$0x3FFE];
	[sflag:s23] =	ssyncadd.s32 $0xFFFFFFFF  }
0xab: {  	s26 =	simm.s32 $execute0_lowered;
	[smem:$0x3FD2] =	sst s25  }
0xac: {  	s6 =	sshll.u32 s26, $0x1;
	_ =	strace $0x80000046;
	[dreg:$0x1] =	wrdreg $0xFFFFFFFF  }
0xad: {  	s28 =	simm.s32 $_size_execute0_lowered;
	s4 =	sadd.s32 s4, s6;
	[dreg:$0x0] =	wrdreg $0x0  }
0xae: {  	s6 =	sshll.u32 s28, $0x1;
	[dreg:$0x2] =	wrdreg s4  }
0xaf: {  	[dreg:$0x3] =	wrdreg s6  }
0xb0: {  	[dreg:$0x4] =	wrdreg $0xC0  }
0xb1: {  	_ =	task [dreg:s8], $0x5FFFF  }
0xb2: {  	[dreg:$0x1] =	wrdreg $0xFFFFFFFF  }
0xb3: {  	[dreg:$0x0] =	wrdreg $0x60  }
0xb4: {  	[dreg:$0x2] =	wrdreg s24  }
0xb5: {  	[dreg:$0x3] =	wrdreg s16  }
0xb6: {  	[dreg:$0x4] =	wrdreg s17  }
0xb7: {  	[dreg:$0x5] =	wrdreg $0x9  }
0xb8: {  	_ =	task.clear_ibuf [dreg:s8], $0x6FFFF;
	_ =	strace $0x90000046  }
0xb9: {  	s29 =	simm.s32 $0x9;
	_ =	strace $0x80000048  }
0xba: {  	_ =	swait.ge [sflag:s29], $0x1  }
0xbb: {  	[sflag:s29] =	ssyncadd.s32 $0xFFFFFFFF  }
0xbc: {  	_ =	strace $0x90000048  }
0xbd: {  	_ =	sfence  }
0xbe: {  	s30 =	sld [smem:$0x0];
	_ =	sdelay $0x2  }
0xbf: {  	s31 =	sshll.u32 s1, $0xD;
	s1 =	sshrl.u32 s1, $0x2  }
0xc0: {  	s3 =	sand.u32 $0x4000, s31;
	s1 =	sadd.s32 s1, s30  }
0xc1: {  	s0 =	sor.u32 s3, s0;
	s1 =	sshll.u32 s1, $0x11  }
0xc2: {  	s0 =	sor.u32 s1, s0  }
0xc3: {  	s0 =	sadd.s32 $0x8F2B, s0  }
0xc4: {  	[sflag:s0] =	ssyncadd.remote.s32 $0x1  }
0xc5: {  	_ =	sfence.sel $0xFFFF  }
0xc6: {  	[dreg:$0x0] =	wrdreg $0xFFFFFFFF;
	(pc) =	sbr.abs _section_cstart, $3  }
0xc7: {  	[dreg:$0x1] =	wrdreg $0xFFFFFFFF  }
0xc8: {  	_ =	task.clear_ibuf [dreg:s8], $0x2FFFF;
	_ =	strace $0x9FFFFFFF  }
0xc9: {  	(tm) =	ssettm $0x7FFFFFFF  }
tec
execute0_lowered:
.L_overlay_start_1:
0x0: {  	(tag) =	ssettag $0x1  }
0x1: {  	s6 =	rddreg [dreg:$0x0]  }
0x2: {  	s1 =	rddreg [dreg:$0x1]  }
0x3: {  	s2 =	rddreg [dreg:$0x2]  }
0x4: {  	s0 =	rddreg [dreg:$0x3]  }
0x5: {  	s3 =	simm.s32 $0x0;
	s4 =	srdreg.scid;
	s10 =	simm.s32 $0x180  }
0x6: {  	s11 =	simm.s32 $0x80;
	s12 =	simm.s32 $0x200;
	s13 =	simm.s32 $0x100  }
0x7: {  	s14 =	simm.s32 $0x280;
	s15 =	simm.s32 $0x300;
	s16 =	simm.s32 $0x4300  }
0x8: {  	s17 =	simm.s32 $0x8300;
	s18 =	simm.s32 $0x1;
	s19 =	simm.s32 $0xC300  }
0x9: {  	s20 =	simm.s32 $0x0;
	[smem:$0x7FF] =	sst s3;
	s7 =	sand.u32 $0x1, s4  }
0xa: {  	s5 =	sadd.s32 $0x1800, s6;
	s4 =	stileid.u32;
	s8 =	ssub.s32 $0x2, s7  }
0xb: {  	s6 =	sadd.s32 $0x21800, s6;
	_ =	strace $0x80000047;
	s9 =	sshrl.u32 s8, $0x1  }
0xc: {  	s31 =	sshll.u32 s4, $0xB;
	s7 =	sshll.u32 s7, $0xA;
	s8 =	ssub.s32 s8, s9  }
0xd: {  	s7 =	sor.u32 s7, s31;
	s9 =	simm.s32 $0x2;
	s8 =	smax.u32 s8, $0x1  }
.LBB2_1:
0xe: {  	s21 =	simm.s32 $0x0  }
.LBB2_2:
0xf: {  	s22 =	sshll.u32 s21, $0x7  }
0x10: {  	s22 =	sadd.s32 s7, s22  }
0x11: {  	s24 =	sshrl.u32 s22, $0x3  }
0x12: {  	s23 =	simm.s32 $0x0;
	s25 =	sadd.s32 s1, s24  }
0x13: {  	[tilespmem:s23], [sflag:$0x2] =	stream.linear.gather [hbm4b:s25+s23], $0x80, $0x38;
	[tilespmem:$0x10300] =	vst v63  }
0x14: {  	_ =	swait.ge [sflag:s9], $0x80  }
0x15: {  	[sflag:s9] =	ssyncset.done $0x0  }
0x16: {  	s29 =	sadd.s32 s2, s24;
	[sflag:s9] =	ssyncadd.s32 $0xFFFFFF80  }
0x17: {  	[tilespmem:s10], [sflag:$0x2] =	stream.linear.gather [hbm4b:s29+s23], $0x80, $0x38;
	[tilespmem:$0x10300] =	vst v63  }
0x18: {  	_ =	swait.ge [sflag:s9], $0x80  }
0x19: {  	s30 =	sor.u32 $0x1000, s24;
	[sflag:s9] =	ssyncset.done $0x0  }
0x1a: {  	s26 =	sadd.s32 s1, s30;
	[sflag:s9] =	ssyncadd.s32 $0xFFFFFF80  }
0x1b: {  	[tilespmem:s11], [sflag:$0x2] =	stream.linear.gather [hbm4b:s26+s23], $0x80, $0x38;
	[tilespmem:$0x10300] =	vst v63  }
0x1c: {  	_ =	swait.ge [sflag:s9], $0x80  }
0x1d: {  	[sflag:s9] =	ssyncset.done $0x0  }
0x1e: {  	s25 =	sadd.s32 s2, s30;
	[sflag:s9] =	ssyncadd.s32 $0xFFFFFF80  }
0x1f: {  	[tilespmem:s12], [sflag:$0x2] =	stream.linear.gather [hbm4b:s25+s23], $0x80, $0x38;
	[tilespmem:$0x10300] =	vst v63  }
0x20: {  	_ =	swait.ge [sflag:s9], $0x80  }
0x21: {  	s24 =	sor.u32 $0x2000, s24;
	[sflag:s9] =	ssyncset.done $0x0  }
0x22: {  	s31 =	sadd.s32 s1, s24;
	[sflag:s9] =	ssyncadd.s32 $0xFFFFFF80  }
0x23: {  	[tilespmem:s13], [sflag:$0x2] =	stream.linear.gather [hbm4b:s31+s23], $0x80, $0x38;
	[tilespmem:$0x10300] =	vst v63  }
0x24: {  	_ =	swait.ge [sflag:s9], $0x80  }
0x25: {  	[sflag:s9] =	ssyncset.done $0x0  }
0x26: {  	s24 =	sadd.s32 s2, s24;
	[sflag:s9] =	ssyncadd.s32 $0xFFFFFF80  }
0x27: {  	[tilespmem:s14], [sflag:$0x2] =	stream.linear.gather [hbm4b:s24+s23], $0x80, $0x38;
	[tilespmem:$0x10300] =	vst v63  }
0x28: {  	_ =	swait.ge [sflag:s9], $0x80  }
0x29: {  	[sflag:s9] =	ssyncset.done $0x0  }
0x2a: {  	[sflag:s9] =	ssyncadd.s32 $0xFFFFFF80  }
0x2b: {  	[tilespmem:s15], [sflag:$0x1] =	stream.indirect.gather [hbm4b:s5+s11], $0x80, s23, s11, $0xb8;
	[tilespmem:$0x10300] =	vst v63  }
0x2c: {  	_ = 	snop  }
0x2d: {  	[tilespmem:s16], [sflag:$0x1] =	stream.indirect.gather [hbm4b:s5+s11], $0x80, s11, s11, $0xb8;
	[tilespmem:$0x10300] =	vst v63  }
0x2e: {  	_ = 	snop  }
0x2f: {  	[tilespmem:s17], [sflag:$0x1] =	stream.indirect.gather [hbm4b:s5+s11], $0x80, s13, s11, $0xb8;
	[tilespmem:$0x10300] =	vst v63  }
0x30: {  	_ =	swait.ge [sflag:s18], $0x4000  }
0x31: {  	[sflag:s18] =	ssyncset.done $0x0  }
0x32: {  	[sflag:s18] =	ssyncadd.s32 $0xFFFFC000  }
0x33: {  	_ =	swait.ge [sflag:s18], $0x4000  }
0x34: {  	[sflag:s18] =	ssyncset.done $0x0  }
0x35: {  	[sflag:s18] =	ssyncadd.s32 $0xFFFFC000  }
0x36: {  	_ =	swait.ge [sflag:s18], $0x4000  }
0x37: {  	[sflag:s18] =	ssyncset.done $0x0  }
0x38: {  	[sflag:s18] =	ssyncadd.s32 $0xFFFFC000  }
.LBB2_3:
0x39: {  	s24 =	sshll.u32 s23, $0x4  }
0x3a: {  	v15 =	vld [tilespmem:s24+$0x180]  }
0x3b: {  	v16 =	vld [tilespmem:s24+$0x200]  }
0x3c: {  	s31 =	sshll.u32 s23, $0xB;
	v17 =	vld [tilespmem:s24+$0x280]  }
0x3d: {  	v6 =	vld [tilespmem:s31+$0x300]  }
0x3e: {  	v7 =	vld [tilespmem:s31+$0x4300]  }
0x3f: {  	v8 =	vld [tilespmem:s31+$0x8300]  }
0x40: {  	v9 =	vld [tilespmem:s31+$0x310]  }
0x41: {  	v10 =	vld [tilespmem:s31+$0x4310]  }
0x42: {  	v11 =	vld [tilespmem:s31+$0x320]  }
0x43: {  	v12 =	vld [tilespmem:s31+$0x4320];
	v0 =	vbroadcast v15, $0x0  }
0x44: {  	v13 =	vld [tilespmem:s31+$0x8310];
	v1 =	vbroadcast v16, $0x0;
	v2 =	vbroadcast v17, $0x0  }
0x45: {  	v14 =	vld [tilespmem:s31+$0x8320];
	v6 =	vmul.f32 v6, v0  }
0x46: {  	v7 =	vmul.f32 v7, v1;
	v8 =	vmul.f32 v8, v2  }
0x47: {  	v9 =	vmul.f32 v9, v0;
	v10 =	vmul.f32 v10, v1  }
0x48: {  	v58 =	vmul.f32 v11, v0;
	v59 =	vmul.f32 v12, v1;
	v6 =	vadd.f32 v7, v6  }
0x49: {  	v60 =	vmul.f32 v13, v2;
	v9 =	vadd.f32 v10, v9  }
0x4a: {  	v61 =	vmul.f32 v14, v2;
	v7 =	vadd.f32 v59, v58;
	v6 =	vadd.f32 v8, v6  }
0x4b: {  	v9 =	vadd.f32 v60, v9  }
0x4c: {  	v62 =	vadd.f32 v61, v7;
	[tilespmem:s31+$0xC300] =	vst v6  }
0x4d: {  	[tilespmem:s31+$0xC310] =	vst v9  }
0x4e: {  	[tilespmem:s31+$0xC320] =	vst v62  }
0x4f: {  	v6 =	vld [tilespmem:s31+$0x330]  }
0x50: {  	v63 =	vld [tilespmem:s31+$0x8440];
	_ =	sdelay $0x4  }
0x51: {  	[tilespmem:$0x1F080] =	vst v63;
	v63 =	vld [tilespmem:s31+$0x8470];
	_ =	sdelay $0x4  }
0x52: {  	[tilespmem:$0x1F0B0] =	vst v63;
	v63 =	vld [tilespmem:s31+$0x480];
	_ =	sdelay $0x4  }
0x53: {  	[tilespmem:$0x1F0C0] =	vst v63;
	v63 =	vld [tilespmem:s31+$0x4480];
	_ =	sdelay $0x4  }
0x54: {  	[tilespmem:$0x1F0D0] =	vst v63;
	v63 =	vld [tilespmem:s31+$0x8480];
	_ =	sdelay $0x4  }
0x55: {  	[tilespmem:$0x1F100] =	vst v63;
	v63 =	vld [tilespmem:s31+$0x490];
	_ =	sdelay $0x4  }
0x56: {  	[tilespmem:$0x1F0E0] =	vst v63;
	v63 =	vld [tilespmem:s31+$0x4490];
	_ =	sdelay $0x4  }
0x57: {  	[tilespmem:$0x1F0F0] =	vst v63;
	v63 =	vld [tilespmem:s31+$0x8490];
	_ =	sdelay $0x4  }
0x58: {  	[tilespmem:$0x1F110] =	vst v63;
	v63 =	vld [tilespmem:s31+$0x4A0];
	_ =	sdelay $0x4  }
0x59: {  	[tilespmem:$0x1F120] =	vst v63;
	v63 =	vld [tilespmem:s31+$0x44A0];
	_ =	sdelay $0x4  }
0x5a: {  	[tilespmem:$0x1F130] =	vst v63;
	v63 =	vld [tilespmem:s31+$0x84A0];
	_ =	sdelay $0x4  }
0x5b: {  	[tilespmem:$0x1F160] =	vst v63;
	v63 =	vld [tilespmem:s31+$0x4B0];
	_ =	sdelay $0x4  }
0x5c: {  	[tilespmem:$0x1F140] =	vst v63;
	v63 =	vld [tilespmem:s31+$0x44B0];
	_ =	sdelay $0x4  }
0x5d: {  	[tilespmem:$0x1F150] =	vst v63;
	v63 =	vld [tilespmem:s31+$0x84B0];
	_ =	sdelay $0x4  }
0x5e: {  	[tilespmem:$0x1F170] =	vst v63;
	v63 =	vld [tilespmem:s31+$0x4C0];
	_ =	sdelay $0x4  }
0x5f: {  	[tilespmem:$0x1F180] =	vst v63;
	v63 =	vld [tilespmem:s31+$0x44C0];
	_ =	sdelay $0x4  }
0x60: {  	[tilespmem:$0x1F190] =	vst v63;
	v63 =	vld [tilespmem:s31+$0x84C0];
	_ =	sdelay $0x4  }
0x61: {  	[tilespmem:$0x1F1C0] =	vst v63;
	v63 =	vld [tilespmem:s31+$0x4D0];
	_ =	sdelay $0x4  }
0x62: {  	[tilespmem:$0x1F1A0] =	vst v63;
	v63 =	vld [tilespmem:s31+$0x44D0];
	_ =	sdelay $0x4  }
0x63: {  	[tilespmem:$0x1F1B0] =	vst v63;
	v63 =	vld [tilespmem:s31+$0x84D0];
	_ =	sdelay $0x4  }
0x64: {  	[tilespmem:$0x1F1D0] =	vst v63;
	v63 =	vld [tilespmem:s31+$0x4E0];
	_ =	sdelay $0x4  }
0x65: {  	[tilespmem:$0x1F1E0] =	vst v63;
	v63 =	vld [tilespmem:s31+$0x44E0];
	_ =	sdelay $0x4  }
0x66: {  	[tilespmem:$0x1F200] =	vst v63;
	v63 =	vld [tilespmem:s31+$0x84E0];
	_ =	sdelay $0x4  }
0x67: {  	[tilespmem:$0x1F220] =	vst v63;
	v63 =	vld [tilespmem:s31+$0x4F0];
	_ =	sdelay $0x4  }
0x68: {  	[tilespmem:$0x1F1F0] =	vst v63;
	v63 =	vld [tilespmem:s31+$0x44F0];
	_ =	sdelay $0x4  }
0x69: {  	[tilespmem:$0x1F210] =	vst v63;
	v63 =	vld [tilespmem:s31+$0x84F0];
	_ =	sdelay $0x4  }
0x6a: {  	[tilespmem:$0x1F230] =	vst v63;
	v63 =	vld [tilespmem:s31+$0x500];
	_ =	sdelay $0x4  }
0x6b: {  	[tilespmem:$0x1F240] =	vst v63;
	v63 =	vld [tilespmem:s31+$0x4500];
	_ =	sdelay $0x4  }
0x6c: {  	[tilespmem:$0x1F250] =	vst v63;
	v63 =	vld [tilespmem:s31+$0x8500];
	_ =	sdelay $0x4  }
0x6d: {  	[tilespmem:$0x1F280] =	vst v63;
	v63 =	vld [tilespmem:s31+$0x510];
	_ =	sdelay $0x4  }
0x6e: {  	[tilespmem:$0x1F260] =	vst v63;
	v63 =	vld [tilespmem:s31+$0x4510];
	_ =	sdelay $0x4  }
0x6f: {  	[tilespmem:$0x1F270] =	vst v63;
	v63 =	vld [tilespmem:s31+$0x8510];
	_ =	sdelay $0x4  }
0x70: {  	[tilespmem:$0x1F290] =	vst v63;
	v63 =	vld [tilespmem:s31+$0x520];
	_ =	sdelay $0x4  }
0x71: {  	[tilespmem:$0x1F2A0] =	vst v63;
	v63 =	vld [tilespmem:s31+$0x4520];
	_ =	sdelay $0x4  }
0x72: {  	[tilespmem:$0x1F2B0] =	vst v63;
	v63 =	vld [tilespmem:s31+$0x8520];
	_ =	sdelay $0x4  }
0x73: {  	[tilespmem:$0x1F2E0] =	vst v63;
	v63 =	vld [tilespmem:s31+$0x530];
	_ =	sdelay $0x4  }
0x74: {  	[tilespmem:$0x1F2C0] =	vst v63;
	v63 =	vld [tilespmem:s31+$0x4530];
	_ =	sdelay $0x4  }
0x75: {  	[tilespmem:$0x1F2D0] =	vst v63;
	v63 =	vld [tilespmem:s31+$0x8530];
	_ =	sdelay $0x4  }
0x76: {  	[tilespmem:$0x1F2F0] =	vst v63;
	v63 =	vld [tilespmem:s31+$0x540];
	_ =	sdelay $0x4  }
0x77: {  	[tilespmem:$0x1F300] =	vst v63;
	v63 =	vld [tilespmem:s31+$0x4540];
	_ =	sdelay $0x4  }
0x78: {  	[tilespmem:$0x1F310] =	vst v63;
	v63 =	vld [tilespmem:s31+$0x8540];
	_ =	sdelay $0x4  }
0x79: {  	[tilespmem:$0x1F360] =	vst v63;
	v63 =	vld [tilespmem:s31+$0x550];
	_ =	sdelay $0x4  }
0x7a: {  	[tilespmem:$0x1F320] =	vst v63;
	v63 =	vld [tilespmem:s31+$0x4550];
	_ =	sdelay $0x4  }
0x7b: {  	[tilespmem:$0x1F330] =	vst v63;
	v63 =	vld [tilespmem:s31+$0x8550];
	_ =	sdelay $0x4  }
0x7c: {  	[tilespmem:$0x1F370] =	vst v63;
	v63 =	vld [tilespmem:s31+$0x560];
	_ =	sdelay $0x4  }
0x7d: {  	[tilespmem:$0x1F340] =	vst v63;
	v63 =	vld [tilespmem:s31+$0x4560]  }
0x7e: {  	v7 =	vld [tilespmem:s31+$0x4330]  }
0x7f: {  	v8 =	vld [tilespmem:s31+$0x8330]  }
0x80: {  	v10 =	vld [tilespmem:s31+$0x340]  }
0x81: {  	v11 =	vld [tilespmem:s31+$0x4340]  }
0x82: {  	[tilespmem:$0x1F380] =	vst v63;
	v63 =	vld [tilespmem:s31+$0x8560]  }
0x83: {  	v14 =	vld [tilespmem:s31+$0x8340]  }
0x84: {  	v12 =	vld [tilespmem:s31+$0x350]  }
0x85: {  	v9 =	vld [tilespmem:s31+$0x4350]  }
0x86: {  	v3 =	vld [tilespmem:s31+$0x8350]  }
0x87: {  	[tilespmem:$0x1F3A0] =	vst v63;
	v63 =	vld [tilespmem:s31+$0x570]  }
0x88: {  	v4 =	vld [tilespmem:s31+$0x360]  }
0x89: {  	v18 =	vld [tilespmem:s31+$0x4360]  }
0x8a: {  	v19 =	vld [tilespmem:s31+$0x8360]  }
0x8b: {  	v13 =	vld [tilespmem:s31+$0x370]  }
0x8c: {  	[tilespmem:$0x1F350] =	vst v63;
	v63 =	vld [tilespmem:s31+$0x4570]  }
0x8d: {  	v5 =	vld [tilespmem:s31+$0x4370]  }
0x8e: {  	v20 =	vld [tilespmem:s31+$0x8370]  }
0x8f: {  	v21 =	vld [tilespmem:s31+$0x380]  }
0x90: {  	v22 =	vld [tilespmem:s31+$0x4380]  }
0x91: {  	[tilespmem:$0x1F390] =	vst v63;
	v63 =	vld [tilespmem:s31+$0x8570]  }
0x92: {  	v27 =	vld [tilespmem:s31+$0x8380]  }
0x93: {  	v24 =	vld [tilespmem:s31+$0x390]  }
0x94: {  	v23 =	vld [tilespmem:s31+$0x4390]  }
0x95: {  	v25 =	vld [tilespmem:s31+$0x8390]  }
0x96: {  	[tilespmem:$0x1F3B0] =	vst v63;
	v63 =	vld [tilespmem:s31+$0x580]  }
0x97: {  	v28 =	vld [tilespmem:s31+$0x3A0]  }
0x98: {  	v26 =	vld [tilespmem:s31+$0x43A0]  }
0x99: {  	v33 =	vld [tilespmem:s31+$0x83A0]  }
0x9a: {  	v30 =	vld [tilespmem:s31+$0x3B0]  }
0x9b: {  	[tilespmem:$0x1F3C0] =	vst v63;
	v63 =	vld [tilespmem:s31+$0x4580]  }
0x9c: {  	v29 =	vld [tilespmem:s31+$0x43B0]  }
0x9d: {  	v31 =	vld [tilespmem:s31+$0x83B0]  }
0x9e: {  	v32 =	vld [tilespmem:s31+$0x3C0]  }
0x9f: {  	v36 =	vld [tilespmem:s31+$0x43C0]  }
0xa0: {  	[tilespmem:$0x1F3D0] =	vst v63;
	v63 =	vld [tilespmem:s31+$0x8580]  }
0xa1: {  	v42 =	vld [tilespmem:s31+$0x83C0]  }
0xa2: {  	v34 =	vld [tilespmem:s31+$0x3D0]  }
0xa3: {  	v38 =	vld [tilespmem:s31+$0x43D0]  }
0xa4: {  	v41 =	vld [tilespmem:s31+$0x83D0]  }
0xa5: {  	[tilespmem:$0x1F400] =	vst v63;
	v63 =	vld [tilespmem:s31+$0x590]  }
0xa6: {  	v37 =	vld [tilespmem:s31+$0x3E0]  }
0xa7: {  	v40 =	vld [tilespmem:s31+$0x43E0]  }
0xa8: {  	v43 =	vld [tilespmem:s31+$0x83E0]  }
0xa9: {  	v35 =	vld [tilespmem:s31+$0x3F0]  }
0xaa: {  	[tilespmem:$0x1F3E0] =	vst v63;
	v63 =	vld [tilespmem:s31+$0x4590]  }
0xab: {  	v39 =	vld [tilespmem:s31+$0x43F0]  }
0xac: {  	v44 =	vld [tilespmem:s31+$0x83F0]  }
0xad: {  	v45 =	vld [tilespmem:s31+$0x400]  }
0xae: {  	v46 =	vld [tilespmem:s31+$0x4400]  }
0xaf: {  	[tilespmem:$0x1F3F0] =	vst v63;
	v63 =	vld [tilespmem:s31+$0x8590]  }
0xb0: {  	v51 =	vld [tilespmem:s31+$0x8400]  }
0xb1: {  	v47 =	vld [tilespmem:s31+$0x410]  }
0xb2: {  	v48 =	vld [tilespmem:s31+$0x4410]  }
0xb3: {  	v49 =	vld [tilespmem:s31+$0x8410]  }
0xb4: {  	[tilespmem:$0x1F410] =	vst v63;
	v63 =	vld [tilespmem:s31+$0x5A0]  }
0xb5: {  	v50 =	vld [tilespmem:s31+$0x420]  }
0xb6: {  	v53 =	vld [tilespmem:s31+$0x4420]  }
0xb7: {  	v52 =	vld [tilespmem:s31+$0x8420]  }
0xb8: {  	v55 =	vld [tilespmem:s31+$0x430]  }
0xb9: {  	[tilespmem:$0x1F420] =	vst v63;
	v63 =	vld [tilespmem:s31+$0x45A0]  }
0xba: {  	v56 =	vld [tilespmem:s31+$0x4430]  }
0xbb: {  	v60 =	vld [tilespmem:s31+$0x8430]  }
0xbc: {  	v58 =	vld [tilespmem:s31+$0x440]  }
0xbd: {  	v54 =	vld [tilespmem:s31+$0x4440]  }
0xbe: {  	[tilespmem:$0x1F430] =	vst v63;
	v63 =	vld [tilespmem:s31+$0x85A0]  }
0xbf: {  	v57 =	vld [tilespmem:s31+$0x4450]  }
0xc0: {  	v61 =	vld [tilespmem:s31+$0x8450]  }
0xc1: {  	v59 =	vld [tilespmem:s31+$0x450]  }
0xc2: {  	v62 =	vld [tilespmem:s31+$0x8460]  }
0xc3: {  	v6 =	vmul.f32 v6, v0;
	v7 =	vmul.f32 v7, v1;
	[tilespmem:$0x1F440] =	vst v63;
	v63 =	vld [tilespmem:s31+$0x5B0]  }
0xc4: {  	[tilespmem:$0x1F070] =	vst v57;
	v57 =	vld [tilespmem:s31+$0x460];
	v8 =	vmul.f32 v8, v2;
	v9 =	vmul.f32 v9, v1  }
0xc5: {  	[tilespmem:$0x1F090] =	vst v61;
	v61 =	vld [tilespmem:s31+$0x4460];
	v6 =	vadd.f32 v7, v6;
	v7 =	vmul.f32 v10, v0;
	v10 =	vmul.f32 v11, v1  }
0xc6: {  	[tilespmem:$0x1F060] =	vst v54;
	v54 =	vld [tilespmem:s31+$0x470];
	v14 =	vmul.f32 v14, v2;
	v11 =	vmul.f32 v12, v0  }
0xc7: {  	[tilespmem:$0x1F0A0] =	vst v62;
	v62 =	vld [tilespmem:s31+$0x4470];
	v19 =	vmul.f32 v19, v2;
	v6 =	vadd.f32 v8, v6;
	v12 =	vadd.f32 v10, v7  }
0xc8: {  	v8 =	vadd.f32 v9, v11;
	v9 =	vmul.f32 v3, v2;
	v10 =	vmul.f32 v4, v0;
	[tilespmem:$0x1F450] =	vst v63;
	v63 =	vld [tilespmem:s31+$0x45B0]  }
0xc9: {  	v0 =	vmul.f32 v13, v0;
	v13 =	vld [tilespmem:s31+$0x690];
	v7 =	vbroadcast v15, $0x1  }
0xca: {  	v11 =	vld [tilespmem:s31+$0x8690];
	v14 =	vadd.f32 v14, v12;
	v12 =	vmul.f32 v18, v1;
	v1 =	vmul.f32 v5, v1  }
0xcb: {  	v4 =	vadd.f32 v9, v8;
	v18 =	vld [tilespmem:s31+$0x4690];
	v9 =	vbroadcast v16, $0x1;
	v8 =	vbroadcast v17, $0x1  }
0xcc: {  	[tilespmem:$0x1F780] =	vst v6;
	v6 =	vadd.f32 v12, v10;
	v0 =	vadd.f32 v1, v0;
	v1 =	vmul.f32 v20, v2;
	v12 =	vld [tilespmem:s31+$0x6A0]  }
0xcd: {  	v2 =	vmul.f32 v21, v7;
	v20 =	vmul.f32 v24, v7;
	[tilespmem:$0x1F460] =	vst v63;
	v63 =	vld [tilespmem:s31+$0x85B0]  }
0xce: {  	v21 =	vmul.f32 v23, v9;
	v23 =	vmul.f32 v27, v8;
	v24 =	vld [tilespmem:s31+$0x6B0]  }
0xcf: {  	v10 =	vmul.f32 v25, v8;
	v25 =	vmul.f32 v28, v7;
	v28 =	vld [tilespmem:s31+$0x46B0]  }
0xd0: {  	v27 =	vmul.f32 v26, v9;
	v26 =	vmul.f32 v32, v7;
	v32 =	vld [tilespmem:s31+$0x86C0]  }
0xd1: {  	[tilespmem:$0x1F6E0] =	vst v13;
	v13 =	vmul.f32 v22, v9;
	v22 =	vld [tilespmem:s31+$0x86A0]  }
0xd2: {  	[tilespmem:$0x1F470] =	vst v63;
	v63 =	vld [tilespmem:s31+$0x5C0]  }
0xd3: {  	[tilespmem:$0x1F700] =	vst v11;
	v11 =	vld [tilespmem:s31+$0x6D0]  }
0xd4: {  	v5 =	vadd.f32 v1, v0;
	v0 =	vadd.f32 v21, v20;
	v21 =	vld [tilespmem:s31+$0x86B0]  }
0xd5: {  	[tilespmem:$0x1F6F0] =	vst v18;
	v18 =	vadd.f32 v19, v6;
	v19 =	vld [tilespmem:s31+$0x46A0]  }
0xd6: {  	v2 =	vadd.f32 v13, v2;
	[tilespmem:$0x1F730] =	vst v24;
	v24 =	vld [tilespmem:s31+$0x6C0]  }
0xd7: {  	[tilespmem:$0x1F480] =	vst v63;
	v63 =	vld [tilespmem:s31+$0x45C0]  }
0xd8: {  	v20 =	vadd.f32 v23, v2;
	v23 =	vmul.f32 v33, v8;
	v33 =	vmul.f32 v38, v9;
	v38 =	vld [tilespmem:s31+$0x86D0]  }
0xd9: {  	[tilespmem:$0x1F710] =	vst v12;
	v12 =	vmul.f32 v30, v7;
	v30 =	vld [tilespmem:s31+$0x6E0]  }
0xda: {  	[tilespmem:$0x1F740] =	vst v28;
	v28 =	vmul.f32 v36, v9;
	v36 =	vld [tilespmem:s31+$0x6F0]  }
0xdb: {  	v13 =	vmul.f32 v29, v9;
	[tilespmem:$0x1F750] =	vst v22;
	v22 =	vadd.f32 v27, v25;
	v27 =	vld [tilespmem:s31+$0x46C0]  }
0xdc: {  	v29 =	vmul.f32 v34, v7;
	[tilespmem:$0x1F4C0] =	vst v63;
	v63 =	vld [tilespmem:s31+$0x85C0]  }
0xdd: {  	v34 =	vmul.f32 v37, v7;
	v7 =	vmul.f32 v35, v7;
	v2 =	vadd.f32 v13, v12;
	v13 =	vld [tilespmem:s31+$0x46D0]  }
0xde: {  	v25 =	vmul.f32 v31, v8;
	v31 =	vmul.f32 v43, v8;
	v1 =	vadd.f32 v33, v29;
	v33 =	vld [tilespmem:s31+$0x46E0]  }
0xdf: {  	[tilespmem:$0x1F720] =	vst v19;
	v19 =	vadd.f32 v10, v0;
	v0 =	vadd.f32 v28, v26;
	v28 =	vmul.f32 v40, v9;
	v40 =	vld [tilespmem:s31+$0x86E0]  }
0xe0: {  	[tilespmem:$0x1F7A0] =	vst v11;
	v11 =	vbroadcast v17, $0x2;
	v22 =	vadd.f32 v23, v22;
	v23 =	vmul.f32 v41, v8;
	v41 =	vld [tilespmem:s31+$0x46F0]  }
0xe1: {  	v29 =	vmul.f32 v39, v9;
	v9 =	vbroadcast v15, $0x2;
	[tilespmem:$0x1F500] =	vst v63;
	v63 =	vld [tilespmem:s31+$0x5D0]  }
0xe2: {  	[tilespmem:$0x1F760] =	vst v21;
	v12 =	vmul.f32 v42, v8;
	v8 =	vmul.f32 v44, v8;
	v44 =	vld [tilespmem:s31+$0x8700];
	v21 =	vadd.f32 v25, v2  }
0xe3: {  	v2 =	vbroadcast v16, $0x2;
	[tilespmem:$0x1F770] =	vst v24;
	v6 =	vadd.f32 v28, v34;
	v34 =	vmul.f32 v45, v9;
	v45 =	vld [tilespmem:s31+$0x86F0]  }
0xe4: {  	v24 =	vadd.f32 v12, v0;
	v37 =	vmul.f32 v47, v9;
	v12 =	vmul.f32 v49, v11;
	v49 =	vld [tilespmem:s31+$0x4700];
	[tilespmem:$0x1F7B0] =	vst v13  }
0xe5: {  	v0 =	vadd.f32 v29, v7;
	v35 =	vmul.f32 v46, v2;
	v39 =	vmul.f32 v48, v2;
	v48 =	vld [tilespmem:s31+$0x700];
	[tilespmem:$0x1F7E0] =	vst v33  }
0xe6: {  	v23 =	vadd.f32 v23, v1;
	v13 =	vmul.f32 v50, v9;
	v33 =	vmul.f32 v53, v2;
	[tilespmem:$0x1F490] =	vst v63;
	v63 =	vld [tilespmem:s31+$0x45D0]  }
0xe7: {  	v43 =	vmul.f32 v51, v11;
	v46 =	vld [tilespmem:$0x1F070];
	v25 =	vadd.f32 v8, v0;
	v42 =	vadd.f32 v35, v34  }
0xe8: {  	v1 =	vadd.f32 v39, v37;
	v0 =	vadd.f32 v33, v13;
	v13 =	vld [tilespmem:$0x1F090]  }
0xe9: {  	[tilespmem:$0x1F7D0] =	vst v36;
	v36 =	vmul.f32 v56, v2;
	v35 =	vmul.f32 v55, v9;
	v28 =	vadd.f32 v43, v42;
	v42 =	vld [tilespmem:$0x1F060]  }
0xea: {  	[tilespmem:$0x1F790] =	vst v27;
	v27 =	vadd.f32 v12, v1;
	v12 =	vmul.f32 v57, v9;
	v57 =	vld [tilespmem:$0x1F080]  }
0xeb: {  	v37 =	vmul.f32 v60, v11;
	v1 =	vadd.f32 v36, v35;
	[tilespmem:$0x1F4D0] =	vst v63;
	v63 =	vld [tilespmem:s31+$0x85D0]  }
0xec: {  	v47 =	vmul.f32 v61, v2;
	v35 =	vld [tilespmem:$0x1F0A0]  }
0xed: {  	v29 =	vadd.f32 v37, v1;
	v37 =	vld [tilespmem:$0x1F0B0]  }
0xee: {  	v8 =	vadd.f32 v47, v12;
	v47 =	vld [tilespmem:s31+$0x8730]  }
0xef: {  	v51 =	vld [tilespmem:$0x1F0E0]  }
0xf0: {  	v39 =	vmul.f32 v58, v9;
	[tilespmem:$0x1F510] =	vst v63;
	v63 =	vld [tilespmem:s31+$0x5E0]  }
0xf1: {  	[tilespmem:$0x1F7F0] =	vst v41;
	v41 =	vmul.f32 v59, v9;
	v43 =	vmul.f32 v42, v2;
	v42 =	vld [tilespmem:s31+$0x4730]  }
0xf2: {  	v1 =	vmul.f32 v46, v2;
	v59 =	vmul.f32 v57, v11;
	v57 =	vld [tilespmem:s31+$0x740]  }
0xf3: {  	v26 =	vadd.f32 v31, v6;
	v7 =	vadd.f32 v43, v39;
	v39 =	vld [tilespmem:$0x1F0C0]  }
0xf4: {  	v1 =	vadd.f32 v1, v41;
	v31 =	vmul.f32 v13, v11;
	v36 =	vmul.f32 v35, v11;
	v43 =	vld [tilespmem:$0x1F0D0]  }
0xf5: {  	v34 =	vmul.f32 v52, v11;
	[tilespmem:$0x1F4A0] =	vst v63;
	v63 =	vld [tilespmem:s31+$0x45E0]  }
0xf6: {  	v31 =	vadd.f32 v31, v1;
	v1 =	vmul.f32 v37, v11;
	v37 =	vadd.f32 v36, v8;
	v8 =	vld [tilespmem:s31+$0x4740]  }
0xf7: {  	[tilespmem:$0x1F810] =	vst v47;
	v47 =	vld [tilespmem:s31+$0x4750]  }
0xf8: {  	[tilespmem:$0x1F7C0] =	vst v30;
	v30 =	vadd.f32 v34, v0;
	v0 =	vmul.f32 v54, v9;
	v54 =	vld [tilespmem:$0x1F0F0]  }
0xf9: {  	v33 =	vadd.f32 v59, v7;
	v59 =	vld [tilespmem:$0x1F100]  }
0xfa: {  	v10 =	vbroadcast v15, $0x3;
	[tilespmem:$0x1F4E0] =	vst v63;
	v63 =	vld [tilespmem:s31+$0x85E0]  }
0xfb: {  	v9 =	vbroadcast v16, $0x3;
	v34 =	vld [tilespmem:$0x1F120]  }
0xfc: {  	v2 =	vmul.f32 v62, v2;
	v41 =	vmul.f32 v39, v10;
	v39 =	vld [tilespmem:$0x1F130]  }
0xfd: {  	v12 =	vbroadcast v17, $0x3;
	[tilespmem:$0x1F800] =	vst v42;
	v42 =	vld [tilespmem:s31+$0x750];
	v46 =	vmul.f32 v43, v9  }
0xfe: {  	v0 =	vadd.f32 v2, v0;
	v2 =	vmul.f32 v51, v10;
	[tilespmem:$0x1F870] =	vst v47;
	v47 =	vld [tilespmem:s31+$0x4760];
	v56 =	vmul.f32 v54, v9  }
0xff: {  	v6 =	vadd.f32 v46, v41;
	v61 =	vmul.f32 v59, v12;
	[tilespmem:$0x1F520] =	vst v63;
	v63 =	vld [tilespmem:s31+$0x5F0]  }
0x100: {  	v13 =	vld [tilespmem:$0x1F110];
	v11 =	vadd.f32 v56, v2  }
0x101: {  	v35 =	vadd.f32 v61, v6;
	v61 =	vld [tilespmem:s31+$0x8750];
	v2 =	vmul.f32 v34, v10;
	v41 =	vmul.f32 v39, v9  }
0x102: {  	v54 =	vld [tilespmem:$0x1F160]  }
0x103: {  	v2 =	vadd.f32 v41, v2;
	v41 =	vld [tilespmem:s31+$0x760]  }
0x104: {  	[tilespmem:$0x1F4B0] =	vst v63;
	v63 =	vld [tilespmem:s31+$0x45F0]  }
0x105: {  	[tilespmem:$0x1F820] =	vst v57;
	v57 =	vld [tilespmem:$0x1F170]  }
0x106: {  	v43 =	vld [tilespmem:$0x1F140]  }
0x107: {  	v46 =	vld [tilespmem:$0x1F150]  }
0x108: {  	[tilespmem:$0x1F860] =	vst v8;
	v8 =	vld [tilespmem:$0x1F180]  }
0x109: {  	[tilespmem:$0x1F4F0] =	vst v63;
	v63 =	vld [tilespmem:s31+$0x85F0]  }
0x10a: {  	v36 =	vadd.f32 v1, v0;
	v1 =	vmul.f32 v13, v12;
	v59 =	vmul.f32 v57, v12;
	v57 =	vld [tilespmem:s31+$0x8760]  }
0x10b: {  	v56 =	vmul.f32 v54, v12;
	v0 =	vmul.f32 v43, v10;
	v43 =	vld [tilespmem:$0x1F1B0]  }
0x10c: {  	v34 =	vadd.f32 v1, v11;
	v11 =	vld [tilespmem:$0x1F190]  }
0x10d: {  	[tilespmem:$0x1F840] =	vst v41;
	v41 =	vadd.f32 v56, v2;
	v56 =	vld [tilespmem:$0x1F1C0]  }
0x10e: {  	[tilespmem:$0x1F530] =	vst v63;
	v63 =	vld [tilespmem:s31+$0x600]  }
0x10f: {  	v1 =	vmul.f32 v46, v9;
	[tilespmem:$0x1F8B0] =	vst v57;
	v57 =	vld [tilespmem:s31+$0x8770]  }
0x110: {  	v46 =	vmul.f32 v43, v9;
	v43 =	vld [tilespmem:s31+$0x770]  }
0x111: {  	[tilespmem:$0x1F830] =	vst v42;
	v0 =	vadd.f32 v1, v0;
	v1 =	vmul.f32 v8, v10;
	v13 =	vmul.f32 v11, v9;
	v42 =	vld [tilespmem:$0x1F1A0]  }
0x112: {  	v11 =	vld [tilespmem:$0x1F1E0]  }
0x113: {  	v54 =	vadd.f32 v13, v1;
	v1 =	vmul.f32 v56, v12;
	[tilespmem:$0x1F540] =	vst v63;
	v63 =	vld [tilespmem:s31+$0x4600]  }
0x114: {  	v39 =	vadd.f32 v59, v0;
	v59 =	vld [tilespmem:$0x1F1D0]  }
0x115: {  	[tilespmem:$0x1F850] =	vst v43;
	v43 =	vadd.f32 v1, v54;
	v54 =	vld [tilespmem:s31+$0x4770]  }
0x116: {  	[tilespmem:$0x1F880] =	vst v47;
	v47 =	vld [tilespmem:$0x1F200]  }
0x117: {  	v13 =	vmul.f32 v11, v10;
	v11 =	vld [tilespmem:s31+$0x790]  }
0x118: {  	v2 =	vmul.f32 v42, v10;
	[tilespmem:$0x1F550] =	vst v63;
	v63 =	vld [tilespmem:s31+$0x8600]  }
0x119: {  	[tilespmem:$0x1F8A0] =	vst v61;
	v61 =	vmul.f32 v59, v12;
	v59 =	vld [tilespmem:$0x1F220]  }
0x11a: {  	v2 =	vadd.f32 v46, v2;
	v46 =	vld [tilespmem:$0x1F1F0]  }
0x11b: {  	v56 =	vld [tilespmem:$0x1F210]  }
0x11c: {  	v1 =	vmul.f32 v47, v9;
	v47 =	vld [tilespmem:$0x1F240]  }
0x11d: {  	[tilespmem:$0x1F580] =	vst v63;
	v63 =	vld [tilespmem:s31+$0x610]  }
0x11e: {  	v6 =	vbroadcast v15, $0x4;
	v1 =	vadd.f32 v1, v13;
	v13 =	vld [tilespmem:s31+$0x780]  }
0x11f: {  	v42 =	vadd.f32 v61, v2;
	v61 =	vmul.f32 v59, v12;
	v0 =	vmul.f32 v46, v10;
	v46 =	vld [tilespmem:$0x1F230]  }
0x120: {  	v2 =	vmul.f32 v56, v9;
	v56 =	vld [tilespmem:s31+$0x4780]  }
0x121: {  	[tilespmem:$0x1F890] =	vst v54;
	v54 =	vmul.f32 v47, v6;
	v47 =	vadd.f32 v61, v1;
	v61 =	vld [tilespmem:$0x1F260]  }
0x122: {  	[tilespmem:$0x1F560] =	vst v63;
	v63 =	vld [tilespmem:s31+$0x4610]  }
0x123: {  	[tilespmem:$0x1F8C0] =	vst v57;
	v57 =	vld [tilespmem:$0x1F250]  }
0x124: {  	v59 =	vld [tilespmem:s31+$0x8780];
	v0 =	vadd.f32 v2, v0;
	v2 =	vmul.f32 v46, v12  }
0x125: {  	[tilespmem:$0x1F8E0] =	vst v56;
	v56 =	vld [tilespmem:s31+$0x4790]  }
0x126: {  	v8 =	vbroadcast v16, $0x4;
	v46 =	vadd.f32 v2, v0;
	v0 =	vmul.f32 v61, v6;
	v61 =	vld [tilespmem:s31+$0x8790]  }
0x127: {  	[tilespmem:$0x1F570] =	vst v63;
	v63 =	vld [tilespmem:s31+$0x8610]  }
0x128: {  	v1 =	vmul.f32 v57, v8;
	v12 =	vld [tilespmem:$0x1F280]  }
0x129: {  	v10 =	vld [tilespmem:$0x1F270]  }
0x12a: {  	v1 =	vadd.f32 v1, v54;
	v54 =	vld [tilespmem:$0x1F290]  }
0x12b: {  	[tilespmem:$0x1F920] =	vst v61;
	v61 =	vld [tilespmem:s31+$0x47A0]  }
0x12c: {  	v7 =	vbroadcast v17, $0x4;
	[tilespmem:$0x1F590] =	vst v63;
	v63 =	vld [tilespmem:s31+$0x620]  }
0x12d: {  	v9 =	vld [tilespmem:$0x1F2C0]  }
0x12e: {  	[tilespmem:$0x1F8D0] =	vst v13;
	v13 =	vmul.f32 v12, v7;
	v12 =	vld [tilespmem:$0x1F2D0]  }
0x12f: {  	[tilespmem:$0x1F910] =	vst v59;
	v59 =	vld [tilespmem:$0x1F2B0]  }
0x130: {  	v57 =	vld [tilespmem:$0x1F2A0]  }
0x131: {  	[tilespmem:$0x1F5A0] =	vst v63;
	v63 =	vld [tilespmem:s31+$0x4620]  }
0x132: {  	[tilespmem:$0x1F900] =	vst v56;
	v2 =	vmul.f32 v10, v8;
	v10 =	vmul.f32 v54, v7;
	v54 =	vld [tilespmem:s31+$0x7A0]  }
0x133: {  	v56 =	vadd.f32 v13, v1;
	[tilespmem:$0x1F940] =	vst v61;
	v61 =	vld [tilespmem:s31+$0x7B0];
	v1 =	vmul.f32 v9, v6;
	v13 =	vmul.f32 v12, v8  }
0x134: {  	[tilespmem:$0x1F8F0] =	vst v11;
	v11 =	vmul.f32 v59, v8;
	v59 =	vld [tilespmem:$0x1F2E0]  }
0x135: {  	v0 =	vadd.f32 v2, v0;
	v1 =	vadd.f32 v13, v1;
	v13 =	vld [tilespmem:$0x1F310]  }
0x136: {  	[tilespmem:$0x1F5B0] =	vst v63;
	v63 =	vld [tilespmem:s31+$0x8620]  }
0x137: {  	v2 =	vmul.f32 v57, v6;
	[tilespmem:$0x1F930] =	vst v54;
	v54 =	vadd.f32 v10, v0;
	v10 =	vld [tilespmem:$0x1F2F0]  }
0x138: {  	v12 =	vld [tilespmem:s31+$0x87A0]  }
0x139: {  	v57 =	vadd.f32 v11, v2;
	v11 =	vld [tilespmem:$0x1F300]  }
0x13a: {  	v2 =	vmul.f32 v59, v7;
	v0 =	vmul.f32 v13, v8;
	v13 =	vld [tilespmem:s31+$0x47B0]  }
0x13b: {  	[tilespmem:$0x1F5E0] =	vst v63;
	v63 =	vld [tilespmem:s31+$0x630]  }
0x13c: {  	v59 =	vadd.f32 v2, v57;
	v57 =	vld [tilespmem:$0x1F320]  }
0x13d: {  	[tilespmem:$0x1F970] =	vst v12;
	v12 =	vld [tilespmem:$0x1F340]  }
0x13e: {  	[tilespmem:$0x1F950] =	vst v61;
	v61 =	vld [tilespmem:$0x1F350]  }
0x13f: {  	v9 =	vmul.f32 v10, v7;
	v10 =	vmul.f32 v11, v6;
	v11 =	vld [tilespmem:$0x1F330]  }
0x140: {  	[tilespmem:$0x1F5C0] =	vst v63;
	v63 =	vld [tilespmem:s31+$0x4630]  }
0x141: {  	v0 =	vadd.f32 v0, v10;
	v10 =	vld [tilespmem:$0x1F360]  }
0x142: {  	v2 =	vmul.f32 v57, v6;
	v57 =	vadd.f32 v9, v1;
	v9 =	vmul.f32 v12, v6;
	v12 =	vld [tilespmem:$0x1F370]  }
0x143: {  	v6 =	vmul.f32 v61, v6;
	v61 =	vld [tilespmem:s31+$0x7C0]  }
0x144: {  	v1 =	vmul.f32 v11, v8;
	v11 =	vld [tilespmem:s31+$0x87B0]  }
0x145: {  	[tilespmem:$0x1F5D0] =	vst v63;
	v63 =	vld [tilespmem:s31+$0x8630]  }
0x146: {  	[tilespmem:$0x1F960] =	vst v13;
	v13 =	vld [tilespmem:$0x1F380]  }
0x147: {  	v10 =	vmul.f32 v10, v7;
	v1 =	vadd.f32 v1, v2;
	v2 =	vmul.f32 v12, v7;
	v12 =	vld [tilespmem:s31+$0x47C0]  }
0x148: {  	[tilespmem:$0x1F990] =	vst v61;
	v61 =	vld [tilespmem:s31+$0x87C0]  }
0x149: {  	v0 =	vadd.f32 v10, v0;
	v10 =	vld [tilespmem:$0x1F390]  }
0x14a: {  	[tilespmem:$0x1F5F0] =	vst v63;
	v63 =	vld [tilespmem:s31+$0x640]  }
0x14b: {  	[tilespmem:$0x1F980] =	vst v11;
	v11 =	vmul.f32 v13, v8;
	v13 =	vld [tilespmem:$0x1F3A0]  }
0x14c: {  	[tilespmem:$0x1F9A0] =	vst v12;
	v12 =	vld [tilespmem:s31+$0x7D0]  }
0x14d: {  	[tilespmem:$0x1F9D0] =	vst v61;
	v61 =	vld [tilespmem:s31+$0x47D0]  }
0x14e: {  	[tilespmem:$0x1FA20] =	vst v0;
	v0 =	vmul.f32 v10, v8;
	v10 =	vld [tilespmem:$0x1F3B0]  }
0x14f: {  	v1 =	vadd.f32 v2, v1;
	[tilespmem:$0x1F600] =	vst v63;
	v63 =	vld [tilespmem:s31+$0x4640]  }
0x150: {  	v9 =	vadd.f32 v11, v9;
	v11 =	vld [tilespmem:$0x1F3C0]  }
0x151: {  	[tilespmem:$0x1FA40] =	vst v1;
	v1 =	vmul.f32 v13, v7;
	v13 =	vld [tilespmem:$0x1F3D0]  }
0x152: {  	[tilespmem:$0x1F9C0] =	vst v61;
	v61 =	vld [tilespmem:s31+$0x87D0]  }
0x153: {  	v2 =	vbroadcast v16, $0x5;
	v1 =	vadd.f32 v1, v9;
	v9 =	vld [tilespmem:$0x1F3E0]  }
0x154: {  	v8 =	vbroadcast v15, $0x5;
	v0 =	vadd.f32 v0, v6;
	v7 =	vmul.f32 v10, v7;
	[tilespmem:$0x1F610] =	vst v63;
	v63 =	vld [tilespmem:s31+$0x8640]  }
0x155: {  	[tilespmem:$0x1F9B0] =	vst v12;
	v12 =	vld [tilespmem:$0x1F3F0]  }
0x156: {  	v50 =	vld [tilespmem:s31+$0x8710];
	v0 =	vadd.f32 v7, v0;
	v10 =	vmul.f32 v11, v8;
	v6 =	vmul.f32 v13, v2  }
0x157: {  	[tilespmem:$0x1FA60] =	vst v1;
	v7 =	vld [tilespmem:$0x1F400]  }
0x158: {  	[tilespmem:$0x1FA90] =	vst v0;
	v0 =	vadd.f32 v6, v10;
	v10 =	vld [tilespmem:s31+$0x7E0]  }
0x159: {  	[tilespmem:$0x1F640] =	vst v63;
	v63 =	vld [tilespmem:s31+$0x650]  }
0x15a: {  	[tilespmem:$0x1F9E0] =	vst v61;
	v61 =	vld [tilespmem:s31+$0x47E0];
	v1 =	vmul.f32 v9, v8;
	v13 =	vmul.f32 v12, v2  }
0x15b: {  	v12 =	vld [tilespmem:$0x1F410]  }
0x15c: {  	v11 =	vbroadcast v17, $0x5;
	v1 =	vadd.f32 v13, v1;
	v13 =	vld [tilespmem:$0x1F420]  }
0x15d: {  	[tilespmem:$0x1F9F0] =	vst v10;
	v10 =	vld [tilespmem:$0x1F430]  }
0x15e: {  	v6 =	vmul.f32 v7, v11;
	[tilespmem:$0x1F620] =	vst v63;
	v63 =	vld [tilespmem:s31+$0x4650]  }
0x15f: {  	[tilespmem:$0x1FA10] =	vst v61;
	v61 =	vld [tilespmem:$0x1F450]  }
0x160: {  	v0 =	vadd.f32 v6, v0;
	v7 =	vmul.f32 v12, v11;
	v12 =	vld [tilespmem:$0x1F440]  }
0x161: {  	v9 =	vmul.f32 v13, v8;
	v13 =	vld [tilespmem:s31+$0x87E0]  }
0x162: {  	[tilespmem:$0x1FAB0] =	vst v0;
	v1 =	vadd.f32 v7, v1;
	v0 =	vmul.f32 v10, v2;
	v10 =	vld [tilespmem:s31+$0x7F0]  }
0x163: {  	[tilespmem:$0x1F630] =	vst v63;
	v63 =	vld [tilespmem:s31+$0x8650]  }
0x164: {  	[tilespmem:$0x1FAE0] =	vst v1;
	v1 =	vmul.f32 v61, v8;
	v61 =	vld [tilespmem:s31+$0x47F0]  }
0x165: {  	v6 =	vmul.f32 v12, v11;
	v12 =	vld [tilespmem:$0x1F470]  }
0x166: {  	[tilespmem:$0x1FA50] =	vst v13;
	v13 =	vld [tilespmem:$0x1F480]  }
0x167: {  	v7 =	vld [tilespmem:$0x1F460]  }
0x168: {  	[tilespmem:$0x1F650] =	vst v63;
	v63 =	vld [tilespmem:s31+$0x660]  }
0x169: {  	[tilespmem:$0x1FA30] =	vst v61;
	v61 =	vld [tilespmem:s31+$0x87F0]  }
0x16a: {  	v0 =	vadd.f32 v0, v9;
	v9 =	vmul.f32 v12, v11;
	v12 =	vld [tilespmem:$0x1F490]  }
0x16b: {  	[tilespmem:$0x1FA00] =	vst v10;
	v10 =	vmul.f32 v13, v8;
	v13 =	vld [tilespmem:$0x1F4A0]  }
0x16c: {  	v53 =	vld [tilespmem:s31+$0x720]  }
0x16d: {  	v7 =	vmul.f32 v7, v2;
	[tilespmem:$0x1F660] =	vst v63;
	v63 =	vld [tilespmem:s31+$0x4660]  }
0x16e: {  	v0 =	vadd.f32 v6, v0;
	v6 =	vld [tilespmem:$0x1F4B0]  }
0x16f: {  	v1 =	vadd.f32 v7, v1;
	[tilespmem:$0x1FA70] =	vst v61;
	v61 =	vld [tilespmem:s31+$0x800]  }
0x170: {  	v7 =	vmul.f32 v12, v8;
	v12 =	vmul.f32 v13, v8;
	v13 =	vld [tilespmem:$0x1F4C0]  }
0x171: {  	v1 =	vadd.f32 v9, v1;
	v9 =	vld [tilespmem:$0x1F4E0]  }
0x172: {  	[tilespmem:$0x1F680] =	vst v63;
	v63 =	vld [tilespmem:s31+$0x8660]  }
0x173: {  	[tilespmem:$0x1FB10] =	vst v0;
	v0 =	vmul.f32 v6, v8;
	v8 =	vld [tilespmem:$0x1F4D0]  }
0x174: {  	[tilespmem:$0x1FA80] =	vst v61;
	v61 =	vld [tilespmem:$0x1F4F0]  }
0x175: {  	v52 =	vld [tilespmem:s31+$0x710]  }
0x176: {  	v6 =	vmul.f32 v13, v2;
	v13 =	vld [tilespmem:s31+$0x4800]  }
0x177: {  	[tilespmem:$0x1F6A0] =	vst v63;
	v63 =	vld [tilespmem:s31+$0x670]  }
0x178: {  	[tilespmem:$0x1FB40] =	vst v1;
	v1 =	vmul.f32 v8, v2;
	v8 =	vmul.f32 v9, v2;
	v9 =	vld [tilespmem:$0x1F500]  }
0x179: {  	v2 =	vmul.f32 v61, v2;
	v61 =	vld [tilespmem:s31+$0x810]  }
0x17a: {  	v58 =	vld [tilespmem:s31+$0x4710]  }
0x17b: {  	[tilespmem:$0x1FAA0] =	vst v13;
	v13 =	vld [tilespmem:$0x1F510]  }
0x17c: {  	[tilespmem:$0x1F670] =	vst v63;
	v63 =	vld [tilespmem:s31+$0x4670]  }
0x17d: {  	v6 =	vadd.f32 v6, v10;
	v10 =	vld [tilespmem:s31+$0x8800];
	v9 =	vmul.f32 v9, v11  }
0x17e: {  	[tilespmem:$0x1FAC0] =	vst v61;
	v61 =	vld [tilespmem:$0x1F530]  }
0x17f: {  	v6 =	vadd.f32 v9, v6;
	v9 =	vld [tilespmem:$0x1F520]  }
0x180: {  	v1 =	vadd.f32 v1, v7;
	v7 =	vmul.f32 v13, v11;
	v13 =	vld [tilespmem:s31+$0x4810]  }
0x181: {  	[tilespmem:$0x1F690] =	vst v63;
	v63 =	vld [tilespmem:s31+$0x8670]  }
0x182: {  	v1 =	vadd.f32 v7, v1;
	v7 =	vld [tilespmem:$0x1F540]  }
0x183: {  	v8 =	vadd.f32 v8, v12;
	[tilespmem:$0x1FB70] =	vst v6;
	v12 =	vld [tilespmem:$0x1F550]  }
0x184: {  	[tilespmem:$0x1FB90] =	vst v1;
	v1 =	vmul.f32 v61, v11;
	v6 =	vmul.f32 v9, v11;
	v11 =	vld [tilespmem:s31+$0x8810]  }
0x185: {  	v61 =	vld [tilespmem:$0x1F560]  }
0x186: {  	[tilespmem:$0x1F6B0] =	vst v63;
	v63 =	vld [tilespmem:s31+$0x680]  }
0x187: {  	[tilespmem:$0x1FAD0] =	vst v13;
	v13 =	vld [tilespmem:s31+$0x820]  }
0x188: {  	v55 =	vld [tilespmem:s31+$0x4720];
	[tilespmem:$0x1FAF0] =	vst v10;
	v10 =	vbroadcast v15, $0x6  }
0x189: {  	v60 =	vld [tilespmem:s31+$0x8720];
	v9 =	vbroadcast v16, $0x6  }
0x18a: {  	v0 =	vadd.f32 v2, v0;
	[tilespmem:$0x1FB00] =	vst v11;
	v2 =	vmul.f32 v61, v10;
	v61 =	vld [tilespmem:s31+$0x4820]  }
0x18b: {  	v7 =	vmul.f32 v7, v10;
	v11 =	vmul.f32 v12, v9;
	[tilespmem:$0x1F6C0] =	vst v63;
	v63 =	vld [tilespmem:s31+$0x4680]  }
0x18c: {  	v8 =	vadd.f32 v6, v8;
	[tilespmem:$0x1FB20] =	vst v13;
	v13 =	vld [tilespmem:$0x1F570]  }
0x18d: {  	v6 =	vadd.f32 v11, v7;
	v11 =	vld [tilespmem:$0x1F580]  }
0x18e: {  	v62 =	vld [tilespmem:s31+$0x730];
	[tilespmem:$0x1FBC0] =	vst v8  }
0x18f: {  	v51 =	vld [tilespmem:s31+$0x8740];
	[tilespmem:$0x1FB30] =	vst v61  }
0x190: {  	v12 =	vbroadcast v17, $0x6;
	[tilespmem:$0x1F6D0] =	vst v63;
	v63 =	vld [tilespmem:s31+$0x8680]  }
0x191: {  	v0 =	vadd.f32 v1, v0;
	v13 =	vmul.f32 v13, v9;
	v8 =	vld [tilespmem:s31+$0x8820]  }
0x192: {  	v61 =	vmul.f32 v11, v12;
	v11 =	vld [tilespmem:$0x1F590]  }
0x193: {  	[tilespmem:$0x1FBF0] =	vst v0;
	v0 =	vadd.f32 v13, v2;
	v13 =	vld [tilespmem:s31+$0x830]  }
0x194: {  	v61 =	vadd.f32 v61, v6;
	v6 =	vld [tilespmem:$0x1F5A0]  }
0x195: {  	v7 =	vld [tilespmem:$0x1F5B0]  }
0x196: {  	[tilespmem:$0x1FC20] =	vst v61;
	v61 =	vld [tilespmem:s31+$0x8830]  }
0x197: {  	[tilespmem:s31+$0xC350] =	vst v4;
	v4 =	vld [tilespmem:s31+$0x8A0]  }
0x198: {  	[tilespmem:s31+$0xC370] =	vst v5;
	v5 =	vld [tilespmem:s31+$0x88A0]  }
0x199: {  	[tilespmem:s31+$0xC3C0] =	vst v24;
	v24 =	vld [tilespmem:s31+$0x88C0]  }
0x19a: {  	[tilespmem:s31+$0xC3E0] =	vst v26;
	v26 =	vld [tilespmem:s31+$0x48D0]  }
0x19b: {  	[tilespmem:$0x1FB80] =	vst v8;
	v8 =	vld [tilespmem:s31+$0x4830]  }
0x19c: {  	v1 =	vmul.f32 v11, v12;
	v11 =	vld [tilespmem:$0x1F5C0]  }
0x19d: {  	[tilespmem:$0x1FB50] =	vst v13;
	v13 =	vld [tilespmem:$0x1F5D0]  }
0x19e: {  	[tilespmem:s31+$0xC400] =	vst v28;
	v28 =	vld [tilespmem:$0x1F810]  }
0x19f: {  	[tilespmem:s31+$0xC3F0] =	vst v25;
	v25 =	vld [tilespmem:s31+$0x88D0];
	v0 =	vadd.f32 v1, v0  }
0x1a0: {  	v2 =	vmul.f32 v6, v10;
	[tilespmem:$0x1FB60] =	vst v8;
	v8 =	vld [tilespmem:s31+$0x840]  }
0x1a1: {  	v6 =	vmul.f32 v7, v9;
	[tilespmem:$0x1FC40] =	vst v0;
	v0 =	vmul.f32 v11, v10;
	v11 =	vld [tilespmem:$0x1F600]  }
0x1a2: {  	v1 =	vmul.f32 v13, v9;
	v13 =	vld [tilespmem:$0x1F610]  }
0x1a3: {  	v2 =	vadd.f32 v6, v2;
	v6 =	vld [tilespmem:$0x1F5E0]  }
0x1a4: {  	[tilespmem:s31+$0xC410] =	vst v27;
	v27 =	vld [tilespmem:$0x1F8A0]  }
0x1a5: {  	[tilespmem:s31+$0xC460] =	vst v37;
	v37 =	vld [tilespmem:s31+$0x88F0]  }
0x1a6: {  	v0 =	vadd.f32 v1, v0;
	v1 =	vmul.f32 v11, v10;
	v11 =	vld [tilespmem:$0x1F620]  }
0x1a7: {  	[tilespmem:$0x1FBB0] =	vst v8;
	v8 =	vmul.f32 v13, v9;
	v13 =	vld [tilespmem:$0x1F630]  }
0x1a8: {  	[tilespmem:$0x1FBA0] =	vst v61;
	v61 =	vld [tilespmem:s31+$0x4840];
	v6 =	vmul.f32 v6, v12  }
0x1a9: {  	[tilespmem:s31+$0xC450] =	vst v31;
	v31 =	vld [tilespmem:$0x1F8B0]  }
0x1aa: {  	v7 =	vld [tilespmem:$0x1F5F0];
	[tilespmem:$0x1FE00] =	vst v37;
	v2 =	vadd.f32 v6, v2  }
0x1ab: {  	[tilespmem:s31+$0xC480] =	vst v35;
	v35 =	vld [tilespmem:$0x1F920]  }
0x1ac: {  	v37 =	vld [tilespmem:$0x1F930];
	[tilespmem:$0x1FC70] =	vst v2;
	v2 =	vmul.f32 v11, v10;
	v6 =	vmul.f32 v13, v9  }
0x1ad: {  	[tilespmem:$0x1FBD0] =	vst v61;
	v61 =	vld [tilespmem:s31+$0x8840]  }
0x1ae: {  	v2 =	vadd.f32 v6, v2;
	v6 =	vld [tilespmem:$0x1F650]  }
0x1af: {  	v7 =	vmul.f32 v7, v12;
	v13 =	vld [tilespmem:$0x1F640]  }
0x1b0: {  	[tilespmem:s31+$0xC4A0] =	vst v41;
	v41 =	vld [tilespmem:s31+$0x8910]  }
0x1b1: {  	v0 =	vadd.f32 v7, v0;
	v7 =	vld [tilespmem:$0x1F660]  }
0x1b2: {  	[tilespmem:$0x1FC30] =	vst v61;
	v61 =	vld [tilespmem:s31+$0x850]  }
0x1b3: {  	[tilespmem:s31+$0xC4C0] =	vst v43;
	v43 =	vld [tilespmem:$0x1F950];
	v6 =	vmul.f32 v6, v12  }
0x1b4: {  	v11 =	vadd.f32 v8, v1;
	v1 =	vmul.f32 v13, v12;
	v13 =	vld [tilespmem:$0x1F680]  }
0x1b5: {  	v2 =	vadd.f32 v6, v2;
	v6 =	vld [tilespmem:$0x1F690]  }
0x1b6: {  	[tilespmem:$0x1FC90] =	vst v0;
	v0 =	vadd.f32 v1, v11;
	v11 =	vld [tilespmem:$0x1F670]  }
0x1b7: {  	[tilespmem:$0x1FE90] =	vst v41;
	v41 =	vld [tilespmem:$0x1FA10]  }
0x1b8: {  	v8 =	vld [tilespmem:s31+$0x4850]  }
0x1b9: {  	[tilespmem:$0x1FBE0] =	vst v61;
	v61 =	vld [tilespmem:s31+$0x8850]  }
0x1ba: {  	v1 =	vmul.f32 v13, v9;
	[tilespmem:$0x1FCE0] =	vst v2;
	v2 =	vmul.f32 v6, v9;
	v9 =	vld [tilespmem:$0x1F6A0]  }
0x1bb: {  	[tilespmem:$0x1FCB0] =	vst v0;
	v0 =	vmul.f32 v11, v10;
	v11 =	vld [tilespmem:$0x1F6B0]  }
0x1bc: {  	[tilespmem:s31+$0xC4E0] =	vst v47;
	v47 =	vld [tilespmem:$0x1F970]  }
0x1bd: {  	v7 =	vmul.f32 v7, v10;
	[tilespmem:s31+$0xC4D0] =	vst v42;
	v42 =	vld [tilespmem:s31+$0x940]  }
0x1be: {  	[tilespmem:$0x1FC00] =	vst v8;
	v8 =	vld [tilespmem:s31+$0x860]  }
0x1bf: {  	v1 =	vadd.f32 v1, v7;
	v10 =	vld [tilespmem:s31+$0x4860];
	v7 =	vmul.f32 v9, v12  }
0x1c0: {  	v0 =	vadd.f32 v2, v0;
	v2 =	vmul.f32 v11, v12;
	v12 =	vld [tilespmem:$0x1F6C0]  }
0x1c1: {  	v1 =	vadd.f32 v7, v1;
	v7 =	vld [tilespmem:$0x1F6D0]  }
0x1c2: {  	[tilespmem:$0x1FC50] =	vst v61;
	v11 =	vld [tilespmem:$0x1F6F0]  }
0x1c3: {  	v61 =	vld [tilespmem:s31+$0x8860];
	[tilespmem:s31+$0xC4F0] =	vst v46;
	v6 =	vbroadcast v15, $0x7  }
0x1c4: {  	v46 =	vld [tilespmem:$0x1FA40];
	[tilespmem:$0x1FC10] =	vst v8;
	v8 =	vbroadcast v16, $0x7  }
0x1c5: {  	[tilespmem:$0x1FC60] =	vst v10;
	v13 =	vmul.f32 v12, v6;
	v12 =	vld [tilespmem:s31+$0x4870]  }
0x1c6: {  	v10 =	vld [tilespmem:$0x1F6E0];
	[tilespmem:$0x1FD00] =	vst v1;
	v1 =	vmul.f32 v7, v8  }
0x1c7: {  	v0 =	vadd.f32 v2, v0;
	v2 =	vmul.f32 v11, v8;
	v11 =	vld [tilespmem:$0x1F710];
	v7 =	vbroadcast v17, $0x7  }
0x1c8: {  	v1 =	vadd.f32 v1, v13;
	v13 =	vld [tilespmem:$0x1F700]  }
0x1c9: {  	[tilespmem:$0x1FF40] =	vst v42;
	v9 =	vmul.f32 v63, v7;
	v63 =	vld [tilespmem:s31+$0x8870]  }
0x1ca: {  	[tilespmem:$0x1FC80] =	vst v12;
	v12 =	vld [tilespmem:$0x1F720]  }
0x1cb: {  	v42 =	vld [tilespmem:$0x1FB70];
	[tilespmem:$0x1FD30] =	vst v0;
	v0 =	vmul.f32 v10, v6  }
0x1cc: {  	[tilespmem:$0x1FCA0] =	vst v61;
	v61 =	vld [tilespmem:s31+$0x870]  }
0x1cd: {  	v0 =	vadd.f32 v2, v0;
	v10 =	vmul.f32 v13, v7;
	v13 =	vld [tilespmem:s31+$0x880]  }
0x1ce: {  	v2 =	vmul.f32 v11, v6;
	[tilespmem:$0x1FCC0] =	vst v63;
	v63 =	vld [tilespmem:$0x1F730]  }
0x1cf: {  	v1 =	vadd.f32 v9, v1;
	v9 =	vld [tilespmem:$0x1F740];
	v11 =	vmul.f32 v12, v8;
	v0 =	vadd.f32 v10, v0  }
0x1d0: {  	[tilespmem:s31+$0xC510] =	vst v54;
	v54 =	vld [tilespmem:$0x1FA80]  }
0x1d1: {  	[tilespmem:$0x1FD70] =	vst v0;
	v0 =	vadd.f32 v11, v2;
	v11 =	vld [tilespmem:$0x1F760]  }
0x1d2: {  	[tilespmem:$0x1FCD0] =	vst v13;
	v13 =	vld [tilespmem:s31+$0x4880]  }
0x1d3: {  	[tilespmem:$0x1FD50] =	vst v1;
	v1 =	vmul.f32 v63, v6;
	v63 =	vld [tilespmem:$0x1F750]  }
0x1d4: {  	[tilespmem:s31+$0xC520] =	vst v59;
	v59 =	vld [tilespmem:$0x1FAA0];
	v12 =	vmul.f32 v9, v8  }
0x1d5: {  	[tilespmem:s31+$0xC340] =	vst v14;
	v10 =	vld [tilespmem:s31+$0x8880]  }
0x1d6: {  	[tilespmem:s31+$0xC360] =	vst v18;
	v1 =	vadd.f32 v12, v1;
	v12 =	vld [tilespmem:$0x1F770]  }
0x1d7: {  	[tilespmem:s31+$0xC380] =	vst v20;
	v9 =	vmul.f32 v11, v7;
	v11 =	vld [tilespmem:$0x1F790]  }
0x1d8: {  	[tilespmem:$0x1FCF0] =	vst v13;
	v2 =	vmul.f32 v63, v7;
	v13 =	vld [tilespmem:s31+$0x890]  }
0x1d9: {  	[tilespmem:s31+$0xC390] =	vst v19;
	v63 =	vld [tilespmem:$0x1F780]  }
0x1da: {  	[tilespmem:s31+$0xC3A0] =	vst v22;
	v14 =	vadd.f32 v9, v1;
	v9 =	vld [tilespmem:$0x1F7C0];
	v0 =	vadd.f32 v2, v0  }
0x1db: {  	[tilespmem:$0x1FD40] =	vst v10;
	v10 =	vmul.f32 v12, v6;
	v12 =	vld [tilespmem:$0x1F7A0]  }
0x1dc: {  	[tilespmem:$0x1FD80] =	vst v0;
	v0 =	vmul.f32 v11, v8;
	v11 =	vld [tilespmem:s31+$0x8890]  }
0x1dd: {  	[tilespmem:$0x1FD10] =	vst v13;
	v13 =	vld [tilespmem:s31+$0x4890]  }
0x1de: {  	[tilespmem:s31+$0xC330] =	vst v63;
	v63 =	vld [tilespmem:$0x1F7B0]  }
0x1df: {  	[tilespmem:s31+$0xC3B0] =	vst v21;
	v0 =	vadd.f32 v0, v10;
	v10 =	vld [tilespmem:$0x1F890]  }
0x1e0: {  	[tilespmem:s31+$0xC530] =	vst v57;
	v57 =	vld [tilespmem:s31+$0x8960]  }
0x1e1: {  	[tilespmem:s31+$0xC550] =	vst v46;
	v2 =	vmul.f32 v12, v6;
	v12 =	vld [tilespmem:$0x1F7D0]  }
0x1e2: {  	[tilespmem:$0x1FD60] =	vst v11;
	v11 =	vld [tilespmem:$0x1F7E0]  }
0x1e3: {  	v46 =	vld [tilespmem:s31+$0x970];
	[tilespmem:$0x1FD20] =	vst v13;
	v1 =	vmul.f32 v63, v8;
	v13 =	vmul.f32 v32, v7  }
0x1e4: {  	v63 =	vmul.f32 v38, v7;
	v38 =	vmul.f32 v40, v7;
	v40 =	vld [tilespmem:s31+$0x8B0]  }
0x1e5: {  	[tilespmem:s31+$0xC3D0] =	vst v23;
	v18 =	vadd.f32 v13, v0;
	v13 =	vld [tilespmem:$0x1F7F0]  }
0x1e6: {  	[tilespmem:s31+$0xC500] =	vst v56;
	v9 =	vmul.f32 v9, v6;
	v56 =	vld [tilespmem:s31+$0x8970];
	v1 =	vadd.f32 v1, v2;
	v2 =	vbroadcast v16, $0x8  }
0x1e7: {  	v32 =	vld [tilespmem:s31+$0x48A0];
	v6 =	vmul.f32 v12, v6;
	v12 =	vmul.f32 v11, v8  }
0x1e8: {  	v20 =	vadd.f32 v63, v1;
	v63 =	vmul.f32 v49, v2;
	v49 =	vld [tilespmem:s31+$0x48C0]  }
0x1e9: {  	v11 =	vbroadcast v17, $0x8;
	[tilespmem:$0x1FD90] =	vst v40;
	v40 =	vld [tilespmem:s31+$0x8C0];
	v9 =	vadd.f32 v12, v9  }
0x1ea: {  	v12 =	vld [tilespmem:s31+$0x88B0];
	v0 =	vmul.f32 v13, v8;
	v8 =	vbroadcast v15, $0x8  }
0x1eb: {  	v19 =	vadd.f32 v38, v9;
	v38 =	vmul.f32 v58, v2;
	v58 =	vmul.f32 v60, v11;
	v60 =	vld [tilespmem:s31+$0x8D0]  }
0x1ec: {  	v9 =	vld [tilespmem:s31+$0x88E0]  }
0x1ed: {  	v7 =	vmul.f32 v45, v7;
	v45 =	vmul.f32 v48, v8;
	v48 =	vld [tilespmem:s31+$0x48B0]  }
0x1ee: {  	[tilespmem:$0x1FDE0] =	vst v49;
	v49 =	vld [tilespmem:$0x1F840]  }
0x1ef: {  	v13 =	vmul.f32 v52, v8;
	v52 =	vmul.f32 v50, v11;
	v50 =	vld [tilespmem:$0x1F850]  }
0x1f0: {  	v0 =	vadd.f32 v0, v6;
	[tilespmem:s31+$0xC5C0] =	vst v42;
	v42 =	vld [tilespmem:$0x1FC50]  }
0x1f1: {  	v55 =	vmul.f32 v55, v2;
	v53 =	vmul.f32 v53, v8;
	[tilespmem:$0x1FDC0] =	vst v40;
	v40 =	vld [tilespmem:$0x1F820]  }
0x1f2: {  	[tilespmem:$0x1FDB0] =	vst v12;
	v21 =	vadd.f32 v7, v0;
	v12 =	vld [tilespmem:$0x1F800]  }
0x1f3: {  	v1 =	vadd.f32 v38, v13;
	v0 =	vadd.f32 v55, v53;
	v53 =	vld [tilespmem:s31+$0x8E0]  }
0x1f4: {  	v45 =	vadd.f32 v63, v45;
	v63 =	vmul.f32 v62, v8;
	v62 =	vld [tilespmem:s31+$0x48E0]  }
0x1f5: {  	v23 =	vadd.f32 v52, v1;
	v52 =	vld [tilespmem:$0x1F860]  }
0x1f6: {  	v38 =	vmul.f32 v28, v11;
	[tilespmem:$0x1FDD0] =	vst v60;
	v28 =	vadd.f32 v58, v0;
	v58 =	vld [tilespmem:$0x1F870]  }
0x1f7: {  	v60 =	vld [tilespmem:$0x1F880];
	[tilespmem:$0x1FDA0] =	vst v48;
	v48 =	vmul.f32 v44, v11  }
0x1f8: {  	v44 =	vmul.f32 v40, v8;
	v40 =	vld [tilespmem:s31+$0x8F0]  }
0x1f9: {  	v22 =	vadd.f32 v48, v45;
	v13 =	vmul.f32 v12, v2;
	v45 =	vld [tilespmem:$0x1F830]  }
0x1fa: {  	v12 =	vmul.f32 v49, v8;
	v49 =	vld [tilespmem:$0x1F8E0]  }
0x1fb: {  	v1 =	vadd.f32 v13, v63;
	v13 =	vmul.f32 v51, v11;
	v51 =	vld [tilespmem:s31+$0x48F0]  }
0x1fc: {  	v55 =	vmul.f32 v52, v2;
	v52 =	vld [tilespmem:s31+$0x4900]  }
0x1fd: {  	v1 =	vadd.f32 v38, v1;
	v38 =	vld [tilespmem:$0x1F8C0]  }
0x1fe: {  	v63 =	vmul.f32 v60, v2;
	v6 =	vadd.f32 v55, v44;
	v44 =	vld [tilespmem:$0x1F8D0]  }
0x1ff: {  	[tilespmem:$0x1FDF0] =	vst v9;
	v9 =	vbroadcast v16, $0x9;
	v55 =	vld [tilespmem:$0x1F8F0]  }
0x200: {  	v0 =	vmul.f32 v50, v8;
	v48 =	vmul.f32 v45, v8;
	v8 =	vadd.f32 v63, v12;
	v63 =	vld [tilespmem:s31+$0x8900]  }
0x201: {  	[tilespmem:s31+$0xC420] =	vst v30;
	v50 =	vmul.f32 v49, v9;
	v49 =	vld [tilespmem:$0x1F980]  }
0x202: {  	[tilespmem:$0x1FE20] =	vst v1;
	v1 =	vmul.f32 v58, v2;
	v58 =	vld [tilespmem:$0x1F900]  }
0x203: {  	[tilespmem:s31+$0xC440] =	vst v33;
	v33 =	vmul.f32 v31, v11;
	v30 =	vadd.f32 v13, v6;
	v13 =	vld [tilespmem:s31+$0x4910]  }
0x204: {  	v6 =	vld [tilespmem:$0x1F9B0]  }
0x205: {  	[tilespmem:s31+$0xC430] =	vst v29;
	v29 =	vmul.f32 v27, v11;
	v27 =	vadd.f32 v33, v8;
	v33 =	vld [tilespmem:s31+$0x910]  }
0x206: {  	[tilespmem:$0x1FE30] =	vst v52;
	v52 =	vld [tilespmem:s31+$0x4920]  }
0x207: {  	v1 =	vadd.f32 v1, v48;
	v48 =	vld [tilespmem:s31+$0x900]  }
0x208: {  	v2 =	vmul.f32 v10, v2;
	v10 =	vbroadcast v15, $0x9;
	[tilespmem:$0x1FE40] =	vst v30;
	v30 =	vld [tilespmem:$0x1F910]  }
0x209: {  	[tilespmem:s31+$0xC6B0] =	vst v14;
	v14 =	vld [tilespmem:$0x1FDD0]  }
0x20a: {  	v45 =	vmul.f32 v44, v10;
	v44 =	vld [tilespmem:$0x1F960]  }
0x20b: {  	v0 =	vadd.f32 v2, v0;
	v2 =	vmul.f32 v55, v10;
	v55 =	vld [tilespmem:$0x1F990]  }
0x20c: {  	[tilespmem:$0x1FE70] =	vst v63;
	v63 =	vld [tilespmem:s31+$0x8920]  }
0x20d: {  	v12 =	vbroadcast v17, $0x9;
	v1 =	vadd.f32 v29, v1;
	v29 =	vadd.f32 v50, v45;
	v45 =	vld [tilespmem:s31+$0x920]  }
0x20e: {  	v60 =	vmul.f32 v58, v9;
	v58 =	vld [tilespmem:$0x1F9A0]  }
0x20f: {  	v50 =	vmul.f32 v49, v12;
	v49 =	vld [tilespmem:s31+$0x8940]  }
0x210: {  	[tilespmem:s31+$0xC6F0] =	vst v21;
	v21 =	vld [tilespmem:$0x1FDF0]  }
0x211: {  	[tilespmem:$0x1FE60] =	vst v1;
	v1 =	vmul.f32 v38, v11;
	v38 =	vld [tilespmem:$0x1F940]  }
0x212: {  	v11 =	vld [tilespmem:$0x1F9C0]  }
0x213: {  	[tilespmem:$0x1FE50] =	vst v33;
	v33 =	vld [tilespmem:s31+$0x4930]  }
0x214: {  	[tilespmem:$0x1FEC0] =	vst v52;
	v52 =	vld [tilespmem:$0x1FA70]  }
0x215: {  	[tilespmem:$0x1FE10] =	vst v48;
	v31 =	vmul.f32 v30, v12;
	v48 =	vmul.f32 v47, v12;
	v47 =	vld [tilespmem:$0x1FA50]  }
0x216: {  	[tilespmem:s31+$0xC710] =	vst v23;
	v23 =	vld [tilespmem:$0x1FE60]  }
0x217: {  	[tilespmem:s31+$0xC470] =	vst v36;
	v36 =	vadd.f32 v31, v29;
	v29 =	vld [tilespmem:s31+$0x930]  }
0x218: {  	[tilespmem:s31+$0xC490] =	vst v34;
	v34 =	vadd.f32 v60, v2;
	v0 =	vadd.f32 v1, v0;
	v1 =	vmul.f32 v35, v12;
	v31 =	vld [tilespmem:$0x1F9D0]  }
0x219: {  	[tilespmem:$0x1FF10] =	vst v63;
	v63 =	vld [tilespmem:$0x1FAB0]  }
0x21a: {  	[tilespmem:$0x1FEA0] =	vst v0;
	v0 =	vadd.f32 v1, v34;
	v34 =	vld [tilespmem:$0x1F9E0]  }
0x21b: {  	v1 =	vmul.f32 v44, v9;
	v44 =	vld [tilespmem:$0x1FA30]  }
0x21c: {  	[tilespmem:$0x1FEB0] =	vst v45;
	v45 =	vld [tilespmem:s31+$0x4940]  }
0x21d: {  	v60 =	vmul.f32 v58, v9;
	v58 =	vld [tilespmem:$0x1FA90]  }
0x21e: {  	[tilespmem:$0x1FF80] =	vst v49;
	v49 =	vld [tilespmem:$0x1FB90]  }
0x21f: {  	[tilespmem:$0x1FED0] =	vst v36;
	v36 =	vld [tilespmem:$0x1F9F0]  }
0x220: {  	[tilespmem:s31+$0xC4B0] =	vst v39;
	v39 =	vmul.f32 v38, v9;
	v38 =	vld [tilespmem:s31+$0x8930]  }
0x221: {  	[tilespmem:$0x1FE80] =	vst v27;
	v27 =	vmul.f32 v11, v9;
	v11 =	vld [tilespmem:$0x1FAD0]  }
0x222: {  	v2 =	vmul.f32 v37, v10;
	[tilespmem:$0x1FEF0] =	vst v33;
	v33 =	vld [tilespmem:$0x1FB10]  }
0x223: {  	[tilespmem:$0x1FF00] =	vst v0;
	v0 =	vmul.f32 v43, v10;
	v43 =	vld [tilespmem:$0x1FA20]  }
0x224: {  	v2 =	vadd.f32 v39, v2;
	v39 =	vld [tilespmem:$0x1FA00]  }
0x225: {  	[tilespmem:s31+$0xC580] =	vst v63;
	v63 =	vld [tilespmem:s31+$0x8950]  }
0x226: {  	[tilespmem:s31+$0xC570] =	vst v58;
	v58 =	vld [tilespmem:s31+$0x4950]  }
0x227: {  	v35 =	vmul.f32 v34, v12;
	v34 =	vld [tilespmem:$0x1FB20]  }
0x228: {  	v2 =	vadd.f32 v48, v2;
	v48 =	vmul.f32 v47, v12;
	v47 =	vld [tilespmem:s31+$0x4970]  }
0x229: {  	v0 =	vadd.f32 v1, v0;
	[tilespmem:s31+$0xC5D0] =	vst v49;
	v49 =	vld [tilespmem:s31+$0x4980]  }
0x22a: {  	v1 =	vmul.f32 v55, v10;
	[tilespmem:$0x1FF50] =	vst v45;
	v45 =	vld [tilespmem:$0x1FC70]  }
0x22b: {  	v0 =	vadd.f32 v50, v0;
	v50 =	vld [tilespmem:$0x1FA60]  }
0x22c: {  	v30 =	vadd.f32 v60, v1;
	[tilespmem:$0x1FF20] =	vst v38;
	v60 =	vld [tilespmem:s31+$0x950]  }
0x22d: {  	v1 =	vmul.f32 v31, v12;
	[tilespmem:s31+$0xC5A0] =	vst v33;
	v38 =	vld [tilespmem:$0x1FB50]  }
0x22e: {  	v33 =	vld [tilespmem:$0x1FC00];
	[tilespmem:$0x1FF30] =	vst v2;
	v2 =	vmul.f32 v6, v10  }
0x22f: {  	[tilespmem:$0x1FF60] =	vst v0;
	v0 =	vadd.f32 v1, v30;
	v30 =	vld [tilespmem:$0x1FB00]  }
0x230: {  	v37 =	vmul.f32 v36, v10;
	v1 =	vmul.f32 v41, v9;
	v2 =	vadd.f32 v27, v2;
	v27 =	vld [tilespmem:$0x1FAF0]  }
0x231: {  	[tilespmem:$0x1FF70] =	vst v0;
	v0 =	vmul.f32 v39, v10;
	v10 =	vld [tilespmem:$0x1FAC0]  }
0x232: {  	v1 =	vadd.f32 v1, v37;
	v37 =	vld [tilespmem:$0x1FB40]  }
0x233: {  	v39 =	vld [tilespmem:$0x1FB60]  }
0x234: {  	[tilespmem:s31+$0xC620] =	vst v45;
	v45 =	vld [tilespmem:$0x1FD00]  }
0x235: {  	v2 =	vadd.f32 v35, v2;
	v35 =	vld [tilespmem:$0x1FB30]  }
0x236: {  	v7 =	vbroadcast v17, $0xA;
	[tilespmem:s31+$0xC560] =	vst v50;
	v50 =	vld [tilespmem:$0x1FBA0]  }
0x237: {  	v8 =	vbroadcast v16, $0xA;
	v1 =	vadd.f32 v48, v1;
	v48 =	vld [tilespmem:$0x1FB80];
	[tilespmem:$0x1FF90] =	vst v2;
	v2 =	vmul.f32 v44, v9  }
0x238: {  	v6 =	vbroadcast v15, $0xA;
	v31 =	vmul.f32 v30, v7;
	v30 =	vld [tilespmem:$0x1FBE0]  }
0x239: {  	[tilespmem:$0x1FFA0] =	vst v1;
	v1 =	vmul.f32 v59, v8;
	v59 =	vld [tilespmem:s31+$0x960];
	v0 =	vadd.f32 v2, v0;
	v2 =	vmul.f32 v52, v12  }
0x23a: {  	[tilespmem:$0x1FEE0] =	vst v29;
	v29 =	vmul.f32 v27, v7;
	v27 =	vld [tilespmem:$0x1FBC0]  }
0x23b: {  	v55 =	vmul.f32 v54, v6;
	v12 =	vld [tilespmem:$0x1FAE0];
	v0 =	vadd.f32 v2, v0  }
0x23c: {  	[tilespmem:s31+$0xC5B0] =	vst v37;
	v37 =	vmul.f32 v61, v6;
	v61 =	vld [tilespmem:s31+$0x8980]  }
0x23d: {  	v1 =	vadd.f32 v1, v55;
	v55 =	vld [tilespmem:s31+$0x4960];
	v2 =	vmul.f32 v11, v8;
	[tilespmem:$0x1FFB0] =	vst v0;
	v0 =	vmul.f32 v10, v6  }
0x23e: {  	v52 =	vmul.f32 v50, v7;
	v50 =	vld [tilespmem:$0x1FC90]  }
0x23f: {  	v36 =	vmul.f32 v35, v8;
	v11 =	vld [tilespmem:$0x1FBB0];
	v0 =	vadd.f32 v2, v0;
	v2 =	vmul.f32 v34, v6  }
0x240: {  	v1 =	vadd.f32 v29, v1;
	v29 =	vld [tilespmem:$0x1FBD0]  }
0x241: {  	[tilespmem:s31+$0xC540] =	vst v43;
	v10 =	vld [tilespmem:$0x1FCB0];
	v0 =	vadd.f32 v31, v0;
	v43 =	vadd.f32 v36, v2;
	v2 =	vmul.f32 v48, v7  }
0x242: {  	v41 =	vmul.f32 v39, v8;
	[tilespmem:$0x1FFC0] =	vst v1;
	v1 =	vmul.f32 v38, v6;
	v38 =	vld [tilespmem:$0x1FC30]  }
0x243: {  	v48 =	vld [tilespmem:$0x1FC80];
	[tilespmem:$0x1FFD0] =	vst v0;
	v0 =	vadd.f32 v2, v43  }
0x244: {  	[tilespmem:s31+$0xC590] =	vst v12;
	v1 =	vadd.f32 v41, v1;
	v43 =	vld [tilespmem:$0x1FC60]  }
0x245: {  	v34 =	vld [tilespmem:$0x1FC10];
	v12 =	vmul.f32 v11, v6;
	[tilespmem:$0x1FFE0] =	vst v0;
	v0 =	vmul.f32 v29, v8  }
0x246: {  	v41 =	vld [tilespmem:$0x1FC40];
	v1 =	vadd.f32 v52, v1  }
0x247: {  	v11 =	vld [tilespmem:$0x1FD70];
	v39 =	vmul.f32 v38, v7;
	v0 =	vadd.f32 v0, v12  }
0x248: {  	v31 =	vld [tilespmem:$0x1FBF0];
	[tilespmem:$0x1FFF0] =	vst v1;
	v1 =	vmul.f32 v33, v8  }
0x249: {  	v44 =	vmul.f32 v43, v8;
	v54 =	vadd.f32 v39, v0;
	v0 =	vmul.f32 v48, v8;
	v8 =	vld [tilespmem:$0x1FCA0]  }
0x24a: {  	v36 =	vld [tilespmem:$0x1FC20];
	v2 =	vmul.f32 v30, v6  }
0x24b: {  	v52 =	vld [tilespmem:s31+$0x980]  }
0x24c: {  	v30 =	vld [tilespmem:$0x1FCD0];
	v35 =	vmul.f32 v34, v6;
	v1 =	vadd.f32 v1, v2;
	v2 =	vmul.f32 v42, v7  }
0x24d: {  	[tilespmem:s31+$0xC5E0] =	vst v27;
	v38 =	vld [tilespmem:s31+$0x49A0]  }
0x24e: {  	[tilespmem:s31+$0xC630] =	vst v50;
	v34 =	vld [tilespmem:$0x1FCF0];
	v50 =	vadd.f32 v2, v1;
	v27 =	vadd.f32 v44, v35;
	v1 =	vmul.f32 v8, v7  }
0x24f: {  	v29 =	vld [tilespmem:$0x1FCC0]  }
0x250: {  	v44 =	vadd.f32 v1, v27;
	v27 =	vld [tilespmem:$0x1FD20]  }
0x251: {  	[tilespmem:s31+$0xC610] =	vst v41;
	v41 =	vld [tilespmem:s31+$0x4990]  }
0x252: {  	[tilespmem:s31+$0xC690] =	vst v11;
	v11 =	vld [tilespmem:$0x1FDB0]  }
0x253: {  	v12 =	vld [tilespmem:$0x1FD10];
	v2 =	vbroadcast v16, $0xB  }
0x254: {  	v6 =	vbroadcast v15, $0xB;
	v42 =	vld [tilespmem:s31+$0x8990]  }
0x255: {  	v7 =	vmul.f32 v29, v7;
	v29 =	vmul.f32 v27, v2;
	v27 =	vld [tilespmem:$0x1FD60]  }
0x256: {  	v9 =	vmul.f32 v30, v6;
	v30 =	vld [tilespmem:$0x1FD30]  }
0x257: {  	[tilespmem:s31+$0xC600] =	vst v36;
	v36 =	vld [tilespmem:$0x1FD40]  }
0x258: {  	[tilespmem:s31+$0xC5F0] =	vst v31;
	v31 =	vld [tilespmem:$0x1FCE0];
	v33 =	vadd.f32 v0, v37;
	v0 =	vbroadcast v17, $0xB;
	v1 =	vmul.f32 v12, v6  }
0x259: {  	v43 =	vld [tilespmem:s31+$0x89A0]  }
0x25a: {  	v12 =	vld [tilespmem:$0x1FD50];
	v1 =	vadd.f32 v29, v1;
	v29 =	vmul.f32 v27, v0  }
0x25b: {  	[tilespmem:s31+$0xC670] =	vst v30;
	v30 =	vld [tilespmem:$0x1FDA0]  }
0x25c: {  	[tilespmem:s31+$0xC660] =	vst v45;
	v35 =	vmul.f32 v34, v2;
	v37 =	vmul.f32 v36, v0;
	v36 =	vadd.f32 v29, v1;
	v29 =	vld [tilespmem:$0x1FD90]  }
0x25d: {  	[tilespmem:s31+$0xC640] =	vst v10;
	v48 =	vld [tilespmem:s31+$0x990]  }
0x25e: {  	v39 =	vld [tilespmem:s31+$0x9A0];
	[tilespmem:s31+$0xC650] =	vst v31;
	v31 =	vadd.f32 v35, v9  }
0x25f: {  	v10 =	vmul.f32 v4, v6;
	v34 =	vld [tilespmem:s31+$0x9B0];
	[tilespmem:s31+$0xC680] =	vst v12;
	v12 =	vmul.f32 v32, v2  }
0x260: {  	[tilespmem:s31+$0xC840] =	vst v54;
	v54 =	vld [tilespmem:s31+$0x4A40];
	v37 =	vadd.f32 v37, v31;
	v45 =	vadd.f32 v7, v33  }
0x261: {  	v31 =	vmul.f32 v30, v2;
	v7 =	vadd.f32 v12, v10;
	v12 =	vld [tilespmem:$0x1FDC0];
	v1 =	vmul.f32 v29, v6  }
0x262: {  	[tilespmem:s31+$0xC6C0] =	vst v18;
	v18 =	vmul.f32 v53, v6;
	v40 =	vmul.f32 v40, v6;
	v35 =	vld [tilespmem:s31+$0x89B0]  }
0x263: {  	[tilespmem:s31+$0xC6E0] =	vst v19;
	v4 =	vmul.f32 v5, v0;
	v19 =	vmul.f32 v24, v0;
	v1 =	vadd.f32 v31, v1;
	v31 =	vld [tilespmem:$0x1FDE0]  }
0x264: {  	v24 =	vld [tilespmem:$0x1FE00];
	v8 =	vmul.f32 v14, v6;
	v14 =	vmul.f32 v51, v2  }
0x265: {  	v3 =	vmul.f32 v11, v0;
	v11 =	vmul.f32 v26, v2;
	v53 =	vadd.f32 v4, v7;
	v4 =	vld [tilespmem:$0x1FE10]  }
0x266: {  	v5 =	vmul.f32 v12, v6;
	v12 =	vmul.f32 v62, v2;
	v6 =	vadd.f32 v14, v40;
	v14 =	vld [tilespmem:$0x1FE50]  }
0x267: {  	v8 =	vadd.f32 v11, v8;
	v11 =	vld [tilespmem:$0x1FE30]  }
0x268: {  	v7 =	vadd.f32 v12, v18;
	v12 =	vld [tilespmem:$0x1FE40];
	v10 =	vmul.f32 v31, v2  }
0x269: {  	[tilespmem:s31+$0xC6D0] =	vst v20;
	v20 =	vmul.f32 v25, v0;
	v26 =	vld [tilespmem:s31+$0x89D0];
	v31 =	vadd.f32 v3, v1;
	v1 =	vbroadcast v15, $0xC  }
0x26a: {  	[tilespmem:s31+$0xC700] =	vst v22;
	v22 =	vmul.f32 v21, v0;
	v2 =	vbroadcast v16, $0xC;
	v5 =	vadd.f32 v10, v5;
	v10 =	vld [tilespmem:$0x1FE70]  }
0x26b: {  	v25 =	vld [tilespmem:s31+$0x9E0];
	v4 =	vmul.f32 v4, v1;
	v40 =	vmul.f32 v14, v1  }
0x26c: {  	v33 =	vld [tilespmem:s31+$0x9C0];
	v18 =	vmul.f32 v13, v2;
	v51 =	vadd.f32 v19, v5;
	v5 =	vmul.f32 v24, v0  }
0x26d: {  	[tilespmem:s31+$0xC740] =	vst v12;
	v12 =	vld [tilespmem:$0x1FE90];
	v9 =	vmul.f32 v11, v2;
	v0 =	vbroadcast v17, $0xC  }
0x26e: {  	v21 =	vadd.f32 v5, v6;
	v5 =	vadd.f32 v18, v40;
	v18 =	vld [tilespmem:$0x1FEA0]  }
0x26f: {  	v4 =	vadd.f32 v9, v4;
	v9 =	vmul.f32 v10, v0;
	v10 =	vld [tilespmem:$0x1FEE0]  }
0x270: {  	[tilespmem:s31+$0xC880] =	vst v37;
	v37 =	vld [tilespmem:s31+$0xA60]  }
0x271: {  	v30 =	vld [tilespmem:s31+$0x49C0]  }
0x272: {  	[tilespmem:s31+$0xC720] =	vst v28;
	v28 =	vadd.f32 v20, v8;
	v8 =	vld [tilespmem:$0x1FE20];
	v6 =	vmul.f32 v12, v0  }
0x273: {  	v20 =	vld [tilespmem:$0x1FEB0]  }
0x274: {  	[tilespmem:s31+$0xC770] =	vst v18;
	v18 =	vadd.f32 v6, v5;
	v6 =	vmul.f32 v10, v1;
	v10 =	vld [tilespmem:$0x1FF30]  }
0x275: {  	[tilespmem:s31+$0xC860] =	vst v44;
	v44 =	vld [tilespmem:s31+$0xA50]  }
0x276: {  	v32 =	vld [tilespmem:s31+$0x49B0]  }
0x277: {  	[tilespmem:s31+$0xC750] =	vst v23;
	v23 =	vadd.f32 v22, v7;
	v7 =	vld [tilespmem:$0x1FEC0]  }
0x278: {  	[tilespmem:s31+$0xC730] =	vst v8;
	v8 =	vld [tilespmem:$0x1FED0]  }
0x279: {  	[tilespmem:s31+$0xC7A0] =	vst v10;
	v10 =	vld [tilespmem:$0x1FF50]  }
0x27a: {  	v11 =	vld [tilespmem:$0x1FE80]  }
0x27b: {  	v27 =	vld [tilespmem:$0x1FD80]  }
0x27c: {  	v62 =	vld [tilespmem:s31+$0x9D0];
	v3 =	vmul.f32 v7, v2;
	v22 =	vadd.f32 v9, v4;
	v9 =	vmul.f32 v20, v1  }
0x27d: {  	v7 =	vld [tilespmem:$0x1FF10]  }
0x27e: {  	v5 =	vadd.f32 v3, v9;
	v3 =	vmul.f32 v10, v2;
	v10 =	vld [tilespmem:$0x1FF60]  }
0x27f: {  	[tilespmem:s31+$0xC760] =	vst v11;
	v11 =	vld [tilespmem:$0x1FEF0]  }
0x280: {  	[tilespmem:s31+$0xC780] =	vst v8;
	v8 =	vld [tilespmem:$0x1FF20]  }
0x281: {  	[tilespmem:s31+$0xC6A0] =	vst v27;
	v27 =	vld [tilespmem:s31+$0x49D0]  }
0x282: {  	v29 =	vld [tilespmem:s31+$0x89C0]  }
0x283: {  	v9 =	vmul.f32 v7, v0;
	[tilespmem:s31+$0xC7B0] =	vst v10;
	v10 =	vld [tilespmem:$0x1FF70]  }
0x284: {  	v13 =	vld [tilespmem:s31+$0x9F0];
	v4 =	vmul.f32 v11, v2  }
0x285: {  	v14 =	vld [tilespmem:s31+$0x49F0];
	v58 =	vmul.f32 v58, v2;
	v5 =	vadd.f32 v9, v5;
	v9 =	vmul.f32 v60, v1  }
0x286: {  	v7 =	vmul.f32 v8, v0;
	v8 =	vld [tilespmem:$0x1FF40];
	v4 =	vadd.f32 v4, v6  }
0x287: {  	[tilespmem:s31+$0xC8B0] =	vst v31;
	v31 =	vld [tilespmem:s31+$0x8A60];
	v9 =	vadd.f32 v58, v9;
	v58 =	vmul.f32 v63, v0  }
0x288: {  	[tilespmem:s31+$0xC7C0] =	vst v10;
	v10 =	vadd.f32 v7, v4;
	v4 =	vld [tilespmem:$0x1FF80]  }
0x289: {  	v9 =	vadd.f32 v58, v9;
	v58 =	vld [tilespmem:$0x1FFC0]  }
0x28a: {  	v24 =	vld [tilespmem:s31+$0x49E0]  }
0x28b: {  	v19 =	vld [tilespmem:s31+$0x89E0];
	v6 =	vmul.f32 v8, v1  }
0x28c: {  	v40 =	vld [tilespmem:s31+$0x89F0]  }
0x28d: {  	v3 =	vadd.f32 v3, v6;
	v6 =	vmul.f32 v4, v0;
	v4 =	vld [tilespmem:$0x1FF90]  }
0x28e: {  	[tilespmem:s31+$0xC800] =	vst v58;
	v58 =	vmul.f32 v57, v0;
	v0 =	vmul.f32 v56, v0;
	v56 =	vld [tilespmem:$0x1FFE0]  }
0x28f: {  	v12 =	vld [tilespmem:s31+$0xA00]  }
0x290: {  	v57 =	vld [tilespmem:$0x1FFD0]  }
0x291: {  	[tilespmem:s31+$0xC8F0] =	vst v21;
	v21 =	vld [tilespmem:s31+$0x8A80]  }
0x292: {  	[tilespmem:s31+$0xC7D0] =	vst v4;
	v4 =	vld [tilespmem:$0x1FFA0]  }
0x293: {  	v20 =	vld [tilespmem:$0x1FF00];
	[tilespmem:s31+$0xC820] =	vst v56;
	v56 =	vbroadcast v17, $0xD  }
0x294: {  	v59 =	vmul.f32 v59, v1;
	[tilespmem:s31+$0xC900] =	vst v22;
	v22 =	vld [tilespmem:s31+$0x4A80];
	v1 =	vmul.f32 v46, v1  }
0x295: {  	[tilespmem:s31+$0xC810] =	vst v57;
	v57 =	vld [tilespmem:$0x1FFF0];
	v61 =	vmul.f32 v61, v56;
	v42 =	vmul.f32 v42, v56  }
0x296: {  	v11 =	vld [tilespmem:s31+$0x4A00];
	v29 =	vmul.f32 v29, v56;
	v26 =	vmul.f32 v26, v56  }
0x297: {  	v60 =	vld [tilespmem:s31+$0x4A10];
	v19 =	vmul.f32 v19, v56;
	[tilespmem:s31+$0xC7E0] =	vst v4;
	v4 =	vadd.f32 v6, v3;
	v6 =	vmul.f32 v55, v2  }
0x298: {  	[tilespmem:s31+$0xC790] =	vst v20;
	v20 =	vld [tilespmem:s31+$0x8A00];
	v2 =	vmul.f32 v47, v2;
	v47 =	vbroadcast v15, $0xD  }
0x299: {  	[tilespmem:s31+$0xC870] =	vst v45;
	v63 =	vld [tilespmem:s31+$0xA20];
	v45 =	vmul.f32 v40, v56;
	v6 =	vadd.f32 v6, v59;
	v59 =	vbroadcast v16, $0xD  }
0x29a: {  	v8 =	vld [tilespmem:s31+$0xA10];
	[tilespmem:s31+$0xC830] =	vst v57;
	v1 =	vadd.f32 v2, v1;
	v2 =	vmul.f32 v52, v47;
	v57 =	vmul.f32 v48, v47  }
0x29b: {  	v46 =	vld [tilespmem:s31+$0x4A20];
	v39 =	vmul.f32 v39, v47;
	v34 =	vmul.f32 v34, v47  }
0x29c: {  	[tilespmem:s31+$0xC950] =	vst v9;
	v9 =	vld [tilespmem:s31+$0xAA0];
	v33 =	vmul.f32 v33, v47;
	v62 =	vmul.f32 v62, v47  }
0x29d: {  	v7 =	vld [tilespmem:s31+$0x8A10];
	v25 =	vmul.f32 v25, v47;
	v13 =	vmul.f32 v13, v47  }
0x29e: {  	v55 =	vld [tilespmem:$0x1FFB0];
	v49 =	vmul.f32 v49, v59;
	v41 =	vmul.f32 v41, v59  }
0x29f: {  	v3 =	vld [tilespmem:s31+$0xA30];
	v6 =	vadd.f32 v58, v6;
	v38 =	vmul.f32 v38, v59;
	v30 =	vmul.f32 v30, v59  }
0x2a0: {  	v52 =	vld [tilespmem:s31+$0x4A30];
	v0 =	vadd.f32 v0, v1;
	v27 =	vmul.f32 v27, v59;
	v24 =	vmul.f32 v24, v59  }
0x2a1: {  	v48 =	vld [tilespmem:s31+$0xA40];
	v14 =	vmul.f32 v14, v59;
	v2 =	vadd.f32 v49, v2;
	v1 =	vadd.f32 v41, v57  }
0x2a2: {  	v58 =	vld [tilespmem:s31+$0x8A30];
	v32 =	vmul.f32 v32, v59;
	v30 =	vadd.f32 v30, v33;
	v27 =	vadd.f32 v27, v62  }
0x2a3: {  	[tilespmem:s31+$0xC7F0] =	vst v55;
	v55 =	vld [tilespmem:s31+$0x8A20];
	v57 =	vmul.f32 v43, v56;
	v43 =	vadd.f32 v24, v25;
	v13 =	vadd.f32 v14, v13  }
0x2a4: {  	v41 =	vld [tilespmem:s31+$0x8A40];
	v14 =	vbroadcast v17, $0xE;
	v17 =	vbroadcast v17, $0xF;
	v2 =	vadd.f32 v61, v2  }
0x2a5: {  	[tilespmem:s31+$0xC8D0] =	vst v28;
	v33 =	vld [tilespmem:s31+$0xA70];
	v61 =	vmul.f32 v35, v56;
	v28 =	vadd.f32 v29, v30;
	v29 =	vbroadcast v15, $0xE  }
0x2a6: {  	[tilespmem:s31+$0xC8E0] =	vst v23;
	v25 =	vld [tilespmem:s31+$0xA80];
	v23 =	vadd.f32 v26, v27;
	v26 =	vbroadcast v16, $0xE;
	v49 =	vmul.f32 v20, v14  }
0x2a7: {  	[tilespmem:s31+$0xC850] =	vst v50;
	v38 =	vadd.f32 v38, v39;
	v24 =	vld [tilespmem:s31+$0x4AA0];
	v7 =	vmul.f32 v7, v14;
	v31 =	vmul.f32 v31, v14  }
0x2a8: {  	[tilespmem:s31+$0xC8A0] =	vst v53;
	v32 =	vadd.f32 v32, v34;
	v34 =	vld [tilespmem:s31+$0x8AA0];
	v15 =	vbroadcast v15, $0xF;
	v16 =	vbroadcast v16, $0xF  }
0x2a9: {  	[tilespmem:s31+$0xC890] =	vst v36;
	v39 =	vld [tilespmem:s31+$0xAB0];
	v36 =	vadd.f32 v57, v38;
	v57 =	vmul.f32 v58, v14;
	v12 =	vmul.f32 v12, v29  }
0x2aa: {  	[tilespmem:s31+$0xC8C0] =	vst v51;
	v1 =	vadd.f32 v42, v1;
	v42 =	vld [tilespmem:s31+$0x4A50];
	v11 =	vmul.f32 v11, v26;
	v8 =	vmul.f32 v8, v29  }
0x2ab: {  	[tilespmem:s31+$0xC910] =	vst v18;
	v35 =	vld [tilespmem:s31+$0x8A50];
	v47 =	vmul.f32 v60, v26;
	v50 =	vmul.f32 v63, v29  }
0x2ac: {  	[tilespmem:s31+$0xC920] =	vst v5;
	v38 =	vld [tilespmem:s31+$0x4A60];
	v51 =	vmul.f32 v46, v26;
	v53 =	vmul.f32 v55, v14  }
0x2ad: {  	[tilespmem:s31+$0xC930] =	vst v10;
	v30 =	vld [tilespmem:s31+$0x4A70];
	v3 =	vmul.f32 v3, v29;
	v55 =	vmul.f32 v52, v26  }
0x2ae: {  	[tilespmem:s31+$0xC940] =	vst v4;
	v27 =	vld [tilespmem:s31+$0x8A70];
	v18 =	vadd.f32 v19, v43;
	v58 =	vmul.f32 v48, v29;
	v60 =	vmul.f32 v54, v26  }
0x2af: {  	[tilespmem:s31+$0xC960] =	vst v6;
	v5 =	vadd.f32 v45, v13;
	v13 =	vld [tilespmem:s31+$0xA90];
	v62 =	vmul.f32 v44, v29;
	v43 =	vmul.f32 v37, v29  }
0x2b0: {  	[tilespmem:s31+$0xC970] =	vst v0;
	v19 =	vld [tilespmem:s31+$0x4A90];
	v54 =	vmul.f32 v22, v16;
	v9 =	vmul.f32 v9, v15  }
0x2b1: {  	v20 =	vld [tilespmem:s31+$0x8A90];
	v32 =	vadd.f32 v61, v32;
	[tilespmem:s31+$0xC980] =	vst v2;
	v61 =	vmul.f32 v41, v14;
	v52 =	vmul.f32 v25, v15  }
0x2b2: {  	[tilespmem:s31+$0xC990] =	vst v1;
	v44 =	vld [tilespmem:s31+$0x4AB0];
	v37 =	vmul.f32 v39, v15;
	v41 =	vmul.f32 v34, v17;
	v11 =	vadd.f32 v11, v12  }
0x2b3: {  	[tilespmem:s31+$0xC9A0] =	vst v36;
	v46 =	vld [tilespmem:s31+$0x8AB0];
	v8 =	vadd.f32 v47, v8;
	v56 =	vadd.f32 v51, v50;
	v47 =	vmul.f32 v33, v29  }
0x2b4: {  	v48 =	vld [tilespmem:s31+$0xAC0];
	[tilespmem:s31+$0xC9C0] =	vst v28;
	v59 =	vadd.f32 v55, v3;
	v63 =	vmul.f32 v42, v26;
	v42 =	vmul.f32 v35, v14  }
0x2b5: {  	[tilespmem:s31+$0xC9D0] =	vst v23;
	v28 =	vld [tilespmem:s31+$0xAE0];
	v3 =	vadd.f32 v60, v58;
	v45 =	vmul.f32 v38, v26;
	v51 =	vmul.f32 v27, v14  }
0x2b6: {  	[tilespmem:s31+$0xC9E0] =	vst v18;
	v39 =	vld [tilespmem:s31+$0x4AE0];
	v58 =	vmul.f32 v19, v16;
	v4 =	vadd.f32 v49, v11;
	v7 =	vadd.f32 v7, v8  }
0x2b7: {  	[tilespmem:s31+$0xC9F0] =	vst v5;
	v50 =	vld [tilespmem:s31+$0x4AC0];
	v27 =	vmul.f32 v20, v17;
	v2 =	vadd.f32 v53, v56;
	v0 =	vadd.f32 v57, v59  }
0x2b8: {  	[tilespmem:s31+$0xC9B0] =	vst v32;
	v55 =	vld [tilespmem:s31+$0xAD0];
	v3 =	vadd.f32 v61, v3;
	v49 =	vmul.f32 v30, v26;
	v57 =	vmul.f32 v13, v15  }
0x2b9: {  	v32 =	vld [tilespmem:s31+$0xAF0];
	v61 =	vadd.f32 v54, v52;
	v6 =	vadd.f32 v63, v62;
	v62 =	vmul.f32 v21, v17;
	[tilespmem:s31+$0xCA00] =	vst v4  }
0x2ba: {  	v53 =	vld [tilespmem:s31+$0x8AC0];
	v10 =	vadd.f32 v45, v43;
	v38 =	vmul.f32 v44, v16;
	v45 =	vmul.f32 v48, v15;
	[tilespmem:s31+$0xCA10] =	vst v7  }
0x2bb: {  	v59 =	vld [tilespmem:s31+$0x4AD0];
	v8 =	vmul.f32 v28, v15;
	v56 =	vadd.f32 v49, v47;
	v25 =	vadd.f32 v58, v57;
	[tilespmem:s31+$0xCA20] =	vst v2  }
0x2bc: {  	v43 =	vld [tilespmem:s31+$0x4AF0];
	[tilespmem:s31+$0xCA30] =	vst v0;
	v54 =	vmul.f32 v39, v16;
	v1 =	vadd.f32 v42, v6;
	v60 =	vadd.f32 v31, v10  }
0x2bd: {  	v63 =	vld [tilespmem:s31+$0x8AD0];
	[tilespmem:s31+$0xCA40] =	vst v3;
	v30 =	vadd.f32 v62, v61;
	v31 =	vmul.f32 v24, v16;
	v42 =	vmul.f32 v46, v17  }
0x2be: {  	v47 =	vld [tilespmem:s31+$0x8AE0];
	v44 =	vadd.f32 v38, v37;
	v46 =	vmul.f32 v50, v16;
	v48 =	vmul.f32 v55, v15;
	[tilespmem:s31+$0xCA50] =	vst v1  }
0x2bf: {  	v49 =	vld [tilespmem:s31+$0x8AF0];
	v50 =	vmul.f32 v32, v15;
	v5 =	vadd.f32 v51, v56;
	v33 =	vadd.f32 v27, v25;
	[tilespmem:s31+$0xCA60] =	vst v60  }
0x2c0: {  	v40 =	vadd.f32 v31, v9;
	v1 =	vadd.f32 v42, v44;
	v51 =	vmul.f32 v59, v16;
	[tilespmem:s31+$0xCA80] =	vst v30  }
0x2c1: {  	v52 =	vadd.f32 v46, v45;
	v53 =	vmul.f32 v53, v17;
	[tilespmem:s31+$0xCA70] =	vst v5;
	v56 =	vmul.f32 v43, v16  }
0x2c2: {  	[tilespmem:s31+$0xCA90] =	vst v33;
	v57 =	vmul.f32 v63, v17;
	v3 =	vadd.f32 v41, v40;
	v55 =	vadd.f32 v51, v48  }
0x2c3: {  	p0 =	sne.s32 s23, $0x7;
	v58 =	vadd.f32 v54, v8;
	v2 =	vadd.f32 v53, v52;
	v59 =	vmul.f32 v47, v17;
	[tilespmem:s31+$0xCAB0] =	vst v1  }
.Ltmp0:
0x2c4: {  	v61 =	vmul.f32 v49, v17;
	v60 =	vadd.f32 v56, v50;
	[tilespmem:s31+$0xCAA0] =	vst v3;
	v0 =	vadd.f32 v57, v55;
	(pc) =	sbr.rel @p0 .LBB2_3-.Ltmp0, $4  }
0x2c5: {  	[tilespmem:s31+$0xCAC0] =	vst v2;
	v62 =	vadd.f32 v59, v58  }
0x2c6: {  	v63 =	vadd.f32 v61, v60;
	[tilespmem:s31+$0xCAD0] =	vst v0  }
0x2c7: {  	[tilespmem:s31+$0xCAE0] =	vst v62  }
0x2c8: {  	s23 =	sadd.s32 $0x1, s23;
	[tilespmem:s31+$0xCAF0] =	vst v63  }
0x2c9: {  	s21 =	sadd.s32 $0x1, s21  }
0x2ca: {  	s22 =	sshll.u32 s22, $0x4;
	p0 =	sne.s32 s21, $0x8  }
.Ltmp1:
0x2cb: {  	s22 =	sadd.s32 s6, s22;
	(pc) =	sbr.rel @p0 .LBB2_2-.Ltmp1, $4  }
0x2cc: {  	[hbm4b:s22+s3] =	stream.linear.scatter [tilespmem:s19], [sflag:$0x2], $0x4000, $0x38;
	[tilespmem:$0x10300] =	vst v63  }
0x2cd: {  	_ =	swait.ge [sflag:s9], $0x4000  }
0x2ce: {  	[sflag:s9] =	ssyncset.done $0x0  }
0x2cf: {  	[sflag:s9] =	ssyncadd.s32 $0xFFFFC000  }
0x2d0: {  	s20 =	sadd.s32 $0x1, s20  }
0x2d1: {  	p0 =	sne.s32 s20, s8  }
.Ltmp2:
0x2d2: {  	_ = 	snop;
	(pc) =	sbr.rel @p0 .LBB2_1-.Ltmp2, $1  }
0x2d3: {  	_ =	sdelay $0x3  }
0x2d4: {  	_ =	sfence.sel $0x180000  }
0x2d5: {  	[bflag:$0x0] =	sbarrier.arrive $0xFFFF  }
0x2d6: {  	p0 =	sne.s32 s4, $0x0;
	_ =	strace $0x90000047  }
0x2d7: {  	s0 =	sadd.s32 @!p0 $0x100000, s0;
	[bflag:$0x2] =	sbarrier.arrive $0xFFFF  }
0x2d8: {  	[sflag:s0] =	ssyncadd.tile.s32 @!p0 $0x1;
	_ =	shalt  }
.Lfunc_end2:
_tile_overlayer_lowered:
.L_overlay_start_2:
0x2d9: {  	(tag) =	ssettag $0x2  }
0x2da: {  	s0 =	rddreg [dreg:$0x0];
	s2 =	stileid.u32  }
0x2db: {  	s1 =	rddreg [dreg:$0x1];
	p0 =	sne.s32 s2, $0x0  }
0x2dc: {  	s3 =	rddreg [dreg:$0x2];
	[bflag:$0x3] =	sbarrier.arrive $0xFFFF;
	s2 =	simm.s32 @!p0 $0x1C02  }
0x2dd: {  	[timem:s3], [sflag:s2] =	dma.local @!p0 [hbm:s0], s1  }
0x2de: {  	s0 =	simm.s32 @!p0 $0x2  }
0x2df: {  	_ =	swait.ge @!p0 [sflag:s0], s1  }
0x2e0: {  	s1 =	ssub.s32 @!p0 $0x0, s1;
	[sflag:s0] =	ssyncset.done @!p0 $0x0  }
0x2e1: {  	[sflag:s0] =	ssyncadd.s32 @!p0 s1  }
0x2e2: {  	[bflag:$0x3] =	sbarrier.arrive $0xFFFF  }
0x2e3: {  	_ =	shalt  }

</sc_bundles>
